<compile_context>
chip_gen: v7x
topology: tpu7x:2x2x1
jax: 0.10.2.dev20260603
libtpu: 0.0.44.dev20260713+nightly
codegen_flags: <defaults>
</compile_context>

<pallas_src>
import functools

import jax
import jax.numpy as jnp
from jax import lax
from jax.experimental import pallas as pl
from jax.experimental.pallas import tpu as pltpu
from jax.experimental.pallas import tpu_sc as plsc

N = 10000
E = 320000
DF = 128
HF = 64
HID = 64
LAT = 32
OUTD = 64
MAXLS = 10.0

NC, NS = 2, 16
NW = NC * NS
EPW = 10240
E_PAD = NW * EPW
CB = 128
NCH = EPW // CB
RPT = 640
R_ACC = NS * RPT
PAD_DST = 10008
DEG_ACC = 10240

BN = 1024
GRID = (N + BN - 1) // BN


def _sc_mesh():
    return plsc.VectorSubcoreMesh(core_axis_name="c", subcore_axis_name="s")


EPD = E // NW


@functools.partial(
    pl.kernel,
    mesh=_sc_mesh(),
    out_type=jax.ShapeDtypeStruct((NW, DEG_ACC), jnp.float32),
    scratch_types=[
        pltpu.VMEM((EPD,), jnp.int32),
        pltpu.VMEM((DEG_ACC,), jnp.float32),
    ],
    compiler_params=pltpu.CompilerParams(needs_layout_passes=False),
)
def _sc_degree(dst_hbm, out_hbm, dst_v, acc_v):
    cid = lax.axis_index("c")
    sid = lax.axis_index("s")
    wid = cid * NS + sid
    pltpu.sync_copy(dst_hbm.at[pl.ds(wid * EPD, EPD)], dst_v)

    def zero(i, _):
        acc_v[pl.ds(i * 16, 16)] = jnp.zeros((16,), jnp.float32)
        return 0

    lax.fori_loop(0, DEG_ACC // 16, zero, 0)

    ones = jnp.ones((16,), jnp.float32)

    def body(i, _):
        idx = dst_v[pl.ds(i * 16, 16)]
        plsc.addupdate_scatter(acc_v, [idx], ones)
        return 0

    lax.fori_loop(0, EPD // 16, body, 0)
    pltpu.sync_copy(acc_v, out_hbm.at[wid])


FAST_CID = 0
FAST_NCH = 105
SLOW_NCH = 52
ECH = E // CB
FROWS = 16 * FAST_NCH
SROWS = 16 * SLOW_NCH
TAIL_REAL = ECH - FROWS - 15 * SLOW_NCH
TAIL_PAD = SLOW_NCH - TAIL_REAL


@functools.partial(
    pl.kernel,
    mesh=_sc_mesh(),
    out_type=jax.ShapeDtypeStruct((NC, R_ACC, HF), jnp.float32),
    scratch_types=[
        pltpu.VMEM((FAST_NCH, CB), jnp.int32),
        pltpu.VMEM((FAST_NCH, CB), jnp.int32),
        pltpu.VMEM((4, CB, HF), jnp.float32),
        pltpu.VMEM_SHARED((R_ACC, HF), jnp.float32),
        pltpu.SemaphoreType.DMA((4,)),
        pltpu.SemaphoreType.DMA((4,)),
    ],
    compiler_params=pltpu.CompilerParams(use_tc_tiling_on_sc=False),
)
def _sc_agg(m_hbm, src3, dst3, out_hbm,
            src_v, dst_v, rows_v, acc_s, gsem, ssem):
    cid = lax.axis_index("c")
    sid = lax.axis_index("s")
    is_fast = cid == FAST_CID
    nch = jnp.where(is_fast, FAST_NCH, SLOW_NCH)

    @pl.when(is_fast)
    def _():
        pltpu.sync_copy(src3.at[pl.ds(sid * FAST_NCH, FAST_NCH)], src_v)
        pltpu.sync_copy(dst3.at[pl.ds(sid * FAST_NCH, FAST_NCH)], dst_v)

    is_tail = jnp.logical_and(jnp.logical_not(is_fast), sid == NS - 1)

    @pl.when(jnp.logical_and(jnp.logical_not(is_fast), sid < NS - 1))
    def _():
        pltpu.sync_copy(src3.at[pl.ds(FROWS + sid * SLOW_NCH, SLOW_NCH)],
                        src_v.at[pl.ds(0, SLOW_NCH)])
        pltpu.sync_copy(dst3.at[pl.ds(FROWS + sid * SLOW_NCH, SLOW_NCH)],
                        dst_v.at[pl.ds(0, SLOW_NCH)])

    @pl.when(is_tail)
    def _():
        base = FROWS + (NS - 1) * SLOW_NCH
        pltpu.sync_copy(src3.at[pl.ds(base, TAIL_REAL)],
                        src_v.at[pl.ds(0, TAIL_REAL)])
        pltpu.sync_copy(dst3.at[pl.ds(base, TAIL_REAL)],
                        dst_v.at[pl.ds(0, TAIL_REAL)])

        def padfill(i, _):
            r = TAIL_REAL + i // (CB // 16)
            c = (i % (CB // 16)) * 16
            src_v[r, pl.ds(c, 16)] = jnp.zeros((16,), jnp.int32)
            dst_v[r, pl.ds(c, 16)] = jnp.full((16,), PAD_DST, jnp.int32)
            return 0

        lax.fori_loop(0, TAIL_PAD * (CB // 16), padfill, 0)

    def zstore(i, _):
        rows_v[0, i // 4, pl.ds((i % 4) * 16, 16)] = jnp.zeros(
            (16,), jnp.float32)
        return 0

    lax.fori_loop(0, CB * 4, zstore, 0)
    for t in range(RPT // CB):
        pltpu.sync_copy(rows_v.at[0],
                        acc_s.at[pl.ds(sid * RPT + t * CB, CB)])
    plsc.subcore_barrier()

    pltpu.async_copy(m_hbm.at[src_v.at[0]], rows_v.at[0], gsem.at[0])
    pltpu.async_copy(m_hbm.at[src_v.at[1]], rows_v.at[1], gsem.at[1])

    def body(j, _):
        b = lax.rem(j, 4)
        pltpu.make_async_copy(m_hbm.at[src_v.at[j]], rows_v.at[b],
                              gsem.at[b]).wait()

        @pl.when(j >= 2)
        def _():
            b2 = lax.rem(j - 2, 4)
            pltpu.make_async_copy(rows_v.at[b2],
                                  acc_s.at[dst_v.at[j - 2]],
                                  ssem.at[b2]).wait()

        @pl.when(j + 2 < nch)
        def _():
            b3 = lax.rem(j + 2, 4)
            pltpu.async_copy(m_hbm.at[src_v.at[j + 2]], rows_v.at[b3],
                             gsem.at[b3])

        pltpu.async_copy(rows_v.at[b], acc_s.at[dst_v.at[j]],
                         ssem.at[b], add=True)
        return 0

    lax.fori_loop(0, nch, body, 0)
    for k in (2, 1):
        jj = nch - k
        b = lax.rem(jj, 4)
        pltpu.make_async_copy(rows_v.at[b], acc_s.at[dst_v.at[jj]],
                              ssem.at[b]).wait()
    plsc.subcore_barrier()
    pltpu.sync_copy(acc_s.at[pl.ds(sid * RPT, RPT)],
                    out_hbm.at[cid, pl.ds(sid * RPT, RPT)])


def _dense1a_body(x, w1, u_o):
    u_o[...] = jnp.dot(x[...], w1[...], preferred_element_type=jnp.float32)


def _dense1b_body(degp, u, lo_o, hi_o, dsc_o):
    deg = jnp.maximum(jnp.sum(degp[...], axis=0), 1.0)
    dsc = lax.rsqrt(deg)
    m = u[...] * dsc[:, None]
    lo_o[...] = m[:, :HF]
    hi_o[...] = m[:, HF:]
    dsc_o[...] = dsc


def _dense2h_body(a, dsc, w, m_o):
    h = jnp.maximum((a[0] + a[1]) * dsc[...][:, None], 0.0)
    m_o[...] = jnp.dot(h, w[...],
                       preferred_element_type=jnp.float32) * dsc[...][:, None]


def _dense3_body(alo, ahi, dsc, eps, wo, bo, z_o):
    t = jnp.concatenate([alo[0] + alo[1], ahi[0] + ahi[1]],
                        axis=1) * dsc[...][:, None]
    mu = jnp.concatenate([t[:, 0:LAT], t[:, 2 * LAT:3 * LAT]], axis=1)
    ls = jnp.concatenate([t[:, LAT:2 * LAT], t[:, 3 * LAT:4 * LAT]], axis=1)
    z = mu + eps[...] * jnp.exp(jnp.minimum(ls, MAXLS))
    z_o[...] = jnp.dot(z, wo[...],
                       preferred_element_type=jnp.float32) + bo[...]


_dense1a = pl.pallas_call(
    _dense1a_body,
    grid=(GRID,),
    in_specs=[
        pl.BlockSpec((BN, DF), lambda i: (i, 0)),
        pl.BlockSpec((DF, DF), lambda i: (0, 0)),
    ],
    out_specs=pl.BlockSpec((BN, DF), lambda i: (i, 0)),
    out_shape=jax.ShapeDtypeStruct((N, DF), jnp.float32),
)

_dense1b = pl.pallas_call(
    _dense1b_body,
    grid=(GRID,),
    in_specs=[
        pl.BlockSpec((NW, BN), lambda i: (0, i)),
        pl.BlockSpec((BN, DF), lambda i: (i, 0)),
    ],
    out_specs=[
        pl.BlockSpec((BN, HF), lambda i: (i, 0)),
        pl.BlockSpec((BN, HF), lambda i: (i, 0)),
        pl.BlockSpec((BN,), lambda i: (i,)),
    ],
    out_shape=[
        jax.ShapeDtypeStruct((N, HF), jnp.float32),
        jax.ShapeDtypeStruct((N, HF), jnp.float32),
        jax.ShapeDtypeStruct((N,), jnp.float32),
    ],
)

_agg_spec = pl.BlockSpec((NC, BN, HF), lambda i: (0, i, 0))

_dense2h = pl.pallas_call(
    _dense2h_body,
    grid=(GRID,),
    in_specs=[
        _agg_spec,
        pl.BlockSpec((BN,), lambda i: (i,)),
        pl.BlockSpec((HF, HF), lambda i: (0, 0)),
    ],
    out_specs=pl.BlockSpec((BN, HF), lambda i: (i, 0)),
    out_shape=jax.ShapeDtypeStruct((N, HF), jnp.float32),
)

_dense3 = pl.pallas_call(
    _dense3_body,
    grid=(GRID,),
    in_specs=[
        _agg_spec,
        _agg_spec,
        pl.BlockSpec((BN,), lambda i: (i,)),
        pl.BlockSpec((BN, 2 * LAT), lambda i: (i, 0)),
        pl.BlockSpec((2 * LAT, OUTD), lambda i: (0, 0)),
        pl.BlockSpec((1, OUTD), lambda i: (0, 0)),
    ],
    out_specs=pl.BlockSpec((BN, OUTD), lambda i: (i, 0)),
    out_shape=jax.ShapeDtypeStruct((N, OUTD), jnp.float32),
)


def kernel(x, W1_a, Wmu_a, Wls_a, W1_b, Wmu_b, Wls_b, W_out, b_out,
           edge_index):
    f32 = jnp.float32
    W1c = jnp.concatenate([W1_a, W1_b], axis=1)
    W2A = jnp.concatenate([Wmu_a, Wls_a], axis=1)
    W2B = jnp.concatenate([Wmu_b, Wls_b], axis=1)
    ke_a, ke_b = jax.random.split(jax.random.key(42), 2)

    src3 = edge_index[0].reshape(ECH, CB)
    dst3 = edge_index[1].reshape(ECH, CB)

    eps_a = jax.random.normal(ke_a, (N, LAT), dtype=f32)
    eps_b = jax.random.normal(ke_b, (N, LAT), dtype=f32)
    eps = jnp.concatenate([eps_a, eps_b], axis=1)

    degp = _sc_degree(edge_index[1])
    u = _dense1a(x, W1c)
    m1lo, m1hi, dsc = _dense1b(degp, u)
    a1lo = _sc_agg(m1lo, src3, dst3)
    m2lo = _dense2h(a1lo, dsc, W2A)
    a1hi = _sc_agg(m1hi, src3, dst3)
    m2hi = _dense2h(a1hi, dsc, W2B)
    a2lo = _sc_agg(m2lo, src3, dst3)
    a2hi = _sc_agg(m2hi, src3, dst3)
    z = _dense3(a2lo, a2hi, dsc, eps, W_out, b_out.reshape(1, OUTD))
    return z

# --- scband reference (transcript-rebuilt; emitter-appended) ---
"""Pipeline reference for scband-msvgae-18322330485337 (READ-ONLY COPY).

The authoritative reference and input builder live on the scoring server;
editing this copy changes nothing except your own understanding.
"""

import jax, jax.numpy as jnp
import numpy as np

N = 10000
E = 320000
D_FEAT = 128
HID = 64
LAT = 32
OUT = 64
MAX_LOGSTD = 10.0


def setup_inputs(seed: int = 0) -> dict:
    key = jax.random.key(seed)
    ks = jax.random.split(key, 12)
    x = jax.random.normal(ks[0], (N, D_FEAT), dtype=jnp.float32)
    edge_index = jax.random.randint(ks[1], (2, E), 0, N, dtype=jnp.int32)

    def glorot(k, fan_in, fan_out):
        return jax.random.normal(k, (fan_in, fan_out), dtype=jnp.float32) * (1.0 / np.sqrt(fan_in))

    # encoder A (latent_dim=32)
    W1_a = glorot(ks[2], D_FEAT, HID)
    Wmu_a = glorot(ks[3], HID, LAT)
    Wls_a = glorot(ks[4], HID, LAT)
    # encoder B (latent_dim=32)
    W1_b = glorot(ks[5], D_FEAT, HID)
    Wmu_b = glorot(ks[6], HID, LAT)
    Wls_b = glorot(ks[7], HID, LAT)
    # out_layer: Linear(encoded_dim=64 -> out_dim=64)
    W_out = glorot(ks[8], 2 * LAT, OUT)
    b_out = jnp.zeros((OUT,), dtype=jnp.float32)
    return {
        "x": x,
        "W1_a": W1_a, "Wmu_a": Wmu_a, "Wls_a": Wls_a,
        "W1_b": W1_b, "Wmu_b": Wmu_b, "Wls_b": Wls_b,
        "W_out": W_out, "b_out": b_out,
        "edge_index": edge_index,
    }


def _gcn(h, W, edge_index):
    # GCNConv: linear transform, symmetric-normalized scatter-add aggregation
    src = edge_index[0]
    dst = edge_index[1]
    m = h @ W
    deg = jnp.zeros((N,), dtype=m.dtype).at[dst].add(1.0)
    deg = jnp.clip(deg, 1.0, None)
    norm = jax.lax.rsqrt(deg[src] * deg[dst])
    msg = m[src] * norm[:, None]
    out = jnp.zeros((N, W.shape[1]), dtype=m.dtype).at[dst].add(msg)
    return out


def reference(x, W1_a, Wmu_a, Wls_a, W1_b, Wmu_b, Wls_b, W_out, b_out, edge_index):
    # MSVGAE.encode: run each encoder -> (mu, logstd), clamp logstd,
    # reparametrize (training mode: mu + randn * exp(logstd)), concat, out_layer
    k_eps = jax.random.key(42)
    ke_a, ke_b = jax.random.split(k_eps, 2)

    def encode_branch(W1, Wmu, Wls, keps):
        h = jax.nn.relu(_gcn(x, W1, edge_index))
        mu = _gcn(h, Wmu, edge_index)
        logstd = _gcn(h, Wls, edge_index)
        logstd = jnp.clip(logstd, None, MAX_LOGSTD)
        eps = jax.random.normal(keps, mu.shape, dtype=mu.dtype)
        return mu + eps * jnp.exp(logstd)

    z1 = encode_branch(W1_a, Wmu_a, Wls_a, ke_a)
    z2 = encode_branch(W1_b, Wmu_b, Wls_b, ke_b)
    z = jnp.concatenate([z1, z2], axis=1)
    z = z @ W_out + b_out
    return z

if __name__ == "__main__":
    import jax
    _d = setup_inputs()
    print(jax.jit(kernel)(*tuple(_d.values())))

</pallas_src>

<mosaic_0001>
#map = affine_map<(d0, d1) -> (0)>
#map1 = affine_map<(d0, d1) -> (0, 0)>
module attributes {stable_mosaic.version = 14 : i64} {
  func.func @_sc_degree(%arg0: i32, %arg1: i32, %arg2: memref<320000xi32, #tpu.memory_space<hbm>>, %arg3: memref<32x10240xf32, #tpu.memory_space<hbm>>, %arg4: memref<10000xi32, #tpu.memory_space<vmem>>, %arg5: memref<10240xf32, #tpu.memory_space<vmem>>) attributes {dimension_semantics = [#tpu.dimension_semantics<core_parallel>, #tpu.dimension_semantics<subcore_parallel>], iteration_bounds = array<i64: 2, 16>, scalar_prefetch = 0 : i64, scratch_operands = 2 : i64, tpu.core_type = #tpu.core_type<sc_vector_subcore>, window_params = [{transform_indices = #map}, {transform_indices = #map1}]} {
    %mul3A = arith.constant 16 : i32
    %mul3A_0 = arith.muli %arg0, %mul3A : i32
    %add3A = arith.addi %mul3A_0, %arg1 : i32
    %mul3A_1 = arith.constant 10000 : i32
    %mul3A_2 = arith.muli %add3A, %mul3A_1 : i32
    "tpu.region"() ({
      %run_scoped3A = tpu.sem_alloc : memref<!tpu.dma_semaphore, #tpu.memory_space<semaphore_mem>>
      %dma_start3A = tpu.memref_slice %arg2[%mul3A_2] : memref<320000xi32, #tpu.memory_space<hbm>> -> memref<10000xi32, #tpu.memory_space<hbm>>
      %dma_start3A_17 = tpu.memref_slice %arg2[%mul3A_2] : memref<320000xi32, #tpu.memory_space<hbm>> -> memref<10000xi32, #tpu.memory_space<hbm>>
      tpu.enqueue_dma source(%dma_start3A_17 : memref<10000xi32, #tpu.memory_space<hbm>>) target(%arg4 : memref<10000xi32, #tpu.memory_space<vmem>>) target_semaphore(%run_scoped3A : memref<!tpu.dma_semaphore, #tpu.memory_space<semaphore_mem>>)
      %dma_wait3A = tpu.memref_slice %arg2[%mul3A_2] : memref<320000xi32, #tpu.memory_space<hbm>> -> memref<10000xi32, #tpu.memory_space<hbm>>
      %dma_wait3A_18 = tpu.memref_slice %arg2[%mul3A_2] : memref<320000xi32, #tpu.memory_space<hbm>> -> memref<10000xi32, #tpu.memory_space<hbm>>
      tpu.wait_dma2 semaphore(%run_scoped3A : memref<!tpu.dma_semaphore, #tpu.memory_space<semaphore_mem>>) src(%dma_wait3A_18 : memref<10000xi32, #tpu.memory_space<hbm>>) dst(%arg4 : memref<10000xi32, #tpu.memory_space<vmem>>)
      tpu.yield
    }) : () -> ()
    %scan3A = arith.constant 0 : i32
    %scan3A_3 = arith.constant 0 : i32
    %scan3A_4 = arith.constant 640 : i32
    %scan3A_5 = arith.addi %scan3A_3, %scan3A_4 : i32
    %scan3A_6 = arith.constant 1 : i32
    %scan3A_7 = scf.for %scan3A_17 = %scan3A_3 to %scan3A_5 step %scan3A_6 iter_args(%scan3A_18 = %scan3A) -> (i32)  : i32 {
      %broadcast_in_dim3A_19 = arith.constant 0.000000e+00 : f32
      %broadcast_in_dim3A_20 = vector.broadcast %broadcast_in_dim3A_19 : f32 to vector<16xf32>
      %mul3A_21 = arith.constant 16 : i32
      %mul3A_22 = arith.muli %scan3A_17, %mul3A_21 : i32
      %swap3A = arith.index_cast %mul3A_22 : i32 to index
      %swap3A_23 = tpu.vector_load %arg5[%swap3A] {strides = array<i32>} : memref<10240xf32, #tpu.memory_space<vmem>>, vector<16xf32>,
      tpu.vector_store %arg5[%swap3A], %broadcast_in_dim3A_20 {strides = array<i32>} : memref<10240xf32, #tpu.memory_space<vmem>>, vector<16xf32>,
      %scan3A_24 = arith.constant 0 : i32
      scf.yield %scan3A_24 : i32
    }
    %scan3A_8 = arith.constant 640 : i32
    %broadcast_in_dim3A = arith.constant 1.000000e+00 : f32
    %broadcast_in_dim3A_9 = vector.broadcast %broadcast_in_dim3A : f32 to vector<16xf32>
    %scan3A_10 = arith.constant 0 : i32
    %scan3A_11 = arith.constant 0 : i32
    %scan3A_12 = arith.constant 625 : i32
    %scan3A_13 = arith.addi %scan3A_11, %scan3A_12 : i32
    %scan3A_14 = arith.constant 1 : i32
    %scan3A_15 = scf.for %scan3A_17 = %scan3A_11 to %scan3A_13 step %scan3A_14 iter_args(%scan3A_18 = %scan3A_10) -> (i32)  : i32 {
      %mul3A_19 = arith.constant 16 : i32
      %mul3A_20 = arith.muli %scan3A_17, %mul3A_19 : i32
      %get3A = arith.index_cast %mul3A_20 : i32 to index
      %get3A_21 = tpu.vector_load %arg4[%get3A] {strides = array<i32>} : memref<10000xi32, #tpu.memory_space<vmem>>, vector<16xi32>,
      tpu.vector_store_idx %arg5[%get3A_21], %broadcast_in_dim3A_9 {add = true} : memref<10240xf32, #tpu.memory_space<vmem>>[vector<16xi32>], vector<16xf32>,
      %scan3A_22 = arith.constant 0 : i32
      scf.yield %scan3A_22 : i32
    }
    %scan3A_16 = arith.constant 625 : i32
    "tpu.region"() ({
      %run_scoped3A = tpu.sem_alloc : memref<!tpu.dma_semaphore, #tpu.memory_space<semaphore_mem>>
      %dma_start3A = arith.constant 0 : i32
      %dma_start3A_17 = tpu.memref_slice %arg3[%add3A, %dma_start3A] : memref<32x10240xf32, #tpu.memory_space<hbm>> -> memref<1x10240xf32, #tpu.memory_space<hbm>>
      %dma_start3A_18 = tpu.memref_squeeze %dma_start3A_17 : memref<1x10240xf32, #tpu.memory_space<hbm>> -> memref<10240xf32, #tpu.memory_space<hbm>>
      %dma_start3A_19 = arith.constant 0 : i32
      %dma_start3A_20 = tpu.memref_slice %arg3[%add3A, %dma_start3A_19] : memref<32x10240xf32, #tpu.memory_space<hbm>> -> memref<1x10240xf32, #tpu.memory_space<hbm>>
      %dma_start3A_21 = tpu.memref_squeeze %dma_start3A_20 : memref<1x10240xf32, #tpu.memory_space<hbm>> -> memref<10240xf32, #tpu.memory_space<hbm>>
      tpu.enqueue_dma source(%arg5 : memref<10240xf32, #tpu.memory_space<vmem>>) target(%dma_start3A_21 : memref<10240xf32, #tpu.memory_space<hbm>>) target_semaphore(%run_scoped3A : memref<!tpu.dma_semaphore, #tpu.memory_space<semaphore_mem>>)
      %dma_wait3A = arith.constant 0 : i32
      %dma_wait3A_22 = tpu.memref_slice %arg3[%add3A, %dma_wait3A] : memref<32x10240xf32, #tpu.memory_space<hbm>> -> memref<1x10240xf32, #tpu.memory_space<hbm>>
      %dma_wait3A_23 = tpu.memref_squeeze %dma_wait3A_22 : memref<1x10240xf32, #tpu.memory_space<hbm>> -> memref<10240xf32, #tpu.memory_space<hbm>>
      %dma_wait3A_24 = arith.constant 0 : i32
      %dma_wait3A_25 = tpu.memref_slice %arg3[%add3A, %dma_wait3A_24] : memref<32x10240xf32, #tpu.memory_space<hbm>> -> memref<1x10240xf32, #tpu.memory_space<hbm>>
      %dma_wait3A_26 = tpu.memref_squeeze %dma_wait3A_25 : memref<1x10240xf32, #tpu.memory_space<hbm>> -> memref<10240xf32, #tpu.memory_space<hbm>>
      tpu.wait_dma2 semaphore(%run_scoped3A : memref<!tpu.dma_semaphore, #tpu.memory_space<semaphore_mem>>) src(%arg5 : memref<10240xf32, #tpu.memory_space<vmem>>) dst(%dma_wait3A_26 : memref<10240xf32, #tpu.memory_space<hbm>>)
      tpu.yield
    }) : () -> ()
    return
  }
}

#map = affine_map<(d0, d1) -> (0, 0)>
#map1 = affine_map<(d0, d1) -> (0, 0, 0)>
module attributes {stable_mosaic.version = 14 : i64} {
  func.func @_sc_agg(%arg0: i32, %arg1: i32, %arg2: memref<10000x64xf32, #tpu.memory_space<hbm>>, %arg3: memref<2500x128xi32, #tpu.memory_space<hbm>>, %arg4: memref<2500x128xi32, #tpu.memory_space<hbm>>, %arg5: memref<2x10240x64xf32, #tpu.memory_space<hbm>>, %arg6: memref<105x128xi32, #tpu.memory_space<vmem>>, %arg7: memref<105x128xi32, #tpu.memory_space<vmem>>, %arg8: memref<4x128x64xf32, #tpu.memory_space<vmem>>, %arg9: memref<10240x64xf32, #tpu.memory_space<vmem_shared>>, %arg10: memref<4x!tpu.dma_semaphore, #tpu.memory_space<semaphore_mem>>, %arg11: memref<4x!tpu.dma_semaphore, #tpu.memory_space<semaphore_mem>>) attributes {dimension_semantics = [#tpu.dimension_semantics<core_parallel>, #tpu.dimension_semantics<subcore_parallel>], iteration_bounds = array<i64: 2, 16>, scalar_prefetch = 0 : i64, scratch_operands = 6 : i64, tpu.core_type = #tpu.core_type<sc_vector_subcore>, window_params = [{transform_indices = #map}, {transform_indices = #map}, {transform_indices = #map}, {transform_indices = #map1}]} {
    %eq3A = arith.constant 0 : i32
    %eq3A_0 = arith.cmpi eq, %arg0, %eq3A : i32
    %jit3A = arith.constant 105 : i32
    %jit3A_1 = arith.constant 52 : i32
    %select_n3A = arith.select %eq3A_0, %jit3A, %jit3A_1 : i32
    %convert_element_type3A = arith.extui %eq3A_0 : i1 to i32
    %cond3A = arith.constant 0 : i32
    %cond3A_2 = arith.cmpi ne, %convert_element_type3A, %cond3A : i32
    scf.if %cond3A_2 {
      %mul3A_118 = arith.constant 105 : i32
      %mul3A_119 = arith.muli %arg1, %mul3A_118 : i32
      "tpu.region"() ({
        %run_scoped3A_122 = tpu.sem_alloc : memref<!tpu.dma_semaphore, #tpu.memory_space<semaphore_mem>>
        %dma_start3A_123 = arith.constant 0 : i32
        %dma_start3A_124 = tpu.memref_slice %arg3[%mul3A_119, %dma_start3A_123] : memref<2500x128xi32, #tpu.memory_space<hbm>> -> memref<105x128xi32, #tpu.memory_space<hbm>>
        %dma_start3A_125 = arith.constant 0 : i32
        %dma_start3A_126 = tpu.memref_slice %arg3[%mul3A_119, %dma_start3A_125] : memref<2500x128xi32, #tpu.memory_space<hbm>> -> memref<105x128xi32, #tpu.memory_space<hbm>>
        tpu.enqueue_dma source(%dma_start3A_126 : memref<105x128xi32, #tpu.memory_space<hbm>>) target(%arg6 : memref<105x128xi32, #tpu.memory_space<vmem>>) target_semaphore(%run_scoped3A_122 : memref<!tpu.dma_semaphore, #tpu.memory_space<semaphore_mem>>)
        %dma_wait3A_127 = arith.constant 0 : i32
        %dma_wait3A_128 = tpu.memref_slice %arg3[%mul3A_119, %dma_wait3A_127] : memref<2500x128xi32, #tpu.memory_space<hbm>> -> memref<105x128xi32, #tpu.memory_space<hbm>>
        %dma_wait3A_129 = arith.constant 0 : i32
        %dma_wait3A_130 = tpu.memref_slice %arg3[%mul3A_119, %dma_wait3A_129] : memref<2500x128xi32, #tpu.memory_space<hbm>> -> memref<105x128xi32, #tpu.memory_space<hbm>>
        tpu.wait_dma2 semaphore(%run_scoped3A_122 : memref<!tpu.dma_semaphore, #tpu.memory_space<semaphore_mem>>) src(%dma_wait3A_130 : memref<105x128xi32, #tpu.memory_space<hbm>>) dst(%arg6 : memref<105x128xi32, #tpu.memory_space<vmem>>)
        tpu.yield
      }) : () -> ()
      %mul3A_120 = arith.constant 105 : i32
      %mul3A_121 = arith.muli %arg1, %mul3A_120 : i32
      "tpu.region"() ({
        %run_scoped3A_122 = tpu.sem_alloc : memref<!tpu.dma_semaphore, #tpu.memory_space<semaphore_mem>>
        %dma_start3A_123 = arith.constant 0 : i32
        %dma_start3A_124 = tpu.memref_slice %arg4[%mul3A_121, %dma_start3A_123] : memref<2500x128xi32, #tpu.memory_space<hbm>> -> memref<105x128xi32, #tpu.memory_space<hbm>>
        %dma_start3A_125 = arith.constant 0 : i32
        %dma_start3A_126 = tpu.memref_slice %arg4[%mul3A_121, %dma_start3A_125] : memref<2500x128xi32, #tpu.memory_space<hbm>> -> memref<105x128xi32, #tpu.memory_space<hbm>>
        tpu.enqueue_dma source(%dma_start3A_126 : memref<105x128xi32, #tpu.memory_space<hbm>>) target(%arg7 : memref<105x128xi32, #tpu.memory_space<vmem>>) target_semaphore(%run_scoped3A_122 : memref<!tpu.dma_semaphore, #tpu.memory_space<semaphore_mem>>)
        %dma_wait3A_127 = arith.constant 0 : i32
        %dma_wait3A_128 = tpu.memref_slice %arg4[%mul3A_121, %dma_wait3A_127] : memref<2500x128xi32, #tpu.memory_space<hbm>> -> memref<105x128xi32, #tpu.memory_space<hbm>>
        %dma_wait3A_129 = arith.constant 0 : i32
        %dma_wait3A_130 = tpu.memref_slice %arg4[%mul3A_121, %dma_wait3A_129] : memref<2500x128xi32, #tpu.memory_space<hbm>> -> memref<105x128xi32, #tpu.memory_space<hbm>>
        tpu.wait_dma2 semaphore(%run_scoped3A_122 : memref<!tpu.dma_semaphore, #tpu.memory_space<semaphore_mem>>) src(%dma_wait3A_130 : memref<105x128xi32, #tpu.memory_space<hbm>>) dst(%arg7 : memref<105x128xi32, #tpu.memory_space<vmem>>)
        tpu.yield
      }) : () -> ()
    } else {
    }
    %not3A = arith.constant true
    %not3A_3 = arith.xori %eq3A_0, %not3A : i1
    %eq3A_4 = arith.constant 15 : i32
    %eq3A_5 = arith.cmpi eq, %arg1, %eq3A_4 : i32
    %and3A = arith.andi %not3A_3, %eq3A_5 : i1
    %not3A_6 = arith.constant true
    %not3A_7 = arith.xori %eq3A_0, %not3A_6 : i1
    %lt3A = arith.constant 15 : i32
    %lt3A_8 = arith.cmpi slt, %arg1, %lt3A : i32
    %and3A_9 = arith.andi %not3A_7, %lt3A_8 : i1
    %convert_element_type3A_10 = arith.extui %and3A_9 : i1 to i32
    %cond3A_11 = arith.constant 0 : i32
    %cond3A_12 = arith.cmpi ne, %convert_element_type3A_10, %cond3A_11 : i32
    scf.if %cond3A_12 {
      %mul3A_118 = arith.constant 52 : i32
      %mul3A_119 = arith.muli %arg1, %mul3A_118 : i32
      %add3A_120 = arith.constant 1680 : i32
      %add3A_121 = arith.addi %add3A_120, %mul3A_119 : i32
      "tpu.region"() ({
        %run_scoped3A_126 = tpu.sem_alloc : memref<!tpu.dma_semaphore, #tpu.memory_space<semaphore_mem>>
        %dma_start3A_127 = arith.constant 0 : i32
        %dma_start3A_128 = arith.constant 0 : i32
        %dma_start3A_129 = tpu.memref_slice %arg6[%dma_start3A_127, %dma_start3A_128] : memref<105x128xi32, #tpu.memory_space<vmem>> -> memref<52x128xi32, #tpu.memory_space<vmem>>
        %dma_start3A_130 = arith.constant 0 : i32
        %dma_start3A_131 = tpu.memref_slice %arg3[%add3A_121, %dma_start3A_130] : memref<2500x128xi32, #tpu.memory_space<hbm>> -> memref<52x128xi32, #tpu.memory_space<hbm>>
        %dma_start3A_132 = arith.constant 0 : i32
        %dma_start3A_133 = arith.constant 0 : i32
        %dma_start3A_134 = tpu.memref_slice %arg6[%dma_start3A_132, %dma_start3A_133] : memref<105x128xi32, #tpu.memory_space<vmem>> -> memref<52x128xi32, #tpu.memory_space<vmem>>
        %dma_start3A_135 = arith.constant 0 : i32
        %dma_start3A_136 = tpu.memref_slice %arg3[%add3A_121, %dma_start3A_135] : memref<2500x128xi32, #tpu.memory_space<hbm>> -> memref<52x128xi32, #tpu.memory_space<hbm>>
        tpu.enqueue_dma source(%dma_start3A_136 : memref<52x128xi32, #tpu.memory_space<hbm>>) target(%dma_start3A_134 : memref<52x128xi32, #tpu.memory_space<vmem>>) target_semaphore(%run_scoped3A_126 : memref<!tpu.dma_semaphore, #tpu.memory_space<semaphore_mem>>)
        %dma_wait3A_137 = arith.constant 0 : i32
        %dma_wait3A_138 = arith.constant 0 : i32
        %dma_wait3A_139 = tpu.memref_slice %arg6[%dma_wait3A_137, %dma_wait3A_138] : memref<105x128xi32, #tpu.memory_space<vmem>> -> memref<52x128xi32, #tpu.memory_space<vmem>>
        %dma_wait3A_140 = arith.constant 0 : i32
        %dma_wait3A_141 = tpu.memref_slice %arg3[%add3A_121, %dma_wait3A_140] : memref<2500x128xi32, #tpu.memory_space<hbm>> -> memref<52x128xi32, #tpu.memory_space<hbm>>
        %dma_wait3A_142 = arith.constant 0 : i32
        %dma_wait3A_143 = arith.constant 0 : i32
        %dma_wait3A_144 = tpu.memref_slice %arg6[%dma_wait3A_142, %dma_wait3A_143] : memref<105x128xi32, #tpu.memory_space<vmem>> -> memref<52x128xi32, #tpu.memory_space<vmem>>
        %dma_wait3A_145 = arith.constant 0 : i32
        %dma_wait3A_146 = tpu.memref_slice %arg3[%add3A_121, %dma_wait3A_145] : memref<2500x128xi32, #tpu.memory_space<hbm>> -> memref<52x128xi32, #tpu.memory_space<hbm>>
        tpu.wait_dma2 semaphore(%run_scoped3A_126 : memref<!tpu.dma_semaphore, #tpu.memory_space<semaphore_mem>>) src(%dma_wait3A_146 : memref<52x128xi32, #tpu.memory_space<hbm>>) dst(%dma_wait3A_144 : memref<52x128xi32, #tpu.memory_space<vmem>>)
        tpu.yield
      }) : () -> ()
      %mul3A_122 = arith.constant 52 : i32
      %mul3A_123 = arith.muli %arg1, %mul3A_122 : i32
      %add3A_124 = arith.constant 1680 : i32
      %add3A_125 = arith.addi %add3A_124, %mul3A_123 : i32
      "tpu.region"() ({
        %run_scoped3A_126 = tpu.sem_alloc : memref<!tpu.dma_semaphore, #tpu.memory_space<semaphore_mem>>
        %dma_start3A_127 = arith.constant 0 : i32
        %dma_start3A_128 = arith.constant 0 : i32
        %dma_start3A_129 = tpu.memref_slice %arg7[%dma_start3A_127, %dma_start3A_128] : memref<105x128xi32, #tpu.memory_space<vmem>> -> memref<52x128xi32, #tpu.memory_space<vmem>>
        %dma_start3A_130 = arith.constant 0 : i32
        %dma_start3A_131 = tpu.memref_slice %arg4[%add3A_125, %dma_start3A_130] : memref<2500x128xi32, #tpu.memory_space<hbm>> -> memref<52x128xi32, #tpu.memory_space<hbm>>
        %dma_start3A_132 = arith.constant 0 : i32
        %dma_start3A_133 = arith.constant 0 : i32
        %dma_start3A_134 = tpu.memref_slice %arg7[%dma_start3A_132, %dma_start3A_133] : memref<105x128xi32, #tpu.memory_space<vmem>> -> memref<52x128xi32, #tpu.memory_space<vmem>>
        %dma_start3A_135 = arith.constant 0 : i32
        %dma_start3A_136 = tpu.memref_slice %arg4[%add3A_125, %dma_start3A_135] : memref<2500x128xi32, #tpu.memory_space<hbm>> -> memref<52x128xi32, #tpu.memory_space<hbm>>
        tpu.enqueue_dma source(%dma_start3A_136 : memref<52x128xi32, #tpu.memory_space<hbm>>) target(%dma_start3A_134 : memref<52x128xi32, #tpu.memory_space<vmem>>) target_semaphore(%run_scoped3A_126 : memref<!tpu.dma_semaphore, #tpu.memory_space<semaphore_mem>>)
        %dma_wait3A_137 = arith.constant 0 : i32
        %dma_wait3A_138 = arith.constant 0 : i32
        %dma_wait3A_139 = tpu.memref_slice %arg7[%dma_wait3A_137, %dma_wait3A_138] : memref<105x128xi32, #tpu.memory_space<vmem>> -> memref<52x128xi32, #tpu.memory_space<vmem>>
        %dma_wait3A_140 = arith.constant 0 : i32
        %dma_wait3A_141 = tpu.memref_slice %arg4[%add3A_125, %dma_wait3A_140] : memref<2500x128xi32, #tpu.memory_space<hbm>> -> memref<52x128xi32, #tpu.memory_space<hbm>>
        %dma_wait3A_142 = arith.constant 0 : i32
        %dma_wait3A_143 = arith.constant 0 : i32
        %dma_wait3A_144 = tpu.memref_slice %arg7[%dma_wait3A_142, %dma_wait3A_143] : memref<105x128xi32, #tpu.memory_space<vmem>> -> memref<52x128xi32, #tpu.memory_space<vmem>>
        %dma_wait3A_145 = arith.constant 0 : i32
        %dma_wait3A_146 = tpu.memref_slice %arg4[%add3A_125, %dma_wait3A_145] : memref<2500x128xi32, #tpu.memory_space<hbm>> -> memref<52x128xi32, #tpu.memory_space<hbm>>
        tpu.wait_dma2 semaphore(%run_scoped3A_126 : memref<!tpu.dma_semaphore, #tpu.memory_space<semaphore_mem>>) src(%dma_wait3A_146 : memref<52x128xi32, #tpu.memory_space<hbm>>) dst(%dma_wait3A_144 : memref<52x128xi32, #tpu.memory_space<vmem>>)
        tpu.yield
      }) : () -> ()
    } else {
    }
    %convert_element_type3A_13 = arith.extui %and3A : i1 to i32
    %cond3A_14 = arith.constant 0 : i32
    %cond3A_15 = arith.cmpi ne, %convert_element_type3A_13, %cond3A_14 : i32
    scf.if %cond3A_15 {
      "tpu.region"() ({
        %run_scoped3A_125 = tpu.sem_alloc : memref<!tpu.dma_semaphore, #tpu.memory_space<semaphore_mem>>
        %dma_start3A_126 = arith.constant 0 : i32
        %dma_start3A_127 = arith.constant 0 : i32
        %dma_start3A_128 = tpu.memref_slice %arg6[%dma_start3A_126, %dma_start3A_127] : memref<105x128xi32, #tpu.memory_space<vmem>> -> memref<40x128xi32, #tpu.memory_space<vmem>>
        %dma_start3A_129 = arith.constant 2460 : i32
        %dma_start3A_130 = arith.constant 0 : i32
        %dma_start3A_131 = tpu.memref_slice %arg3[%dma_start3A_129, %dma_start3A_130] : memref<2500x128xi32, #tpu.memory_space<hbm>> -> memref<40x128xi32, #tpu.memory_space<hbm>>
        %dma_start3A_132 = arith.constant 0 : i32
        %dma_start3A_133 = arith.constant 0 : i32
        %dma_start3A_134 = tpu.memref_slice %arg6[%dma_start3A_132, %dma_start3A_133] : memref<105x128xi32, #tpu.memory_space<vmem>> -> memref<40x128xi32, #tpu.memory_space<vmem>>
        %dma_start3A_135 = arith.constant 2460 : i32
        %dma_start3A_136 = arith.constant 0 : i32
        %dma_start3A_137 = tpu.memref_slice %arg3[%dma_start3A_135, %dma_start3A_136] : memref<2500x128xi32, #tpu.memory_space<hbm>> -> memref<40x128xi32, #tpu.memory_space<hbm>>
        tpu.enqueue_dma source(%dma_start3A_137 : memref<40x128xi32, #tpu.memory_space<hbm>>) target(%dma_start3A_134 : memref<40x128xi32, #tpu.memory_space<vmem>>) target_semaphore(%run_scoped3A_125 : memref<!tpu.dma_semaphore, #tpu.memory_space<semaphore_mem>>)
        %dma_wait3A_138 = arith.constant 0 : i32
        %dma_wait3A_139 = arith.constant 0 : i32
        %dma_wait3A_140 = tpu.memref_slice %arg6[%dma_wait3A_138, %dma_wait3A_139] : memref<105x128xi32, #tpu.memory_space<vmem>> -> memref<40x128xi32, #tpu.memory_space<vmem>>
        %dma_wait3A_141 = arith.constant 2460 : i32
        %dma_wait3A_142 = arith.constant 0 : i32
        %dma_wait3A_143 = tpu.memref_slice %arg3[%dma_wait3A_141, %dma_wait3A_142] : memref<2500x128xi32, #tpu.memory_space<hbm>> -> memref<40x128xi32, #tpu.memory_space<hbm>>
        %dma_wait3A_144 = arith.constant 0 : i32
        %dma_wait3A_145 = arith.constant 0 : i32
        %dma_wait3A_146 = tpu.memref_slice %arg6[%dma_wait3A_144, %dma_wait3A_145] : memref<105x128xi32, #tpu.memory_space<vmem>> -> memref<40x128xi32, #tpu.memory_space<vmem>>
        %dma_wait3A_147 = arith.constant 2460 : i32
        %dma_wait3A_148 = arith.constant 0 : i32
        %dma_wait3A_149 = tpu.memref_slice %arg3[%dma_wait3A_147, %dma_wait3A_148] : memref<2500x128xi32, #tpu.memory_space<hbm>> -> memref<40x128xi32, #tpu.memory_space<hbm>>
        tpu.wait_dma2 semaphore(%run_scoped3A_125 : memref<!tpu.dma_semaphore, #tpu.memory_space<semaphore_mem>>) src(%dma_wait3A_149 : memref<40x128xi32, #tpu.memory_space<hbm>>) dst(%dma_wait3A_146 : memref<40x128xi32, #tpu.memory_space<vmem>>)
        tpu.yield
      }) : () -> ()
      "tpu.region"() ({
        %run_scoped3A_125 = tpu.sem_alloc : memref<!tpu.dma_semaphore, #tpu.memory_space<semaphore_mem>>
        %dma_start3A_126 = arith.constant 0 : i32
        %dma_start3A_127 = arith.constant 0 : i32
        %dma_start3A_128 = tpu.memref_slice %arg7[%dma_start3A_126, %dma_start3A_127] : memref<105x128xi32, #tpu.memory_space<vmem>> -> memref<40x128xi32, #tpu.memory_space<vmem>>
        %dma_start3A_129 = arith.constant 2460 : i32
        %dma_start3A_130 = arith.constant 0 : i32
        %dma_start3A_131 = tpu.memref_slice %arg4[%dma_start3A_129, %dma_start3A_130] : memref<2500x128xi32, #tpu.memory_space<hbm>> -> memref<40x128xi32, #tpu.memory_space<hbm>>
        %dma_start3A_132 = arith.constant 0 : i32
        %dma_start3A_133 = arith.constant 0 : i32
        %dma_start3A_134 = tpu.memref_slice %arg7[%dma_start3A_132, %dma_start3A_133] : memref<105x128xi32, #tpu.memory_space<vmem>> -> memref<40x128xi32, #tpu.memory_space<vmem>>
        %dma_start3A_135 = arith.constant 2460 : i32
        %dma_start3A_136 = arith.constant 0 : i32
        %dma_start3A_137 = tpu.memref_slice %arg4[%dma_start3A_135, %dma_start3A_136] : memref<2500x128xi32, #tpu.memory_space<hbm>> -> memref<40x128xi32, #tpu.memory_space<hbm>>
        tpu.enqueue_dma source(%dma_start3A_137 : memref<40x128xi32, #tpu.memory_space<hbm>>) target(%dma_start3A_134 : memref<40x128xi32, #tpu.memory_space<vmem>>) target_semaphore(%run_scoped3A_125 : memref<!tpu.dma_semaphore, #tpu.memory_space<semaphore_mem>>)
        %dma_wait3A_138 = arith.constant 0 : i32
        %dma_wait3A_139 = arith.constant 0 : i32
        %dma_wait3A_140 = tpu.memref_slice %arg7[%dma_wait3A_138, %dma_wait3A_139] : memref<105x128xi32, #tpu.memory_space<vmem>> -> memref<40x128xi32, #tpu.memory_space<vmem>>
        %dma_wait3A_141 = arith.constant 2460 : i32
        %dma_wait3A_142 = arith.constant 0 : i32
        %dma_wait3A_143 = tpu.memref_slice %arg4[%dma_wait3A_141, %dma_wait3A_142] : memref<2500x128xi32, #tpu.memory_space<hbm>> -> memref<40x128xi32, #tpu.memory_space<hbm>>
        %dma_wait3A_144 = arith.constant 0 : i32
        %dma_wait3A_145 = arith.constant 0 : i32
        %dma_wait3A_146 = tpu.memref_slice %arg7[%dma_wait3A_144, %dma_wait3A_145] : memref<105x128xi32, #tpu.memory_space<vmem>> -> memref<40x128xi32, #tpu.memory_space<vmem>>
        %dma_wait3A_147 = arith.constant 2460 : i32
        %dma_wait3A_148 = arith.constant 0 : i32
        %dma_wait3A_149 = tpu.memref_slice %arg4[%dma_wait3A_147, %dma_wait3A_148] : memref<2500x128xi32, #tpu.memory_space<hbm>> -> memref<40x128xi32, #tpu.memory_space<hbm>>
        tpu.wait_dma2 semaphore(%run_scoped3A_125 : memref<!tpu.dma_semaphore, #tpu.memory_space<semaphore_mem>>) src(%dma_wait3A_149 : memref<40x128xi32, #tpu.memory_space<hbm>>) dst(%dma_wait3A_146 : memref<40x128xi32, #tpu.memory_space<vmem>>)
        tpu.yield
      }) : () -> ()
      %scan3A_118 = arith.constant 0 : i32
      %scan3A_119 = arith.constant 0 : i32
      %scan3A_120 = arith.constant 96 : i32
      %scan3A_121 = arith.addi %scan3A_119, %scan3A_120 : i32
      %scan3A_122 = arith.constant 1 : i32
      %scan3A_123 = scf.for %scan3A_125 = %scan3A_119 to %scan3A_121 step %scan3A_122 iter_args(%scan3A_126 = %scan3A_118) -> (i32)  : i32 {
        %jit3A_127 = arith.constant 8 : i32
        %div3A = arith.divsi %scan3A_125, %jit3A_127 : i32
        %sign3A = arith.constant 0 : i32
        %sign3A_128 = arith.cmpi sgt, %scan3A_125, %sign3A : i32
        %sign3A_129 = arith.extui %sign3A_128 : i1 to i32
        %sign3A_130 = arith.constant 0 : i32
        %sign3A_131 = arith.cmpi slt, %scan3A_125, %sign3A_130 : i32
        %sign3A_132 = arith.extui %sign3A_131 : i1 to i32
        %sign3A_133 = arith.subi %sign3A_129, %sign3A_132 : i32
        %sign3A_134 = arith.constant 0 : i32
        %sign3A_135 = arith.cmpi sgt, %jit3A_127, %sign3A_134 : i32
        %sign3A_136 = arith.extui %sign3A_135 : i1 to i32
        %sign3A_137 = arith.constant 0 : i32
        %sign3A_138 = arith.cmpi slt, %jit3A_127, %sign3A_137 : i32
        %sign3A_139 = arith.extui %sign3A_138 : i1 to i32
        %sign3A_140 = arith.subi %sign3A_136, %sign3A_139 : i32
        %ne3A = arith.cmpi ne, %sign3A_133, %sign3A_140 : i32
        %rem3A_141 = arith.remsi %scan3A_125, %jit3A_127 : i32
        %ne3A_142 = arith.constant 0 : i32
        %ne3A_143 = arith.cmpi ne, %rem3A_141, %ne3A_142 : i32
        %and3A_144 = arith.andi %ne3A, %ne3A_143 : i1
        %sub3A_145 = arith.constant 1 : i32
        %sub3A_146 = arith.subi %div3A, %sub3A_145 : i32
        %select_n3A_147 = arith.select %and3A_144, %sub3A_146, %div3A : i32
        %add3A_148 = arith.constant 40 : i32
        %add3A_149 = arith.addi %add3A_148, %select_n3A_147 : i32
        %jit3A_150 = arith.constant 8 : i32
        %eq3A_151 = arith.constant 0 : i32
        %eq3A_152 = arith.cmpi eq, %jit3A_150, %eq3A_151 : i32
        %jit3A_153 = arith.constant 1 : i32
        %select_n3A_154 = arith.select %eq3A_152, %jit3A_153, %jit3A_150 : i32
        %rem3A_155 = arith.remsi %scan3A_125, %select_n3A_154 : i32
        %ne3A_156 = arith.constant 0 : i32
        %ne3A_157 = arith.cmpi ne, %rem3A_155, %ne3A_156 : i32
        %lt3A_158 = arith.constant 0 : i32
        %lt3A_159 = arith.cmpi slt, %rem3A_155, %lt3A_158 : i32
        %lt3A_160 = arith.constant 0 : i32
        %lt3A_161 = arith.cmpi slt, %select_n3A_154, %lt3A_160 : i32
        %ne3A_162 = arith.xori %lt3A_159, %lt3A_161 : i1
        %and3A_163 = arith.andi %ne3A_162, %ne3A_157 : i1
        %add3A_164 = arith.addi %rem3A_155, %select_n3A_154 : i32
        %select_n3A_165 = arith.select %and3A_163, %add3A_164, %rem3A_155 : i32
        %mul3A_166 = arith.constant 16 : i32
        %mul3A_167 = arith.muli %select_n3A_165, %mul3A_166 : i32
        %broadcast_in_dim3A = arith.constant 0 : i32
        %broadcast_in_dim3A_168 = vector.broadcast %broadcast_in_dim3A : i32 to vector<16xi32>
        %swap3A = arith.index_cast %add3A_149 : i32 to index
        %swap3A_169 = arith.index_cast %mul3A_167 : i32 to index
        %swap3A_170 = tpu.vector_load %arg6[%swap3A, %swap3A_169] {strides = array<i32>} : memref<105x128xi32, #tpu.memory_space<vmem>>, vector<1x16xi32>,
        %swap3A_171 = vector.shape_cast %swap3A_170 : vector<1x16xi32> to vector<16xi32>
        %swap3A_172 = vector.shape_cast %broadcast_in_dim3A_168 : vector<16xi32> to vector<1x16xi32>
        tpu.vector_store %arg6[%swap3A, %swap3A_169], %swap3A_172 {strides = array<i32>} : memref<105x128xi32, #tpu.memory_space<vmem>>, vector<1x16xi32>,
        %broadcast_in_dim3A_173 = arith.constant 10008 : i32
        %broadcast_in_dim3A_174 = vector.broadcast %broadcast_in_dim3A_173 : i32 to vector<16xi32>
        %swap3A_175 = arith.index_cast %add3A_149 : i32 to index
        %swap3A_176 = arith.index_cast %mul3A_167 : i32 to index
        %swap3A_177 = tpu.vector_load %arg7[%swap3A_175, %swap3A_176] {strides = array<i32>} : memref<105x128xi32, #tpu.memory_space<vmem>>, vector<1x16xi32>,
        %swap3A_178 = vector.shape_cast %swap3A_177 : vector<1x16xi32> to vector<16xi32>
        %swap3A_179 = vector.shape_cast %broadcast_in_dim3A_174 : vector<16xi32> to vector<1x16xi32>
        tpu.vector_store %arg7[%swap3A_175, %swap3A_176], %swap3A_179 {strides = array<i32>} : memref<105x128xi32, #tpu.memory_space<vmem>>, vector<1x16xi32>,
        %scan3A_180 = arith.constant 0 : i32
        scf.yield %scan3A_180 : i32
      }
      %scan3A_124 = arith.constant 96 : i32
    } else {
    }
    %scan3A = arith.constant 0 : i32
    %scan3A_16 = arith.constant 0 : i32
    %scan3A_17 = arith.constant 512 : i32
    %scan3A_18 = arith.addi %scan3A_16, %scan3A_17 : i32
    %scan3A_19 = arith.constant 1 : i32
    %scan3A_20 = scf.for %scan3A_118 = %scan3A_16 to %scan3A_18 step %scan3A_19 iter_args(%scan3A_119 = %scan3A) -> (i32)  : i32 {
      %broadcast_in_dim3A = arith.constant 0.000000e+00 : f32
      %broadcast_in_dim3A_120 = vector.broadcast %broadcast_in_dim3A : f32 to vector<16xf32>
      %jit3A_121 = arith.constant 4 : i32
      %div3A = arith.divsi %scan3A_118, %jit3A_121 : i32
      %sign3A = arith.constant 0 : i32
      %sign3A_122 = arith.cmpi sgt, %scan3A_118, %sign3A : i32
      %sign3A_123 = arith.extui %sign3A_122 : i1 to i32
      %sign3A_124 = arith.constant 0 : i32
      %sign3A_125 = arith.cmpi slt, %scan3A_118, %sign3A_124 : i32
      %sign3A_126 = arith.extui %sign3A_125 : i1 to i32
      %sign3A_127 = arith.subi %sign3A_123, %sign3A_126 : i32
      %sign3A_128 = arith.constant 0 : i32
      %sign3A_129 = arith.cmpi sgt, %jit3A_121, %sign3A_128 : i32
      %sign3A_130 = arith.extui %sign3A_129 : i1 to i32
      %sign3A_131 = arith.constant 0 : i32
      %sign3A_132 = arith.cmpi slt, %jit3A_121, %sign3A_131 : i32
      %sign3A_133 = arith.extui %sign3A_132 : i1 to i32
      %sign3A_134 = arith.subi %sign3A_130, %sign3A_133 : i32
      %ne3A = arith.cmpi ne, %sign3A_127, %sign3A_134 : i32
      %rem3A_135 = arith.remsi %scan3A_118, %jit3A_121 : i32
      %ne3A_136 = arith.constant 0 : i32
      %ne3A_137 = arith.cmpi ne, %rem3A_135, %ne3A_136 : i32
      %and3A_138 = arith.andi %ne3A, %ne3A_137 : i1
      %sub3A_139 = arith.constant 1 : i32
      %sub3A_140 = arith.subi %div3A, %sub3A_139 : i32
      %select_n3A_141 = arith.select %and3A_138, %sub3A_140, %div3A : i32
      %jit3A_142 = arith.constant 4 : i32
      %eq3A_143 = arith.constant 0 : i32
      %eq3A_144 = arith.cmpi eq, %jit3A_142, %eq3A_143 : i32
      %jit3A_145 = arith.constant 1 : i32
      %select_n3A_146 = arith.select %eq3A_144, %jit3A_145, %jit3A_142 : i32
      %rem3A_147 = arith.remsi %scan3A_118, %select_n3A_146 : i32
      %ne3A_148 = arith.constant 0 : i32
      %ne3A_149 = arith.cmpi ne, %rem3A_147, %ne3A_148 : i32
      %lt3A_150 = arith.constant 0 : i32
      %lt3A_151 = arith.cmpi slt, %rem3A_147, %lt3A_150 : i32
      %lt3A_152 = arith.constant 0 : i32
      %lt3A_153 = arith.cmpi slt, %select_n3A_146, %lt3A_152 : i32
      %ne3A_154 = arith.xori %lt3A_151, %lt3A_153 : i1
      %and3A_155 = arith.andi %ne3A_154, %ne3A_149 : i1
      %add3A_156 = arith.addi %rem3A_147, %select_n3A_146 : i32
      %select_n3A_157 = arith.select %and3A_155, %add3A_156, %rem3A_147 : i32
      %mul3A_158 = arith.constant 16 : i32
      %mul3A_159 = arith.muli %select_n3A_157, %mul3A_158 : i32
      %swap3A = arith.constant 0 : i32
      %swap3A_160 = arith.index_cast %swap3A : i32 to index
      %swap3A_161 = arith.index_cast %select_n3A_141 : i32 to index
      %swap3A_162 = arith.index_cast %mul3A_159 : i32 to index
      %swap3A_163 = tpu.vector_load %arg8[%swap3A_160, %swap3A_161, %swap3A_162] {strides = array<i32>} : memref<4x128x64xf32, #tpu.memory_space<vmem>>, vector<1x1x16xf32>,
      %swap3A_164 = vector.shape_cast %swap3A_163 : vector<1x1x16xf32> to vector<16xf32>
      %swap3A_165 = vector.shape_cast %broadcast_in_dim3A_120 : vector<16xf32> to vector<1x1x16xf32>
      tpu.vector_store %arg8[%swap3A_160, %swap3A_161, %swap3A_162], %swap3A_165 {strides = array<i32>} : memref<4x128x64xf32, #tpu.memory_space<vmem>>, vector<1x1x16xf32>,
      %scan3A_166 = arith.constant 0 : i32
      scf.yield %scan3A_166 : i32
    }
    %scan3A_21 = arith.constant 512 : i32
    %mul3A = arith.constant 640 : i32
    %mul3A_22 = arith.muli %arg1, %mul3A : i32
    %add3A = arith.constant 0 : i32
    %add3A_23 = arith.addi %mul3A_22, %add3A : i32
    %run_scoped3A = arith.constant 0 : i32
    "tpu.region"() ({
      %run_scoped3A_118 = tpu.sem_alloc : memref<!tpu.dma_semaphore, #tpu.memory_space<semaphore_mem>>
      %dma_start3A_119 = arith.constant 0 : i32
      %dma_start3A_120 = arith.constant 0 : i32
      %dma_start3A_121 = tpu.memref_slice %arg8[%run_scoped3A, %dma_start3A_119, %dma_start3A_120] : memref<4x128x64xf32, #tpu.memory_space<vmem>> -> memref<1x128x64xf32, #tpu.memory_space<vmem>>
      %dma_start3A_122 = tpu.memref_squeeze %dma_start3A_121 : memref<1x128x64xf32, #tpu.memory_space<vmem>> -> memref<128x64xf32, #tpu.memory_space<vmem>>
      %dma_start3A_123 = arith.constant 0 : i32
      %dma_start3A_124 = tpu.memref_slice %arg9[%add3A_23, %dma_start3A_123] : memref<10240x64xf32, #tpu.memory_space<vmem_shared>> -> memref<128x64xf32, #tpu.memory_space<vmem_shared>>
      %dma_start3A_125 = arith.constant 0 : i32
      %dma_start3A_126 = tpu.memref_slice %arg9[%add3A_23, %dma_start3A_125] : memref<10240x64xf32, #tpu.memory_space<vmem_shared>> -> memref<128x64xf32, #tpu.memory_space<vmem_shared>>
      %dma_start3A_127 = arith.constant 0 : i32
      %dma_start3A_128 = arith.constant 0 : i32
      %dma_start3A_129 = tpu.memref_slice %arg8[%run_scoped3A, %dma_start3A_127, %dma_start3A_128] : memref<4x128x64xf32, #tpu.memory_space<vmem>> -> memref<1x128x64xf32, #tpu.memory_space<vmem>>
      %dma_start3A_130 = tpu.memref_squeeze %dma_start3A_129 : memref<1x128x64xf32, #tpu.memory_space<vmem>> -> memref<128x64xf32, #tpu.memory_space<vmem>>
      tpu.enqueue_dma source(%dma_start3A_130 : memref<128x64xf32, #tpu.memory_space<vmem>>) target(%dma_start3A_126 : memref<128x64xf32, #tpu.memory_space<vmem_shared>>) target_semaphore(%run_scoped3A_118 : memref<!tpu.dma_semaphore, #tpu.memory_space<semaphore_mem>>)
      %dma_wait3A_131 = arith.constant 0 : i32
      %dma_wait3A_132 = arith.constant 0 : i32
      %dma_wait3A_133 = tpu.memref_slice %arg8[%run_scoped3A, %dma_wait3A_131, %dma_wait3A_132] : memref<4x128x64xf32, #tpu.memory_space<vmem>> -> memref<1x128x64xf32, #tpu.memory_space<vmem>>
      %dma_wait3A_134 = tpu.memref_squeeze %dma_wait3A_133 : memref<1x128x64xf32, #tpu.memory_space<vmem>> -> memref<128x64xf32, #tpu.memory_space<vmem>>
      %dma_wait3A_135 = arith.constant 0 : i32
      %dma_wait3A_136 = tpu.memref_slice %arg9[%add3A_23, %dma_wait3A_135] : memref<10240x64xf32, #tpu.memory_space<vmem_shared>> -> memref<128x64xf32, #tpu.memory_space<vmem_shared>>
      %dma_wait3A_137 = arith.constant 0 : i32
      %dma_wait3A_138 = tpu.memref_slice %arg9[%add3A_23, %dma_wait3A_137] : memref<10240x64xf32, #tpu.memory_space<vmem_shared>> -> memref<128x64xf32, #tpu.memory_space<vmem_shared>>
      %dma_wait3A_139 = arith.constant 0 : i32
      %dma_wait3A_140 = arith.constant 0 : i32
      %dma_wait3A_141 = tpu.memref_slice %arg8[%run_scoped3A, %dma_wait3A_139, %dma_wait3A_140] : memref<4x128x64xf32, #tpu.memory_space<vmem>> -> memref<1x128x64xf32, #tpu.memory_space<vmem>>
      %dma_wait3A_142 = tpu.memref_squeeze %dma_wait3A_141 : memref<1x128x64xf32, #tpu.memory_space<vmem>> -> memref<128x64xf32, #tpu.memory_space<vmem>>
      tpu.wait_dma2 semaphore(%run_scoped3A_118 : memref<!tpu.dma_semaphore, #tpu.memory_space<semaphore_mem>>) src(%dma_wait3A_142 : memref<128x64xf32, #tpu.memory_space<vmem>>) dst(%dma_wait3A_138 : memref<128x64xf32, #tpu.memory_space<vmem_shared>>)
      tpu.yield
    }) : () -> ()
    %mul3A_24 = arith.constant 640 : i32
    %mul3A_25 = arith.muli %arg1, %mul3A_24 : i32
    %add3A_26 = arith.constant 128 : i32
    %add3A_27 = arith.addi %mul3A_25, %add3A_26 : i32
    %run_scoped3A_28 = arith.constant 0 : i32
    "tpu.region"() ({
      %run_scoped3A_118 = tpu.sem_alloc : memref<!tpu.dma_semaphore, #tpu.memory_space<semaphore_mem>>
      %dma_start3A_119 = arith.constant 0 : i32
      %dma_start3A_120 = arith.constant 0 : i32
      %dma_start3A_121 = tpu.memref_slice %arg8[%run_scoped3A_28, %dma_start3A_119, %dma_start3A_120] : memref<4x128x64xf32, #tpu.memory_space<vmem>> -> memref<1x128x64xf32, #tpu.memory_space<vmem>>
      %dma_start3A_122 = tpu.memref_squeeze %dma_start3A_121 : memref<1x128x64xf32, #tpu.memory_space<vmem>> -> memref<128x64xf32, #tpu.memory_space<vmem>>
      %dma_start3A_123 = arith.constant 0 : i32
      %dma_start3A_124 = tpu.memref_slice %arg9[%add3A_27, %dma_start3A_123] : memref<10240x64xf32, #tpu.memory_space<vmem_shared>> -> memref<128x64xf32, #tpu.memory_space<vmem_shared>>
      %dma_start3A_125 = arith.constant 0 : i32
      %dma_start3A_126 = tpu.memref_slice %arg9[%add3A_27, %dma_start3A_125] : memref<10240x64xf32, #tpu.memory_space<vmem_shared>> -> memref<128x64xf32, #tpu.memory_space<vmem_shared>>
      %dma_start3A_127 = arith.constant 0 : i32
      %dma_start3A_128 = arith.constant 0 : i32
      %dma_start3A_129 = tpu.memref_slice %arg8[%run_scoped3A_28, %dma_start3A_127, %dma_start3A_128] : memref<4x128x64xf32, #tpu.memory_space<vmem>> -> memref<1x128x64xf32, #tpu.memory_space<vmem>>
      %dma_start3A_130 = tpu.memref_squeeze %dma_start3A_129 : memref<1x128x64xf32, #tpu.memory_space<vmem>> -> memref<128x64xf32, #tpu.memory_space<vmem>>
      tpu.enqueue_dma source(%dma_start3A_130 : memref<128x64xf32, #tpu.memory_space<vmem>>) target(%dma_start3A_126 : memref<128x64xf32, #tpu.memory_space<vmem_shared>>) target_semaphore(%run_scoped3A_118 : memref<!tpu.dma_semaphore, #tpu.memory_space<semaphore_mem>>)
      %dma_wait3A_131 = arith.constant 0 : i32
      %dma_wait3A_132 = arith.constant 0 : i32
      %dma_wait3A_133 = tpu.memref_slice %arg8[%run_scoped3A_28, %dma_wait3A_131, %dma_wait3A_132] : memref<4x128x64xf32, #tpu.memory_space<vmem>> -> memref<1x128x64xf32, #tpu.memory_space<vmem>>
      %dma_wait3A_134 = tpu.memref_squeeze %dma_wait3A_133 : memref<1x128x64xf32, #tpu.memory_space<vmem>> -> memref<128x64xf32, #tpu.memory_space<vmem>>
      %dma_wait3A_135 = arith.constant 0 : i32
      %dma_wait3A_136 = tpu.memref_slice %arg9[%add3A_27, %dma_wait3A_135] : memref<10240x64xf32, #tpu.memory_space<vmem_shared>> -> memref<128x64xf32, #tpu.memory_space<vmem_shared>>
      %dma_wait3A_137 = arith.constant 0 : i32
      %dma_wait3A_138 = tpu.memref_slice %arg9[%add3A_27, %dma_wait3A_137] : memref<10240x64xf32, #tpu.memory_space<vmem_shared>> -> memref<128x64xf32, #tpu.memory_space<vmem_shared>>
      %dma_wait3A_139 = arith.constant 0 : i32
      %dma_wait3A_140 = arith.constant 0 : i32
      %dma_wait3A_141 = tpu.memref_slice %arg8[%run_scoped3A_28, %dma_wait3A_139, %dma_wait3A_140] : memref<4x128x64xf32, #tpu.memory_space<vmem>> -> memref<1x128x64xf32, #tpu.memory_space<vmem>>
      %dma_wait3A_142 = tpu.memref_squeeze %dma_wait3A_141 : memref<1x128x64xf32, #tpu.memory_space<vmem>> -> memref<128x64xf32, #tpu.memory_space<vmem>>
      tpu.wait_dma2 semaphore(%run_scoped3A_118 : memref<!tpu.dma_semaphore, #tpu.memory_space<semaphore_mem>>) src(%dma_wait3A_142 : memref<128x64xf32, #tpu.memory_space<vmem>>) dst(%dma_wait3A_138 : memref<128x64xf32, #tpu.memory_space<vmem_shared>>)
      tpu.yield
    }) : () -> ()
    %mul3A_29 = arith.constant 640 : i32
    %mul3A_30 = arith.muli %arg1, %mul3A_29 : i32
    %add3A_31 = arith.constant 256 : i32
    %add3A_32 = arith.addi %mul3A_30, %add3A_31 : i32
    %run_scoped3A_33 = arith.constant 0 : i32
    "tpu.region"() ({
      %run_scoped3A_118 = tpu.sem_alloc : memref<!tpu.dma_semaphore, #tpu.memory_space<semaphore_mem>>
      %dma_start3A_119 = arith.constant 0 : i32
      %dma_start3A_120 = arith.constant 0 : i32
      %dma_start3A_121 = tpu.memref_slice %arg8[%run_scoped3A_33, %dma_start3A_119, %dma_start3A_120] : memref<4x128x64xf32, #tpu.memory_space<vmem>> -> memref<1x128x64xf32, #tpu.memory_space<vmem>>
      %dma_start3A_122 = tpu.memref_squeeze %dma_start3A_121 : memref<1x128x64xf32, #tpu.memory_space<vmem>> -> memref<128x64xf32, #tpu.memory_space<vmem>>
      %dma_start3A_123 = arith.constant 0 : i32
      %dma_start3A_124 = tpu.memref_slice %arg9[%add3A_32, %dma_start3A_123] : memref<10240x64xf32, #tpu.memory_space<vmem_shared>> -> memref<128x64xf32, #tpu.memory_space<vmem_shared>>
      %dma_start3A_125 = arith.constant 0 : i32
      %dma_start3A_126 = tpu.memref_slice %arg9[%add3A_32, %dma_start3A_125] : memref<10240x64xf32, #tpu.memory_space<vmem_shared>> -> memref<128x64xf32, #tpu.memory_space<vmem_shared>>
      %dma_start3A_127 = arith.constant 0 : i32
      %dma_start3A_128 = arith.constant 0 : i32
      %dma_start3A_129 = tpu.memref_slice %arg8[%run_scoped3A_33, %dma_start3A_127, %dma_start3A_128] : memref<4x128x64xf32, #tpu.memory_space<vmem>> -> memref<1x128x64xf32, #tpu.memory_space<vmem>>
      %dma_start3A_130 = tpu.memref_squeeze %dma_start3A_129 : memref<1x128x64xf32, #tpu.memory_space<vmem>> -> memref<128x64xf32, #tpu.memory_space<vmem>>
      tpu.enqueue_dma source(%dma_start3A_130 : memref<128x64xf32, #tpu.memory_space<vmem>>) target(%dma_start3A_126 : memref<128x64xf32, #tpu.memory_space<vmem_shared>>) target_semaphore(%run_scoped3A_118 : memref<!tpu.dma_semaphore, #tpu.memory_space<semaphore_mem>>)
      %dma_wait3A_131 = arith.constant 0 : i32
      %dma_wait3A_132 = arith.constant 0 : i32
      %dma_wait3A_133 = tpu.memref_slice %arg8[%run_scoped3A_33, %dma_wait3A_131, %dma_wait3A_132] : memref<4x128x64xf32, #tpu.memory_space<vmem>> -> memref<1x128x64xf32, #tpu.memory_space<vmem>>
      %dma_wait3A_134 = tpu.memref_squeeze %dma_wait3A_133 : memref<1x128x64xf32, #tpu.memory_space<vmem>> -> memref<128x64xf32, #tpu.memory_space<vmem>>
      %dma_wait3A_135 = arith.constant 0 : i32
      %dma_wait3A_136 = tpu.memref_slice %arg9[%add3A_32, %dma_wait3A_135] : memref<10240x64xf32, #tpu.memory_space<vmem_shared>> -> memref<128x64xf32, #tpu.memory_space<vmem_shared>>
      %dma_wait3A_137 = arith.constant 0 : i32
      %dma_wait3A_138 = tpu.memref_slice %arg9[%add3A_32, %dma_wait3A_137] : memref<10240x64xf32, #tpu.memory_space<vmem_shared>> -> memref<128x64xf32, #tpu.memory_space<vmem_shared>>
      %dma_wait3A_139 = arith.constant 0 : i32
      %dma_wait3A_140 = arith.constant 0 : i32
      %dma_wait3A_141 = tpu.memref_slice %arg8[%run_scoped3A_33, %dma_wait3A_139, %dma_wait3A_140] : memref<4x128x64xf32, #tpu.memory_space<vmem>> -> memref<1x128x64xf32, #tpu.memory_space<vmem>>
      %dma_wait3A_142 = tpu.memref_squeeze %dma_wait3A_141 : memref<1x128x64xf32, #tpu.memory_space<vmem>> -> memref<128x64xf32, #tpu.memory_space<vmem>>
      tpu.wait_dma2 semaphore(%run_scoped3A_118 : memref<!tpu.dma_semaphore, #tpu.memory_space<semaphore_mem>>) src(%dma_wait3A_142 : memref<128x64xf32, #tpu.memory_space<vmem>>) dst(%dma_wait3A_138 : memref<128x64xf32, #tpu.memory_space<vmem_shared>>)
      tpu.yield
    }) : () -> ()
    %mul3A_34 = arith.constant 640 : i32
    %mul3A_35 = arith.muli %arg1, %mul3A_34 : i32
    %add3A_36 = arith.constant 384 : i32
    %add3A_37 = arith.addi %mul3A_35, %add3A_36 : i32
    %run_scoped3A_38 = arith.constant 0 : i32
    "tpu.region"() ({
      %run_scoped3A_118 = tpu.sem_alloc : memref<!tpu.dma_semaphore, #tpu.memory_space<semaphore_mem>>
      %dma_start3A_119 = arith.constant 0 : i32
      %dma_start3A_120 = arith.constant 0 : i32
      %dma_start3A_121 = tpu.memref_slice %arg8[%run_scoped3A_38, %dma_start3A_119, %dma_start3A_120] : memref<4x128x64xf32, #tpu.memory_space<vmem>> -> memref<1x128x64xf32, #tpu.memory_space<vmem>>
      %dma_start3A_122 = tpu.memref_squeeze %dma_start3A_121 : memref<1x128x64xf32, #tpu.memory_space<vmem>> -> memref<128x64xf32, #tpu.memory_space<vmem>>
      %dma_start3A_123 = arith.constant 0 : i32
      %dma_start3A_124 = tpu.memref_slice %arg9[%add3A_37, %dma_start3A_123] : memref<10240x64xf32, #tpu.memory_space<vmem_shared>> -> memref<128x64xf32, #tpu.memory_space<vmem_shared>>
      %dma_start3A_125 = arith.constant 0 : i32
      %dma_start3A_126 = tpu.memref_slice %arg9[%add3A_37, %dma_start3A_125] : memref<10240x64xf32, #tpu.memory_space<vmem_shared>> -> memref<128x64xf32, #tpu.memory_space<vmem_shared>>
      %dma_start3A_127 = arith.constant 0 : i32
      %dma_start3A_128 = arith.constant 0 : i32
      %dma_start3A_129 = tpu.memref_slice %arg8[%run_scoped3A_38, %dma_start3A_127, %dma_start3A_128] : memref<4x128x64xf32, #tpu.memory_space<vmem>> -> memref<1x128x64xf32, #tpu.memory_space<vmem>>
      %dma_start3A_130 = tpu.memref_squeeze %dma_start3A_129 : memref<1x128x64xf32, #tpu.memory_space<vmem>> -> memref<128x64xf32, #tpu.memory_space<vmem>>
      tpu.enqueue_dma source(%dma_start3A_130 : memref<128x64xf32, #tpu.memory_space<vmem>>) target(%dma_start3A_126 : memref<128x64xf32, #tpu.memory_space<vmem_shared>>) target_semaphore(%run_scoped3A_118 : memref<!tpu.dma_semaphore, #tpu.memory_space<semaphore_mem>>)
      %dma_wait3A_131 = arith.constant 0 : i32
      %dma_wait3A_132 = arith.constant 0 : i32
      %dma_wait3A_133 = tpu.memref_slice %arg8[%run_scoped3A_38, %dma_wait3A_131, %dma_wait3A_132] : memref<4x128x64xf32, #tpu.memory_space<vmem>> -> memref<1x128x64xf32, #tpu.memory_space<vmem>>
      %dma_wait3A_134 = tpu.memref_squeeze %dma_wait3A_133 : memref<1x128x64xf32, #tpu.memory_space<vmem>> -> memref<128x64xf32, #tpu.memory_space<vmem>>
      %dma_wait3A_135 = arith.constant 0 : i32
      %dma_wait3A_136 = tpu.memref_slice %arg9[%add3A_37, %dma_wait3A_135] : memref<10240x64xf32, #tpu.memory_space<vmem_shared>> -> memref<128x64xf32, #tpu.memory_space<vmem_shared>>
      %dma_wait3A_137 = arith.constant 0 : i32
      %dma_wait3A_138 = tpu.memref_slice %arg9[%add3A_37, %dma_wait3A_137] : memref<10240x64xf32, #tpu.memory_space<vmem_shared>> -> memref<128x64xf32, #tpu.memory_space<vmem_shared>>
      %dma_wait3A_139 = arith.constant 0 : i32
      %dma_wait3A_140 = arith.constant 0 : i32
      %dma_wait3A_141 = tpu.memref_slice %arg8[%run_scoped3A_38, %dma_wait3A_139, %dma_wait3A_140] : memref<4x128x64xf32, #tpu.memory_space<vmem>> -> memref<1x128x64xf32, #tpu.memory_space<vmem>>
      %dma_wait3A_142 = tpu.memref_squeeze %dma_wait3A_141 : memref<1x128x64xf32, #tpu.memory_space<vmem>> -> memref<128x64xf32, #tpu.memory_space<vmem>>
      tpu.wait_dma2 semaphore(%run_scoped3A_118 : memref<!tpu.dma_semaphore, #tpu.memory_space<semaphore_mem>>) src(%dma_wait3A_142 : memref<128x64xf32, #tpu.memory_space<vmem>>) dst(%dma_wait3A_138 : memref<128x64xf32, #tpu.memory_space<vmem_shared>>)
      tpu.yield
    }) : () -> ()
    %mul3A_39 = arith.constant 640 : i32
    %mul3A_40 = arith.muli %arg1, %mul3A_39 : i32
    %add3A_41 = arith.constant 512 : i32
    %add3A_42 = arith.addi %mul3A_40, %add3A_41 : i32
    %run_scoped3A_43 = arith.constant 0 : i32
    "tpu.region"() ({
      %run_scoped3A_118 = tpu.sem_alloc : memref<!tpu.dma_semaphore, #tpu.memory_space<semaphore_mem>>
      %dma_start3A_119 = arith.constant 0 : i32
      %dma_start3A_120 = arith.constant 0 : i32
      %dma_start3A_121 = tpu.memref_slice %arg8[%run_scoped3A_43, %dma_start3A_119, %dma_start3A_120] : memref<4x128x64xf32, #tpu.memory_space<vmem>> -> memref<1x128x64xf32, #tpu.memory_space<vmem>>
      %dma_start3A_122 = tpu.memref_squeeze %dma_start3A_121 : memref<1x128x64xf32, #tpu.memory_space<vmem>> -> memref<128x64xf32, #tpu.memory_space<vmem>>
      %dma_start3A_123 = arith.constant 0 : i32
      %dma_start3A_124 = tpu.memref_slice %arg9[%add3A_42, %dma_start3A_123] : memref<10240x64xf32, #tpu.memory_space<vmem_shared>> -> memref<128x64xf32, #tpu.memory_space<vmem_shared>>
      %dma_start3A_125 = arith.constant 0 : i32
      %dma_start3A_126 = tpu.memref_slice %arg9[%add3A_42, %dma_start3A_125] : memref<10240x64xf32, #tpu.memory_space<vmem_shared>> -> memref<128x64xf32, #tpu.memory_space<vmem_shared>>
      %dma_start3A_127 = arith.constant 0 : i32
      %dma_start3A_128 = arith.constant 0 : i32
      %dma_start3A_129 = tpu.memref_slice %arg8[%run_scoped3A_43, %dma_start3A_127, %dma_start3A_128] : memref<4x128x64xf32, #tpu.memory_space<vmem>> -> memref<1x128x64xf32, #tpu.memory_space<vmem>>
      %dma_start3A_130 = tpu.memref_squeeze %dma_start3A_129 : memref<1x128x64xf32, #tpu.memory_space<vmem>> -> memref<128x64xf32, #tpu.memory_space<vmem>>
      tpu.enqueue_dma source(%dma_start3A_130 : memref<128x64xf32, #tpu.memory_space<vmem>>) target(%dma_start3A_126 : memref<128x64xf32, #tpu.memory_space<vmem_shared>>) target_semaphore(%run_scoped3A_118 : memref<!tpu.dma_semaphore, #tpu.memory_space<semaphore_mem>>)
      %dma_wait3A_131 = arith.constant 0 : i32
      %dma_wait3A_132 = arith.constant 0 : i32
      %dma_wait3A_133 = tpu.memref_slice %arg8[%run_scoped3A_43, %dma_wait3A_131, %dma_wait3A_132] : memref<4x128x64xf32, #tpu.memory_space<vmem>> -> memref<1x128x64xf32, #tpu.memory_space<vmem>>
      %dma_wait3A_134 = tpu.memref_squeeze %dma_wait3A_133 : memref<1x128x64xf32, #tpu.memory_space<vmem>> -> memref<128x64xf32, #tpu.memory_space<vmem>>
      %dma_wait3A_135 = arith.constant 0 : i32
      %dma_wait3A_136 = tpu.memref_slice %arg9[%add3A_42, %dma_wait3A_135] : memref<10240x64xf32, #tpu.memory_space<vmem_shared>> -> memref<128x64xf32, #tpu.memory_space<vmem_shared>>
      %dma_wait3A_137 = arith.constant 0 : i32
      %dma_wait3A_138 = tpu.memref_slice %arg9[%add3A_42, %dma_wait3A_137] : memref<10240x64xf32, #tpu.memory_space<vmem_shared>> -> memref<128x64xf32, #tpu.memory_space<vmem_shared>>
      %dma_wait3A_139 = arith.constant 0 : i32
      %dma_wait3A_140 = arith.constant 0 : i32
      %dma_wait3A_141 = tpu.memref_slice %arg8[%run_scoped3A_43, %dma_wait3A_139, %dma_wait3A_140] : memref<4x128x64xf32, #tpu.memory_space<vmem>> -> memref<1x128x64xf32, #tpu.memory_space<vmem>>
      %dma_wait3A_142 = tpu.memref_squeeze %dma_wait3A_141 : memref<1x128x64xf32, #tpu.memory_space<vmem>> -> memref<128x64xf32, #tpu.memory_space<vmem>>
      tpu.wait_dma2 semaphore(%run_scoped3A_118 : memref<!tpu.dma_semaphore, #tpu.memory_space<semaphore_mem>>) src(%dma_wait3A_142 : memref<128x64xf32, #tpu.memory_space<vmem>>) dst(%dma_wait3A_138 : memref<128x64xf32, #tpu.memory_space<vmem_shared>>)
      tpu.yield
    }) : () -> ()
    %barrier3A = arith.constant 0 : index
    tpu.barrier barrier_id(%barrier3A)
    %dma_start3A = arith.constant 0 : i32
    %dma_start3A_44 = arith.constant 0 : i32
    %dma_start3A_45 = arith.constant 0 : i32
    %dma_start3A_46 = arith.constant 0 : i32
    %dma_start3A_47 = arith.constant 0 : i32
    %dma_start3A_48 = tpu.memref_slice %arg8[%dma_start3A_44, %dma_start3A_46, %dma_start3A_47] : memref<4x128x64xf32, #tpu.memory_space<vmem>> -> memref<1x128x64xf32, #tpu.memory_space<vmem>>
    %dma_start3A_49 = tpu.memref_squeeze %dma_start3A_48 : memref<1x128x64xf32, #tpu.memory_space<vmem>> -> memref<128x64xf32, #tpu.memory_space<vmem>>
    %dma_start3A_50 = arith.constant 0 : i32
    %dma_start3A_51 = tpu.memref_slice %arg6[%dma_start3A, %dma_start3A_50] : memref<105x128xi32, #tpu.memory_space<vmem>> -> memref<1x128xi32, #tpu.memory_space<vmem>>
    %dma_start3A_52 = tpu.memref_squeeze %dma_start3A_51 : memref<1x128xi32, #tpu.memory_space<vmem>> -> memref<128xi32, #tpu.memory_space<vmem>>
    %dma_start3A_53 = arith.constant 0 : i32
    %dma_start3A_54 = arith.constant 0 : i32
    %dma_start3A_55 = tpu.memref_slice %arg2[%dma_start3A_53, %dma_start3A_54] : memref<10000x64xf32, #tpu.memory_space<hbm>> -> memref<10000x64xf32, #tpu.memory_space<hbm>>
    %dma_start3A_56 = tpu.memref_slice %arg10[%dma_start3A_45] : memref<4x!tpu.dma_semaphore, #tpu.memory_space<semaphore_mem>> -> memref<1x!tpu.dma_semaphore, #tpu.memory_space<semaphore_mem>>
    %dma_start3A_57 = tpu.memref_squeeze %dma_start3A_56 : memref<1x!tpu.dma_semaphore, #tpu.memory_space<semaphore_mem>> -> memref<!tpu.dma_semaphore, #tpu.memory_space<semaphore_mem>>
    tpu.enqueue_indirect_dma source(%dma_start3A_55 : memref<10000x64xf32, #tpu.memory_space<hbm>>) target(%dma_start3A_49 : memref<128x64xf32, #tpu.memory_space<vmem>>) offsets(%dma_start3A_52 : memref<128xi32, #tpu.memory_space<vmem>>) semaphore(%dma_start3A_57 : memref<!tpu.dma_semaphore, #tpu.memory_space<semaphore_mem>>)
    %dma_start3A_58 = arith.constant 1 : i32
    %dma_start3A_59 = arith.constant 1 : i32
    %dma_start3A_60 = arith.constant 1 : i32
    %dma_start3A_61 = arith.constant 0 : i32
    %dma_start3A_62 = arith.constant 0 : i32
    %dma_start3A_63 = tpu.memref_slice %arg8[%dma_start3A_59, %dma_start3A_61, %dma_start3A_62] : memref<4x128x64xf32, #tpu.memory_space<vmem>> -> memref<1x128x64xf32, #tpu.memory_space<vmem>>
    %dma_start3A_64 = tpu.memref_squeeze %dma_start3A_63 : memref<1x128x64xf32, #tpu.memory_space<vmem>> -> memref<128x64xf32, #tpu.memory_space<vmem>>
    %dma_start3A_65 = arith.constant 0 : i32
    %dma_start3A_66 = tpu.memref_slice %arg6[%dma_start3A_58, %dma_start3A_65] : memref<105x128xi32, #tpu.memory_space<vmem>> -> memref<1x128xi32, #tpu.memory_space<vmem>>
    %dma_start3A_67 = tpu.memref_squeeze %dma_start3A_66 : memref<1x128xi32, #tpu.memory_space<vmem>> -> memref<128xi32, #tpu.memory_space<vmem>>
    %dma_start3A_68 = arith.constant 0 : i32
    %dma_start3A_69 = arith.constant 0 : i32
    %dma_start3A_70 = tpu.memref_slice %arg2[%dma_start3A_68, %dma_start3A_69] : memref<10000x64xf32, #tpu.memory_space<hbm>> -> memref<10000x64xf32, #tpu.memory_space<hbm>>
    %dma_start3A_71 = tpu.memref_slice %arg10[%dma_start3A_60] : memref<4x!tpu.dma_semaphore, #tpu.memory_space<semaphore_mem>> -> memref<1x!tpu.dma_semaphore, #tpu.memory_space<semaphore_mem>>
    %dma_start3A_72 = tpu.memref_squeeze %dma_start3A_71 : memref<1x!tpu.dma_semaphore, #tpu.memory_space<semaphore_mem>> -> memref<!tpu.dma_semaphore, #tpu.memory_space<semaphore_mem>>
    tpu.enqueue_indirect_dma source(%dma_start3A_70 : memref<10000x64xf32, #tpu.memory_space<hbm>>) target(%dma_start3A_64 : memref<128x64xf32, #tpu.memory_space<vmem>>) offsets(%dma_start3A_67 : memref<128xi32, #tpu.memory_space<vmem>>) semaphore(%dma_start3A_72 : memref<!tpu.dma_semaphore, #tpu.memory_space<semaphore_mem>>)
    %while3A = arith.constant 0 : i32
    %while3A_73 = arith.constant 0 : i32
    %while3A_74 = arith.subi %select_n3A, %while3A : i32
    %while3A_75 = arith.addi %while3A, %while3A_74 : i32
    %while3A_76 = arith.constant 1 : i32
    %while3A_77 = arith.divsi %while3A_74, %while3A_76 : i32
    %while3A_78 = arith.muli %while3A_77, %while3A_76 : i32
    %while3A_79 = arith.addi %while3A, %while3A_78 : i32
    %while3A_80 = arith.constant 1 : i32
    %while3A_81 = scf.for %while3A_118 = %while3A to %while3A_79 step %while3A_80 iter_args(%while3A_119 = %while3A_73) -> (i32)  : i32 {
      %rem3A_120 = arith.constant 4 : i32
      %rem3A_121 = arith.remsi %while3A_118, %rem3A_120 : i32
      %dma_wait3A_122 = arith.constant 0 : i32
      %dma_wait3A_123 = arith.constant 0 : i32
      %dma_wait3A_124 = tpu.memref_slice %arg8[%rem3A_121, %dma_wait3A_122, %dma_wait3A_123] : memref<4x128x64xf32, #tpu.memory_space<vmem>> -> memref<1x128x64xf32, #tpu.memory_space<vmem>>
      %dma_wait3A_125 = tpu.memref_squeeze %dma_wait3A_124 : memref<1x128x64xf32, #tpu.memory_space<vmem>> -> memref<128x64xf32, #tpu.memory_space<vmem>>
      %dma_wait3A_126 = arith.constant 0 : i32
      %dma_wait3A_127 = tpu.memref_slice %arg6[%while3A_118, %dma_wait3A_126] : memref<105x128xi32, #tpu.memory_space<vmem>> -> memref<1x128xi32, #tpu.memory_space<vmem>>
      %dma_wait3A_128 = tpu.memref_squeeze %dma_wait3A_127 : memref<1x128xi32, #tpu.memory_space<vmem>> -> memref<128xi32, #tpu.memory_space<vmem>>
      %dma_wait3A_129 = arith.constant 0 : i32
      %dma_wait3A_130 = arith.constant 0 : i32
      %dma_wait3A_131 = tpu.memref_slice %arg2[%dma_wait3A_129, %dma_wait3A_130] : memref<10000x64xf32, #tpu.memory_space<hbm>> -> memref<10000x64xf32, #tpu.memory_space<hbm>>
      %dma_wait3A_132 = tpu.memref_slice %arg10[%rem3A_121] : memref<4x!tpu.dma_semaphore, #tpu.memory_space<semaphore_mem>> -> memref<1x!tpu.dma_semaphore, #tpu.memory_space<semaphore_mem>>
      %dma_wait3A_133 = tpu.memref_squeeze %dma_wait3A_132 : memref<1x!tpu.dma_semaphore, #tpu.memory_space<semaphore_mem>> -> memref<!tpu.dma_semaphore, #tpu.memory_space<semaphore_mem>>
      tpu.wait_indirect_dma semaphore(%dma_wait3A_133 : memref<!tpu.dma_semaphore, #tpu.memory_space<semaphore_mem>>) src(%dma_wait3A_131 : memref<10000x64xf32, #tpu.memory_space<hbm>>) dst(%dma_wait3A_125 : memref<128x64xf32, #tpu.memory_space<vmem>>)
      %ge3A = arith.constant 2 : i32
      %ge3A_134 = arith.cmpi sge, %while3A_118, %ge3A : i32
      %convert_element_type3A_135 = arith.extui %ge3A_134 : i1 to i32
      %cond3A_136 = arith.constant 0 : i32
      %cond3A_137 = arith.cmpi ne, %convert_element_type3A_135, %cond3A_136 : i32
      scf.if %cond3A_137 {
        %sub3A_157 = arith.constant 2 : i32
        %sub3A_158 = arith.subi %while3A_118, %sub3A_157 : i32
        %rem3A_159 = arith.constant 4 : i32
        %rem3A_160 = arith.remsi %sub3A_158, %rem3A_159 : i32
        %sub3A_161 = arith.constant 2 : i32
        %sub3A_162 = arith.subi %while3A_118, %sub3A_161 : i32
        %dma_wait3A_163 = arith.constant 0 : i32
        %dma_wait3A_164 = arith.constant 0 : i32
        %dma_wait3A_165 = tpu.memref_slice %arg8[%rem3A_160, %dma_wait3A_163, %dma_wait3A_164] : memref<4x128x64xf32, #tpu.memory_space<vmem>> -> memref<1x128x64xf32, #tpu.memory_space<vmem>>
        %dma_wait3A_166 = tpu.memref_squeeze %dma_wait3A_165 : memref<1x128x64xf32, #tpu.memory_space<vmem>> -> memref<128x64xf32, #tpu.memory_space<vmem>>
        %dma_wait3A_167 = arith.constant 0 : i32
        %dma_wait3A_168 = tpu.memref_slice %arg7[%sub3A_162, %dma_wait3A_167] : memref<105x128xi32, #tpu.memory_space<vmem>> -> memref<1x128xi32, #tpu.memory_space<vmem>>
        %dma_wait3A_169 = tpu.memref_squeeze %dma_wait3A_168 : memref<1x128xi32, #tpu.memory_space<vmem>> -> memref<128xi32, #tpu.memory_space<vmem>>
        %dma_wait3A_170 = arith.constant 0 : i32
        %dma_wait3A_171 = arith.constant 0 : i32
        %dma_wait3A_172 = tpu.memref_slice %arg9[%dma_wait3A_170, %dma_wait3A_171] : memref<10240x64xf32, #tpu.memory_space<vmem_shared>> -> memref<10240x64xf32, #tpu.memory_space<vmem_shared>>
        %dma_wait3A_173 = tpu.memref_slice %arg11[%rem3A_160] : memref<4x!tpu.dma_semaphore, #tpu.memory_space<semaphore_mem>> -> memref<1x!tpu.dma_semaphore, #tpu.memory_space<semaphore_mem>>
        %dma_wait3A_174 = tpu.memref_squeeze %dma_wait3A_173 : memref<1x!tpu.dma_semaphore, #tpu.memory_space<semaphore_mem>> -> memref<!tpu.dma_semaphore, #tpu.memory_space<semaphore_mem>>
        tpu.wait_indirect_dma semaphore(%dma_wait3A_174 : memref<!tpu.dma_semaphore, #tpu.memory_space<semaphore_mem>>) src(%dma_wait3A_166 : memref<128x64xf32, #tpu.memory_space<vmem>>) dst(%dma_wait3A_172 : memref<10240x64xf32, #tpu.memory_space<vmem_shared>>)
      } else {
      }
      %add3A_138 = arith.constant 2 : i32
      %add3A_139 = arith.addi %while3A_118, %add3A_138 : i32
      %lt3A_140 = arith.cmpi slt, %add3A_139, %select_n3A : i32
      %convert_element_type3A_141 = arith.extui %lt3A_140 : i1 to i32
      %cond3A_142 = arith.constant 0 : i32
      %cond3A_143 = arith.cmpi ne, %convert_element_type3A_141, %cond3A_142 : i32
      scf.if %cond3A_143 {
        %add3A_157 = arith.constant 2 : i32
        %add3A_158 = arith.addi %while3A_118, %add3A_157 : i32
        %rem3A_159 = arith.constant 4 : i32
        %rem3A_160 = arith.remsi %add3A_158, %rem3A_159 : i32
        %add3A_161 = arith.constant 2 : i32
        %add3A_162 = arith.addi %while3A_118, %add3A_161 : i32
        %dma_start3A_163 = arith.constant 0 : i32
        %dma_start3A_164 = arith.constant 0 : i32
        %dma_start3A_165 = tpu.memref_slice %arg8[%rem3A_160, %dma_start3A_163, %dma_start3A_164] : memref<4x128x64xf32, #tpu.memory_space<vmem>> -> memref<1x128x64xf32, #tpu.memory_space<vmem>>
        %dma_start3A_166 = tpu.memref_squeeze %dma_start3A_165 : memref<1x128x64xf32, #tpu.memory_space<vmem>> -> memref<128x64xf32, #tpu.memory_space<vmem>>
        %dma_start3A_167 = arith.constant 0 : i32
        %dma_start3A_168 = tpu.memref_slice %arg6[%add3A_162, %dma_start3A_167] : memref<105x128xi32, #tpu.memory_space<vmem>> -> memref<1x128xi32, #tpu.memory_space<vmem>>
        %dma_start3A_169 = tpu.memref_squeeze %dma_start3A_168 : memref<1x128xi32, #tpu.memory_space<vmem>> -> memref<128xi32, #tpu.memory_space<vmem>>
        %dma_start3A_170 = arith.constant 0 : i32
        %dma_start3A_171 = arith.constant 0 : i32
        %dma_start3A_172 = tpu.memref_slice %arg2[%dma_start3A_170, %dma_start3A_171] : memref<10000x64xf32, #tpu.memory_space<hbm>> -> memref<10000x64xf32, #tpu.memory_space<hbm>>
        %dma_start3A_173 = tpu.memref_slice %arg10[%rem3A_160] : memref<4x!tpu.dma_semaphore, #tpu.memory_space<semaphore_mem>> -> memref<1x!tpu.dma_semaphore, #tpu.memory_space<semaphore_mem>>
        %dma_start3A_174 = tpu.memref_squeeze %dma_start3A_173 : memref<1x!tpu.dma_semaphore, #tpu.memory_space<semaphore_mem>> -> memref<!tpu.dma_semaphore, #tpu.memory_space<semaphore_mem>>
        tpu.enqueue_indirect_dma source(%dma_start3A_172 : memref<10000x64xf32, #tpu.memory_space<hbm>>) target(%dma_start3A_166 : memref<128x64xf32, #tpu.memory_space<vmem>>) offsets(%dma_start3A_169 : memref<128xi32, #tpu.memory_space<vmem>>) semaphore(%dma_start3A_174 : memref<!tpu.dma_semaphore, #tpu.memory_space<semaphore_mem>>)
      } else {
      }
      %dma_start3A_144 = arith.constant 0 : i32
      %dma_start3A_145 = arith.constant 0 : i32
      %dma_start3A_146 = tpu.memref_slice %arg8[%rem3A_121, %dma_start3A_144, %dma_start3A_145] : memref<4x128x64xf32, #tpu.memory_space<vmem>> -> memref<1x128x64xf32, #tpu.memory_space<vmem>>
      %dma_start3A_147 = tpu.memref_squeeze %dma_start3A_146 : memref<1x128x64xf32, #tpu.memory_space<vmem>> -> memref<128x64xf32, #tpu.memory_space<vmem>>
      %dma_start3A_148 = arith.constant 0 : i32
      %dma_start3A_149 = tpu.memref_slice %arg7[%while3A_118, %dma_start3A_148] : memref<105x128xi32, #tpu.memory_space<vmem>> -> memref<1x128xi32, #tpu.memory_space<vmem>>
      %dma_start3A_150 = tpu.memref_squeeze %dma_start3A_149 : memref<1x128xi32, #tpu.memory_space<vmem>> -> memref<128xi32, #tpu.memory_space<vmem>>
      %dma_start3A_151 = arith.constant 0 : i32
      %dma_start3A_152 = arith.constant 0 : i32
      %dma_start3A_153 = tpu.memref_slice %arg9[%dma_start3A_151, %dma_start3A_152] : memref<10240x64xf32, #tpu.memory_space<vmem_shared>> -> memref<10240x64xf32, #tpu.memory_space<vmem_shared>>
      %dma_start3A_154 = tpu.memref_slice %arg11[%rem3A_121] : memref<4x!tpu.dma_semaphore, #tpu.memory_space<semaphore_mem>> -> memref<1x!tpu.dma_semaphore, #tpu.memory_space<semaphore_mem>>
      %dma_start3A_155 = tpu.memref_squeeze %dma_start3A_154 : memref<1x!tpu.dma_semaphore, #tpu.memory_space<semaphore_mem>> -> memref<!tpu.dma_semaphore, #tpu.memory_space<semaphore_mem>>
      tpu.enqueue_indirect_dma source(%dma_start3A_147 : memref<128x64xf32, #tpu.memory_space<vmem>>) target(%dma_start3A_153 : memref<10240x64xf32, #tpu.memory_space<vmem_shared>>) offsets(%dma_start3A_150 : memref<128xi32, #tpu.memory_space<vmem>>) semaphore(%dma_start3A_155 : memref<!tpu.dma_semaphore, #tpu.memory_space<semaphore_mem>>) {add = true}
      %while3A_156 = arith.constant 0 : i32
      scf.yield %while3A_156 : i32
    }
    %while3A_82 = arith.constant 1 : i32
    %while3A_83 = scf.for %while3A_118 = %while3A_79 to %while3A_75 step %while3A_82 iter_args(%while3A_119 = %while3A_81) -> (i32)  : i32 {
      %rem3A_120 = arith.constant 4 : i32
      %rem3A_121 = arith.remsi %while3A_118, %rem3A_120 : i32
      %dma_wait3A_122 = arith.constant 0 : i32
      %dma_wait3A_123 = arith.constant 0 : i32
      %dma_wait3A_124 = tpu.memref_slice %arg8[%rem3A_121, %dma_wait3A_122, %dma_wait3A_123] : memref<4x128x64xf32, #tpu.memory_space<vmem>> -> memref<1x128x64xf32, #tpu.memory_space<vmem>>
      %dma_wait3A_125 = tpu.memref_squeeze %dma_wait3A_124 : memref<1x128x64xf32, #tpu.memory_space<vmem>> -> memref<128x64xf32, #tpu.memory_space<vmem>>
      %dma_wait3A_126 = arith.constant 0 : i32
      %dma_wait3A_127 = tpu.memref_slice %arg6[%while3A_118, %dma_wait3A_126] : memref<105x128xi32, #tpu.memory_space<vmem>> -> memref<1x128xi32, #tpu.memory_space<vmem>>
      %dma_wait3A_128 = tpu.memref_squeeze %dma_wait3A_127 : memref<1x128xi32, #tpu.memory_space<vmem>> -> memref<128xi32, #tpu.memory_space<vmem>>
      %dma_wait3A_129 = arith.constant 0 : i32
      %dma_wait3A_130 = arith.constant 0 : i32
      %dma_wait3A_131 = tpu.memref_slice %arg2[%dma_wait3A_129, %dma_wait3A_130] : memref<10000x64xf32, #tpu.memory_space<hbm>> -> memref<10000x64xf32, #tpu.memory_space<hbm>>
      %dma_wait3A_132 = tpu.memref_slice %arg10[%rem3A_121] : memref<4x!tpu.dma_semaphore, #tpu.memory_space<semaphore_mem>> -> memref<1x!tpu.dma_semaphore, #tpu.memory_space<semaphore_mem>>
      %dma_wait3A_133 = tpu.memref_squeeze %dma_wait3A_132 : memref<1x!tpu.dma_semaphore, #tpu.memory_space<semaphore_mem>> -> memref<!tpu.dma_semaphore, #tpu.memory_space<semaphore_mem>>
      tpu.wait_indirect_dma semaphore(%dma_wait3A_133 : memref<!tpu.dma_semaphore, #tpu.memory_space<semaphore_mem>>) src(%dma_wait3A_131 : memref<10000x64xf32, #tpu.memory_space<hbm>>) dst(%dma_wait3A_125 : memref<128x64xf32, #tpu.memory_space<vmem>>)
      %ge3A = arith.constant 2 : i32
      %ge3A_134 = arith.cmpi sge, %while3A_118, %ge3A : i32
      %convert_element_type3A_135 = arith.extui %ge3A_134 : i1 to i32
      %cond3A_136 = arith.constant 0 : i32
      %cond3A_137 = arith.cmpi ne, %convert_element_type3A_135, %cond3A_136 : i32
      scf.if %cond3A_137 {
        %sub3A_157 = arith.constant 2 : i32
        %sub3A_158 = arith.subi %while3A_118, %sub3A_157 : i32
        %rem3A_159 = arith.constant 4 : i32
        %rem3A_160 = arith.remsi %sub3A_158, %rem3A_159 : i32
        %sub3A_161 = arith.constant 2 : i32
        %sub3A_162 = arith.subi %while3A_118, %sub3A_161 : i32
        %dma_wait3A_163 = arith.constant 0 : i32
        %dma_wait3A_164 = arith.constant 0 : i32
        %dma_wait3A_165 = tpu.memref_slice %arg8[%rem3A_160, %dma_wait3A_163, %dma_wait3A_164] : memref<4x128x64xf32, #tpu.memory_space<vmem>> -> memref<1x128x64xf32, #tpu.memory_space<vmem>>
        %dma_wait3A_166 = tpu.memref_squeeze %dma_wait3A_165 : memref<1x128x64xf32, #tpu.memory_space<vmem>> -> memref<128x64xf32, #tpu.memory_space<vmem>>
        %dma_wait3A_167 = arith.constant 0 : i32
        %dma_wait3A_168 = tpu.memref_slice %arg7[%sub3A_162, %dma_wait3A_167] : memref<105x128xi32, #tpu.memory_space<vmem>> -> memref<1x128xi32, #tpu.memory_space<vmem>>
        %dma_wait3A_169 = tpu.memref_squeeze %dma_wait3A_168 : memref<1x128xi32, #tpu.memory_space<vmem>> -> memref<128xi32, #tpu.memory_space<vmem>>
        %dma_wait3A_170 = arith.constant 0 : i32
        %dma_wait3A_171 = arith.constant 0 : i32
        %dma_wait3A_172 = tpu.memref_slice %arg9[%dma_wait3A_170, %dma_wait3A_171] : memref<10240x64xf32, #tpu.memory_space<vmem_shared>> -> memref<10240x64xf32, #tpu.memory_space<vmem_shared>>
        %dma_wait3A_173 = tpu.memref_slice %arg11[%rem3A_160] : memref<4x!tpu.dma_semaphore, #tpu.memory_space<semaphore_mem>> -> memref<1x!tpu.dma_semaphore, #tpu.memory_space<semaphore_mem>>
        %dma_wait3A_174 = tpu.memref_squeeze %dma_wait3A_173 : memref<1x!tpu.dma_semaphore, #tpu.memory_space<semaphore_mem>> -> memref<!tpu.dma_semaphore, #tpu.memory_space<semaphore_mem>>
        tpu.wait_indirect_dma semaphore(%dma_wait3A_174 : memref<!tpu.dma_semaphore, #tpu.memory_space<semaphore_mem>>) src(%dma_wait3A_166 : memref<128x64xf32, #tpu.memory_space<vmem>>) dst(%dma_wait3A_172 : memref<10240x64xf32, #tpu.memory_space<vmem_shared>>)
      } else {
      }
      %add3A_138 = arith.constant 2 : i32
      %add3A_139 = arith.addi %while3A_118, %add3A_138 : i32
      %lt3A_140 = arith.cmpi slt, %add3A_139, %select_n3A : i32
      %convert_element_type3A_141 = arith.extui %lt3A_140 : i1 to i32
      %cond3A_142 = arith.constant 0 : i32
      %cond3A_143 = arith.cmpi ne, %convert_element_type3A_141, %cond3A_142 : i32
      scf.if %cond3A_143 {
        %add3A_157 = arith.constant 2 : i32
        %add3A_158 = arith.addi %while3A_118, %add3A_157 : i32
        %rem3A_159 = arith.constant 4 : i32
        %rem3A_160 = arith.remsi %add3A_158, %rem3A_159 : i32
        %add3A_161 = arith.constant 2 : i32
        %add3A_162 = arith.addi %while3A_118, %add3A_161 : i32
        %dma_start3A_163 = arith.constant 0 : i32
        %dma_start3A_164 = arith.constant 0 : i32
        %dma_start3A_165 = tpu.memref_slice %arg8[%rem3A_160, %dma_start3A_163, %dma_start3A_164] : memref<4x128x64xf32, #tpu.memory_space<vmem>> -> memref<1x128x64xf32, #tpu.memory_space<vmem>>
        %dma_start3A_166 = tpu.memref_squeeze %dma_start3A_165 : memref<1x128x64xf32, #tpu.memory_space<vmem>> -> memref<128x64xf32, #tpu.memory_space<vmem>>
        %dma_start3A_167 = arith.constant 0 : i32
        %dma_start3A_168 = tpu.memref_slice %arg6[%add3A_162, %dma_start3A_167] : memref<105x128xi32, #tpu.memory_space<vmem>> -> memref<1x128xi32, #tpu.memory_space<vmem>>
        %dma_start3A_169 = tpu.memref_squeeze %dma_start3A_168 : memref<1x128xi32, #tpu.memory_space<vmem>> -> memref<128xi32, #tpu.memory_space<vmem>>
        %dma_start3A_170 = arith.constant 0 : i32
        %dma_start3A_171 = arith.constant 0 : i32
        %dma_start3A_172 = tpu.memref_slice %arg2[%dma_start3A_170, %dma_start3A_171] : memref<10000x64xf32, #tpu.memory_space<hbm>> -> memref<10000x64xf32, #tpu.memory_space<hbm>>
        %dma_start3A_173 = tpu.memref_slice %arg10[%rem3A_160] : memref<4x!tpu.dma_semaphore, #tpu.memory_space<semaphore_mem>> -> memref<1x!tpu.dma_semaphore, #tpu.memory_space<semaphore_mem>>
        %dma_start3A_174 = tpu.memref_squeeze %dma_start3A_173 : memref<1x!tpu.dma_semaphore, #tpu.memory_space<semaphore_mem>> -> memref<!tpu.dma_semaphore, #tpu.memory_space<semaphore_mem>>
        tpu.enqueue_indirect_dma source(%dma_start3A_172 : memref<10000x64xf32, #tpu.memory_space<hbm>>) target(%dma_start3A_166 : memref<128x64xf32, #tpu.memory_space<vmem>>) offsets(%dma_start3A_169 : memref<128xi32, #tpu.memory_space<vmem>>) semaphore(%dma_start3A_174 : memref<!tpu.dma_semaphore, #tpu.memory_space<semaphore_mem>>)
      } else {
      }
      %dma_start3A_144 = arith.constant 0 : i32
      %dma_start3A_145 = arith.constant 0 : i32
      %dma_start3A_146 = tpu.memref_slice %arg8[%rem3A_121, %dma_start3A_144, %dma_start3A_145] : memref<4x128x64xf32, #tpu.memory_space<vmem>> -> memref<1x128x64xf32, #tpu.memory_space<vmem>>
      %dma_start3A_147 = tpu.memref_squeeze %dma_start3A_146 : memref<1x128x64xf32, #tpu.memory_space<vmem>> -> memref<128x64xf32, #tpu.memory_space<vmem>>
      %dma_start3A_148 = arith.constant 0 : i32
      %dma_start3A_149 = tpu.memref_slice %arg7[%while3A_118, %dma_start3A_148] : memref<105x128xi32, #tpu.memory_space<vmem>> -> memref<1x128xi32, #tpu.memory_space<vmem>>
      %dma_start3A_150 = tpu.memref_squeeze %dma_start3A_149 : memref<1x128xi32, #tpu.memory_space<vmem>> -> memref<128xi32, #tpu.memory_space<vmem>>
      %dma_start3A_151 = arith.constant 0 : i32
      %dma_start3A_152 = arith.constant 0 : i32
      %dma_start3A_153 = tpu.memref_slice %arg9[%dma_start3A_151, %dma_start3A_152] : memref<10240x64xf32, #tpu.memory_space<vmem_shared>> -> memref<10240x64xf32, #tpu.memory_space<vmem_shared>>
      %dma_start3A_154 = tpu.memref_slice %arg11[%rem3A_121] : memref<4x!tpu.dma_semaphore, #tpu.memory_space<semaphore_mem>> -> memref<1x!tpu.dma_semaphore, #tpu.memory_space<semaphore_mem>>
      %dma_start3A_155 = tpu.memref_squeeze %dma_start3A_154 : memref<1x!tpu.dma_semaphore, #tpu.memory_space<semaphore_mem>> -> memref<!tpu.dma_semaphore, #tpu.memory_space<semaphore_mem>>
      tpu.enqueue_indirect_dma source(%dma_start3A_147 : memref<128x64xf32, #tpu.memory_space<vmem>>) target(%dma_start3A_153 : memref<10240x64xf32, #tpu.memory_space<vmem_shared>>) offsets(%dma_start3A_150 : memref<128xi32, #tpu.memory_space<vmem>>) semaphore(%dma_start3A_155 : memref<!tpu.dma_semaphore, #tpu.memory_space<semaphore_mem>>) {add = true}
      %while3A_156 = arith.constant 0 : i32
      scf.yield %while3A_156 : i32
    }
    %sub3A = arith.constant 2 : i32
    %sub3A_84 = arith.subi %select_n3A, %sub3A : i32
    %rem3A = arith.constant 4 : i32
    %rem3A_85 = arith.remsi %sub3A_84, %rem3A : i32
    %dma_wait3A = arith.constant 0 : i32
    %dma_wait3A_86 = arith.constant 0 : i32
    %dma_wait3A_87 = tpu.memref_slice %arg8[%rem3A_85, %dma_wait3A, %dma_wait3A_86] : memref<4x128x64xf32, #tpu.memory_space<vmem>> -> memref<1x128x64xf32, #tpu.memory_space<vmem>>
    %dma_wait3A_88 = tpu.memref_squeeze %dma_wait3A_87 : memref<1x128x64xf32, #tpu.memory_space<vmem>> -> memref<128x64xf32, #tpu.memory_space<vmem>>
    %dma_wait3A_89 = arith.constant 0 : i32
    %dma_wait3A_90 = tpu.memref_slice %arg7[%sub3A_84, %dma_wait3A_89] : memref<105x128xi32, #tpu.memory_space<vmem>> -> memref<1x128xi32, #tpu.memory_space<vmem>>
    %dma_wait3A_91 = tpu.memref_squeeze %dma_wait3A_90 : memref<1x128xi32, #tpu.memory_space<vmem>> -> memref<128xi32, #tpu.memory_space<vmem>>
    %dma_wait3A_92 = arith.constant 0 : i32
    %dma_wait3A_93 = arith.constant 0 : i32
    %dma_wait3A_94 = tpu.memref_slice %arg9[%dma_wait3A_92, %dma_wait3A_93] : memref<10240x64xf32, #tpu.memory_space<vmem_shared>> -> memref<10240x64xf32, #tpu.memory_space<vmem_shared>>
    %dma_wait3A_95 = tpu.memref_slice %arg11[%rem3A_85] : memref<4x!tpu.dma_semaphore, #tpu.memory_space<semaphore_mem>> -> memref<1x!tpu.dma_semaphore, #tpu.memory_space<semaphore_mem>>
    %dma_wait3A_96 = tpu.memref_squeeze %dma_wait3A_95 : memref<1x!tpu.dma_semaphore, #tpu.memory_space<semaphore_mem>> -> memref<!tpu.dma_semaphore, #tpu.memory_space<semaphore_mem>>
    tpu.wait_indirect_dma semaphore(%dma_wait3A_96 : memref<!tpu.dma_semaphore, #tpu.memory_space<semaphore_mem>>) src(%dma_wait3A_88 : memref<128x64xf32, #tpu.memory_space<vmem>>) dst(%dma_wait3A_94 : memref<10240x64xf32, #tpu.memory_space<vmem_shared>>)
    %sub3A_97 = arith.constant 1 : i32
    %sub3A_98 = arith.subi %select_n3A, %sub3A_97 : i32
    %rem3A_99 = arith.constant 4 : i32
    %rem3A_100 = arith.remsi %sub3A_98, %rem3A_99 : i32
    %dma_wait3A_101 = arith.constant 0 : i32
    %dma_wait3A_102 = arith.constant 0 : i32
    %dma_wait3A_103 = tpu.memref_slice %arg8[%rem3A_100, %dma_wait3A_101, %dma_wait3A_102] : memref<4x128x64xf32, #tpu.memory_space<vmem>> -> memref<1x128x64xf32, #tpu.memory_space<vmem>>
    %dma_wait3A_104 = tpu.memref_squeeze %dma_wait3A_103 : memref<1x128x64xf32, #tpu.memory_space<vmem>> -> memref<128x64xf32, #tpu.memory_space<vmem>>
    %dma_wait3A_105 = arith.constant 0 : i32
    %dma_wait3A_106 = tpu.memref_slice %arg7[%sub3A_98, %dma_wait3A_105] : memref<105x128xi32, #tpu.memory_space<vmem>> -> memref<1x128xi32, #tpu.memory_space<vmem>>
    %dma_wait3A_107 = tpu.memref_squeeze %dma_wait3A_106 : memref<1x128xi32, #tpu.memory_space<vmem>> -> memref<128xi32, #tpu.memory_space<vmem>>
    %dma_wait3A_108 = arith.constant 0 : i32
    %dma_wait3A_109 = arith.constant 0 : i32
    %dma_wait3A_110 = tpu.memref_slice %arg9[%dma_wait3A_108, %dma_wait3A_109] : memref<10240x64xf32, #tpu.memory_space<vmem_shared>> -> memref<10240x64xf32, #tpu.memory_space<vmem_shared>>
    %dma_wait3A_111 = tpu.memref_slice %arg11[%rem3A_100] : memref<4x!tpu.dma_semaphore, #tpu.memory_space<semaphore_mem>> -> memref<1x!tpu.dma_semaphore, #tpu.memory_space<semaphore_mem>>
    %dma_wait3A_112 = tpu.memref_squeeze %dma_wait3A_111 : memref<1x!tpu.dma_semaphore, #tpu.memory_space<semaphore_mem>> -> memref<!tpu.dma_semaphore, #tpu.memory_space<semaphore_mem>>
    tpu.wait_indirect_dma semaphore(%dma_wait3A_112 : memref<!tpu.dma_semaphore, #tpu.memory_space<semaphore_mem>>) src(%dma_wait3A_104 : memref<128x64xf32, #tpu.memory_space<vmem>>) dst(%dma_wait3A_110 : memref<10240x64xf32, #tpu.memory_space<vmem_shared>>)
    %barrier3A_113 = arith.constant 0 : index
    tpu.barrier barrier_id(%barrier3A_113)
    %mul3A_114 = arith.constant 640 : i32
    %mul3A_115 = arith.muli %arg1, %mul3A_114 : i32
    %mul3A_116 = arith.constant 640 : i32
    %mul3A_117 = arith.muli %arg1, %mul3A_116 : i32
    "tpu.region"() ({
      %run_scoped3A_118 = tpu.sem_alloc : memref<!tpu.dma_semaphore, #tpu.memory_space<semaphore_mem>>
      %dma_start3A_119 = arith.constant 0 : i32
      %dma_start3A_120 = tpu.memref_slice %arg5[%arg0, %mul3A_117, %dma_start3A_119] : memref<2x10240x64xf32, #tpu.memory_space<hbm>> -> memref<1x640x64xf32, #tpu.memory_space<hbm>>
      %dma_start3A_121 = tpu.memref_squeeze %dma_start3A_120 : memref<1x640x64xf32, #tpu.memory_space<hbm>> -> memref<640x64xf32, #tpu.memory_space<hbm>>
      %dma_start3A_122 = arith.constant 0 : i32
      %dma_start3A_123 = tpu.memref_slice %arg9[%mul3A_115, %dma_start3A_122] : memref<10240x64xf32, #tpu.memory_space<vmem_shared>> -> memref<640x64xf32, #tpu.memory_space<vmem_shared>>
      tpu.enqueue_dma source(%dma_start3A_123 : memref<640x64xf32, #tpu.memory_space<vmem_shared>>) target(%dma_start3A_121 : memref<640x64xf32, #tpu.memory_space<hbm>>) target_semaphore(%run_scoped3A_118 : memref<!tpu.dma_semaphore, #tpu.memory_space<semaphore_mem>>)
      %dma_wait3A_124 = arith.constant 0 : i32
      %dma_wait3A_125 = tpu.memref_slice %arg5[%arg0, %mul3A_117, %dma_wait3A_124] : memref<2x10240x64xf32, #tpu.memory_space<hbm>> -> memref<1x640x64xf32, #tpu.memory_space<hbm>>
      %dma_wait3A_126 = tpu.memref_squeeze %dma_wait3A_125 : memref<1x640x64xf32, #tpu.memory_space<hbm>> -> memref<640x64xf32, #tpu.memory_space<hbm>>
      %dma_wait3A_127 = arith.constant 0 : i32
      %dma_wait3A_128 = tpu.memref_slice %arg9[%mul3A_115, %dma_wait3A_127] : memref<10240x64xf32, #tpu.memory_space<vmem_shared>> -> memref<640x64xf32, #tpu.memory_space<vmem_shared>>
      tpu.wait_dma2 semaphore(%run_scoped3A_118 : memref<!tpu.dma_semaphore, #tpu.memory_space<semaphore_mem>>) src(%dma_wait3A_128 : memref<640x64xf32, #tpu.memory_space<vmem_shared>>) dst(%dma_wait3A_126 : memref<640x64xf32, #tpu.memory_space<hbm>>)
      tpu.yield
    }) : () -> ()
    return
  }
}

#map = affine_map<(d0, d1) -> (0, 0)>
#map1 = affine_map<(d0, d1) -> (0, 0, 0)>
module attributes {stable_mosaic.version = 14 : i64} {
  func.func @_sc_agg(%arg0: i32, %arg1: i32, %arg2: memref<10000x64xf32, #tpu.memory_space<hbm>>, %arg3: memref<2500x128xi32, #tpu.memory_space<hbm>>, %arg4: memref<2500x128xi32, #tpu.memory_space<hbm>>, %arg5: memref<2x10240x64xf32, #tpu.memory_space<hbm>>, %arg6: memref<105x128xi32, #tpu.memory_space<vmem>>, %arg7: memref<105x128xi32, #tpu.memory_space<vmem>>, %arg8: memref<4x128x64xf32, #tpu.memory_space<vmem>>, %arg9: memref<10240x64xf32, #tpu.memory_space<vmem_shared>>, %arg10: memref<4x!tpu.dma_semaphore, #tpu.memory_space<semaphore_mem>>, %arg11: memref<4x!tpu.dma_semaphore, #tpu.memory_space<semaphore_mem>>) attributes {dimension_semantics = [#tpu.dimension_semantics<core_parallel>, #tpu.dimension_semantics<subcore_parallel>], iteration_bounds = array<i64: 2, 16>, scalar_prefetch = 0 : i64, scratch_operands = 6 : i64, tpu.core_type = #tpu.core_type<sc_vector_subcore>, window_params = [{transform_indices = #map}, {transform_indices = #map}, {transform_indices = #map}, {transform_indices = #map1}]} {
    %eq3A = arith.constant 0 : i32
    %eq3A_0 = arith.cmpi eq, %arg0, %eq3A : i32
    %jit3A = arith.constant 105 : i32
    %jit3A_1 = arith.constant 52 : i32
    %select_n3A = arith.select %eq3A_0, %jit3A, %jit3A_1 : i32
    %convert_element_type3A = arith.extui %eq3A_0 : i1 to i32
    %cond3A = arith.constant 0 : i32
    %cond3A_2 = arith.cmpi ne, %convert_element_type3A, %cond3A : i32
    scf.if %cond3A_2 {
      %mul3A_118 = arith.constant 105 : i32
      %mul3A_119 = arith.muli %arg1, %mul3A_118 : i32
      "tpu.region"() ({
        %run_scoped3A_122 = tpu.sem_alloc : memref<!tpu.dma_semaphore, #tpu.memory_space<semaphore_mem>>
        %dma_start3A_123 = arith.constant 0 : i32
        %dma_start3A_124 = tpu.memref_slice %arg3[%mul3A_119, %dma_start3A_123] : memref<2500x128xi32, #tpu.memory_space<hbm>> -> memref<105x128xi32, #tpu.memory_space<hbm>>
        %dma_start3A_125 = arith.constant 0 : i32
        %dma_start3A_126 = tpu.memref_slice %arg3[%mul3A_119, %dma_start3A_125] : memref<2500x128xi32, #tpu.memory_space<hbm>> -> memref<105x128xi32, #tpu.memory_space<hbm>>
        tpu.enqueue_dma source(%dma_start3A_126 : memref<105x128xi32, #tpu.memory_space<hbm>>) target(%arg6 : memref<105x128xi32, #tpu.memory_space<vmem>>) target_semaphore(%run_scoped3A_122 : memref<!tpu.dma_semaphore, #tpu.memory_space<semaphore_mem>>)
        %dma_wait3A_127 = arith.constant 0 : i32
        %dma_wait3A_128 = tpu.memref_slice %arg3[%mul3A_119, %dma_wait3A_127] : memref<2500x128xi32, #tpu.memory_space<hbm>> -> memref<105x128xi32, #tpu.memory_space<hbm>>
        %dma_wait3A_129 = arith.constant 0 : i32
        %dma_wait3A_130 = tpu.memref_slice %arg3[%mul3A_119, %dma_wait3A_129] : memref<2500x128xi32, #tpu.memory_space<hbm>> -> memref<105x128xi32, #tpu.memory_space<hbm>>
        tpu.wait_dma2 semaphore(%run_scoped3A_122 : memref<!tpu.dma_semaphore, #tpu.memory_space<semaphore_mem>>) src(%dma_wait3A_130 : memref<105x128xi32, #tpu.memory_space<hbm>>) dst(%arg6 : memref<105x128xi32, #tpu.memory_space<vmem>>)
        tpu.yield
      }) : () -> ()
      %mul3A_120 = arith.constant 105 : i32
      %mul3A_121 = arith.muli %arg1, %mul3A_120 : i32
      "tpu.region"() ({
        %run_scoped3A_122 = tpu.sem_alloc : memref<!tpu.dma_semaphore, #tpu.memory_space<semaphore_mem>>
        %dma_start3A_123 = arith.constant 0 : i32
        %dma_start3A_124 = tpu.memref_slice %arg4[%mul3A_121, %dma_start3A_123] : memref<2500x128xi32, #tpu.memory_space<hbm>> -> memref<105x128xi32, #tpu.memory_space<hbm>>
        %dma_start3A_125 = arith.constant 0 : i32
        %dma_start3A_126 = tpu.memref_slice %arg4[%mul3A_121, %dma_start3A_125] : memref<2500x128xi32, #tpu.memory_space<hbm>> -> memref<105x128xi32, #tpu.memory_space<hbm>>
        tpu.enqueue_dma source(%dma_start3A_126 : memref<105x128xi32, #tpu.memory_space<hbm>>) target(%arg7 : memref<105x128xi32, #tpu.memory_space<vmem>>) target_semaphore(%run_scoped3A_122 : memref<!tpu.dma_semaphore, #tpu.memory_space<semaphore_mem>>)
        %dma_wait3A_127 = arith.constant 0 : i32
        %dma_wait3A_128 = tpu.memref_slice %arg4[%mul3A_121, %dma_wait3A_127] : memref<2500x128xi32, #tpu.memory_space<hbm>> -> memref<105x128xi32, #tpu.memory_space<hbm>>
        %dma_wait3A_129 = arith.constant 0 : i32
        %dma_wait3A_130 = tpu.memref_slice %arg4[%mul3A_121, %dma_wait3A_129] : memref<2500x128xi32, #tpu.memory_space<hbm>> -> memref<105x128xi32, #tpu.memory_space<hbm>>
        tpu.wait_dma2 semaphore(%run_scoped3A_122 : memref<!tpu.dma_semaphore, #tpu.memory_space<semaphore_mem>>) src(%dma_wait3A_130 : memref<105x128xi32, #tpu.memory_space<hbm>>) dst(%arg7 : memref<105x128xi32, #tpu.memory_space<vmem>>)
        tpu.yield
      }) : () -> ()
    } else {
    }
    %not3A = arith.constant true
    %not3A_3 = arith.xori %eq3A_0, %not3A : i1
    %eq3A_4 = arith.constant 15 : i32
    %eq3A_5 = arith.cmpi eq, %arg1, %eq3A_4 : i32
    %and3A = arith.andi %not3A_3, %eq3A_5 : i1
    %not3A_6 = arith.constant true
    %not3A_7 = arith.xori %eq3A_0, %not3A_6 : i1
    %lt3A = arith.constant 15 : i32
    %lt3A_8 = arith.cmpi slt, %arg1, %lt3A : i32
    %and3A_9 = arith.andi %not3A_7, %lt3A_8 : i1
    %convert_element_type3A_10 = arith.extui %and3A_9 : i1 to i32
    %cond3A_11 = arith.constant 0 : i32
    %cond3A_12 = arith.cmpi ne, %convert_element_type3A_10, %cond3A_11 : i32
    scf.if %cond3A_12 {
      %mul3A_118 = arith.constant 52 : i32
      %mul3A_119 = arith.muli %arg1, %mul3A_118 : i32
      %add3A_120 = arith.constant 1680 : i32
      %add3A_121 = arith.addi %add3A_120, %mul3A_119 : i32
      "tpu.region"() ({
        %run_scoped3A_126 = tpu.sem_alloc : memref<!tpu.dma_semaphore, #tpu.memory_space<semaphore_mem>>
        %dma_start3A_127 = arith.constant 0 : i32
        %dma_start3A_128 = arith.constant 0 : i32
        %dma_start3A_129 = tpu.memref_slice %arg6[%dma_start3A_127, %dma_start3A_128] : memref<105x128xi32, #tpu.memory_space<vmem>> -> memref<52x128xi32, #tpu.memory_space<vmem>>
        %dma_start3A_130 = arith.constant 0 : i32
        %dma_start3A_131 = tpu.memref_slice %arg3[%add3A_121, %dma_start3A_130] : memref<2500x128xi32, #tpu.memory_space<hbm>> -> memref<52x128xi32, #tpu.memory_space<hbm>>
        %dma_start3A_132 = arith.constant 0 : i32
        %dma_start3A_133 = arith.constant 0 : i32
        %dma_start3A_134 = tpu.memref_slice %arg6[%dma_start3A_132, %dma_start3A_133] : memref<105x128xi32, #tpu.memory_space<vmem>> -> memref<52x128xi32, #tpu.memory_space<vmem>>
        %dma_start3A_135 = arith.constant 0 : i32
        %dma_start3A_136 = tpu.memref_slice %arg3[%add3A_121, %dma_start3A_135] : memref<2500x128xi32, #tpu.memory_space<hbm>> -> memref<52x128xi32, #tpu.memory_space<hbm>>
        tpu.enqueue_dma source(%dma_start3A_136 : memref<52x128xi32, #tpu.memory_space<hbm>>) target(%dma_start3A_134 : memref<52x128xi32, #tpu.memory_space<vmem>>) target_semaphore(%run_scoped3A_126 : memref<!tpu.dma_semaphore, #tpu.memory_space<semaphore_mem>>)
        %dma_wait3A_137 = arith.constant 0 : i32
        %dma_wait3A_138 = arith.constant 0 : i32
        %dma_wait3A_139 = tpu.memref_slice %arg6[%dma_wait3A_137, %dma_wait3A_138] : memref<105x128xi32, #tpu.memory_space<vmem>> -> memref<52x128xi32, #tpu.memory_space<vmem>>
        %dma_wait3A_140 = arith.constant 0 : i32
        %dma_wait3A_141 = tpu.memref_slice %arg3[%add3A_121, %dma_wait3A_140] : memref<2500x128xi32, #tpu.memory_space<hbm>> -> memref<52x128xi32, #tpu.memory_space<hbm>>
        %dma_wait3A_142 = arith.constant 0 : i32
        %dma_wait3A_143 = arith.constant 0 : i32
        %dma_wait3A_144 = tpu.memref_slice %arg6[%dma_wait3A_142, %dma_wait3A_143] : memref<105x128xi32, #tpu.memory_space<vmem>> -> memref<52x128xi32, #tpu.memory_space<vmem>>
        %dma_wait3A_145 = arith.constant 0 : i32
        %dma_wait3A_146 = tpu.memref_slice %arg3[%add3A_121, %dma_wait3A_145] : memref<2500x128xi32, #tpu.memory_space<hbm>> -> memref<52x128xi32, #tpu.memory_space<hbm>>
        tpu.wait_dma2 semaphore(%run_scoped3A_126 : memref<!tpu.dma_semaphore, #tpu.memory_space<semaphore_mem>>) src(%dma_wait3A_146 : memref<52x128xi32, #tpu.memory_space<hbm>>) dst(%dma_wait3A_144 : memref<52x128xi32, #tpu.memory_space<vmem>>)
        tpu.yield
      }) : () -> ()
      %mul3A_122 = arith.constant 52 : i32
      %mul3A_123 = arith.muli %arg1, %mul3A_122 : i32
      %add3A_124 = arith.constant 1680 : i32
      %add3A_125 = arith.addi %add3A_124, %mul3A_123 : i32
      "tpu.region"() ({
        %run_scoped3A_126 = tpu.sem_alloc : memref<!tpu.dma_semaphore, #tpu.memory_space<semaphore_mem>>
        %dma_start3A_127 = arith.constant 0 : i32
        %dma_start3A_128 = arith.constant 0 : i32
        %dma_start3A_129 = tpu.memref_slice %arg7[%dma_start3A_127, %dma_start3A_128] : memref<105x128xi32, #tpu.memory_space<vmem>> -> memref<52x128xi32, #tpu.memory_space<vmem>>
        %dma_start3A_130 = arith.constant 0 : i32
        %dma_start3A_131 = tpu.memref_slice %arg4[%add3A_125, %dma_start3A_130] : memref<2500x128xi32, #tpu.memory_space<hbm>> -> memref<52x128xi32, #tpu.memory_space<hbm>>
        %dma_start3A_132 = arith.constant 0 : i32
        %dma_start3A_133 = arith.constant 0 : i32
        %dma_start3A_134 = tpu.memref_slice %arg7[%dma_start3A_132, %dma_start3A_133] : memref<105x128xi32, #tpu.memory_space<vmem>> -> memref<52x128xi32, #tpu.memory_space<vmem>>
        %dma_start3A_135 = arith.constant 0 : i32
        %dma_start3A_136 = tpu.memref_slice %arg4[%add3A_125, %dma_start3A_135] : memref<2500x128xi32, #tpu.memory_space<hbm>> -> memref<52x128xi32, #tpu.memory_space<hbm>>
        tpu.enqueue_dma source(%dma_start3A_136 : memref<52x128xi32, #tpu.memory_space<hbm>>) target(%dma_start3A_134 : memref<52x128xi32, #tpu.memory_space<vmem>>) target_semaphore(%run_scoped3A_126 : memref<!tpu.dma_semaphore, #tpu.memory_space<semaphore_mem>>)
        %dma_wait3A_137 = arith.constant 0 : i32
        %dma_wait3A_138 = arith.constant 0 : i32
        %dma_wait3A_139 = tpu.memref_slice %arg7[%dma_wait3A_137, %dma_wait3A_138] : memref<105x128xi32, #tpu.memory_space<vmem>> -> memref<52x128xi32, #tpu.memory_space<vmem>>
        %dma_wait3A_140 = arith.constant 0 : i32
        %dma_wait3A_141 = tpu.memref_slice %arg4[%add3A_125, %dma_wait3A_140] : memref<2500x128xi32, #tpu.memory_space<hbm>> -> memref<52x128xi32, #tpu.memory_space<hbm>>
        %dma_wait3A_142 = arith.constant 0 : i32
        %dma_wait3A_143 = arith.constant 0 : i32
        %dma_wait3A_144 = tpu.memref_slice %arg7[%dma_wait3A_142, %dma_wait3A_143] : memref<105x128xi32, #tpu.memory_space<vmem>> -> memref<52x128xi32, #tpu.memory_space<vmem>>
        %dma_wait3A_145 = arith.constant 0 : i32
        %dma_wait3A_146 = tpu.memref_slice %arg4[%add3A_125, %dma_wait3A_145] : memref<2500x128xi32, #tpu.memory_space<hbm>> -> memref<52x128xi32, #tpu.memory_space<hbm>>
        tpu.wait_dma2 semaphore(%run_scoped3A_126 : memref<!tpu.dma_semaphore, #tpu.memory_space<semaphore_mem>>) src(%dma_wait3A_146 : memref<52x128xi32, #tpu.memory_space<hbm>>) dst(%dma_wait3A_144 : memref<52x128xi32, #tpu.memory_space<vmem>>)
        tpu.yield
      }) : () -> ()
    } else {
    }
    %convert_element_type3A_13 = arith.extui %and3A : i1 to i32
    %cond3A_14 = arith.constant 0 : i32
    %cond3A_15 = arith.cmpi ne, %convert_element_type3A_13, %cond3A_14 : i32
    scf.if %cond3A_15 {
      "tpu.region"() ({
        %run_scoped3A_125 = tpu.sem_alloc : memref<!tpu.dma_semaphore, #tpu.memory_space<semaphore_mem>>
        %dma_start3A_126 = arith.constant 0 : i32
        %dma_start3A_127 = arith.constant 0 : i32
        %dma_start3A_128 = tpu.memref_slice %arg6[%dma_start3A_126, %dma_start3A_127] : memref<105x128xi32, #tpu.memory_space<vmem>> -> memref<40x128xi32, #tpu.memory_space<vmem>>
        %dma_start3A_129 = arith.constant 2460 : i32
        %dma_start3A_130 = arith.constant 0 : i32
        %dma_start3A_131 = tpu.memref_slice %arg3[%dma_start3A_129, %dma_start3A_130] : memref<2500x128xi32, #tpu.memory_space<hbm>> -> memref<40x128xi32, #tpu.memory_space<hbm>>
        %dma_start3A_132 = arith.constant 0 : i32
        %dma_start3A_133 = arith.constant 0 : i32
        %dma_start3A_134 = tpu.memref_slice %arg6[%dma_start3A_132, %dma_start3A_133] : memref<105x128xi32, #tpu.memory_space<vmem>> -> memref<40x128xi32, #tpu.memory_space<vmem>>
        %dma_start3A_135 = arith.constant 2460 : i32
        %dma_start3A_136 = arith.constant 0 : i32
        %dma_start3A_137 = tpu.memref_slice %arg3[%dma_start3A_135, %dma_start3A_136] : memref<2500x128xi32, #tpu.memory_space<hbm>> -> memref<40x128xi32, #tpu.memory_space<hbm>>
        tpu.enqueue_dma source(%dma_start3A_137 : memref<40x128xi32, #tpu.memory_space<hbm>>) target(%dma_start3A_134 : memref<40x128xi32, #tpu.memory_space<vmem>>) target_semaphore(%run_scoped3A_125 : memref<!tpu.dma_semaphore, #tpu.memory_space<semaphore_mem>>)
        %dma_wait3A_138 = arith.constant 0 : i32
        %dma_wait3A_139 = arith.constant 0 : i32
        %dma_wait3A_140 = tpu.memref_slice %arg6[%dma_wait3A_138, %dma_wait3A_139] : memref<105x128xi32, #tpu.memory_space<vmem>> -> memref<40x128xi32, #tpu.memory_space<vmem>>
        %dma_wait3A_141 = arith.constant 2460 : i32
        %dma_wait3A_142 = arith.constant 0 : i32
        %dma_wait3A_143 = tpu.memref_slice %arg3[%dma_wait3A_141, %dma_wait3A_142] : memref<2500x128xi32, #tpu.memory_space<hbm>> -> memref<40x128xi32, #tpu.memory_space<hbm>>
        %dma_wait3A_144 = arith.constant 0 : i32
        %dma_wait3A_145 = arith.constant 0 : i32
        %dma_wait3A_146 = tpu.memref_slice %arg6[%dma_wait3A_144, %dma_wait3A_145] : memref<105x128xi32, #tpu.memory_space<vmem>> -> memref<40x128xi32, #tpu.memory_space<vmem>>
        %dma_wait3A_147 = arith.constant 2460 : i32
        %dma_wait3A_148 = arith.constant 0 : i32
        %dma_wait3A_149 = tpu.memref_slice %arg3[%dma_wait3A_147, %dma_wait3A_148] : memref<2500x128xi32, #tpu.memory_space<hbm>> -> memref<40x128xi32, #tpu.memory_space<hbm>>
        tpu.wait_dma2 semaphore(%run_scoped3A_125 : memref<!tpu.dma_semaphore, #tpu.memory_space<semaphore_mem>>) src(%dma_wait3A_149 : memref<40x128xi32, #tpu.memory_space<hbm>>) dst(%dma_wait3A_146 : memref<40x128xi32, #tpu.memory_space<vmem>>)
        tpu.yield
      }) : () -> ()
      "tpu.region"() ({
        %run_scoped3A_125 = tpu.sem_alloc : memref<!tpu.dma_semaphore, #tpu.memory_space<semaphore_mem>>
        %dma_start3A_126 = arith.constant 0 : i32
        %dma_start3A_127 = arith.constant 0 : i32
        %dma_start3A_128 = tpu.memref_slice %arg7[%dma_start3A_126, %dma_start3A_127] : memref<105x128xi32, #tpu.memory_space<vmem>> -> memref<40x128xi32, #tpu.memory_space<vmem>>
        %dma_start3A_129 = arith.constant 2460 : i32
        %dma_start3A_130 = arith.constant 0 : i32
        %dma_start3A_131 = tpu.memref_slice %arg4[%dma_start3A_129, %dma_start3A_130] : memref<2500x128xi32, #tpu.memory_space<hbm>> -> memref<40x128xi32, #tpu.memory_space<hbm>>
        %dma_start3A_132 = arith.constant 0 : i32
        %dma_start3A_133 = arith.constant 0 : i32
        %dma_start3A_134 = tpu.memref_slice %arg7[%dma_start3A_132, %dma_start3A_133] : memref<105x128xi32, #tpu.memory_space<vmem>> -> memref<40x128xi32, #tpu.memory_space<vmem>>
        %dma_start3A_135 = arith.constant 2460 : i32
        %dma_start3A_136 = arith.constant 0 : i32
        %dma_start3A_137 = tpu.memref_slice %arg4[%dma_start3A_135, %dma_start3A_136] : memref<2500x128xi32, #tpu.memory_space<hbm>> -> memref<40x128xi32, #tpu.memory_space<hbm>>
        tpu.enqueue_dma source(%dma_start3A_137 : memref<40x128xi32, #tpu.memory_space<hbm>>) target(%dma_start3A_134 : memref<40x128xi32, #tpu.memory_space<vmem>>) target_semaphore(%run_scoped3A_125 : memref<!tpu.dma_semaphore, #tpu.memory_space<semaphore_mem>>)
        %dma_wait3A_138 = arith.constant 0 : i32
        %dma_wait3A_139 = arith.constant 0 : i32
        %dma_wait3A_140 = tpu.memref_slice %arg7[%dma_wait3A_138, %dma_wait3A_139] : memref<105x128xi32, #tpu.memory_space<vmem>> -> memref<40x128xi32, #tpu.memory_space<vmem>>
        %dma_wait3A_141 = arith.constant 2460 : i32
        %dma_wait3A_142 = arith.constant 0 : i32
        %dma_wait3A_143 = tpu.memref_slice %arg4[%dma_wait3A_141, %dma_wait3A_142] : memref<2500x128xi32, #tpu.memory_space<hbm>> -> memref<40x128xi32, #tpu.memory_space<hbm>>
        %dma_wait3A_144 = arith.constant 0 : i32
        %dma_wait3A_145 = arith.constant 0 : i32
        %dma_wait3A_146 = tpu.memref_slice %arg7[%dma_wait3A_144, %dma_wait3A_145] : memref<105x128xi32, #tpu.memory_space<vmem>> -> memref<40x128xi32, #tpu.memory_space<vmem>>
        %dma_wait3A_147 = arith.constant 2460 : i32
        %dma_wait3A_148 = arith.constant 0 : i32
        %dma_wait3A_149 = tpu.memref_slice %arg4[%dma_wait3A_147, %dma_wait3A_148] : memref<2500x128xi32, #tpu.memory_space<hbm>> -> memref<40x128xi32, #tpu.memory_space<hbm>>
        tpu.wait_dma2 semaphore(%run_scoped3A_125 : memref<!tpu.dma_semaphore, #tpu.memory_space<semaphore_mem>>) src(%dma_wait3A_149 : memref<40x128xi32, #tpu.memory_space<hbm>>) dst(%dma_wait3A_146 : memref<40x128xi32, #tpu.memory_space<vmem>>)
        tpu.yield
      }) : () -> ()
      %scan3A_118 = arith.constant 0 : i32
      %scan3A_119 = arith.constant 0 : i32
      %scan3A_120 = arith.constant 96 : i32
      %scan3A_121 = arith.addi %scan3A_119, %scan3A_120 : i32
      %scan3A_122 = arith.constant 1 : i32
      %scan3A_123 = scf.for %scan3A_125 = %scan3A_119 to %scan3A_121 step %scan3A_122 iter_args(%scan3A_126 = %scan3A_118) -> (i32)  : i32 {
        %jit3A_127 = arith.constant 8 : i32
        %div3A = arith.divsi %scan3A_125, %jit3A_127 : i32
        %sign3A = arith.constant 0 : i32
        %sign3A_128 = arith.cmpi sgt, %scan3A_125, %sign3A : i32
        %sign3A_129 = arith.extui %sign3A_128 : i1 to i32
        %sign3A_130 = arith.constant 0 : i32
        %sign3A_131 = arith.cmpi slt, %scan3A_125, %sign3A_130 : i32
        %sign3A_132 = arith.extui %sign3A_131 : i1 to i32
        %sign3A_133 = arith.subi %sign3A_129, %sign3A_132 : i32
        %sign3A_134 = arith.constant 0 : i32
        %sign3A_135 = arith.cmpi sgt, %jit3A_127, %sign3A_134 : i32
        %sign3A_136 = arith.extui %sign3A_135 : i1 to i32
        %sign3A_137 = arith.constant 0 : i32
        %sign3A_138 = arith.cmpi slt, %jit3A_127, %sign3A_137 : i32
        %sign3A_139 = arith.extui %sign3A_138 : i1 to i32
        %sign3A_140 = arith.subi %sign3A_136, %sign3A_139 : i32
        %ne3A = arith.cmpi ne, %sign3A_133, %sign3A_140 : i32
        %rem3A_141 = arith.remsi %scan3A_125, %jit3A_127 : i32
        %ne3A_142 = arith.constant 0 : i32
        %ne3A_143 = arith.cmpi ne, %rem3A_141, %ne3A_142 : i32
        %and3A_144 = arith.andi %ne3A, %ne3A_143 : i1
        %sub3A_145 = arith.constant 1 : i32
        %sub3A_146 = arith.subi %div3A, %sub3A_145 : i32
        %select_n3A_147 = arith.select %and3A_144, %sub3A_146, %div3A : i32
        %add3A_148 = arith.constant 40 : i32
        %add3A_149 = arith.addi %add3A_148, %select_n3A_147 : i32
        %jit3A_150 = arith.constant 8 : i32
        %eq3A_151 = arith.constant 0 : i32
        %eq3A_152 = arith.cmpi eq, %jit3A_150, %eq3A_151 : i32
        %jit3A_153 = arith.constant 1 : i32
        %select_n3A_154 = arith.select %eq3A_152, %jit3A_153, %jit3A_150 : i32
        %rem3A_155 = arith.remsi %scan3A_125, %select_n3A_154 : i32
        %ne3A_156 = arith.constant 0 : i32
        %ne3A_157 = arith.cmpi ne, %rem3A_155, %ne3A_156 : i32
        %lt3A_158 = arith.constant 0 : i32
        %lt3A_159 = arith.cmpi slt, %rem3A_155, %lt3A_158 : i32
        %lt3A_160 = arith.constant 0 : i32
        %lt3A_161 = arith.cmpi slt, %select_n3A_154, %lt3A_160 : i32
        %ne3A_162 = arith.xori %lt3A_159, %lt3A_161 : i1
        %and3A_163 = arith.andi %ne3A_162, %ne3A_157 : i1
        %add3A_164 = arith.addi %rem3A_155, %select_n3A_154 : i32
        %select_n3A_165 = arith.select %and3A_163, %add3A_164, %rem3A_155 : i32
        %mul3A_166 = arith.constant 16 : i32
        %mul3A_167 = arith.muli %select_n3A_165, %mul3A_166 : i32
        %broadcast_in_dim3A = arith.constant 0 : i32
        %broadcast_in_dim3A_168 = vector.broadcast %broadcast_in_dim3A : i32 to vector<16xi32>
        %swap3A = arith.index_cast %add3A_149 : i32 to index
        %swap3A_169 = arith.index_cast %mul3A_167 : i32 to index
        %swap3A_170 = tpu.vector_load %arg6[%swap3A, %swap3A_169] {strides = array<i32>} : memref<105x128xi32, #tpu.memory_space<vmem>>, vector<1x16xi32>,
        %swap3A_171 = vector.shape_cast %swap3A_170 : vector<1x16xi32> to vector<16xi32>
        %swap3A_172 = vector.shape_cast %broadcast_in_dim3A_168 : vector<16xi32> to vector<1x16xi32>
        tpu.vector_store %arg6[%swap3A, %swap3A_169], %swap3A_172 {strides = array<i32>} : memref<105x128xi32, #tpu.memory_space<vmem>>, vector<1x16xi32>,
        %broadcast_in_dim3A_173 = arith.constant 10008 : i32
        %broadcast_in_dim3A_174 = vector.broadcast %broadcast_in_dim3A_173 : i32 to vector<16xi32>
        %swap3A_175 = arith.index_cast %add3A_149 : i32 to index
        %swap3A_176 = arith.index_cast %mul3A_167 : i32 to index
        %swap3A_177 = tpu.vector_load %arg7[%swap3A_175, %swap3A_176] {strides = array<i32>} : memref<105x128xi32, #tpu.memory_space<vmem>>, vector<1x16xi32>,
        %swap3A_178 = vector.shape_cast %swap3A_177 : vector<1x16xi32> to vector<16xi32>
        %swap3A_179 = vector.shape_cast %broadcast_in_dim3A_174 : vector<16xi32> to vector<1x16xi32>
        tpu.vector_store %arg7[%swap3A_175, %swap3A_176], %swap3A_179 {strides = array<i32>} : memref<105x128xi32, #tpu.memory_space<vmem>>, vector<1x16xi32>,
        %scan3A_180 = arith.constant 0 : i32
        scf.yield %scan3A_180 : i32
      }
      %scan3A_124 = arith.constant 96 : i32
    } else {
    }
    %scan3A = arith.constant 0 : i32
    %scan3A_16 = arith.constant 0 : i32
    %scan3A_17 = arith.constant 512 : i32
    %scan3A_18 = arith.addi %scan3A_16, %scan3A_17 : i32
    %scan3A_19 = arith.constant 1 : i32
    %scan3A_20 = scf.for %scan3A_118 = %scan3A_16 to %scan3A_18 step %scan3A_19 iter_args(%scan3A_119 = %scan3A) -> (i32)  : i32 {
      %broadcast_in_dim3A = arith.constant 0.000000e+00 : f32
      %broadcast_in_dim3A_120 = vector.broadcast %broadcast_in_dim3A : f32 to vector<16xf32>
      %jit3A_121 = arith.constant 4 : i32
      %div3A = arith.divsi %scan3A_118, %jit3A_121 : i32
      %sign3A = arith.constant 0 : i32
      %sign3A_122 = arith.cmpi sgt, %scan3A_118, %sign3A : i32
      %sign3A_123 = arith.extui %sign3A_122 : i1 to i32
      %sign3A_124 = arith.constant 0 : i32
      %sign3A_125 = arith.cmpi slt, %scan3A_118, %sign3A_124 : i32
      %sign3A_126 = arith.extui %sign3A_125 : i1 to i32
      %sign3A_127 = arith.subi %sign3A_123, %sign3A_126 : i32
      %sign3A_128 = arith.constant 0 : i32
      %sign3A_129 = arith.cmpi sgt, %jit3A_121, %sign3A_128 : i32
      %sign3A_130 = arith.extui %sign3A_129 : i1 to i32
      %sign3A_131 = arith.constant 0 : i32
      %sign3A_132 = arith.cmpi slt, %jit3A_121, %sign3A_131 : i32
      %sign3A_133 = arith.extui %sign3A_132 : i1 to i32
      %sign3A_134 = arith.subi %sign3A_130, %sign3A_133 : i32
      %ne3A = arith.cmpi ne, %sign3A_127, %sign3A_134 : i32
      %rem3A_135 = arith.remsi %scan3A_118, %jit3A_121 : i32
      %ne3A_136 = arith.constant 0 : i32
      %ne3A_137 = arith.cmpi ne, %rem3A_135, %ne3A_136 : i32
      %and3A_138 = arith.andi %ne3A, %ne3A_137 : i1
      %sub3A_139 = arith.constant 1 : i32
      %sub3A_140 = arith.subi %div3A, %sub3A_139 : i32
      %select_n3A_141 = arith.select %and3A_138, %sub3A_140, %div3A : i32
      %jit3A_142 = arith.constant 4 : i32
      %eq3A_143 = arith.constant 0 : i32
      %eq3A_144 = arith.cmpi eq, %jit3A_142, %eq3A_143 : i32
      %jit3A_145 = arith.constant 1 : i32
      %select_n3A_146 = arith.select %eq3A_144, %jit3A_145, %jit3A_142 : i32
      %rem3A_147 = arith.remsi %scan3A_118, %select_n3A_146 : i32
      %ne3A_148 = arith.constant 0 : i32
      %ne3A_149 = arith.cmpi ne, %rem3A_147, %ne3A_148 : i32
      %lt3A_150 = arith.constant 0 : i32
      %lt3A_151 = arith.cmpi slt, %rem3A_147, %lt3A_150 : i32
      %lt3A_152 = arith.constant 0 : i32
      %lt3A_153 = arith.cmpi slt, %select_n3A_146, %lt3A_152 : i32
      %ne3A_154 = arith.xori %lt3A_151, %lt3A_153 : i1
      %and3A_155 = arith.andi %ne3A_154, %ne3A_149 : i1
      %add3A_156 = arith.addi %rem3A_147, %select_n3A_146 : i32
      %select_n3A_157 = arith.select %and3A_155, %add3A_156, %rem3A_147 : i32
      %mul3A_158 = arith.constant 16 : i32
      %mul3A_159 = arith.muli %select_n3A_157, %mul3A_158 : i32
      %swap3A = arith.constant 0 : i32
      %swap3A_160 = arith.index_cast %swap3A : i32 to index
      %swap3A_161 = arith.index_cast %select_n3A_141 : i32 to index
      %swap3A_162 = arith.index_cast %mul3A_159 : i32 to index
      %swap3A_163 = tpu.vector_load %arg8[%swap3A_160, %swap3A_161, %swap3A_162] {strides = array<i32>} : memref<4x128x64xf32, #tpu.memory_space<vmem>>, vector<1x1x16xf32>,
      %swap3A_164 = vector.shape_cast %swap3A_163 : vector<1x1x16xf32> to vector<16xf32>
      %swap3A_165 = vector.shape_cast %broadcast_in_dim3A_120 : vector<16xf32> to vector<1x1x16xf32>
      tpu.vector_store %arg8[%swap3A_160, %swap3A_161, %swap3A_162], %swap3A_165 {strides = array<i32>} : memref<4x128x64xf32, #tpu.memory_space<vmem>>, vector<1x1x16xf32>,
      %scan3A_166 = arith.constant 0 : i32
      scf.yield %scan3A_166 : i32
    }
    %scan3A_21 = arith.constant 512 : i32
    %mul3A = arith.constant 640 : i32
    %mul3A_22 = arith.muli %arg1, %mul3A : i32
    %add3A = arith.constant 0 : i32
    %add3A_23 = arith.addi %mul3A_22, %add3A : i32
    %run_scoped3A = arith.constant 0 : i32
    "tpu.region"() ({
      %run_scoped3A_118 = tpu.sem_alloc : memref<!tpu.dma_semaphore, #tpu.memory_space<semaphore_mem>>
      %dma_start3A_119 = arith.constant 0 : i32
      %dma_start3A_120 = arith.constant 0 : i32
      %dma_start3A_121 = tpu.memref_slice %arg8[%run_scoped3A, %dma_start3A_119, %dma_start3A_120] : memref<4x128x64xf32, #tpu.memory_space<vmem>> -> memref<1x128x64xf32, #tpu.memory_space<vmem>>
      %dma_start3A_122 = tpu.memref_squeeze %dma_start3A_121 : memref<1x128x64xf32, #tpu.memory_space<vmem>> -> memref<128x64xf32, #tpu.memory_space<vmem>>
      %dma_start3A_123 = arith.constant 0 : i32
      %dma_start3A_124 = tpu.memref_slice %arg9[%add3A_23, %dma_start3A_123] : memref<10240x64xf32, #tpu.memory_space<vmem_shared>> -> memref<128x64xf32, #tpu.memory_space<vmem_shared>>
      %dma_start3A_125 = arith.constant 0 : i32
      %dma_start3A_126 = tpu.memref_slice %arg9[%add3A_23, %dma_start3A_125] : memref<10240x64xf32, #tpu.memory_space<vmem_shared>> -> memref<128x64xf32, #tpu.memory_space<vmem_shared>>
      %dma_start3A_127 = arith.constant 0 : i32
      %dma_start3A_128 = arith.constant 0 : i32
      %dma_start3A_129 = tpu.memref_slice %arg8[%run_scoped3A, %dma_start3A_127, %dma_start3A_128] : memref<4x128x64xf32, #tpu.memory_space<vmem>> -> memref<1x128x64xf32, #tpu.memory_space<vmem>>
      %dma_start3A_130 = tpu.memref_squeeze %dma_start3A_129 : memref<1x128x64xf32, #tpu.memory_space<vmem>> -> memref<128x64xf32, #tpu.memory_space<vmem>>
      tpu.enqueue_dma source(%dma_start3A_130 : memref<128x64xf32, #tpu.memory_space<vmem>>) target(%dma_start3A_126 : memref<128x64xf32, #tpu.memory_space<vmem_shared>>) target_semaphore(%run_scoped3A_118 : memref<!tpu.dma_semaphore, #tpu.memory_space<semaphore_mem>>)
      %dma_wait3A_131 = arith.constant 0 : i32
      %dma_wait3A_132 = arith.constant 0 : i32
      %dma_wait3A_133 = tpu.memref_slice %arg8[%run_scoped3A, %dma_wait3A_131, %dma_wait3A_132] : memref<4x128x64xf32, #tpu.memory_space<vmem>> -> memref<1x128x64xf32, #tpu.memory_space<vmem>>
      %dma_wait3A_134 = tpu.memref_squeeze %dma_wait3A_133 : memref<1x128x64xf32, #tpu.memory_space<vmem>> -> memref<128x64xf32, #tpu.memory_space<vmem>>
      %dma_wait3A_135 = arith.constant 0 : i32
      %dma_wait3A_136 = tpu.memref_slice %arg9[%add3A_23, %dma_wait3A_135] : memref<10240x64xf32, #tpu.memory_space<vmem_shared>> -> memref<128x64xf32, #tpu.memory_space<vmem_shared>>
      %dma_wait3A_137 = arith.constant 0 : i32
      %dma_wait3A_138 = tpu.memref_slice %arg9[%add3A_23, %dma_wait3A_137] : memref<10240x64xf32, #tpu.memory_space<vmem_shared>> -> memref<128x64xf32, #tpu.memory_space<vmem_shared>>
      %dma_wait3A_139 = arith.constant 0 : i32
      %dma_wait3A_140 = arith.constant 0 : i32
      %dma_wait3A_141 = tpu.memref_slice %arg8[%run_scoped3A, %dma_wait3A_139, %dma_wait3A_140] : memref<4x128x64xf32, #tpu.memory_space<vmem>> -> memref<1x128x64xf32, #tpu.memory_space<vmem>>
      %dma_wait3A_142 = tpu.memref_squeeze %dma_wait3A_141 : memref<1x128x64xf32, #tpu.memory_space<vmem>> -> memref<128x64xf32, #tpu.memory_space<vmem>>
      tpu.wait_dma2 semaphore(%run_scoped3A_118 : memref<!tpu.dma_semaphore, #tpu.memory_space<semaphore_mem>>) src(%dma_wait3A_142 : memref<128x64xf32, #tpu.memory_space<vmem>>) dst(%dma_wait3A_138 : memref<128x64xf32, #tpu.memory_space<vmem_shared>>)
      tpu.yield
    }) : () -> ()
    %mul3A_24 = arith.constant 640 : i32
    %mul3A_25 = arith.muli %arg1, %mul3A_24 : i32
    %add3A_26 = arith.constant 128 : i32
    %add3A_27 = arith.addi %mul3A_25, %add3A_26 : i32
    %run_scoped3A_28 = arith.constant 0 : i32
    "tpu.region"() ({
      %run_scoped3A_118 = tpu.sem_alloc : memref<!tpu.dma_semaphore, #tpu.memory_space<semaphore_mem>>
      %dma_start3A_119 = arith.constant 0 : i32
      %dma_start3A_120 = arith.constant 0 : i32
      %dma_start3A_121 = tpu.memref_slice %arg8[%run_scoped3A_28, %dma_start3A_119, %dma_start3A_120] : memref<4x128x64xf32, #tpu.memory_space<vmem>> -> memref<1x128x64xf32, #tpu.memory_space<vmem>>
      %dma_start3A_122 = tpu.memref_squeeze %dma_start3A_121 : memref<1x128x64xf32, #tpu.memory_space<vmem>> -> memref<128x64xf32, #tpu.memory_space<vmem>>
      %dma_start3A_123 = arith.constant 0 : i32
      %dma_start3A_124 = tpu.memref_slice %arg9[%add3A_27, %dma_start3A_123] : memref<10240x64xf32, #tpu.memory_space<vmem_shared>> -> memref<128x64xf32, #tpu.memory_space<vmem_shared>>
      %dma_start3A_125 = arith.constant 0 : i32
      %dma_start3A_126 = tpu.memref_slice %arg9[%add3A_27, %dma_start3A_125] : memref<10240x64xf32, #tpu.memory_space<vmem_shared>> -> memref<128x64xf32, #tpu.memory_space<vmem_shared>>
      %dma_start3A_127 = arith.constant 0 : i32
      %dma_start3A_128 = arith.constant 0 : i32
      %dma_start3A_129 = tpu.memref_slice %arg8[%run_scoped3A_28, %dma_start3A_127, %dma_start3A_128] : memref<4x128x64xf32, #tpu.memory_space<vmem>> -> memref<1x128x64xf32, #tpu.memory_space<vmem>>
      %dma_start3A_130 = tpu.memref_squeeze %dma_start3A_129 : memref<1x128x64xf32, #tpu.memory_space<vmem>> -> memref<128x64xf32, #tpu.memory_space<vmem>>
      tpu.enqueue_dma source(%dma_start3A_130 : memref<128x64xf32, #tpu.memory_space<vmem>>) target(%dma_start3A_126 : memref<128x64xf32, #tpu.memory_space<vmem_shared>>) target_semaphore(%run_scoped3A_118 : memref<!tpu.dma_semaphore, #tpu.memory_space<semaphore_mem>>)
      %dma_wait3A_131 = arith.constant 0 : i32
      %dma_wait3A_132 = arith.constant 0 : i32
      %dma_wait3A_133 = tpu.memref_slice %arg8[%run_scoped3A_28, %dma_wait3A_131, %dma_wait3A_132] : memref<4x128x64xf32, #tpu.memory_space<vmem>> -> memref<1x128x64xf32, #tpu.memory_space<vmem>>
      %dma_wait3A_134 = tpu.memref_squeeze %dma_wait3A_133 : memref<1x128x64xf32, #tpu.memory_space<vmem>> -> memref<128x64xf32, #tpu.memory_space<vmem>>
      %dma_wait3A_135 = arith.constant 0 : i32
      %dma_wait3A_136 = tpu.memref_slice %arg9[%add3A_27, %dma_wait3A_135] : memref<10240x64xf32, #tpu.memory_space<vmem_shared>> -> memref<128x64xf32, #tpu.memory_space<vmem_shared>>
      %dma_wait3A_137 = arith.constant 0 : i32
      %dma_wait3A_138 = tpu.memref_slice %arg9[%add3A_27, %dma_wait3A_137] : memref<10240x64xf32, #tpu.memory_space<vmem_shared>> -> memref<128x64xf32, #tpu.memory_space<vmem_shared>>
      %dma_wait3A_139 = arith.constant 0 : i32
      %dma_wait3A_140 = arith.constant 0 : i32
      %dma_wait3A_141 = tpu.memref_slice %arg8[%run_scoped3A_28, %dma_wait3A_139, %dma_wait3A_140] : memref<4x128x64xf32, #tpu.memory_space<vmem>> -> memref<1x128x64xf32, #tpu.memory_space<vmem>>
      %dma_wait3A_142 = tpu.memref_squeeze %dma_wait3A_141 : memref<1x128x64xf32, #tpu.memory_space<vmem>> -> memref<128x64xf32, #tpu.memory_space<vmem>>
      tpu.wait_dma2 semaphore(%run_scoped3A_118 : memref<!tpu.dma_semaphore, #tpu.memory_space<semaphore_mem>>) src(%dma_wait3A_142 : memref<128x64xf32, #tpu.memory_space<vmem>>) dst(%dma_wait3A_138 : memref<128x64xf32, #tpu.memory_space<vmem_shared>>)
      tpu.yield
    }) : () -> ()
    %mul3A_29 = arith.constant 640 : i32
    %mul3A_30 = arith.muli %arg1, %mul3A_29 : i32
    %add3A_31 = arith.constant 256 : i32
    %add3A_32 = arith.addi %mul3A_30, %add3A_31 : i32
    %run_scoped3A_33 = arith.constant 0 : i32
    "tpu.region"() ({
      %run_scoped3A_118 = tpu.sem_alloc : memref<!tpu.dma_semaphore, #tpu.memory_space<semaphore_mem>>
      %dma_start3A_119 = arith.constant 0 : i32
      %dma_start3A_120 = arith.constant 0 : i32
      %dma_start3A_121 = tpu.memref_slice %arg8[%run_scoped3A_33, %dma_start3A_119, %dma_start3A_120] : memref<4x128x64xf32, #tpu.memory_space<vmem>> -> memref<1x128x64xf32, #tpu.memory_space<vmem>>
      %dma_start3A_122 = tpu.memref_squeeze %dma_start3A_121 : memref<1x128x64xf32, #tpu.memory_space<vmem>> -> memref<128x64xf32, #tpu.memory_space<vmem>>
      %dma_start3A_123 = arith.constant 0 : i32
      %dma_start3A_124 = tpu.memref_slice %arg9[%add3A_32, %dma_start3A_123] : memref<10240x64xf32, #tpu.memory_space<vmem_shared>> -> memref<128x64xf32, #tpu.memory_space<vmem_shared>>
      %dma_start3A_125 = arith.constant 0 : i32
      %dma_start3A_126 = tpu.memref_slice %arg9[%add3A_32, %dma_start3A_125] : memref<10240x64xf32, #tpu.memory_space<vmem_shared>> -> memref<128x64xf32, #tpu.memory_space<vmem_shared>>
      %dma_start3A_127 = arith.constant 0 : i32
      %dma_start3A_128 = arith.constant 0 : i32
      %dma_start3A_129 = tpu.memref_slice %arg8[%run_scoped3A_33, %dma_start3A_127, %dma_start3A_128] : memref<4x128x64xf32, #tpu.memory_space<vmem>> -> memref<1x128x64xf32, #tpu.memory_space<vmem>>
      %dma_start3A_130 = tpu.memref_squeeze %dma_start3A_129 : memref<1x128x64xf32, #tpu.memory_space<vmem>> -> memref<128x64xf32, #tpu.memory_space<vmem>>
      tpu.enqueue_dma source(%dma_start3A_130 : memref<128x64xf32, #tpu.memory_space<vmem>>) target(%dma_start3A_126 : memref<128x64xf32, #tpu.memory_space<vmem_shared>>) target_semaphore(%run_scoped3A_118 : memref<!tpu.dma_semaphore, #tpu.memory_space<semaphore_mem>>)
      %dma_wait3A_131 = arith.constant 0 : i32
      %dma_wait3A_132 = arith.constant 0 : i32
      %dma_wait3A_133 = tpu.memref_slice %arg8[%run_scoped3A_33, %dma_wait3A_131, %dma_wait3A_132] : memref<4x128x64xf32, #tpu.memory_space<vmem>> -> memref<1x128x64xf32, #tpu.memory_space<vmem>>
      %dma_wait3A_134 = tpu.memref_squeeze %dma_wait3A_133 : memref<1x128x64xf32, #tpu.memory_space<vmem>> -> memref<128x64xf32, #tpu.memory_space<vmem>>
      %dma_wait3A_135 = arith.constant 0 : i32
      %dma_wait3A_136 = tpu.memref_slice %arg9[%add3A_32, %dma_wait3A_135] : memref<10240x64xf32, #tpu.memory_space<vmem_shared>> -> memref<128x64xf32, #tpu.memory_space<vmem_shared>>
      %dma_wait3A_137 = arith.constant 0 : i32
      %dma_wait3A_138 = tpu.memref_slice %arg9[%add3A_32, %dma_wait3A_137] : memref<10240x64xf32, #tpu.memory_space<vmem_shared>> -> memref<128x64xf32, #tpu.memory_space<vmem_shared>>
      %dma_wait3A_139 = arith.constant 0 : i32
      %dma_wait3A_140 = arith.constant 0 : i32
      %dma_wait3A_141 = tpu.memref_slice %arg8[%run_scoped3A_33, %dma_wait3A_139, %dma_wait3A_140] : memref<4x128x64xf32, #tpu.memory_space<vmem>> -> memref<1x128x64xf32, #tpu.memory_space<vmem>>
      %dma_wait3A_142 = tpu.memref_squeeze %dma_wait3A_141 : memref<1x128x64xf32, #tpu.memory_space<vmem>> -> memref<128x64xf32, #tpu.memory_space<vmem>>
      tpu.wait_dma2 semaphore(%run_scoped3A_118 : memref<!tpu.dma_semaphore, #tpu.memory_space<semaphore_mem>>) src(%dma_wait3A_142 : memref<128x64xf32, #tpu.memory_space<vmem>>) dst(%dma_wait3A_138 : memref<128x64xf32, #tpu.memory_space<vmem_shared>>)
      tpu.yield
    }) : () -> ()
    %mul3A_34 = arith.constant 640 : i32
    %mul3A_35 = arith.muli %arg1, %mul3A_34 : i32
    %add3A_36 = arith.constant 384 : i32
    %add3A_37 = arith.addi %mul3A_35, %add3A_36 : i32
    %run_scoped3A_38 = arith.constant 0 : i32
    "tpu.region"() ({
      %run_scoped3A_118 = tpu.sem_alloc : memref<!tpu.dma_semaphore, #tpu.memory_space<semaphore_mem>>
      %dma_start3A_119 = arith.constant 0 : i32
      %dma_start3A_120 = arith.constant 0 : i32
      %dma_start3A_121 = tpu.memref_slice %arg8[%run_scoped3A_38, %dma_start3A_119, %dma_start3A_120] : memref<4x128x64xf32, #tpu.memory_space<vmem>> -> memref<1x128x64xf32, #tpu.memory_space<vmem>>
      %dma_start3A_122 = tpu.memref_squeeze %dma_start3A_121 : memref<1x128x64xf32, #tpu.memory_space<vmem>> -> memref<128x64xf32, #tpu.memory_space<vmem>>
      %dma_start3A_123 = arith.constant 0 : i32
      %dma_start3A_124 = tpu.memref_slice %arg9[%add3A_37, %dma_start3A_123] : memref<10240x64xf32, #tpu.memory_space<vmem_shared>> -> memref<128x64xf32, #tpu.memory_space<vmem_shared>>
      %dma_start3A_125 = arith.constant 0 : i32
      %dma_start3A_126 = tpu.memref_slice %arg9[%add3A_37, %dma_start3A_125] : memref<10240x64xf32, #tpu.memory_space<vmem_shared>> -> memref<128x64xf32, #tpu.memory_space<vmem_shared>>
      %dma_start3A_127 = arith.constant 0 : i32
      %dma_start3A_128 = arith.constant 0 : i32
      %dma_start3A_129 = tpu.memref_slice %arg8[%run_scoped3A_38, %dma_start3A_127, %dma_start3A_128] : memref<4x128x64xf32, #tpu.memory_space<vmem>> -> memref<1x128x64xf32, #tpu.memory_space<vmem>>
      %dma_start3A_130 = tpu.memref_squeeze %dma_start3A_129 : memref<1x128x64xf32, #tpu.memory_space<vmem>> -> memref<128x64xf32, #tpu.memory_space<vmem>>
      tpu.enqueue_dma source(%dma_start3A_130 : memref<128x64xf32, #tpu.memory_space<vmem>>) target(%dma_start3A_126 : memref<128x64xf32, #tpu.memory_space<vmem_shared>>) target_semaphore(%run_scoped3A_118 : memref<!tpu.dma_semaphore, #tpu.memory_space<semaphore_mem>>)
      %dma_wait3A_131 = arith.constant 0 : i32
      %dma_wait3A_132 = arith.constant 0 : i32
      %dma_wait3A_133 = tpu.memref_slice %arg8[%run_scoped3A_38, %dma_wait3A_131, %dma_wait3A_132] : memref<4x128x64xf32, #tpu.memory_space<vmem>> -> memref<1x128x64xf32, #tpu.memory_space<vmem>>
      %dma_wait3A_134 = tpu.memref_squeeze %dma_wait3A_133 : memref<1x128x64xf32, #tpu.memory_space<vmem>> -> memref<128x64xf32, #tpu.memory_space<vmem>>
      %dma_wait3A_135 = arith.constant 0 : i32
      %dma_wait3A_136 = tpu.memref_slice %arg9[%add3A_37, %dma_wait3A_135] : memref<10240x64xf32, #tpu.memory_space<vmem_shared>> -> memref<128x64xf32, #tpu.memory_space<vmem_shared>>
      %dma_wait3A_137 = arith.constant 0 : i32
      %dma_wait3A_138 = tpu.memref_slice %arg9[%add3A_37, %dma_wait3A_137] : memref<10240x64xf32, #tpu.memory_space<vmem_shared>> -> memref<128x64xf32, #tpu.memory_space<vmem_shared>>
      %dma_wait3A_139 = arith.constant 0 : i32
      %dma_wait3A_140 = arith.constant 0 : i32
      %dma_wait3A_141 = tpu.memref_slice %arg8[%run_scoped3A_38, %dma_wait3A_139, %dma_wait3A_140] : memref<4x128x64xf32, #tpu.memory_space<vmem>> -> memref<1x128x64xf32, #tpu.memory_space<vmem>>
      %dma_wait3A_142 = tpu.memref_squeeze %dma_wait3A_141 : memref<1x128x64xf32, #tpu.memory_space<vmem>> -> memref<128x64xf32, #tpu.memory_space<vmem>>
      tpu.wait_dma2 semaphore(%run_scoped3A_118 : memref<!tpu.dma_semaphore, #tpu.memory_space<semaphore_mem>>) src(%dma_wait3A_142 : memref<128x64xf32, #tpu.memory_space<vmem>>) dst(%dma_wait3A_138 : memref<128x64xf32, #tpu.memory_space<vmem_shared>>)
      tpu.yield
    }) : () -> ()
    %mul3A_39 = arith.constant 640 : i32
    %mul3A_40 = arith.muli %arg1, %mul3A_39 : i32
    %add3A_41 = arith.constant 512 : i32
    %add3A_42 = arith.addi %mul3A_40, %add3A_41 : i32
    %run_scoped3A_43 = arith.constant 0 : i32
    "tpu.region"() ({
      %run_scoped3A_118 = tpu.sem_alloc : memref<!tpu.dma_semaphore, #tpu.memory_space<semaphore_mem>>
      %dma_start3A_119 = arith.constant 0 : i32
      %dma_start3A_120 = arith.constant 0 : i32
      %dma_start3A_121 = tpu.memref_slice %arg8[%run_scoped3A_43, %dma_start3A_119, %dma_start3A_120] : memref<4x128x64xf32, #tpu.memory_space<vmem>> -> memref<1x128x64xf32, #tpu.memory_space<vmem>>
      %dma_start3A_122 = tpu.memref_squeeze %dma_start3A_121 : memref<1x128x64xf32, #tpu.memory_space<vmem>> -> memref<128x64xf32, #tpu.memory_space<vmem>>
      %dma_start3A_123 = arith.constant 0 : i32
      %dma_start3A_124 = tpu.memref_slice %arg9[%add3A_42, %dma_start3A_123] : memref<10240x64xf32, #tpu.memory_space<vmem_shared>> -> memref<128x64xf32, #tpu.memory_space<vmem_shared>>
      %dma_start3A_125 = arith.constant 0 : i32
      %dma_start3A_126 = tpu.memref_slice %arg9[%add3A_42, %dma_start3A_125] : memref<10240x64xf32, #tpu.memory_space<vmem_shared>> -> memref<128x64xf32, #tpu.memory_space<vmem_shared>>
      %dma_start3A_127 = arith.constant 0 : i32
      %dma_start3A_128 = arith.constant 0 : i32
      %dma_start3A_129 = tpu.memref_slice %arg8[%run_scoped3A_43, %dma_start3A_127, %dma_start3A_128] : memref<4x128x64xf32, #tpu.memory_space<vmem>> -> memref<1x128x64xf32, #tpu.memory_space<vmem>>
      %dma_start3A_130 = tpu.memref_squeeze %dma_start3A_129 : memref<1x128x64xf32, #tpu.memory_space<vmem>> -> memref<128x64xf32, #tpu.memory_space<vmem>>
      tpu.enqueue_dma source(%dma_start3A_130 : memref<128x64xf32, #tpu.memory_space<vmem>>) target(%dma_start3A_126 : memref<128x64xf32, #tpu.memory_space<vmem_shared>>) target_semaphore(%run_scoped3A_118 : memref<!tpu.dma_semaphore, #tpu.memory_space<semaphore_mem>>)
      %dma_wait3A_131 = arith.constant 0 : i32
      %dma_wait3A_132 = arith.constant 0 : i32
      %dma_wait3A_133 = tpu.memref_slice %arg8[%run_scoped3A_43, %dma_wait3A_131, %dma_wait3A_132] : memref<4x128x64xf32, #tpu.memory_space<vmem>> -> memref<1x128x64xf32, #tpu.memory_space<vmem>>
      %dma_wait3A_134 = tpu.memref_squeeze %dma_wait3A_133 : memref<1x128x64xf32, #tpu.memory_space<vmem>> -> memref<128x64xf32, #tpu.memory_space<vmem>>
      %dma_wait3A_135 = arith.constant 0 : i32
      %dma_wait3A_136 = tpu.memref_slice %arg9[%add3A_42, %dma_wait3A_135] : memref<10240x64xf32, #tpu.memory_space<vmem_shared>> -> memref<128x64xf32, #tpu.memory_space<vmem_shared>>
      %dma_wait3A_137 = arith.constant 0 : i32
      %dma_wait3A_138 = tpu.memref_slice %arg9[%add3A_42, %dma_wait3A_137] : memref<10240x64xf32, #tpu.memory_space<vmem_shared>> -> memref<128x64xf32, #tpu.memory_space<vmem_shared>>
      %dma_wait3A_139 = arith.constant 0 : i32
      %dma_wait3A_140 = arith.constant 0 : i32
      %dma_wait3A_141 = tpu.memref_slice %arg8[%run_scoped3A_43, %dma_wait3A_139, %dma_wait3A_140] : memref<4x128x64xf32, #tpu.memory_space<vmem>> -> memref<1x128x64xf32, #tpu.memory_space<vmem>>
      %dma_wait3A_142 = tpu.memref_squeeze %dma_wait3A_141 : memref<1x128x64xf32, #tpu.memory_space<vmem>> -> memref<128x64xf32, #tpu.memory_space<vmem>>
      tpu.wait_dma2 semaphore(%run_scoped3A_118 : memref<!tpu.dma_semaphore, #tpu.memory_space<semaphore_mem>>) src(%dma_wait3A_142 : memref<128x64xf32, #tpu.memory_space<vmem>>) dst(%dma_wait3A_138 : memref<128x64xf32, #tpu.memory_space<vmem_shared>>)
      tpu.yield
    }) : () -> ()
    %barrier3A = arith.constant 0 : index
    tpu.barrier barrier_id(%barrier3A)
    %dma_start3A = arith.constant 0 : i32
    %dma_start3A_44 = arith.constant 0 : i32
    %dma_start3A_45 = arith.constant 0 : i32
    %dma_start3A_46 = arith.constant 0 : i32
    %dma_start3A_47 = arith.constant 0 : i32
    %dma_start3A_48 = tpu.memref_slice %arg8[%dma_start3A_44, %dma_start3A_46, %dma_start3A_47] : memref<4x128x64xf32, #tpu.memory_space<vmem>> -> memref<1x128x64xf32, #tpu.memory_space<vmem>>
    %dma_start3A_49 = tpu.memref_squeeze %dma_start3A_48 : memref<1x128x64xf32, #tpu.memory_space<vmem>> -> memref<128x64xf32, #tpu.memory_space<vmem>>
    %dma_start3A_50 = arith.constant 0 : i32
    %dma_start3A_51 = tpu.memref_slice %arg6[%dma_start3A, %dma_start3A_50] : memref<105x128xi32, #tpu.memory_space<vmem>> -> memref<1x128xi32, #tpu.memory_space<vmem>>
    %dma_start3A_52 = tpu.memref_squeeze %dma_start3A_51 : memref<1x128xi32, #tpu.memory_space<vmem>> -> memref<128xi32, #tpu.memory_space<vmem>>
    %dma_start3A_53 = arith.constant 0 : i32
    %dma_start3A_54 = arith.constant 0 : i32
    %dma_start3A_55 = tpu.memref_slice %arg2[%dma_start3A_53, %dma_start3A_54] : memref<10000x64xf32, #tpu.memory_space<hbm>> -> memref<10000x64xf32, #tpu.memory_space<hbm>>
    %dma_start3A_56 = tpu.memref_slice %arg10[%dma_start3A_45] : memref<4x!tpu.dma_semaphore, #tpu.memory_space<semaphore_mem>> -> memref<1x!tpu.dma_semaphore, #tpu.memory_space<semaphore_mem>>
    %dma_start3A_57 = tpu.memref_squeeze %dma_start3A_56 : memref<1x!tpu.dma_semaphore, #tpu.memory_space<semaphore_mem>> -> memref<!tpu.dma_semaphore, #tpu.memory_space<semaphore_mem>>
    tpu.enqueue_indirect_dma source(%dma_start3A_55 : memref<10000x64xf32, #tpu.memory_space<hbm>>) target(%dma_start3A_49 : memref<128x64xf32, #tpu.memory_space<vmem>>) offsets(%dma_start3A_52 : memref<128xi32, #tpu.memory_space<vmem>>) semaphore(%dma_start3A_57 : memref<!tpu.dma_semaphore, #tpu.memory_space<semaphore_mem>>)
    %dma_start3A_58 = arith.constant 1 : i32
    %dma_start3A_59 = arith.constant 1 : i32
    %dma_start3A_60 = arith.constant 1 : i32
    %dma_start3A_61 = arith.constant 0 : i32
    %dma_start3A_62 = arith.constant 0 : i32
    %dma_start3A_63 = tpu.memref_slice %arg8[%dma_start3A_59, %dma_start3A_61, %dma_start3A_62] : memref<4x128x64xf32, #tpu.memory_space<vmem>> -> memref<1x128x64xf32, #tpu.memory_space<vmem>>
    %dma_start3A_64 = tpu.memref_squeeze %dma_start3A_63 : memref<1x128x64xf32, #tpu.memory_space<vmem>> -> memref<128x64xf32, #tpu.memory_space<vmem>>
    %dma_start3A_65 = arith.constant 0 : i32
    %dma_start3A_66 = tpu.memref_slice %arg6[%dma_start3A_58, %dma_start3A_65] : memref<105x128xi32, #tpu.memory_space<vmem>> -> memref<1x128xi32, #tpu.memory_space<vmem>>
    %dma_start3A_67 = tpu.memref_squeeze %dma_start3A_66 : memref<1x128xi32, #tpu.memory_space<vmem>> -> memref<128xi32, #tpu.memory_space<vmem>>
    %dma_start3A_68 = arith.constant 0 : i32
    %dma_start3A_69 = arith.constant 0 : i32
    %dma_start3A_70 = tpu.memref_slice %arg2[%dma_start3A_68, %dma_start3A_69] : memref<10000x64xf32, #tpu.memory_space<hbm>> -> memref<10000x64xf32, #tpu.memory_space<hbm>>
    %dma_start3A_71 = tpu.memref_slice %arg10[%dma_start3A_60] : memref<4x!tpu.dma_semaphore, #tpu.memory_space<semaphore_mem>> -> memref<1x!tpu.dma_semaphore, #tpu.memory_space<semaphore_mem>>
    %dma_start3A_72 = tpu.memref_squeeze %dma_start3A_71 : memref<1x!tpu.dma_semaphore, #tpu.memory_space<semaphore_mem>> -> memref<!tpu.dma_semaphore, #tpu.memory_space<semaphore_mem>>
    tpu.enqueue_indirect_dma source(%dma_start3A_70 : memref<10000x64xf32, #tpu.memory_space<hbm>>) target(%dma_start3A_64 : memref<128x64xf32, #tpu.memory_space<vmem>>) offsets(%dma_start3A_67 : memref<128xi32, #tpu.memory_space<vmem>>) semaphore(%dma_start3A_72 : memref<!tpu.dma_semaphore, #tpu.memory_space<semaphore_mem>>)
    %while3A = arith.constant 0 : i32
    %while3A_73 = arith.constant 0 : i32
    %while3A_74 = arith.subi %select_n3A, %while3A : i32
    %while3A_75 = arith.addi %while3A, %while3A_74 : i32
    %while3A_76 = arith.constant 1 : i32
    %while3A_77 = arith.divsi %while3A_74, %while3A_76 : i32
    %while3A_78 = arith.muli %while3A_77, %while3A_76 : i32
    %while3A_79 = arith.addi %while3A, %while3A_78 : i32
    %while3A_80 = arith.constant 1 : i32
    %while3A_81 = scf.for %while3A_118 = %while3A to %while3A_79 step %while3A_80 iter_args(%while3A_119 = %while3A_73) -> (i32)  : i32 {
      %rem3A_120 = arith.constant 4 : i32
      %rem3A_121 = arith.remsi %while3A_118, %rem3A_120 : i32
      %dma_wait3A_122 = arith.constant 0 : i32
      %dma_wait3A_123 = arith.constant 0 : i32
      %dma_wait3A_124 = tpu.memref_slice %arg8[%rem3A_121, %dma_wait3A_122, %dma_wait3A_123] : memref<4x128x64xf32, #tpu.memory_space<vmem>> -> memref<1x128x64xf32, #tpu.memory_space<vmem>>
      %dma_wait3A_125 = tpu.memref_squeeze %dma_wait3A_124 : memref<1x128x64xf32, #tpu.memory_space<vmem>> -> memref<128x64xf32, #tpu.memory_space<vmem>>
      %dma_wait3A_126 = arith.constant 0 : i32
      %dma_wait3A_127 = tpu.memref_slice %arg6[%while3A_118, %dma_wait3A_126] : memref<105x128xi32, #tpu.memory_space<vmem>> -> memref<1x128xi32, #tpu.memory_space<vmem>>
      %dma_wait3A_128 = tpu.memref_squeeze %dma_wait3A_127 : memref<1x128xi32, #tpu.memory_space<vmem>> -> memref<128xi32, #tpu.memory_space<vmem>>
      %dma_wait3A_129 = arith.constant 0 : i32
      %dma_wait3A_130 = arith.constant 0 : i32
      %dma_wait3A_131 = tpu.memref_slice %arg2[%dma_wait3A_129, %dma_wait3A_130] : memref<10000x64xf32, #tpu.memory_space<hbm>> -> memref<10000x64xf32, #tpu.memory_space<hbm>>
      %dma_wait3A_132 = tpu.memref_slice %arg10[%rem3A_121] : memref<4x!tpu.dma_semaphore, #tpu.memory_space<semaphore_mem>> -> memref<1x!tpu.dma_semaphore, #tpu.memory_space<semaphore_mem>>
      %dma_wait3A_133 = tpu.memref_squeeze %dma_wait3A_132 : memref<1x!tpu.dma_semaphore, #tpu.memory_space<semaphore_mem>> -> memref<!tpu.dma_semaphore, #tpu.memory_space<semaphore_mem>>
      tpu.wait_indirect_dma semaphore(%dma_wait3A_133 : memref<!tpu.dma_semaphore, #tpu.memory_space<semaphore_mem>>) src(%dma_wait3A_131 : memref<10000x64xf32, #tpu.memory_space<hbm>>) dst(%dma_wait3A_125 : memref<128x64xf32, #tpu.memory_space<vmem>>)
      %ge3A = arith.constant 2 : i32
      %ge3A_134 = arith.cmpi sge, %while3A_118, %ge3A : i32
      %convert_element_type3A_135 = arith.extui %ge3A_134 : i1 to i32
      %cond3A_136 = arith.constant 0 : i32
      %cond3A_137 = arith.cmpi ne, %convert_element_type3A_135, %cond3A_136 : i32
      scf.if %cond3A_137 {
        %sub3A_157 = arith.constant 2 : i32
        %sub3A_158 = arith.subi %while3A_118, %sub3A_157 : i32
        %rem3A_159 = arith.constant 4 : i32
        %rem3A_160 = arith.remsi %sub3A_158, %rem3A_159 : i32
        %sub3A_161 = arith.constant 2 : i32
        %sub3A_162 = arith.subi %while3A_118, %sub3A_161 : i32
        %dma_wait3A_163 = arith.constant 0 : i32
        %dma_wait3A_164 = arith.constant 0 : i32
        %dma_wait3A_165 = tpu.memref_slice %arg8[%rem3A_160, %dma_wait3A_163, %dma_wait3A_164] : memref<4x128x64xf32, #tpu.memory_space<vmem>> -> memref<1x128x64xf32, #tpu.memory_space<vmem>>
        %dma_wait3A_166 = tpu.memref_squeeze %dma_wait3A_165 : memref<1x128x64xf32, #tpu.memory_space<vmem>> -> memref<128x64xf32, #tpu.memory_space<vmem>>
        %dma_wait3A_167 = arith.constant 0 : i32
        %dma_wait3A_168 = tpu.memref_slice %arg7[%sub3A_162, %dma_wait3A_167] : memref<105x128xi32, #tpu.memory_space<vmem>> -> memref<1x128xi32, #tpu.memory_space<vmem>>
        %dma_wait3A_169 = tpu.memref_squeeze %dma_wait3A_168 : memref<1x128xi32, #tpu.memory_space<vmem>> -> memref<128xi32, #tpu.memory_space<vmem>>
        %dma_wait3A_170 = arith.constant 0 : i32
        %dma_wait3A_171 = arith.constant 0 : i32
        %dma_wait3A_172 = tpu.memref_slice %arg9[%dma_wait3A_170, %dma_wait3A_171] : memref<10240x64xf32, #tpu.memory_space<vmem_shared>> -> memref<10240x64xf32, #tpu.memory_space<vmem_shared>>
        %dma_wait3A_173 = tpu.memref_slice %arg11[%rem3A_160] : memref<4x!tpu.dma_semaphore, #tpu.memory_space<semaphore_mem>> -> memref<1x!tpu.dma_semaphore, #tpu.memory_space<semaphore_mem>>
        %dma_wait3A_174 = tpu.memref_squeeze %dma_wait3A_173 : memref<1x!tpu.dma_semaphore, #tpu.memory_space<semaphore_mem>> -> memref<!tpu.dma_semaphore, #tpu.memory_space<semaphore_mem>>
        tpu.wait_indirect_dma semaphore(%dma_wait3A_174 : memref<!tpu.dma_semaphore, #tpu.memory_space<semaphore_mem>>) src(%dma_wait3A_166 : memref<128x64xf32, #tpu.memory_space<vmem>>) dst(%dma_wait3A_172 : memref<10240x64xf32, #tpu.memory_space<vmem_shared>>)
      } else {
      }
      %add3A_138 = arith.constant 2 : i32
      %add3A_139 = arith.addi %while3A_118, %add3A_138 : i32
      %lt3A_140 = arith.cmpi slt, %add3A_139, %select_n3A : i32
      %convert_element_type3A_141 = arith.extui %lt3A_140 : i1 to i32
      %cond3A_142 = arith.constant 0 : i32
      %cond3A_143 = arith.cmpi ne, %convert_element_type3A_141, %cond3A_142 : i32
      scf.if %cond3A_143 {
        %add3A_157 = arith.constant 2 : i32
        %add3A_158 = arith.addi %while3A_118, %add3A_157 : i32
        %rem3A_159 = arith.constant 4 : i32
        %rem3A_160 = arith.remsi %add3A_158, %rem3A_159 : i32
        %add3A_161 = arith.constant 2 : i32
        %add3A_162 = arith.addi %while3A_118, %add3A_161 : i32
        %dma_start3A_163 = arith.constant 0 : i32
        %dma_start3A_164 = arith.constant 0 : i32
        %dma_start3A_165 = tpu.memref_slice %arg8[%rem3A_160, %dma_start3A_163, %dma_start3A_164] : memref<4x128x64xf32, #tpu.memory_space<vmem>> -> memref<1x128x64xf32, #tpu.memory_space<vmem>>
        %dma_start3A_166 = tpu.memref_squeeze %dma_start3A_165 : memref<1x128x64xf32, #tpu.memory_space<vmem>> -> memref<128x64xf32, #tpu.memory_space<vmem>>
        %dma_start3A_167 = arith.constant 0 : i32
        %dma_start3A_168 = tpu.memref_slice %arg6[%add3A_162, %dma_start3A_167] : memref<105x128xi32, #tpu.memory_space<vmem>> -> memref<1x128xi32, #tpu.memory_space<vmem>>
        %dma_start3A_169 = tpu.memref_squeeze %dma_start3A_168 : memref<1x128xi32, #tpu.memory_space<vmem>> -> memref<128xi32, #tpu.memory_space<vmem>>
        %dma_start3A_170 = arith.constant 0 : i32
        %dma_start3A_171 = arith.constant 0 : i32
        %dma_start3A_172 = tpu.memref_slice %arg2[%dma_start3A_170, %dma_start3A_171] : memref<10000x64xf32, #tpu.memory_space<hbm>> -> memref<10000x64xf32, #tpu.memory_space<hbm>>
        %dma_start3A_173 = tpu.memref_slice %arg10[%rem3A_160] : memref<4x!tpu.dma_semaphore, #tpu.memory_space<semaphore_mem>> -> memref<1x!tpu.dma_semaphore, #tpu.memory_space<semaphore_mem>>
        %dma_start3A_174 = tpu.memref_squeeze %dma_start3A_173 : memref<1x!tpu.dma_semaphore, #tpu.memory_space<semaphore_mem>> -> memref<!tpu.dma_semaphore, #tpu.memory_space<semaphore_mem>>
        tpu.enqueue_indirect_dma source(%dma_start3A_172 : memref<10000x64xf32, #tpu.memory_space<hbm>>) target(%dma_start3A_166 : memref<128x64xf32, #tpu.memory_space<vmem>>) offsets(%dma_start3A_169 : memref<128xi32, #tpu.memory_space<vmem>>) semaphore(%dma_start3A_174 : memref<!tpu.dma_semaphore, #tpu.memory_space<semaphore_mem>>)
      } else {
      }
      %dma_start3A_144 = arith.constant 0 : i32
      %dma_start3A_145 = arith.constant 0 : i32
      %dma_start3A_146 = tpu.memref_slice %arg8[%rem3A_121, %dma_start3A_144, %dma_start3A_145] : memref<4x128x64xf32, #tpu.memory_space<vmem>> -> memref<1x128x64xf32, #tpu.memory_space<vmem>>
      %dma_start3A_147 = tpu.memref_squeeze %dma_start3A_146 : memref<1x128x64xf32, #tpu.memory_space<vmem>> -> memref<128x64xf32, #tpu.memory_space<vmem>>
      %dma_start3A_148 = arith.constant 0 : i32
      %dma_start3A_149 = tpu.memref_slice %arg7[%while3A_118, %dma_start3A_148] : memref<105x128xi32, #tpu.memory_space<vmem>> -> memref<1x128xi32, #tpu.memory_space<vmem>>
      %dma_start3A_150 = tpu.memref_squeeze %dma_start3A_149 : memref<1x128xi32, #tpu.memory_space<vmem>> -> memref<128xi32, #tpu.memory_space<vmem>>
      %dma_start3A_151 = arith.constant 0 : i32
      %dma_start3A_152 = arith.constant 0 : i32
      %dma_start3A_153 = tpu.memref_slice %arg9[%dma_start3A_151, %dma_start3A_152] : memref<10240x64xf32, #tpu.memory_space<vmem_shared>> -> memref<10240x64xf32, #tpu.memory_space<vmem_shared>>
      %dma_start3A_154 = tpu.memref_slice %arg11[%rem3A_121] : memref<4x!tpu.dma_semaphore, #tpu.memory_space<semaphore_mem>> -> memref<1x!tpu.dma_semaphore, #tpu.memory_space<semaphore_mem>>
      %dma_start3A_155 = tpu.memref_squeeze %dma_start3A_154 : memref<1x!tpu.dma_semaphore, #tpu.memory_space<semaphore_mem>> -> memref<!tpu.dma_semaphore, #tpu.memory_space<semaphore_mem>>
      tpu.enqueue_indirect_dma source(%dma_start3A_147 : memref<128x64xf32, #tpu.memory_space<vmem>>) target(%dma_start3A_153 : memref<10240x64xf32, #tpu.memory_space<vmem_shared>>) offsets(%dma_start3A_150 : memref<128xi32, #tpu.memory_space<vmem>>) semaphore(%dma_start3A_155 : memref<!tpu.dma_semaphore, #tpu.memory_space<semaphore_mem>>) {add = true}
      %while3A_156 = arith.constant 0 : i32
      scf.yield %while3A_156 : i32
    }
    %while3A_82 = arith.constant 1 : i32
    %while3A_83 = scf.for %while3A_118 = %while3A_79 to %while3A_75 step %while3A_82 iter_args(%while3A_119 = %while3A_81) -> (i32)  : i32 {
      %rem3A_120 = arith.constant 4 : i32
      %rem3A_121 = arith.remsi %while3A_118, %rem3A_120 : i32
      %dma_wait3A_122 = arith.constant 0 : i32
      %dma_wait3A_123 = arith.constant 0 : i32
      %dma_wait3A_124 = tpu.memref_slice %arg8[%rem3A_121, %dma_wait3A_122, %dma_wait3A_123] : memref<4x128x64xf32, #tpu.memory_space<vmem>> -> memref<1x128x64xf32, #tpu.memory_space<vmem>>
      %dma_wait3A_125 = tpu.memref_squeeze %dma_wait3A_124 : memref<1x128x64xf32, #tpu.memory_space<vmem>> -> memref<128x64xf32, #tpu.memory_space<vmem>>
      %dma_wait3A_126 = arith.constant 0 : i32
      %dma_wait3A_127 = tpu.memref_slice %arg6[%while3A_118, %dma_wait3A_126] : memref<105x128xi32, #tpu.memory_space<vmem>> -> memref<1x128xi32, #tpu.memory_space<vmem>>
      %dma_wait3A_128 = tpu.memref_squeeze %dma_wait3A_127 : memref<1x128xi32, #tpu.memory_space<vmem>> -> memref<128xi32, #tpu.memory_space<vmem>>
      %dma_wait3A_129 = arith.constant 0 : i32
      %dma_wait3A_130 = arith.constant 0 : i32
      %dma_wait3A_131 = tpu.memref_slice %arg2[%dma_wait3A_129, %dma_wait3A_130] : memref<10000x64xf32, #tpu.memory_space<hbm>> -> memref<10000x64xf32, #tpu.memory_space<hbm>>
      %dma_wait3A_132 = tpu.memref_slice %arg10[%rem3A_121] : memref<4x!tpu.dma_semaphore, #tpu.memory_space<semaphore_mem>> -> memref<1x!tpu.dma_semaphore, #tpu.memory_space<semaphore_mem>>
      %dma_wait3A_133 = tpu.memref_squeeze %dma_wait3A_132 : memref<1x!tpu.dma_semaphore, #tpu.memory_space<semaphore_mem>> -> memref<!tpu.dma_semaphore, #tpu.memory_space<semaphore_mem>>
      tpu.wait_indirect_dma semaphore(%dma_wait3A_133 : memref<!tpu.dma_semaphore, #tpu.memory_space<semaphore_mem>>) src(%dma_wait3A_131 : memref<10000x64xf32, #tpu.memory_space<hbm>>) dst(%dma_wait3A_125 : memref<128x64xf32, #tpu.memory_space<vmem>>)
      %ge3A = arith.constant 2 : i32
      %ge3A_134 = arith.cmpi sge, %while3A_118, %ge3A : i32
      %convert_element_type3A_135 = arith.extui %ge3A_134 : i1 to i32
      %cond3A_136 = arith.constant 0 : i32
      %cond3A_137 = arith.cmpi ne, %convert_element_type3A_135, %cond3A_136 : i32
      scf.if %cond3A_137 {
        %sub3A_157 = arith.constant 2 : i32
        %sub3A_158 = arith.subi %while3A_118, %sub3A_157 : i32
        %rem3A_159 = arith.constant 4 : i32
        %rem3A_160 = arith.remsi %sub3A_158, %rem3A_159 : i32
        %sub3A_161 = arith.constant 2 : i32
        %sub3A_162 = arith.subi %while3A_118, %sub3A_161 : i32
        %dma_wait3A_163 = arith.constant 0 : i32
        %dma_wait3A_164 = arith.constant 0 : i32
        %dma_wait3A_165 = tpu.memref_slice %arg8[%rem3A_160, %dma_wait3A_163, %dma_wait3A_164] : memref<4x128x64xf32, #tpu.memory_space<vmem>> -> memref<1x128x64xf32, #tpu.memory_space<vmem>>
        %dma_wait3A_166 = tpu.memref_squeeze %dma_wait3A_165 : memref<1x128x64xf32, #tpu.memory_space<vmem>> -> memref<128x64xf32, #tpu.memory_space<vmem>>
        %dma_wait3A_167 = arith.constant 0 : i32
        %dma_wait3A_168 = tpu.memref_slice %arg7[%sub3A_162, %dma_wait3A_167] : memref<105x128xi32, #tpu.memory_space<vmem>> -> memref<1x128xi32, #tpu.memory_space<vmem>>
        %dma_wait3A_169 = tpu.memref_squeeze %dma_wait3A_168 : memref<1x128xi32, #tpu.memory_space<vmem>> -> memref<128xi32, #tpu.memory_space<vmem>>
        %dma_wait3A_170 = arith.constant 0 : i32
        %dma_wait3A_171 = arith.constant 0 : i32
        %dma_wait3A_172 = tpu.memref_slice %arg9[%dma_wait3A_170, %dma_wait3A_171] : memref<10240x64xf32, #tpu.memory_space<vmem_shared>> -> memref<10240x64xf32, #tpu.memory_space<vmem_shared>>
        %dma_wait3A_173 = tpu.memref_slice %arg11[%rem3A_160] : memref<4x!tpu.dma_semaphore, #tpu.memory_space<semaphore_mem>> -> memref<1x!tpu.dma_semaphore, #tpu.memory_space<semaphore_mem>>
        %dma_wait3A_174 = tpu.memref_squeeze %dma_wait3A_173 : memref<1x!tpu.dma_semaphore, #tpu.memory_space<semaphore_mem>> -> memref<!tpu.dma_semaphore, #tpu.memory_space<semaphore_mem>>
        tpu.wait_indirect_dma semaphore(%dma_wait3A_174 : memref<!tpu.dma_semaphore, #tpu.memory_space<semaphore_mem>>) src(%dma_wait3A_166 : memref<128x64xf32, #tpu.memory_space<vmem>>) dst(%dma_wait3A_172 : memref<10240x64xf32, #tpu.memory_space<vmem_shared>>)
      } else {
      }
      %add3A_138 = arith.constant 2 : i32
      %add3A_139 = arith.addi %while3A_118, %add3A_138 : i32
      %lt3A_140 = arith.cmpi slt, %add3A_139, %select_n3A : i32
      %convert_element_type3A_141 = arith.extui %lt3A_140 : i1 to i32
      %cond3A_142 = arith.constant 0 : i32
      %cond3A_143 = arith.cmpi ne, %convert_element_type3A_141, %cond3A_142 : i32
      scf.if %cond3A_143 {
        %add3A_157 = arith.constant 2 : i32
        %add3A_158 = arith.addi %while3A_118, %add3A_157 : i32
        %rem3A_159 = arith.constant 4 : i32
        %rem3A_160 = arith.remsi %add3A_158, %rem3A_159 : i32
        %add3A_161 = arith.constant 2 : i32
        %add3A_162 = arith.addi %while3A_118, %add3A_161 : i32
        %dma_start3A_163 = arith.constant 0 : i32
        %dma_start3A_164 = arith.constant 0 : i32
        %dma_start3A_165 = tpu.memref_slice %arg8[%rem3A_160, %dma_start3A_163, %dma_start3A_164] : memref<4x128x64xf32, #tpu.memory_space<vmem>> -> memref<1x128x64xf32, #tpu.memory_space<vmem>>
        %dma_start3A_166 = tpu.memref_squeeze %dma_start3A_165 : memref<1x128x64xf32, #tpu.memory_space<vmem>> -> memref<128x64xf32, #tpu.memory_space<vmem>>
        %dma_start3A_167 = arith.constant 0 : i32
        %dma_start3A_168 = tpu.memref_slice %arg6[%add3A_162, %dma_start3A_167] : memref<105x128xi32, #tpu.memory_space<vmem>> -> memref<1x128xi32, #tpu.memory_space<vmem>>
        %dma_start3A_169 = tpu.memref_squeeze %dma_start3A_168 : memref<1x128xi32, #tpu.memory_space<vmem>> -> memref<128xi32, #tpu.memory_space<vmem>>
        %dma_start3A_170 = arith.constant 0 : i32
        %dma_start3A_171 = arith.constant 0 : i32
        %dma_start3A_172 = tpu.memref_slice %arg2[%dma_start3A_170, %dma_start3A_171] : memref<10000x64xf32, #tpu.memory_space<hbm>> -> memref<10000x64xf32, #tpu.memory_space<hbm>>
        %dma_start3A_173 = tpu.memref_slice %arg10[%rem3A_160] : memref<4x!tpu.dma_semaphore, #tpu.memory_space<semaphore_mem>> -> memref<1x!tpu.dma_semaphore, #tpu.memory_space<semaphore_mem>>
        %dma_start3A_174 = tpu.memref_squeeze %dma_start3A_173 : memref<1x!tpu.dma_semaphore, #tpu.memory_space<semaphore_mem>> -> memref<!tpu.dma_semaphore, #tpu.memory_space<semaphore_mem>>
        tpu.enqueue_indirect_dma source(%dma_start3A_172 : memref<10000x64xf32, #tpu.memory_space<hbm>>) target(%dma_start3A_166 : memref<128x64xf32, #tpu.memory_space<vmem>>) offsets(%dma_start3A_169 : memref<128xi32, #tpu.memory_space<vmem>>) semaphore(%dma_start3A_174 : memref<!tpu.dma_semaphore, #tpu.memory_space<semaphore_mem>>)
      } else {
      }
      %dma_start3A_144 = arith.constant 0 : i32
      %dma_start3A_145 = arith.constant 0 : i32
      %dma_start3A_146 = tpu.memref_slice %arg8[%rem3A_121, %dma_start3A_144, %dma_start3A_145] : memref<4x128x64xf32, #tpu.memory_space<vmem>> -> memref<1x128x64xf32, #tpu.memory_space<vmem>>
      %dma_start3A_147 = tpu.memref_squeeze %dma_start3A_146 : memref<1x128x64xf32, #tpu.memory_space<vmem>> -> memref<128x64xf32, #tpu.memory_space<vmem>>
      %dma_start3A_148 = arith.constant 0 : i32
      %dma_start3A_149 = tpu.memref_slice %arg7[%while3A_118, %dma_start3A_148] : memref<105x128xi32, #tpu.memory_space<vmem>> -> memref<1x128xi32, #tpu.memory_space<vmem>>
      %dma_start3A_150 = tpu.memref_squeeze %dma_start3A_149 : memref<1x128xi32, #tpu.memory_space<vmem>> -> memref<128xi32, #tpu.memory_space<vmem>>
      %dma_start3A_151 = arith.constant 0 : i32
      %dma_start3A_152 = arith.constant 0 : i32
      %dma_start3A_153 = tpu.memref_slice %arg9[%dma_start3A_151, %dma_start3A_152] : memref<10240x64xf32, #tpu.memory_space<vmem_shared>> -> memref<10240x64xf32, #tpu.memory_space<vmem_shared>>
      %dma_start3A_154 = tpu.memref_slice %arg11[%rem3A_121] : memref<4x!tpu.dma_semaphore, #tpu.memory_space<semaphore_mem>> -> memref<1x!tpu.dma_semaphore, #tpu.memory_space<semaphore_mem>>
      %dma_start3A_155 = tpu.memref_squeeze %dma_start3A_154 : memref<1x!tpu.dma_semaphore, #tpu.memory_space<semaphore_mem>> -> memref<!tpu.dma_semaphore, #tpu.memory_space<semaphore_mem>>
      tpu.enqueue_indirect_dma source(%dma_start3A_147 : memref<128x64xf32, #tpu.memory_space<vmem>>) target(%dma_start3A_153 : memref<10240x64xf32, #tpu.memory_space<vmem_shared>>) offsets(%dma_start3A_150 : memref<128xi32, #tpu.memory_space<vmem>>) semaphore(%dma_start3A_155 : memref<!tpu.dma_semaphore, #tpu.memory_space<semaphore_mem>>) {add = true}
      %while3A_156 = arith.constant 0 : i32
      scf.yield %while3A_156 : i32
    }
    %sub3A = arith.constant 2 : i32
    %sub3A_84 = arith.subi %select_n3A, %sub3A : i32
    %rem3A = arith.constant 4 : i32
    %rem3A_85 = arith.remsi %sub3A_84, %rem3A : i32
    %dma_wait3A = arith.constant 0 : i32
    %dma_wait3A_86 = arith.constant 0 : i32
    %dma_wait3A_87 = tpu.memref_slice %arg8[%rem3A_85, %dma_wait3A, %dma_wait3A_86] : memref<4x128x64xf32, #tpu.memory_space<vmem>> -> memref<1x128x64xf32, #tpu.memory_space<vmem>>
    %dma_wait3A_88 = tpu.memref_squeeze %dma_wait3A_87 : memref<1x128x64xf32, #tpu.memory_space<vmem>> -> memref<128x64xf32, #tpu.memory_space<vmem>>
    %dma_wait3A_89 = arith.constant 0 : i32
    %dma_wait3A_90 = tpu.memref_slice %arg7[%sub3A_84, %dma_wait3A_89] : memref<105x128xi32, #tpu.memory_space<vmem>> -> memref<1x128xi32, #tpu.memory_space<vmem>>
    %dma_wait3A_91 = tpu.memref_squeeze %dma_wait3A_90 : memref<1x128xi32, #tpu.memory_space<vmem>> -> memref<128xi32, #tpu.memory_space<vmem>>
    %dma_wait3A_92 = arith.constant 0 : i32
    %dma_wait3A_93 = arith.constant 0 : i32
    %dma_wait3A_94 = tpu.memref_slice %arg9[%dma_wait3A_92, %dma_wait3A_93] : memref<10240x64xf32, #tpu.memory_space<vmem_shared>> -> memref<10240x64xf32, #tpu.memory_space<vmem_shared>>
    %dma_wait3A_95 = tpu.memref_slice %arg11[%rem3A_85] : memref<4x!tpu.dma_semaphore, #tpu.memory_space<semaphore_mem>> -> memref<1x!tpu.dma_semaphore, #tpu.memory_space<semaphore_mem>>
    %dma_wait3A_96 = tpu.memref_squeeze %dma_wait3A_95 : memref<1x!tpu.dma_semaphore, #tpu.memory_space<semaphore_mem>> -> memref<!tpu.dma_semaphore, #tpu.memory_space<semaphore_mem>>
    tpu.wait_indirect_dma semaphore(%dma_wait3A_96 : memref<!tpu.dma_semaphore, #tpu.memory_space<semaphore_mem>>) src(%dma_wait3A_88 : memref<128x64xf32, #tpu.memory_space<vmem>>) dst(%dma_wait3A_94 : memref<10240x64xf32, #tpu.memory_space<vmem_shared>>)
    %sub3A_97 = arith.constant 1 : i32
    %sub3A_98 = arith.subi %select_n3A, %sub3A_97 : i32
    %rem3A_99 = arith.constant 4 : i32
    %rem3A_100 = arith.remsi %sub3A_98, %rem3A_99 : i32
    %dma_wait3A_101 = arith.constant 0 : i32
    %dma_wait3A_102 = arith.constant 0 : i32
    %dma_wait3A_103 = tpu.memref_slice %arg8[%rem3A_100, %dma_wait3A_101, %dma_wait3A_102] : memref<4x128x64xf32, #tpu.memory_space<vmem>> -> memref<1x128x64xf32, #tpu.memory_space<vmem>>
    %dma_wait3A_104 = tpu.memref_squeeze %dma_wait3A_103 : memref<1x128x64xf32, #tpu.memory_space<vmem>> -> memref<128x64xf32, #tpu.memory_space<vmem>>
    %dma_wait3A_105 = arith.constant 0 : i32
    %dma_wait3A_106 = tpu.memref_slice %arg7[%sub3A_98, %dma_wait3A_105] : memref<105x128xi32, #tpu.memory_space<vmem>> -> memref<1x128xi32, #tpu.memory_space<vmem>>
    %dma_wait3A_107 = tpu.memref_squeeze %dma_wait3A_106 : memref<1x128xi32, #tpu.memory_space<vmem>> -> memref<128xi32, #tpu.memory_space<vmem>>
    %dma_wait3A_108 = arith.constant 0 : i32
    %dma_wait3A_109 = arith.constant 0 : i32
    %dma_wait3A_110 = tpu.memref_slice %arg9[%dma_wait3A_108, %dma_wait3A_109] : memref<10240x64xf32, #tpu.memory_space<vmem_shared>> -> memref<10240x64xf32, #tpu.memory_space<vmem_shared>>
    %dma_wait3A_111 = tpu.memref_slice %arg11[%rem3A_100] : memref<4x!tpu.dma_semaphore, #tpu.memory_space<semaphore_mem>> -> memref<1x!tpu.dma_semaphore, #tpu.memory_space<semaphore_mem>>
    %dma_wait3A_112 = tpu.memref_squeeze %dma_wait3A_111 : memref<1x!tpu.dma_semaphore, #tpu.memory_space<semaphore_mem>> -> memref<!tpu.dma_semaphore, #tpu.memory_space<semaphore_mem>>
    tpu.wait_indirect_dma semaphore(%dma_wait3A_112 : memref<!tpu.dma_semaphore, #tpu.memory_space<semaphore_mem>>) src(%dma_wait3A_104 : memref<128x64xf32, #tpu.memory_space<vmem>>) dst(%dma_wait3A_110 : memref<10240x64xf32, #tpu.memory_space<vmem_shared>>)
    %barrier3A_113 = arith.constant 0 : index
    tpu.barrier barrier_id(%barrier3A_113)
    %mul3A_114 = arith.constant 640 : i32
    %mul3A_115 = arith.muli %arg1, %mul3A_114 : i32
    %mul3A_116 = arith.constant 640 : i32
    %mul3A_117 = arith.muli %arg1, %mul3A_116 : i32
    "tpu.region"() ({
      %run_scoped3A_118 = tpu.sem_alloc : memref<!tpu.dma_semaphore, #tpu.memory_space<semaphore_mem>>
      %dma_start3A_119 = arith.constant 0 : i32
      %dma_start3A_120 = tpu.memref_slice %arg5[%arg0, %mul3A_117, %dma_start3A_119] : memref<2x10240x64xf32, #tpu.memory_space<hbm>> -> memref<1x640x64xf32, #tpu.memory_space<hbm>>
      %dma_start3A_121 = tpu.memref_squeeze %dma_start3A_120 : memref<1x640x64xf32, #tpu.memory_space<hbm>> -> memref<640x64xf32, #tpu.memory_space<hbm>>
      %dma_start3A_122 = arith.constant 0 : i32
      %dma_start3A_123 = tpu.memref_slice %arg9[%mul3A_115, %dma_start3A_122] : memref<10240x64xf32, #tpu.memory_space<vmem_shared>> -> memref<640x64xf32, #tpu.memory_space<vmem_shared>>
      tpu.enqueue_dma source(%dma_start3A_123 : memref<640x64xf32, #tpu.memory_space<vmem_shared>>) target(%dma_start3A_121 : memref<640x64xf32, #tpu.memory_space<hbm>>) target_semaphore(%run_scoped3A_118 : memref<!tpu.dma_semaphore, #tpu.memory_space<semaphore_mem>>)
      %dma_wait3A_124 = arith.constant 0 : i32
      %dma_wait3A_125 = tpu.memref_slice %arg5[%arg0, %mul3A_117, %dma_wait3A_124] : memref<2x10240x64xf32, #tpu.memory_space<hbm>> -> memref<1x640x64xf32, #tpu.memory_space<hbm>>
      %dma_wait3A_126 = tpu.memref_squeeze %dma_wait3A_125 : memref<1x640x64xf32, #tpu.memory_space<hbm>> -> memref<640x64xf32, #tpu.memory_space<hbm>>
      %dma_wait3A_127 = arith.constant 0 : i32
      %dma_wait3A_128 = tpu.memref_slice %arg9[%mul3A_115, %dma_wait3A_127] : memref<10240x64xf32, #tpu.memory_space<vmem_shared>> -> memref<640x64xf32, #tpu.memory_space<vmem_shared>>
      tpu.wait_dma2 semaphore(%run_scoped3A_118 : memref<!tpu.dma_semaphore, #tpu.memory_space<semaphore_mem>>) src(%dma_wait3A_128 : memref<640x64xf32, #tpu.memory_space<vmem_shared>>) dst(%dma_wait3A_126 : memref<640x64xf32, #tpu.memory_space<hbm>>)
      tpu.yield
    }) : () -> ()
    return
  }
}

#map = affine_map<(d0, d1) -> (0, 0)>
#map1 = affine_map<(d0, d1) -> (0, 0, 0)>
module attributes {stable_mosaic.version = 14 : i64} {
  func.func @_sc_agg(%arg0: i32, %arg1: i32, %arg2: memref<10000x64xf32, #tpu.memory_space<hbm>>, %arg3: memref<2500x128xi32, #tpu.memory_space<hbm>>, %arg4: memref<2500x128xi32, #tpu.memory_space<hbm>>, %arg5: memref<2x10240x64xf32, #tpu.memory_space<hbm>>, %arg6: memref<105x128xi32, #tpu.memory_space<vmem>>, %arg7: memref<105x128xi32, #tpu.memory_space<vmem>>, %arg8: memref<4x128x64xf32, #tpu.memory_space<vmem>>, %arg9: memref<10240x64xf32, #tpu.memory_space<vmem_shared>>, %arg10: memref<4x!tpu.dma_semaphore, #tpu.memory_space<semaphore_mem>>, %arg11: memref<4x!tpu.dma_semaphore, #tpu.memory_space<semaphore_mem>>) attributes {dimension_semantics = [#tpu.dimension_semantics<core_parallel>, #tpu.dimension_semantics<subcore_parallel>], iteration_bounds = array<i64: 2, 16>, scalar_prefetch = 0 : i64, scratch_operands = 6 : i64, tpu.core_type = #tpu.core_type<sc_vector_subcore>, window_params = [{transform_indices = #map}, {transform_indices = #map}, {transform_indices = #map}, {transform_indices = #map1}]} {
    %eq3A = arith.constant 0 : i32
    %eq3A_0 = arith.cmpi eq, %arg0, %eq3A : i32
    %jit3A = arith.constant 105 : i32
    %jit3A_1 = arith.constant 52 : i32
    %select_n3A = arith.select %eq3A_0, %jit3A, %jit3A_1 : i32
    %convert_element_type3A = arith.extui %eq3A_0 : i1 to i32
    %cond3A = arith.constant 0 : i32
    %cond3A_2 = arith.cmpi ne, %convert_element_type3A, %cond3A : i32
    scf.if %cond3A_2 {
      %mul3A_118 = arith.constant 105 : i32
      %mul3A_119 = arith.muli %arg1, %mul3A_118 : i32
      "tpu.region"() ({
        %run_scoped3A_122 = tpu.sem_alloc : memref<!tpu.dma_semaphore, #tpu.memory_space<semaphore_mem>>
        %dma_start3A_123 = arith.constant 0 : i32
        %dma_start3A_124 = tpu.memref_slice %arg3[%mul3A_119, %dma_start3A_123] : memref<2500x128xi32, #tpu.memory_space<hbm>> -> memref<105x128xi32, #tpu.memory_space<hbm>>
        %dma_start3A_125 = arith.constant 0 : i32
        %dma_start3A_126 = tpu.memref_slice %arg3[%mul3A_119, %dma_start3A_125] : memref<2500x128xi32, #tpu.memory_space<hbm>> -> memref<105x128xi32, #tpu.memory_space<hbm>>
        tpu.enqueue_dma source(%dma_start3A_126 : memref<105x128xi32, #tpu.memory_space<hbm>>) target(%arg6 : memref<105x128xi32, #tpu.memory_space<vmem>>) target_semaphore(%run_scoped3A_122 : memref<!tpu.dma_semaphore, #tpu.memory_space<semaphore_mem>>)
        %dma_wait3A_127 = arith.constant 0 : i32
        %dma_wait3A_128 = tpu.memref_slice %arg3[%mul3A_119, %dma_wait3A_127] : memref<2500x128xi32, #tpu.memory_space<hbm>> -> memref<105x128xi32, #tpu.memory_space<hbm>>
        %dma_wait3A_129 = arith.constant 0 : i32
        %dma_wait3A_130 = tpu.memref_slice %arg3[%mul3A_119, %dma_wait3A_129] : memref<2500x128xi32, #tpu.memory_space<hbm>> -> memref<105x128xi32, #tpu.memory_space<hbm>>
        tpu.wait_dma2 semaphore(%run_scoped3A_122 : memref<!tpu.dma_semaphore, #tpu.memory_space<semaphore_mem>>) src(%dma_wait3A_130 : memref<105x128xi32, #tpu.memory_space<hbm>>) dst(%arg6 : memref<105x128xi32, #tpu.memory_space<vmem>>)
        tpu.yield
      }) : () -> ()
      %mul3A_120 = arith.constant 105 : i32
      %mul3A_121 = arith.muli %arg1, %mul3A_120 : i32
      "tpu.region"() ({
        %run_scoped3A_122 = tpu.sem_alloc : memref<!tpu.dma_semaphore, #tpu.memory_space<semaphore_mem>>
        %dma_start3A_123 = arith.constant 0 : i32
        %dma_start3A_124 = tpu.memref_slice %arg4[%mul3A_121, %dma_start3A_123] : memref<2500x128xi32, #tpu.memory_space<hbm>> -> memref<105x128xi32, #tpu.memory_space<hbm>>
        %dma_start3A_125 = arith.constant 0 : i32
        %dma_start3A_126 = tpu.memref_slice %arg4[%mul3A_121, %dma_start3A_125] : memref<2500x128xi32, #tpu.memory_space<hbm>> -> memref<105x128xi32, #tpu.memory_space<hbm>>
        tpu.enqueue_dma source(%dma_start3A_126 : memref<105x128xi32, #tpu.memory_space<hbm>>) target(%arg7 : memref<105x128xi32, #tpu.memory_space<vmem>>) target_semaphore(%run_scoped3A_122 : memref<!tpu.dma_semaphore, #tpu.memory_space<semaphore_mem>>)
        %dma_wait3A_127 = arith.constant 0 : i32
        %dma_wait3A_128 = tpu.memref_slice %arg4[%mul3A_121, %dma_wait3A_127] : memref<2500x128xi32, #tpu.memory_space<hbm>> -> memref<105x128xi32, #tpu.memory_space<hbm>>
        %dma_wait3A_129 = arith.constant 0 : i32
        %dma_wait3A_130 = tpu.memref_slice %arg4[%mul3A_121, %dma_wait3A_129] : memref<2500x128xi32, #tpu.memory_space<hbm>> -> memref<105x128xi32, #tpu.memory_space<hbm>>
        tpu.wait_dma2 semaphore(%run_scoped3A_122 : memref<!tpu.dma_semaphore, #tpu.memory_space<semaphore_mem>>) src(%dma_wait3A_130 : memref<105x128xi32, #tpu.memory_space<hbm>>) dst(%arg7 : memref<105x128xi32, #tpu.memory_space<vmem>>)
        tpu.yield
      }) : () -> ()
    } else {
    }
    %not3A = arith.constant true
    %not3A_3 = arith.xori %eq3A_0, %not3A : i1
    %eq3A_4 = arith.constant 15 : i32
    %eq3A_5 = arith.cmpi eq, %arg1, %eq3A_4 : i32
    %and3A = arith.andi %not3A_3, %eq3A_5 : i1
    %not3A_6 = arith.constant true
    %not3A_7 = arith.xori %eq3A_0, %not3A_6 : i1
    %lt3A = arith.constant 15 : i32
    %lt3A_8 = arith.cmpi slt, %arg1, %lt3A : i32
    %and3A_9 = arith.andi %not3A_7, %lt3A_8 : i1
    %convert_element_type3A_10 = arith.extui %and3A_9 : i1 to i32
    %cond3A_11 = arith.constant 0 : i32
    %cond3A_12 = arith.cmpi ne, %convert_element_type3A_10, %cond3A_11 : i32
    scf.if %cond3A_12 {
      %mul3A_118 = arith.constant 52 : i32
      %mul3A_119 = arith.muli %arg1, %mul3A_118 : i32
      %add3A_120 = arith.constant 1680 : i32
      %add3A_121 = arith.addi %add3A_120, %mul3A_119 : i32
      "tpu.region"() ({
        %run_scoped3A_126 = tpu.sem_alloc : memref<!tpu.dma_semaphore, #tpu.memory_space<semaphore_mem>>
        %dma_start3A_127 = arith.constant 0 : i32
        %dma_start3A_128 = arith.constant 0 : i32
        %dma_start3A_129 = tpu.memref_slice %arg6[%dma_start3A_127, %dma_start3A_128] : memref<105x128xi32, #tpu.memory_space<vmem>> -> memref<52x128xi32, #tpu.memory_space<vmem>>
        %dma_start3A_130 = arith.constant 0 : i32
        %dma_start3A_131 = tpu.memref_slice %arg3[%add3A_121, %dma_start3A_130] : memref<2500x128xi32, #tpu.memory_space<hbm>> -> memref<52x128xi32, #tpu.memory_space<hbm>>
        %dma_start3A_132 = arith.constant 0 : i32
        %dma_start3A_133 = arith.constant 0 : i32
        %dma_start3A_134 = tpu.memref_slice %arg6[%dma_start3A_132, %dma_start3A_133] : memref<105x128xi32, #tpu.memory_space<vmem>> -> memref<52x128xi32, #tpu.memory_space<vmem>>
        %dma_start3A_135 = arith.constant 0 : i32
        %dma_start3A_136 = tpu.memref_slice %arg3[%add3A_121, %dma_start3A_135] : memref<2500x128xi32, #tpu.memory_space<hbm>> -> memref<52x128xi32, #tpu.memory_space<hbm>>
        tpu.enqueue_dma source(%dma_start3A_136 : memref<52x128xi32, #tpu.memory_space<hbm>>) target(%dma_start3A_134 : memref<52x128xi32, #tpu.memory_space<vmem>>) target_semaphore(%run_scoped3A_126 : memref<!tpu.dma_semaphore, #tpu.memory_space<semaphore_mem>>)
        %dma_wait3A_137 = arith.constant 0 : i32
        %dma_wait3A_138 = arith.constant 0 : i32
        %dma_wait3A_139 = tpu.memref_slice %arg6[%dma_wait3A_137, %dma_wait3A_138] : memref<105x128xi32, #tpu.memory_space<vmem>> -> memref<52x128xi32, #tpu.memory_space<vmem>>
        %dma_wait3A_140 = arith.constant 0 : i32
        %dma_wait3A_141 = tpu.memref_slice %arg3[%add3A_121, %dma_wait3A_140] : memref<2500x128xi32, #tpu.memory_space<hbm>> -> memref<52x128xi32, #tpu.memory_space<hbm>>
        %dma_wait3A_142 = arith.constant 0 : i32
        %dma_wait3A_143 = arith.constant 0 : i32
        %dma_wait3A_144 = tpu.memref_slice %arg6[%dma_wait3A_142, %dma_wait3A_143] : memref<105x128xi32, #tpu.memory_space<vmem>> -> memref<52x128xi32, #tpu.memory_space<vmem>>
        %dma_wait3A_145 = arith.constant 0 : i32
        %dma_wait3A_146 = tpu.memref_slice %arg3[%add3A_121, %dma_wait3A_145] : memref<2500x128xi32, #tpu.memory_space<hbm>> -> memref<52x128xi32, #tpu.memory_space<hbm>>
        tpu.wait_dma2 semaphore(%run_scoped3A_126 : memref<!tpu.dma_semaphore, #tpu.memory_space<semaphore_mem>>) src(%dma_wait3A_146 : memref<52x128xi32, #tpu.memory_space<hbm>>) dst(%dma_wait3A_144 : memref<52x128xi32, #tpu.memory_space<vmem>>)
        tpu.yield
      }) : () -> ()
      %mul3A_122 = arith.constant 52 : i32
      %mul3A_123 = arith.muli %arg1, %mul3A_122 : i32
      %add3A_124 = arith.constant 1680 : i32
      %add3A_125 = arith.addi %add3A_124, %mul3A_123 : i32
      "tpu.region"() ({
        %run_scoped3A_126 = tpu.sem_alloc : memref<!tpu.dma_semaphore, #tpu.memory_space<semaphore_mem>>
        %dma_start3A_127 = arith.constant 0 : i32
        %dma_start3A_128 = arith.constant 0 : i32
        %dma_start3A_129 = tpu.memref_slice %arg7[%dma_start3A_127, %dma_start3A_128] : memref<105x128xi32, #tpu.memory_space<vmem>> -> memref<52x128xi32, #tpu.memory_space<vmem>>
        %dma_start3A_130 = arith.constant 0 : i32
        %dma_start3A_131 = tpu.memref_slice %arg4[%add3A_125, %dma_start3A_130] : memref<2500x128xi32, #tpu.memory_space<hbm>> -> memref<52x128xi32, #tpu.memory_space<hbm>>
        %dma_start3A_132 = arith.constant 0 : i32
        %dma_start3A_133 = arith.constant 0 : i32
        %dma_start3A_134 = tpu.memref_slice %arg7[%dma_start3A_132, %dma_start3A_133] : memref<105x128xi32, #tpu.memory_space<vmem>> -> memref<52x128xi32, #tpu.memory_space<vmem>>
        %dma_start3A_135 = arith.constant 0 : i32
        %dma_start3A_136 = tpu.memref_slice %arg4[%add3A_125, %dma_start3A_135] : memref<2500x128xi32, #tpu.memory_space<hbm>> -> memref<52x128xi32, #tpu.memory_space<hbm>>
        tpu.enqueue_dma source(%dma_start3A_136 : memref<52x128xi32, #tpu.memory_space<hbm>>) target(%dma_start3A_134 : memref<52x128xi32, #tpu.memory_space<vmem>>) target_semaphore(%run_scoped3A_126 : memref<!tpu.dma_semaphore, #tpu.memory_space<semaphore_mem>>)
        %dma_wait3A_137 = arith.constant 0 : i32
        %dma_wait3A_138 = arith.constant 0 : i32
        %dma_wait3A_139 = tpu.memref_slice %arg7[%dma_wait3A_137, %dma_wait3A_138] : memref<105x128xi32, #tpu.memory_space<vmem>> -> memref<52x128xi32, #tpu.memory_space<vmem>>
        %dma_wait3A_140 = arith.constant 0 : i32
        %dma_wait3A_141 = tpu.memref_slice %arg4[%add3A_125, %dma_wait3A_140] : memref<2500x128xi32, #tpu.memory_space<hbm>> -> memref<52x128xi32, #tpu.memory_space<hbm>>
        %dma_wait3A_142 = arith.constant 0 : i32
        %dma_wait3A_143 = arith.constant 0 : i32
        %dma_wait3A_144 = tpu.memref_slice %arg7[%dma_wait3A_142, %dma_wait3A_143] : memref<105x128xi32, #tpu.memory_space<vmem>> -> memref<52x128xi32, #tpu.memory_space<vmem>>
        %dma_wait3A_145 = arith.constant 0 : i32
        %dma_wait3A_146 = tpu.memref_slice %arg4[%add3A_125, %dma_wait3A_145] : memref<2500x128xi32, #tpu.memory_space<hbm>> -> memref<52x128xi32, #tpu.memory_space<hbm>>
        tpu.wait_dma2 semaphore(%run_scoped3A_126 : memref<!tpu.dma_semaphore, #tpu.memory_space<semaphore_mem>>) src(%dma_wait3A_146 : memref<52x128xi32, #tpu.memory_space<hbm>>) dst(%dma_wait3A_144 : memref<52x128xi32, #tpu.memory_space<vmem>>)
        tpu.yield
      }) : () -> ()
    } else {
    }
    %convert_element_type3A_13 = arith.extui %and3A : i1 to i32
    %cond3A_14 = arith.constant 0 : i32
    %cond3A_15 = arith.cmpi ne, %convert_element_type3A_13, %cond3A_14 : i32
    scf.if %cond3A_15 {
      "tpu.region"() ({
        %run_scoped3A_125 = tpu.sem_alloc : memref<!tpu.dma_semaphore, #tpu.memory_space<semaphore_mem>>
        %dma_start3A_126 = arith.constant 0 : i32
        %dma_start3A_127 = arith.constant 0 : i32
        %dma_start3A_128 = tpu.memref_slice %arg6[%dma_start3A_126, %dma_start3A_127] : memref<105x128xi32, #tpu.memory_space<vmem>> -> memref<40x128xi32, #tpu.memory_space<vmem>>
        %dma_start3A_129 = arith.constant 2460 : i32
        %dma_start3A_130 = arith.constant 0 : i32
        %dma_start3A_131 = tpu.memref_slice %arg3[%dma_start3A_129, %dma_start3A_130] : memref<2500x128xi32, #tpu.memory_space<hbm>> -> memref<40x128xi32, #tpu.memory_space<hbm>>
        %dma_start3A_132 = arith.constant 0 : i32
        %dma_start3A_133 = arith.constant 0 : i32
        %dma_start3A_134 = tpu.memref_slice %arg6[%dma_start3A_132, %dma_start3A_133] : memref<105x128xi32, #tpu.memory_space<vmem>> -> memref<40x128xi32, #tpu.memory_space<vmem>>
        %dma_start3A_135 = arith.constant 2460 : i32
        %dma_start3A_136 = arith.constant 0 : i32
        %dma_start3A_137 = tpu.memref_slice %arg3[%dma_start3A_135, %dma_start3A_136] : memref<2500x128xi32, #tpu.memory_space<hbm>> -> memref<40x128xi32, #tpu.memory_space<hbm>>
        tpu.enqueue_dma source(%dma_start3A_137 : memref<40x128xi32, #tpu.memory_space<hbm>>) target(%dma_start3A_134 : memref<40x128xi32, #tpu.memory_space<vmem>>) target_semaphore(%run_scoped3A_125 : memref<!tpu.dma_semaphore, #tpu.memory_space<semaphore_mem>>)
        %dma_wait3A_138 = arith.constant 0 : i32
        %dma_wait3A_139 = arith.constant 0 : i32
        %dma_wait3A_140 = tpu.memref_slice %arg6[%dma_wait3A_138, %dma_wait3A_139] : memref<105x128xi32, #tpu.memory_space<vmem>> -> memref<40x128xi32, #tpu.memory_space<vmem>>
        %dma_wait3A_141 = arith.constant 2460 : i32
        %dma_wait3A_142 = arith.constant 0 : i32
        %dma_wait3A_143 = tpu.memref_slice %arg3[%dma_wait3A_141, %dma_wait3A_142] : memref<2500x128xi32, #tpu.memory_space<hbm>> -> memref<40x128xi32, #tpu.memory_space<hbm>>
        %dma_wait3A_144 = arith.constant 0 : i32
        %dma_wait3A_145 = arith.constant 0 : i32
        %dma_wait3A_146 = tpu.memref_slice %arg6[%dma_wait3A_144, %dma_wait3A_145] : memref<105x128xi32, #tpu.memory_space<vmem>> -> memref<40x128xi32, #tpu.memory_space<vmem>>
        %dma_wait3A_147 = arith.constant 2460 : i32
        %dma_wait3A_148 = arith.constant 0 : i32
        %dma_wait3A_149 = tpu.memref_slice %arg3[%dma_wait3A_147, %dma_wait3A_148] : memref<2500x128xi32, #tpu.memory_space<hbm>> -> memref<40x128xi32, #tpu.memory_space<hbm>>
        tpu.wait_dma2 semaphore(%run_scoped3A_125 : memref<!tpu.dma_semaphore, #tpu.memory_space<semaphore_mem>>) src(%dma_wait3A_149 : memref<40x128xi32, #tpu.memory_space<hbm>>) dst(%dma_wait3A_146 : memref<40x128xi32, #tpu.memory_space<vmem>>)
        tpu.yield
      }) : () -> ()
      "tpu.region"() ({
        %run_scoped3A_125 = tpu.sem_alloc : memref<!tpu.dma_semaphore, #tpu.memory_space<semaphore_mem>>
        %dma_start3A_126 = arith.constant 0 : i32
        %dma_start3A_127 = arith.constant 0 : i32
        %dma_start3A_128 = tpu.memref_slice %arg7[%dma_start3A_126, %dma_start3A_127] : memref<105x128xi32, #tpu.memory_space<vmem>> -> memref<40x128xi32, #tpu.memory_space<vmem>>
        %dma_start3A_129 = arith.constant 2460 : i32
        %dma_start3A_130 = arith.constant 0 : i32
        %dma_start3A_131 = tpu.memref_slice %arg4[%dma_start3A_129, %dma_start3A_130] : memref<2500x128xi32, #tpu.memory_space<hbm>> -> memref<40x128xi32, #tpu.memory_space<hbm>>
        %dma_start3A_132 = arith.constant 0 : i32
        %dma_start3A_133 = arith.constant 0 : i32
        %dma_start3A_134 = tpu.memref_slice %arg7[%dma_start3A_132, %dma_start3A_133] : memref<105x128xi32, #tpu.memory_space<vmem>> -> memref<40x128xi32, #tpu.memory_space<vmem>>
        %dma_start3A_135 = arith.constant 2460 : i32
        %dma_start3A_136 = arith.constant 0 : i32
        %dma_start3A_137 = tpu.memref_slice %arg4[%dma_start3A_135, %dma_start3A_136] : memref<2500x128xi32, #tpu.memory_space<hbm>> -> memref<40x128xi32, #tpu.memory_space<hbm>>
        tpu.enqueue_dma source(%dma_start3A_137 : memref<40x128xi32, #tpu.memory_space<hbm>>) target(%dma_start3A_134 : memref<40x128xi32, #tpu.memory_space<vmem>>) target_semaphore(%run_scoped3A_125 : memref<!tpu.dma_semaphore, #tpu.memory_space<semaphore_mem>>)
        %dma_wait3A_138 = arith.constant 0 : i32
        %dma_wait3A_139 = arith.constant 0 : i32
        %dma_wait3A_140 = tpu.memref_slice %arg7[%dma_wait3A_138, %dma_wait3A_139] : memref<105x128xi32, #tpu.memory_space<vmem>> -> memref<40x128xi32, #tpu.memory_space<vmem>>
        %dma_wait3A_141 = arith.constant 2460 : i32
        %dma_wait3A_142 = arith.constant 0 : i32
        %dma_wait3A_143 = tpu.memref_slice %arg4[%dma_wait3A_141, %dma_wait3A_142] : memref<2500x128xi32, #tpu.memory_space<hbm>> -> memref<40x128xi32, #tpu.memory_space<hbm>>
        %dma_wait3A_144 = arith.constant 0 : i32
        %dma_wait3A_145 = arith.constant 0 : i32
        %dma_wait3A_146 = tpu.memref_slice %arg7[%dma_wait3A_144, %dma_wait3A_145] : memref<105x128xi32, #tpu.memory_space<vmem>> -> memref<40x128xi32, #tpu.memory_space<vmem>>
        %dma_wait3A_147 = arith.constant 2460 : i32
        %dma_wait3A_148 = arith.constant 0 : i32
        %dma_wait3A_149 = tpu.memref_slice %arg4[%dma_wait3A_147, %dma_wait3A_148] : memref<2500x128xi32, #tpu.memory_space<hbm>> -> memref<40x128xi32, #tpu.memory_space<hbm>>
        tpu.wait_dma2 semaphore(%run_scoped3A_125 : memref<!tpu.dma_semaphore, #tpu.memory_space<semaphore_mem>>) src(%dma_wait3A_149 : memref<40x128xi32, #tpu.memory_space<hbm>>) dst(%dma_wait3A_146 : memref<40x128xi32, #tpu.memory_space<vmem>>)
        tpu.yield
      }) : () -> ()
      %scan3A_118 = arith.constant 0 : i32
      %scan3A_119 = arith.constant 0 : i32
      %scan3A_120 = arith.constant 96 : i32
      %scan3A_121 = arith.addi %scan3A_119, %scan3A_120 : i32
      %scan3A_122 = arith.constant 1 : i32
      %scan3A_123 = scf.for %scan3A_125 = %scan3A_119 to %scan3A_121 step %scan3A_122 iter_args(%scan3A_126 = %scan3A_118) -> (i32)  : i32 {
        %jit3A_127 = arith.constant 8 : i32
        %div3A = arith.divsi %scan3A_125, %jit3A_127 : i32
        %sign3A = arith.constant 0 : i32
        %sign3A_128 = arith.cmpi sgt, %scan3A_125, %sign3A : i32
        %sign3A_129 = arith.extui %sign3A_128 : i1 to i32
        %sign3A_130 = arith.constant 0 : i32
        %sign3A_131 = arith.cmpi slt, %scan3A_125, %sign3A_130 : i32
        %sign3A_132 = arith.extui %sign3A_131 : i1 to i32
        %sign3A_133 = arith.subi %sign3A_129, %sign3A_132 : i32
        %sign3A_134 = arith.constant 0 : i32
        %sign3A_135 = arith.cmpi sgt, %jit3A_127, %sign3A_134 : i32
        %sign3A_136 = arith.extui %sign3A_135 : i1 to i32
        %sign3A_137 = arith.constant 0 : i32
        %sign3A_138 = arith.cmpi slt, %jit3A_127, %sign3A_137 : i32
        %sign3A_139 = arith.extui %sign3A_138 : i1 to i32
        %sign3A_140 = arith.subi %sign3A_136, %sign3A_139 : i32
        %ne3A = arith.cmpi ne, %sign3A_133, %sign3A_140 : i32
        %rem3A_141 = arith.remsi %scan3A_125, %jit3A_127 : i32
        %ne3A_142 = arith.constant 0 : i32
        %ne3A_143 = arith.cmpi ne, %rem3A_141, %ne3A_142 : i32
        %and3A_144 = arith.andi %ne3A, %ne3A_143 : i1
        %sub3A_145 = arith.constant 1 : i32
        %sub3A_146 = arith.subi %div3A, %sub3A_145 : i32
        %select_n3A_147 = arith.select %and3A_144, %sub3A_146, %div3A : i32
        %add3A_148 = arith.constant 40 : i32
        %add3A_149 = arith.addi %add3A_148, %select_n3A_147 : i32
        %jit3A_150 = arith.constant 8 : i32
        %eq3A_151 = arith.constant 0 : i32
        %eq3A_152 = arith.cmpi eq, %jit3A_150, %eq3A_151 : i32
        %jit3A_153 = arith.constant 1 : i32
        %select_n3A_154 = arith.select %eq3A_152, %jit3A_153, %jit3A_150 : i32
        %rem3A_155 = arith.remsi %scan3A_125, %select_n3A_154 : i32
        %ne3A_156 = arith.constant 0 : i32
        %ne3A_157 = arith.cmpi ne, %rem3A_155, %ne3A_156 : i32
        %lt3A_158 = arith.constant 0 : i32
        %lt3A_159 = arith.cmpi slt, %rem3A_155, %lt3A_158 : i32
        %lt3A_160 = arith.constant 0 : i32
        %lt3A_161 = arith.cmpi slt, %select_n3A_154, %lt3A_160 : i32
        %ne3A_162 = arith.xori %lt3A_159, %lt3A_161 : i1
        %and3A_163 = arith.andi %ne3A_162, %ne3A_157 : i1
        %add3A_164 = arith.addi %rem3A_155, %select_n3A_154 : i32
        %select_n3A_165 = arith.select %and3A_163, %add3A_164, %rem3A_155 : i32
        %mul3A_166 = arith.constant 16 : i32
        %mul3A_167 = arith.muli %select_n3A_165, %mul3A_166 : i32
        %broadcast_in_dim3A = arith.constant 0 : i32
        %broadcast_in_dim3A_168 = vector.broadcast %broadcast_in_dim3A : i32 to vector<16xi32>
        %swap3A = arith.index_cast %add3A_149 : i32 to index
        %swap3A_169 = arith.index_cast %mul3A_167 : i32 to index
        %swap3A_170 = tpu.vector_load %arg6[%swap3A, %swap3A_169] {strides = array<i32>} : memref<105x128xi32, #tpu.memory_space<vmem>>, vector<1x16xi32>,
        %swap3A_171 = vector.shape_cast %swap3A_170 : vector<1x16xi32> to vector<16xi32>
        %swap3A_172 = vector.shape_cast %broadcast_in_dim3A_168 : vector<16xi32> to vector<1x16xi32>
        tpu.vector_store %arg6[%swap3A, %swap3A_169], %swap3A_172 {strides = array<i32>} : memref<105x128xi32, #tpu.memory_space<vmem>>, vector<1x16xi32>,
        %broadcast_in_dim3A_173 = arith.constant 10008 : i32
        %broadcast_in_dim3A_174 = vector.broadcast %broadcast_in_dim3A_173 : i32 to vector<16xi32>
        %swap3A_175 = arith.index_cast %add3A_149 : i32 to index
        %swap3A_176 = arith.index_cast %mul3A_167 : i32 to index
        %swap3A_177 = tpu.vector_load %arg7[%swap3A_175, %swap3A_176] {strides = array<i32>} : memref<105x128xi32, #tpu.memory_space<vmem>>, vector<1x16xi32>,
        %swap3A_178 = vector.shape_cast %swap3A_177 : vector<1x16xi32> to vector<16xi32>
        %swap3A_179 = vector.shape_cast %broadcast_in_dim3A_174 : vector<16xi32> to vector<1x16xi32>
        tpu.vector_store %arg7[%swap3A_175, %swap3A_176], %swap3A_179 {strides = array<i32>} : memref<105x128xi32, #tpu.memory_space<vmem>>, vector<1x16xi32>,
        %scan3A_180 = arith.constant 0 : i32
        scf.yield %scan3A_180 : i32
      }
      %scan3A_124 = arith.constant 96 : i32
    } else {
    }
    %scan3A = arith.constant 0 : i32
    %scan3A_16 = arith.constant 0 : i32
    %scan3A_17 = arith.constant 512 : i32
    %scan3A_18 = arith.addi %scan3A_16, %scan3A_17 : i32
    %scan3A_19 = arith.constant 1 : i32
    %scan3A_20 = scf.for %scan3A_118 = %scan3A_16 to %scan3A_18 step %scan3A_19 iter_args(%scan3A_119 = %scan3A) -> (i32)  : i32 {
      %broadcast_in_dim3A = arith.constant 0.000000e+00 : f32
      %broadcast_in_dim3A_120 = vector.broadcast %broadcast_in_dim3A : f32 to vector<16xf32>
      %jit3A_121 = arith.constant 4 : i32
      %div3A = arith.divsi %scan3A_118, %jit3A_121 : i32
      %sign3A = arith.constant 0 : i32
      %sign3A_122 = arith.cmpi sgt, %scan3A_118, %sign3A : i32
      %sign3A_123 = arith.extui %sign3A_122 : i1 to i32
      %sign3A_124 = arith.constant 0 : i32
      %sign3A_125 = arith.cmpi slt, %scan3A_118, %sign3A_124 : i32
      %sign3A_126 = arith.extui %sign3A_125 : i1 to i32
      %sign3A_127 = arith.subi %sign3A_123, %sign3A_126 : i32
      %sign3A_128 = arith.constant 0 : i32
      %sign3A_129 = arith.cmpi sgt, %jit3A_121, %sign3A_128 : i32
      %sign3A_130 = arith.extui %sign3A_129 : i1 to i32
      %sign3A_131 = arith.constant 0 : i32
      %sign3A_132 = arith.cmpi slt, %jit3A_121, %sign3A_131 : i32
      %sign3A_133 = arith.extui %sign3A_132 : i1 to i32
      %sign3A_134 = arith.subi %sign3A_130, %sign3A_133 : i32
      %ne3A = arith.cmpi ne, %sign3A_127, %sign3A_134 : i32
      %rem3A_135 = arith.remsi %scan3A_118, %jit3A_121 : i32
      %ne3A_136 = arith.constant 0 : i32
      %ne3A_137 = arith.cmpi ne, %rem3A_135, %ne3A_136 : i32
      %and3A_138 = arith.andi %ne3A, %ne3A_137 : i1
      %sub3A_139 = arith.constant 1 : i32
      %sub3A_140 = arith.subi %div3A, %sub3A_139 : i32
      %select_n3A_141 = arith.select %and3A_138, %sub3A_140, %div3A : i32
      %jit3A_142 = arith.constant 4 : i32
      %eq3A_143 = arith.constant 0 : i32
      %eq3A_144 = arith.cmpi eq, %jit3A_142, %eq3A_143 : i32
      %jit3A_145 = arith.constant 1 : i32
      %select_n3A_146 = arith.select %eq3A_144, %jit3A_145, %jit3A_142 : i32
      %rem3A_147 = arith.remsi %scan3A_118, %select_n3A_146 : i32
      %ne3A_148 = arith.constant 0 : i32
      %ne3A_149 = arith.cmpi ne, %rem3A_147, %ne3A_148 : i32
      %lt3A_150 = arith.constant 0 : i32
      %lt3A_151 = arith.cmpi slt, %rem3A_147, %lt3A_150 : i32
      %lt3A_152 = arith.constant 0 : i32
      %lt3A_153 = arith.cmpi slt, %select_n3A_146, %lt3A_152 : i32
      %ne3A_154 = arith.xori %lt3A_151, %lt3A_153 : i1
      %and3A_155 = arith.andi %ne3A_154, %ne3A_149 : i1
      %add3A_156 = arith.addi %rem3A_147, %select_n3A_146 : i32
      %select_n3A_157 = arith.select %and3A_155, %add3A_156, %rem3A_147 : i32
      %mul3A_158 = arith.constant 16 : i32
      %mul3A_159 = arith.muli %select_n3A_157, %mul3A_158 : i32
      %swap3A = arith.constant 0 : i32
      %swap3A_160 = arith.index_cast %swap3A : i32 to index
      %swap3A_161 = arith.index_cast %select_n3A_141 : i32 to index
      %swap3A_162 = arith.index_cast %mul3A_159 : i32 to index
      %swap3A_163 = tpu.vector_load %arg8[%swap3A_160, %swap3A_161, %swap3A_162] {strides = array<i32>} : memref<4x128x64xf32, #tpu.memory_space<vmem>>, vector<1x1x16xf32>,
      %swap3A_164 = vector.shape_cast %swap3A_163 : vector<1x1x16xf32> to vector<16xf32>
      %swap3A_165 = vector.shape_cast %broadcast_in_dim3A_120 : vector<16xf32> to vector<1x1x16xf32>
      tpu.vector_store %arg8[%swap3A_160, %swap3A_161, %swap3A_162], %swap3A_165 {strides = array<i32>} : memref<4x128x64xf32, #tpu.memory_space<vmem>>, vector<1x1x16xf32>,
      %scan3A_166 = arith.constant 0 : i32
      scf.yield %scan3A_166 : i32
    }
    %scan3A_21 = arith.constant 512 : i32
    %mul3A = arith.constant 640 : i32
    %mul3A_22 = arith.muli %arg1, %mul3A : i32
    %add3A = arith.constant 0 : i32
    %add3A_23 = arith.addi %mul3A_22, %add3A : i32
    %run_scoped3A = arith.constant 0 : i32
    "tpu.region"() ({
      %run_scoped3A_118 = tpu.sem_alloc : memref<!tpu.dma_semaphore, #tpu.memory_space<semaphore_mem>>
      %dma_start3A_119 = arith.constant 0 : i32
      %dma_start3A_120 = arith.constant 0 : i32
      %dma_start3A_121 = tpu.memref_slice %arg8[%run_scoped3A, %dma_start3A_119, %dma_start3A_120] : memref<4x128x64xf32, #tpu.memory_space<vmem>> -> memref<1x128x64xf32, #tpu.memory_space<vmem>>
      %dma_start3A_122 = tpu.memref_squeeze %dma_start3A_121 : memref<1x128x64xf32, #tpu.memory_space<vmem>> -> memref<128x64xf32, #tpu.memory_space<vmem>>
      %dma_start3A_123 = arith.constant 0 : i32
      %dma_start3A_124 = tpu.memref_slice %arg9[%add3A_23, %dma_start3A_123] : memref<10240x64xf32, #tpu.memory_space<vmem_shared>> -> memref<128x64xf32, #tpu.memory_space<vmem_shared>>
      %dma_start3A_125 = arith.constant 0 : i32
      %dma_start3A_126 = tpu.memref_slice %arg9[%add3A_23, %dma_start3A_125] : memref<10240x64xf32, #tpu.memory_space<vmem_shared>> -> memref<128x64xf32, #tpu.memory_space<vmem_shared>>
      %dma_start3A_127 = arith.constant 0 : i32
      %dma_start3A_128 = arith.constant 0 : i32
      %dma_start3A_129 = tpu.memref_slice %arg8[%run_scoped3A, %dma_start3A_127, %dma_start3A_128] : memref<4x128x64xf32, #tpu.memory_space<vmem>> -> memref<1x128x64xf32, #tpu.memory_space<vmem>>
      %dma_start3A_130 = tpu.memref_squeeze %dma_start3A_129 : memref<1x128x64xf32, #tpu.memory_space<vmem>> -> memref<128x64xf32, #tpu.memory_space<vmem>>
      tpu.enqueue_dma source(%dma_start3A_130 : memref<128x64xf32, #tpu.memory_space<vmem>>) target(%dma_start3A_126 : memref<128x64xf32, #tpu.memory_space<vmem_shared>>) target_semaphore(%run_scoped3A_118 : memref<!tpu.dma_semaphore, #tpu.memory_space<semaphore_mem>>)
      %dma_wait3A_131 = arith.constant 0 : i32
      %dma_wait3A_132 = arith.constant 0 : i32
      %dma_wait3A_133 = tpu.memref_slice %arg8[%run_scoped3A, %dma_wait3A_131, %dma_wait3A_132] : memref<4x128x64xf32, #tpu.memory_space<vmem>> -> memref<1x128x64xf32, #tpu.memory_space<vmem>>
      %dma_wait3A_134 = tpu.memref_squeeze %dma_wait3A_133 : memref<1x128x64xf32, #tpu.memory_space<vmem>> -> memref<128x64xf32, #tpu.memory_space<vmem>>
      %dma_wait3A_135 = arith.constant 0 : i32
      %dma_wait3A_136 = tpu.memref_slice %arg9[%add3A_23, %dma_wait3A_135] : memref<10240x64xf32, #tpu.memory_space<vmem_shared>> -> memref<128x64xf32, #tpu.memory_space<vmem_shared>>
      %dma_wait3A_137 = arith.constant 0 : i32
      %dma_wait3A_138 = tpu.memref_slice %arg9[%add3A_23, %dma_wait3A_137] : memref<10240x64xf32, #tpu.memory_space<vmem_shared>> -> memref<128x64xf32, #tpu.memory_space<vmem_shared>>
      %dma_wait3A_139 = arith.constant 0 : i32
      %dma_wait3A_140 = arith.constant 0 : i32
      %dma_wait3A_141 = tpu.memref_slice %arg8[%run_scoped3A, %dma_wait3A_139, %dma_wait3A_140] : memref<4x128x64xf32, #tpu.memory_space<vmem>> -> memref<1x128x64xf32, #tpu.memory_space<vmem>>
      %dma_wait3A_142 = tpu.memref_squeeze %dma_wait3A_141 : memref<1x128x64xf32, #tpu.memory_space<vmem>> -> memref<128x64xf32, #tpu.memory_space<vmem>>
      tpu.wait_dma2 semaphore(%run_scoped3A_118 : memref<!tpu.dma_semaphore, #tpu.memory_space<semaphore_mem>>) src(%dma_wait3A_142 : memref<128x64xf32, #tpu.memory_space<vmem>>) dst(%dma_wait3A_138 : memref<128x64xf32, #tpu.memory_space<vmem_shared>>)
      tpu.yield
    }) : () -> ()
    %mul3A_24 = arith.constant 640 : i32
    %mul3A_25 = arith.muli %arg1, %mul3A_24 : i32
    %add3A_26 = arith.constant 128 : i32
    %add3A_27 = arith.addi %mul3A_25, %add3A_26 : i32
    %run_scoped3A_28 = arith.constant 0 : i32
    "tpu.region"() ({
      %run_scoped3A_118 = tpu.sem_alloc : memref<!tpu.dma_semaphore, #tpu.memory_space<semaphore_mem>>
      %dma_start3A_119 = arith.constant 0 : i32
      %dma_start3A_120 = arith.constant 0 : i32
      %dma_start3A_121 = tpu.memref_slice %arg8[%run_scoped3A_28, %dma_start3A_119, %dma_start3A_120] : memref<4x128x64xf32, #tpu.memory_space<vmem>> -> memref<1x128x64xf32, #tpu.memory_space<vmem>>
      %dma_start3A_122 = tpu.memref_squeeze %dma_start3A_121 : memref<1x128x64xf32, #tpu.memory_space<vmem>> -> memref<128x64xf32, #tpu.memory_space<vmem>>
      %dma_start3A_123 = arith.constant 0 : i32
      %dma_start3A_124 = tpu.memref_slice %arg9[%add3A_27, %dma_start3A_123] : memref<10240x64xf32, #tpu.memory_space<vmem_shared>> -> memref<128x64xf32, #tpu.memory_space<vmem_shared>>
      %dma_start3A_125 = arith.constant 0 : i32
      %dma_start3A_126 = tpu.memref_slice %arg9[%add3A_27, %dma_start3A_125] : memref<10240x64xf32, #tpu.memory_space<vmem_shared>> -> memref<128x64xf32, #tpu.memory_space<vmem_shared>>
      %dma_start3A_127 = arith.constant 0 : i32
      %dma_start3A_128 = arith.constant 0 : i32
      %dma_start3A_129 = tpu.memref_slice %arg8[%run_scoped3A_28, %dma_start3A_127, %dma_start3A_128] : memref<4x128x64xf32, #tpu.memory_space<vmem>> -> memref<1x128x64xf32, #tpu.memory_space<vmem>>
      %dma_start3A_130 = tpu.memref_squeeze %dma_start3A_129 : memref<1x128x64xf32, #tpu.memory_space<vmem>> -> memref<128x64xf32, #tpu.memory_space<vmem>>
      tpu.enqueue_dma source(%dma_start3A_130 : memref<128x64xf32, #tpu.memory_space<vmem>>) target(%dma_start3A_126 : memref<128x64xf32, #tpu.memory_space<vmem_shared>>) target_semaphore(%run_scoped3A_118 : memref<!tpu.dma_semaphore, #tpu.memory_space<semaphore_mem>>)
      %dma_wait3A_131 = arith.constant 0 : i32
      %dma_wait3A_132 = arith.constant 0 : i32
      %dma_wait3A_133 = tpu.memref_slice %arg8[%run_scoped3A_28, %dma_wait3A_131, %dma_wait3A_132] : memref<4x128x64xf32, #tpu.memory_space<vmem>> -> memref<1x128x64xf32, #tpu.memory_space<vmem>>
      %dma_wait3A_134 = tpu.memref_squeeze %dma_wait3A_133 : memref<1x128x64xf32, #tpu.memory_space<vmem>> -> memref<128x64xf32, #tpu.memory_space<vmem>>
      %dma_wait3A_135 = arith.constant 0 : i32
      %dma_wait3A_136 = tpu.memref_slice %arg9[%add3A_27, %dma_wait3A_135] : memref<10240x64xf32, #tpu.memory_space<vmem_shared>> -> memref<128x64xf32, #tpu.memory_space<vmem_shared>>
      %dma_wait3A_137 = arith.constant 0 : i32
      %dma_wait3A_138 = tpu.memref_slice %arg9[%add3A_27, %dma_wait3A_137] : memref<10240x64xf32, #tpu.memory_space<vmem_shared>> -> memref<128x64xf32, #tpu.memory_space<vmem_shared>>
      %dma_wait3A_139 = arith.constant 0 : i32
      %dma_wait3A_140 = arith.constant 0 : i32
      %dma_wait3A_141 = tpu.memref_slice %arg8[%run_scoped3A_28, %dma_wait3A_139, %dma_wait3A_140] : memref<4x128x64xf32, #tpu.memory_space<vmem>> -> memref<1x128x64xf32, #tpu.memory_space<vmem>>
      %dma_wait3A_142 = tpu.memref_squeeze %dma_wait3A_141 : memref<1x128x64xf32, #tpu.memory_space<vmem>> -> memref<128x64xf32, #tpu.memory_space<vmem>>
      tpu.wait_dma2 semaphore(%run_scoped3A_118 : memref<!tpu.dma_semaphore, #tpu.memory_space<semaphore_mem>>) src(%dma_wait3A_142 : memref<128x64xf32, #tpu.memory_space<vmem>>) dst(%dma_wait3A_138 : memref<128x64xf32, #tpu.memory_space<vmem_shared>>)
      tpu.yield
    }) : () -> ()
    %mul3A_29 = arith.constant 640 : i32
    %mul3A_30 = arith.muli %arg1, %mul3A_29 : i32
    %add3A_31 = arith.constant 256 : i32
    %add3A_32 = arith.addi %mul3A_30, %add3A_31 : i32
    %run_scoped3A_33 = arith.constant 0 : i32
    "tpu.region"() ({
      %run_scoped3A_118 = tpu.sem_alloc : memref<!tpu.dma_semaphore, #tpu.memory_space<semaphore_mem>>
      %dma_start3A_119 = arith.constant 0 : i32
      %dma_start3A_120 = arith.constant 0 : i32
      %dma_start3A_121 = tpu.memref_slice %arg8[%run_scoped3A_33, %dma_start3A_119, %dma_start3A_120] : memref<4x128x64xf32, #tpu.memory_space<vmem>> -> memref<1x128x64xf32, #tpu.memory_space<vmem>>
      %dma_start3A_122 = tpu.memref_squeeze %dma_start3A_121 : memref<1x128x64xf32, #tpu.memory_space<vmem>> -> memref<128x64xf32, #tpu.memory_space<vmem>>
      %dma_start3A_123 = arith.constant 0 : i32
      %dma_start3A_124 = tpu.memref_slice %arg9[%add3A_32, %dma_start3A_123] : memref<10240x64xf32, #tpu.memory_space<vmem_shared>> -> memref<128x64xf32, #tpu.memory_space<vmem_shared>>
      %dma_start3A_125 = arith.constant 0 : i32
      %dma_start3A_126 = tpu.memref_slice %arg9[%add3A_32, %dma_start3A_125] : memref<10240x64xf32, #tpu.memory_space<vmem_shared>> -> memref<128x64xf32, #tpu.memory_space<vmem_shared>>
      %dma_start3A_127 = arith.constant 0 : i32
      %dma_start3A_128 = arith.constant 0 : i32
      %dma_start3A_129 = tpu.memref_slice %arg8[%run_scoped3A_33, %dma_start3A_127, %dma_start3A_128] : memref<4x128x64xf32, #tpu.memory_space<vmem>> -> memref<1x128x64xf32, #tpu.memory_space<vmem>>
      %dma_start3A_130 = tpu.memref_squeeze %dma_start3A_129 : memref<1x128x64xf32, #tpu.memory_space<vmem>> -> memref<128x64xf32, #tpu.memory_space<vmem>>
      tpu.enqueue_dma source(%dma_start3A_130 : memref<128x64xf32, #tpu.memory_space<vmem>>) target(%dma_start3A_126 : memref<128x64xf32, #tpu.memory_space<vmem_shared>>) target_semaphore(%run_scoped3A_118 : memref<!tpu.dma_semaphore, #tpu.memory_space<semaphore_mem>>)
      %dma_wait3A_131 = arith.constant 0 : i32
      %dma_wait3A_132 = arith.constant 0 : i32
      %dma_wait3A_133 = tpu.memref_slice %arg8[%run_scoped3A_33, %dma_wait3A_131, %dma_wait3A_132] : memref<4x128x64xf32, #tpu.memory_space<vmem>> -> memref<1x128x64xf32, #tpu.memory_space<vmem>>
      %dma_wait3A_134 = tpu.memref_squeeze %dma_wait3A_133 : memref<1x128x64xf32, #tpu.memory_space<vmem>> -> memref<128x64xf32, #tpu.memory_space<vmem>>
      %dma_wait3A_135 = arith.constant 0 : i32
      %dma_wait3A_136 = tpu.memref_slice %arg9[%add3A_32, %dma_wait3A_135] : memref<10240x64xf32, #tpu.memory_space<vmem_shared>> -> memref<128x64xf32, #tpu.memory_space<vmem_shared>>
      %dma_wait3A_137 = arith.constant 0 : i32
      %dma_wait3A_138 = tpu.memref_slice %arg9[%add3A_32, %dma_wait3A_137] : memref<10240x64xf32, #tpu.memory_space<vmem_shared>> -> memref<128x64xf32, #tpu.memory_space<vmem_shared>>
      %dma_wait3A_139 = arith.constant 0 : i32
      %dma_wait3A_140 = arith.constant 0 : i32
      %dma_wait3A_141 = tpu.memref_slice %arg8[%run_scoped3A_33, %dma_wait3A_139, %dma_wait3A_140] : memref<4x128x64xf32, #tpu.memory_space<vmem>> -> memref<1x128x64xf32, #tpu.memory_space<vmem>>
      %dma_wait3A_142 = tpu.memref_squeeze %dma_wait3A_141 : memref<1x128x64xf32, #tpu.memory_space<vmem>> -> memref<128x64xf32, #tpu.memory_space<vmem>>
      tpu.wait_dma2 semaphore(%run_scoped3A_118 : memref<!tpu.dma_semaphore, #tpu.memory_space<semaphore_mem>>) src(%dma_wait3A_142 : memref<128x64xf32, #tpu.memory_space<vmem>>) dst(%dma_wait3A_138 : memref<128x64xf32, #tpu.memory_space<vmem_shared>>)
      tpu.yield
    }) : () -> ()
    %mul3A_34 = arith.constant 640 : i32
    %mul3A_35 = arith.muli %arg1, %mul3A_34 : i32
    %add3A_36 = arith.constant 384 : i32
    %add3A_37 = arith.addi %mul3A_35, %add3A_36 : i32
    %run_scoped3A_38 = arith.constant 0 : i32
    "tpu.region"() ({
      %run_scoped3A_118 = tpu.sem_alloc : memref<!tpu.dma_semaphore, #tpu.memory_space<semaphore_mem>>
      %dma_start3A_119 = arith.constant 0 : i32
      %dma_start3A_120 = arith.constant 0 : i32
      %dma_start3A_121 = tpu.memref_slice %arg8[%run_scoped3A_38, %dma_start3A_119, %dma_start3A_120] : memref<4x128x64xf32, #tpu.memory_space<vmem>> -> memref<1x128x64xf32, #tpu.memory_space<vmem>>
      %dma_start3A_122 = tpu.memref_squeeze %dma_start3A_121 : memref<1x128x64xf32, #tpu.memory_space<vmem>> -> memref<128x64xf32, #tpu.memory_space<vmem>>
      %dma_start3A_123 = arith.constant 0 : i32
      %dma_start3A_124 = tpu.memref_slice %arg9[%add3A_37, %dma_start3A_123] : memref<10240x64xf32, #tpu.memory_space<vmem_shared>> -> memref<128x64xf32, #tpu.memory_space<vmem_shared>>
      %dma_start3A_125 = arith.constant 0 : i32
      %dma_start3A_126 = tpu.memref_slice %arg9[%add3A_37, %dma_start3A_125] : memref<10240x64xf32, #tpu.memory_space<vmem_shared>> -> memref<128x64xf32, #tpu.memory_space<vmem_shared>>
      %dma_start3A_127 = arith.constant 0 : i32
      %dma_start3A_128 = arith.constant 0 : i32
      %dma_start3A_129 = tpu.memref_slice %arg8[%run_scoped3A_38, %dma_start3A_127, %dma_start3A_128] : memref<4x128x64xf32, #tpu.memory_space<vmem>> -> memref<1x128x64xf32, #tpu.memory_space<vmem>>
      %dma_start3A_130 = tpu.memref_squeeze %dma_start3A_129 : memref<1x128x64xf32, #tpu.memory_space<vmem>> -> memref<128x64xf32, #tpu.memory_space<vmem>>
      tpu.enqueue_dma source(%dma_start3A_130 : memref<128x64xf32, #tpu.memory_space<vmem>>) target(%dma_start3A_126 : memref<128x64xf32, #tpu.memory_space<vmem_shared>>) target_semaphore(%run_scoped3A_118 : memref<!tpu.dma_semaphore, #tpu.memory_space<semaphore_mem>>)
      %dma_wait3A_131 = arith.constant 0 : i32
      %dma_wait3A_132 = arith.constant 0 : i32
      %dma_wait3A_133 = tpu.memref_slice %arg8[%run_scoped3A_38, %dma_wait3A_131, %dma_wait3A_132] : memref<4x128x64xf32, #tpu.memory_space<vmem>> -> memref<1x128x64xf32, #tpu.memory_space<vmem>>
      %dma_wait3A_134 = tpu.memref_squeeze %dma_wait3A_133 : memref<1x128x64xf32, #tpu.memory_space<vmem>> -> memref<128x64xf32, #tpu.memory_space<vmem>>
      %dma_wait3A_135 = arith.constant 0 : i32
      %dma_wait3A_136 = tpu.memref_slice %arg9[%add3A_37, %dma_wait3A_135] : memref<10240x64xf32, #tpu.memory_space<vmem_shared>> -> memref<128x64xf32, #tpu.memory_space<vmem_shared>>
      %dma_wait3A_137 = arith.constant 0 : i32
      %dma_wait3A_138 = tpu.memref_slice %arg9[%add3A_37, %dma_wait3A_137] : memref<10240x64xf32, #tpu.memory_space<vmem_shared>> -> memref<128x64xf32, #tpu.memory_space<vmem_shared>>
      %dma_wait3A_139 = arith.constant 0 : i32
      %dma_wait3A_140 = arith.constant 0 : i32
      %dma_wait3A_141 = tpu.memref_slice %arg8[%run_scoped3A_38, %dma_wait3A_139, %dma_wait3A_140] : memref<4x128x64xf32, #tpu.memory_space<vmem>> -> memref<1x128x64xf32, #tpu.memory_space<vmem>>
      %dma_wait3A_142 = tpu.memref_squeeze %dma_wait3A_141 : memref<1x128x64xf32, #tpu.memory_space<vmem>> -> memref<128x64xf32, #tpu.memory_space<vmem>>
      tpu.wait_dma2 semaphore(%run_scoped3A_118 : memref<!tpu.dma_semaphore, #tpu.memory_space<semaphore_mem>>) src(%dma_wait3A_142 : memref<128x64xf32, #tpu.memory_space<vmem>>) dst(%dma_wait3A_138 : memref<128x64xf32, #tpu.memory_space<vmem_shared>>)
      tpu.yield
    }) : () -> ()
    %mul3A_39 = arith.constant 640 : i32
    %mul3A_40 = arith.muli %arg1, %mul3A_39 : i32
    %add3A_41 = arith.constant 512 : i32
    %add3A_42 = arith.addi %mul3A_40, %add3A_41 : i32
    %run_scoped3A_43 = arith.constant 0 : i32
    "tpu.region"() ({
      %run_scoped3A_118 = tpu.sem_alloc : memref<!tpu.dma_semaphore, #tpu.memory_space<semaphore_mem>>
      %dma_start3A_119 = arith.constant 0 : i32
      %dma_start3A_120 = arith.constant 0 : i32
      %dma_start3A_121 = tpu.memref_slice %arg8[%run_scoped3A_43, %dma_start3A_119, %dma_start3A_120] : memref<4x128x64xf32, #tpu.memory_space<vmem>> -> memref<1x128x64xf32, #tpu.memory_space<vmem>>
      %dma_start3A_122 = tpu.memref_squeeze %dma_start3A_121 : memref<1x128x64xf32, #tpu.memory_space<vmem>> -> memref<128x64xf32, #tpu.memory_space<vmem>>
      %dma_start3A_123 = arith.constant 0 : i32
      %dma_start3A_124 = tpu.memref_slice %arg9[%add3A_42, %dma_start3A_123] : memref<10240x64xf32, #tpu.memory_space<vmem_shared>> -> memref<128x64xf32, #tpu.memory_space<vmem_shared>>
      %dma_start3A_125 = arith.constant 0 : i32
      %dma_start3A_126 = tpu.memref_slice %arg9[%add3A_42, %dma_start3A_125] : memref<10240x64xf32, #tpu.memory_space<vmem_shared>> -> memref<128x64xf32, #tpu.memory_space<vmem_shared>>
      %dma_start3A_127 = arith.constant 0 : i32
      %dma_start3A_128 = arith.constant 0 : i32
      %dma_start3A_129 = tpu.memref_slice %arg8[%run_scoped3A_43, %dma_start3A_127, %dma_start3A_128] : memref<4x128x64xf32, #tpu.memory_space<vmem>> -> memref<1x128x64xf32, #tpu.memory_space<vmem>>
      %dma_start3A_130 = tpu.memref_squeeze %dma_start3A_129 : memref<1x128x64xf32, #tpu.memory_space<vmem>> -> memref<128x64xf32, #tpu.memory_space<vmem>>
      tpu.enqueue_dma source(%dma_start3A_130 : memref<128x64xf32, #tpu.memory_space<vmem>>) target(%dma_start3A_126 : memref<128x64xf32, #tpu.memory_space<vmem_shared>>) target_semaphore(%run_scoped3A_118 : memref<!tpu.dma_semaphore, #tpu.memory_space<semaphore_mem>>)
      %dma_wait3A_131 = arith.constant 0 : i32
      %dma_wait3A_132 = arith.constant 0 : i32
      %dma_wait3A_133 = tpu.memref_slice %arg8[%run_scoped3A_43, %dma_wait3A_131, %dma_wait3A_132] : memref<4x128x64xf32, #tpu.memory_space<vmem>> -> memref<1x128x64xf32, #tpu.memory_space<vmem>>
      %dma_wait3A_134 = tpu.memref_squeeze %dma_wait3A_133 : memref<1x128x64xf32, #tpu.memory_space<vmem>> -> memref<128x64xf32, #tpu.memory_space<vmem>>
      %dma_wait3A_135 = arith.constant 0 : i32
      %dma_wait3A_136 = tpu.memref_slice %arg9[%add3A_42, %dma_wait3A_135] : memref<10240x64xf32, #tpu.memory_space<vmem_shared>> -> memref<128x64xf32, #tpu.memory_space<vmem_shared>>
      %dma_wait3A_137 = arith.constant 0 : i32
      %dma_wait3A_138 = tpu.memref_slice %arg9[%add3A_42, %dma_wait3A_137] : memref<10240x64xf32, #tpu.memory_space<vmem_shared>> -> memref<128x64xf32, #tpu.memory_space<vmem_shared>>
      %dma_wait3A_139 = arith.constant 0 : i32
      %dma_wait3A_140 = arith.constant 0 : i32
      %dma_wait3A_141 = tpu.memref_slice %arg8[%run_scoped3A_43, %dma_wait3A_139, %dma_wait3A_140] : memref<4x128x64xf32, #tpu.memory_space<vmem>> -> memref<1x128x64xf32, #tpu.memory_space<vmem>>
      %dma_wait3A_142 = tpu.memref_squeeze %dma_wait3A_141 : memref<1x128x64xf32, #tpu.memory_space<vmem>> -> memref<128x64xf32, #tpu.memory_space<vmem>>
      tpu.wait_dma2 semaphore(%run_scoped3A_118 : memref<!tpu.dma_semaphore, #tpu.memory_space<semaphore_mem>>) src(%dma_wait3A_142 : memref<128x64xf32, #tpu.memory_space<vmem>>) dst(%dma_wait3A_138 : memref<128x64xf32, #tpu.memory_space<vmem_shared>>)
      tpu.yield
    }) : () -> ()
    %barrier3A = arith.constant 0 : index
    tpu.barrier barrier_id(%barrier3A)
    %dma_start3A = arith.constant 0 : i32
    %dma_start3A_44 = arith.constant 0 : i32
    %dma_start3A_45 = arith.constant 0 : i32
    %dma_start3A_46 = arith.constant 0 : i32
    %dma_start3A_47 = arith.constant 0 : i32
    %dma_start3A_48 = tpu.memref_slice %arg8[%dma_start3A_44, %dma_start3A_46, %dma_start3A_47] : memref<4x128x64xf32, #tpu.memory_space<vmem>> -> memref<1x128x64xf32, #tpu.memory_space<vmem>>
    %dma_start3A_49 = tpu.memref_squeeze %dma_start3A_48 : memref<1x128x64xf32, #tpu.memory_space<vmem>> -> memref<128x64xf32, #tpu.memory_space<vmem>>
    %dma_start3A_50 = arith.constant 0 : i32
    %dma_start3A_51 = tpu.memref_slice %arg6[%dma_start3A, %dma_start3A_50] : memref<105x128xi32, #tpu.memory_space<vmem>> -> memref<1x128xi32, #tpu.memory_space<vmem>>
    %dma_start3A_52 = tpu.memref_squeeze %dma_start3A_51 : memref<1x128xi32, #tpu.memory_space<vmem>> -> memref<128xi32, #tpu.memory_space<vmem>>
    %dma_start3A_53 = arith.constant 0 : i32
    %dma_start3A_54 = arith.constant 0 : i32
    %dma_start3A_55 = tpu.memref_slice %arg2[%dma_start3A_53, %dma_start3A_54] : memref<10000x64xf32, #tpu.memory_space<hbm>> -> memref<10000x64xf32, #tpu.memory_space<hbm>>
    %dma_start3A_56 = tpu.memref_slice %arg10[%dma_start3A_45] : memref<4x!tpu.dma_semaphore, #tpu.memory_space<semaphore_mem>> -> memref<1x!tpu.dma_semaphore, #tpu.memory_space<semaphore_mem>>
    %dma_start3A_57 = tpu.memref_squeeze %dma_start3A_56 : memref<1x!tpu.dma_semaphore, #tpu.memory_space<semaphore_mem>> -> memref<!tpu.dma_semaphore, #tpu.memory_space<semaphore_mem>>
    tpu.enqueue_indirect_dma source(%dma_start3A_55 : memref<10000x64xf32, #tpu.memory_space<hbm>>) target(%dma_start3A_49 : memref<128x64xf32, #tpu.memory_space<vmem>>) offsets(%dma_start3A_52 : memref<128xi32, #tpu.memory_space<vmem>>) semaphore(%dma_start3A_57 : memref<!tpu.dma_semaphore, #tpu.memory_space<semaphore_mem>>)
    %dma_start3A_58 = arith.constant 1 : i32
    %dma_start3A_59 = arith.constant 1 : i32
    %dma_start3A_60 = arith.constant 1 : i32
    %dma_start3A_61 = arith.constant 0 : i32
    %dma_start3A_62 = arith.constant 0 : i32
    %dma_start3A_63 = tpu.memref_slice %arg8[%dma_start3A_59, %dma_start3A_61, %dma_start3A_62] : memref<4x128x64xf32, #tpu.memory_space<vmem>> -> memref<1x128x64xf32, #tpu.memory_space<vmem>>
    %dma_start3A_64 = tpu.memref_squeeze %dma_start3A_63 : memref<1x128x64xf32, #tpu.memory_space<vmem>> -> memref<128x64xf32, #tpu.memory_space<vmem>>
    %dma_start3A_65 = arith.constant 0 : i32
    %dma_start3A_66 = tpu.memref_slice %arg6[%dma_start3A_58, %dma_start3A_65] : memref<105x128xi32, #tpu.memory_space<vmem>> -> memref<1x128xi32, #tpu.memory_space<vmem>>
    %dma_start3A_67 = tpu.memref_squeeze %dma_start3A_66 : memref<1x128xi32, #tpu.memory_space<vmem>> -> memref<128xi32, #tpu.memory_space<vmem>>
    %dma_start3A_68 = arith.constant 0 : i32
    %dma_start3A_69 = arith.constant 0 : i32
    %dma_start3A_70 = tpu.memref_slice %arg2[%dma_start3A_68, %dma_start3A_69] : memref<10000x64xf32, #tpu.memory_space<hbm>> -> memref<10000x64xf32, #tpu.memory_space<hbm>>
    %dma_start3A_71 = tpu.memref_slice %arg10[%dma_start3A_60] : memref<4x!tpu.dma_semaphore, #tpu.memory_space<semaphore_mem>> -> memref<1x!tpu.dma_semaphore, #tpu.memory_space<semaphore_mem>>
    %dma_start3A_72 = tpu.memref_squeeze %dma_start3A_71 : memref<1x!tpu.dma_semaphore, #tpu.memory_space<semaphore_mem>> -> memref<!tpu.dma_semaphore, #tpu.memory_space<semaphore_mem>>
    tpu.enqueue_indirect_dma source(%dma_start3A_70 : memref<10000x64xf32, #tpu.memory_space<hbm>>) target(%dma_start3A_64 : memref<128x64xf32, #tpu.memory_space<vmem>>) offsets(%dma_start3A_67 : memref<128xi32, #tpu.memory_space<vmem>>) semaphore(%dma_start3A_72 : memref<!tpu.dma_semaphore, #tpu.memory_space<semaphore_mem>>)
    %while3A = arith.constant 0 : i32
    %while3A_73 = arith.constant 0 : i32
    %while3A_74 = arith.subi %select_n3A, %while3A : i32
    %while3A_75 = arith.addi %while3A, %while3A_74 : i32
    %while3A_76 = arith.constant 1 : i32
    %while3A_77 = arith.divsi %while3A_74, %while3A_76 : i32
    %while3A_78 = arith.muli %while3A_77, %while3A_76 : i32
    %while3A_79 = arith.addi %while3A, %while3A_78 : i32
    %while3A_80 = arith.constant 1 : i32
    %while3A_81 = scf.for %while3A_118 = %while3A to %while3A_79 step %while3A_80 iter_args(%while3A_119 = %while3A_73) -> (i32)  : i32 {
      %rem3A_120 = arith.constant 4 : i32
      %rem3A_121 = arith.remsi %while3A_118, %rem3A_120 : i32
      %dma_wait3A_122 = arith.constant 0 : i32
      %dma_wait3A_123 = arith.constant 0 : i32
      %dma_wait3A_124 = tpu.memref_slice %arg8[%rem3A_121, %dma_wait3A_122, %dma_wait3A_123] : memref<4x128x64xf32, #tpu.memory_space<vmem>> -> memref<1x128x64xf32, #tpu.memory_space<vmem>>
      %dma_wait3A_125 = tpu.memref_squeeze %dma_wait3A_124 : memref<1x128x64xf32, #tpu.memory_space<vmem>> -> memref<128x64xf32, #tpu.memory_space<vmem>>
      %dma_wait3A_126 = arith.constant 0 : i32
      %dma_wait3A_127 = tpu.memref_slice %arg6[%while3A_118, %dma_wait3A_126] : memref<105x128xi32, #tpu.memory_space<vmem>> -> memref<1x128xi32, #tpu.memory_space<vmem>>
      %dma_wait3A_128 = tpu.memref_squeeze %dma_wait3A_127 : memref<1x128xi32, #tpu.memory_space<vmem>> -> memref<128xi32, #tpu.memory_space<vmem>>
      %dma_wait3A_129 = arith.constant 0 : i32
      %dma_wait3A_130 = arith.constant 0 : i32
      %dma_wait3A_131 = tpu.memref_slice %arg2[%dma_wait3A_129, %dma_wait3A_130] : memref<10000x64xf32, #tpu.memory_space<hbm>> -> memref<10000x64xf32, #tpu.memory_space<hbm>>
      %dma_wait3A_132 = tpu.memref_slice %arg10[%rem3A_121] : memref<4x!tpu.dma_semaphore, #tpu.memory_space<semaphore_mem>> -> memref<1x!tpu.dma_semaphore, #tpu.memory_space<semaphore_mem>>
      %dma_wait3A_133 = tpu.memref_squeeze %dma_wait3A_132 : memref<1x!tpu.dma_semaphore, #tpu.memory_space<semaphore_mem>> -> memref<!tpu.dma_semaphore, #tpu.memory_space<semaphore_mem>>
      tpu.wait_indirect_dma semaphore(%dma_wait3A_133 : memref<!tpu.dma_semaphore, #tpu.memory_space<semaphore_mem>>) src(%dma_wait3A_131 : memref<10000x64xf32, #tpu.memory_space<hbm>>) dst(%dma_wait3A_125 : memref<128x64xf32, #tpu.memory_space<vmem>>)
      %ge3A = arith.constant 2 : i32
      %ge3A_134 = arith.cmpi sge, %while3A_118, %ge3A : i32
      %convert_element_type3A_135 = arith.extui %ge3A_134 : i1 to i32
      %cond3A_136 = arith.constant 0 : i32
      %cond3A_137 = arith.cmpi ne, %convert_element_type3A_135, %cond3A_136 : i32
      scf.if %cond3A_137 {
        %sub3A_157 = arith.constant 2 : i32
        %sub3A_158 = arith.subi %while3A_118, %sub3A_157 : i32
        %rem3A_159 = arith.constant 4 : i32
        %rem3A_160 = arith.remsi %sub3A_158, %rem3A_159 : i32
        %sub3A_161 = arith.constant 2 : i32
        %sub3A_162 = arith.subi %while3A_118, %sub3A_161 : i32
        %dma_wait3A_163 = arith.constant 0 : i32
        %dma_wait3A_164 = arith.constant 0 : i32
        %dma_wait3A_165 = tpu.memref_slice %arg8[%rem3A_160, %dma_wait3A_163, %dma_wait3A_164] : memref<4x128x64xf32, #tpu.memory_space<vmem>> -> memref<1x128x64xf32, #tpu.memory_space<vmem>>
        %dma_wait3A_166 = tpu.memref_squeeze %dma_wait3A_165 : memref<1x128x64xf32, #tpu.memory_space<vmem>> -> memref<128x64xf32, #tpu.memory_space<vmem>>
        %dma_wait3A_167 = arith.constant 0 : i32
        %dma_wait3A_168 = tpu.memref_slice %arg7[%sub3A_162, %dma_wait3A_167] : memref<105x128xi32, #tpu.memory_space<vmem>> -> memref<1x128xi32, #tpu.memory_space<vmem>>
        %dma_wait3A_169 = tpu.memref_squeeze %dma_wait3A_168 : memref<1x128xi32, #tpu.memory_space<vmem>> -> memref<128xi32, #tpu.memory_space<vmem>>
        %dma_wait3A_170 = arith.constant 0 : i32
        %dma_wait3A_171 = arith.constant 0 : i32
        %dma_wait3A_172 = tpu.memref_slice %arg9[%dma_wait3A_170, %dma_wait3A_171] : memref<10240x64xf32, #tpu.memory_space<vmem_shared>> -> memref<10240x64xf32, #tpu.memory_space<vmem_shared>>
        %dma_wait3A_173 = tpu.memref_slice %arg11[%rem3A_160] : memref<4x!tpu.dma_semaphore, #tpu.memory_space<semaphore_mem>> -> memref<1x!tpu.dma_semaphore, #tpu.memory_space<semaphore_mem>>
        %dma_wait3A_174 = tpu.memref_squeeze %dma_wait3A_173 : memref<1x!tpu.dma_semaphore, #tpu.memory_space<semaphore_mem>> -> memref<!tpu.dma_semaphore, #tpu.memory_space<semaphore_mem>>
        tpu.wait_indirect_dma semaphore(%dma_wait3A_174 : memref<!tpu.dma_semaphore, #tpu.memory_space<semaphore_mem>>) src(%dma_wait3A_166 : memref<128x64xf32, #tpu.memory_space<vmem>>) dst(%dma_wait3A_172 : memref<10240x64xf32, #tpu.memory_space<vmem_shared>>)
      } else {
      }
      %add3A_138 = arith.constant 2 : i32
      %add3A_139 = arith.addi %while3A_118, %add3A_138 : i32
      %lt3A_140 = arith.cmpi slt, %add3A_139, %select_n3A : i32
      %convert_element_type3A_141 = arith.extui %lt3A_140 : i1 to i32
      %cond3A_142 = arith.constant 0 : i32
      %cond3A_143 = arith.cmpi ne, %convert_element_type3A_141, %cond3A_142 : i32
      scf.if %cond3A_143 {
        %add3A_157 = arith.constant 2 : i32
        %add3A_158 = arith.addi %while3A_118, %add3A_157 : i32
        %rem3A_159 = arith.constant 4 : i32
        %rem3A_160 = arith.remsi %add3A_158, %rem3A_159 : i32
        %add3A_161 = arith.constant 2 : i32
        %add3A_162 = arith.addi %while3A_118, %add3A_161 : i32
        %dma_start3A_163 = arith.constant 0 : i32
        %dma_start3A_164 = arith.constant 0 : i32
        %dma_start3A_165 = tpu.memref_slice %arg8[%rem3A_160, %dma_start3A_163, %dma_start3A_164] : memref<4x128x64xf32, #tpu.memory_space<vmem>> -> memref<1x128x64xf32, #tpu.memory_space<vmem>>
        %dma_start3A_166 = tpu.memref_squeeze %dma_start3A_165 : memref<1x128x64xf32, #tpu.memory_space<vmem>> -> memref<128x64xf32, #tpu.memory_space<vmem>>
        %dma_start3A_167 = arith.constant 0 : i32
        %dma_start3A_168 = tpu.memref_slice %arg6[%add3A_162, %dma_start3A_167] : memref<105x128xi32, #tpu.memory_space<vmem>> -> memref<1x128xi32, #tpu.memory_space<vmem>>
        %dma_start3A_169 = tpu.memref_squeeze %dma_start3A_168 : memref<1x128xi32, #tpu.memory_space<vmem>> -> memref<128xi32, #tpu.memory_space<vmem>>
        %dma_start3A_170 = arith.constant 0 : i32
        %dma_start3A_171 = arith.constant 0 : i32
        %dma_start3A_172 = tpu.memref_slice %arg2[%dma_start3A_170, %dma_start3A_171] : memref<10000x64xf32, #tpu.memory_space<hbm>> -> memref<10000x64xf32, #tpu.memory_space<hbm>>
        %dma_start3A_173 = tpu.memref_slice %arg10[%rem3A_160] : memref<4x!tpu.dma_semaphore, #tpu.memory_space<semaphore_mem>> -> memref<1x!tpu.dma_semaphore, #tpu.memory_space<semaphore_mem>>
        %dma_start3A_174 = tpu.memref_squeeze %dma_start3A_173 : memref<1x!tpu.dma_semaphore, #tpu.memory_space<semaphore_mem>> -> memref<!tpu.dma_semaphore, #tpu.memory_space<semaphore_mem>>
        tpu.enqueue_indirect_dma source(%dma_start3A_172 : memref<10000x64xf32, #tpu.memory_space<hbm>>) target(%dma_start3A_166 : memref<128x64xf32, #tpu.memory_space<vmem>>) offsets(%dma_start3A_169 : memref<128xi32, #tpu.memory_space<vmem>>) semaphore(%dma_start3A_174 : memref<!tpu.dma_semaphore, #tpu.memory_space<semaphore_mem>>)
      } else {
      }
      %dma_start3A_144 = arith.constant 0 : i32
      %dma_start3A_145 = arith.constant 0 : i32
      %dma_start3A_146 = tpu.memref_slice %arg8[%rem3A_121, %dma_start3A_144, %dma_start3A_145] : memref<4x128x64xf32, #tpu.memory_space<vmem>> -> memref<1x128x64xf32, #tpu.memory_space<vmem>>
      %dma_start3A_147 = tpu.memref_squeeze %dma_start3A_146 : memref<1x128x64xf32, #tpu.memory_space<vmem>> -> memref<128x64xf32, #tpu.memory_space<vmem>>
      %dma_start3A_148 = arith.constant 0 : i32
      %dma_start3A_149 = tpu.memref_slice %arg7[%while3A_118, %dma_start3A_148] : memref<105x128xi32, #tpu.memory_space<vmem>> -> memref<1x128xi32, #tpu.memory_space<vmem>>
      %dma_start3A_150 = tpu.memref_squeeze %dma_start3A_149 : memref<1x128xi32, #tpu.memory_space<vmem>> -> memref<128xi32, #tpu.memory_space<vmem>>
      %dma_start3A_151 = arith.constant 0 : i32
      %dma_start3A_152 = arith.constant 0 : i32
      %dma_start3A_153 = tpu.memref_slice %arg9[%dma_start3A_151, %dma_start3A_152] : memref<10240x64xf32, #tpu.memory_space<vmem_shared>> -> memref<10240x64xf32, #tpu.memory_space<vmem_shared>>
      %dma_start3A_154 = tpu.memref_slice %arg11[%rem3A_121] : memref<4x!tpu.dma_semaphore, #tpu.memory_space<semaphore_mem>> -> memref<1x!tpu.dma_semaphore, #tpu.memory_space<semaphore_mem>>
      %dma_start3A_155 = tpu.memref_squeeze %dma_start3A_154 : memref<1x!tpu.dma_semaphore, #tpu.memory_space<semaphore_mem>> -> memref<!tpu.dma_semaphore, #tpu.memory_space<semaphore_mem>>
      tpu.enqueue_indirect_dma source(%dma_start3A_147 : memref<128x64xf32, #tpu.memory_space<vmem>>) target(%dma_start3A_153 : memref<10240x64xf32, #tpu.memory_space<vmem_shared>>) offsets(%dma_start3A_150 : memref<128xi32, #tpu.memory_space<vmem>>) semaphore(%dma_start3A_155 : memref<!tpu.dma_semaphore, #tpu.memory_space<semaphore_mem>>) {add = true}
      %while3A_156 = arith.constant 0 : i32
      scf.yield %while3A_156 : i32
    }
    %while3A_82 = arith.constant 1 : i32
    %while3A_83 = scf.for %while3A_118 = %while3A_79 to %while3A_75 step %while3A_82 iter_args(%while3A_119 = %while3A_81) -> (i32)  : i32 {
      %rem3A_120 = arith.constant 4 : i32
      %rem3A_121 = arith.remsi %while3A_118, %rem3A_120 : i32
      %dma_wait3A_122 = arith.constant 0 : i32
      %dma_wait3A_123 = arith.constant 0 : i32
      %dma_wait3A_124 = tpu.memref_slice %arg8[%rem3A_121, %dma_wait3A_122, %dma_wait3A_123] : memref<4x128x64xf32, #tpu.memory_space<vmem>> -> memref<1x128x64xf32, #tpu.memory_space<vmem>>
      %dma_wait3A_125 = tpu.memref_squeeze %dma_wait3A_124 : memref<1x128x64xf32, #tpu.memory_space<vmem>> -> memref<128x64xf32, #tpu.memory_space<vmem>>
      %dma_wait3A_126 = arith.constant 0 : i32
      %dma_wait3A_127 = tpu.memref_slice %arg6[%while3A_118, %dma_wait3A_126] : memref<105x128xi32, #tpu.memory_space<vmem>> -> memref<1x128xi32, #tpu.memory_space<vmem>>
      %dma_wait3A_128 = tpu.memref_squeeze %dma_wait3A_127 : memref<1x128xi32, #tpu.memory_space<vmem>> -> memref<128xi32, #tpu.memory_space<vmem>>
      %dma_wait3A_129 = arith.constant 0 : i32
      %dma_wait3A_130 = arith.constant 0 : i32
      %dma_wait3A_131 = tpu.memref_slice %arg2[%dma_wait3A_129, %dma_wait3A_130] : memref<10000x64xf32, #tpu.memory_space<hbm>> -> memref<10000x64xf32, #tpu.memory_space<hbm>>
      %dma_wait3A_132 = tpu.memref_slice %arg10[%rem3A_121] : memref<4x!tpu.dma_semaphore, #tpu.memory_space<semaphore_mem>> -> memref<1x!tpu.dma_semaphore, #tpu.memory_space<semaphore_mem>>
      %dma_wait3A_133 = tpu.memref_squeeze %dma_wait3A_132 : memref<1x!tpu.dma_semaphore, #tpu.memory_space<semaphore_mem>> -> memref<!tpu.dma_semaphore, #tpu.memory_space<semaphore_mem>>
      tpu.wait_indirect_dma semaphore(%dma_wait3A_133 : memref<!tpu.dma_semaphore, #tpu.memory_space<semaphore_mem>>) src(%dma_wait3A_131 : memref<10000x64xf32, #tpu.memory_space<hbm>>) dst(%dma_wait3A_125 : memref<128x64xf32, #tpu.memory_space<vmem>>)
      %ge3A = arith.constant 2 : i32
      %ge3A_134 = arith.cmpi sge, %while3A_118, %ge3A : i32
      %convert_element_type3A_135 = arith.extui %ge3A_134 : i1 to i32
      %cond3A_136 = arith.constant 0 : i32
      %cond3A_137 = arith.cmpi ne, %convert_element_type3A_135, %cond3A_136 : i32
      scf.if %cond3A_137 {
        %sub3A_157 = arith.constant 2 : i32
        %sub3A_158 = arith.subi %while3A_118, %sub3A_157 : i32
        %rem3A_159 = arith.constant 4 : i32
        %rem3A_160 = arith.remsi %sub3A_158, %rem3A_159 : i32
        %sub3A_161 = arith.constant 2 : i32
        %sub3A_162 = arith.subi %while3A_118, %sub3A_161 : i32
        %dma_wait3A_163 = arith.constant 0 : i32
        %dma_wait3A_164 = arith.constant 0 : i32
        %dma_wait3A_165 = tpu.memref_slice %arg8[%rem3A_160, %dma_wait3A_163, %dma_wait3A_164] : memref<4x128x64xf32, #tpu.memory_space<vmem>> -> memref<1x128x64xf32, #tpu.memory_space<vmem>>
        %dma_wait3A_166 = tpu.memref_squeeze %dma_wait3A_165 : memref<1x128x64xf32, #tpu.memory_space<vmem>> -> memref<128x64xf32, #tpu.memory_space<vmem>>
        %dma_wait3A_167 = arith.constant 0 : i32
        %dma_wait3A_168 = tpu.memref_slice %arg7[%sub3A_162, %dma_wait3A_167] : memref<105x128xi32, #tpu.memory_space<vmem>> -> memref<1x128xi32, #tpu.memory_space<vmem>>
        %dma_wait3A_169 = tpu.memref_squeeze %dma_wait3A_168 : memref<1x128xi32, #tpu.memory_space<vmem>> -> memref<128xi32, #tpu.memory_space<vmem>>
        %dma_wait3A_170 = arith.constant 0 : i32
        %dma_wait3A_171 = arith.constant 0 : i32
        %dma_wait3A_172 = tpu.memref_slice %arg9[%dma_wait3A_170, %dma_wait3A_171] : memref<10240x64xf32, #tpu.memory_space<vmem_shared>> -> memref<10240x64xf32, #tpu.memory_space<vmem_shared>>
        %dma_wait3A_173 = tpu.memref_slice %arg11[%rem3A_160] : memref<4x!tpu.dma_semaphore, #tpu.memory_space<semaphore_mem>> -> memref<1x!tpu.dma_semaphore, #tpu.memory_space<semaphore_mem>>
        %dma_wait3A_174 = tpu.memref_squeeze %dma_wait3A_173 : memref<1x!tpu.dma_semaphore, #tpu.memory_space<semaphore_mem>> -> memref<!tpu.dma_semaphore, #tpu.memory_space<semaphore_mem>>
        tpu.wait_indirect_dma semaphore(%dma_wait3A_174 : memref<!tpu.dma_semaphore, #tpu.memory_space<semaphore_mem>>) src(%dma_wait3A_166 : memref<128x64xf32, #tpu.memory_space<vmem>>) dst(%dma_wait3A_172 : memref<10240x64xf32, #tpu.memory_space<vmem_shared>>)
      } else {
      }
      %add3A_138 = arith.constant 2 : i32
      %add3A_139 = arith.addi %while3A_118, %add3A_138 : i32
      %lt3A_140 = arith.cmpi slt, %add3A_139, %select_n3A : i32
      %convert_element_type3A_141 = arith.extui %lt3A_140 : i1 to i32
      %cond3A_142 = arith.constant 0 : i32
      %cond3A_143 = arith.cmpi ne, %convert_element_type3A_141, %cond3A_142 : i32
      scf.if %cond3A_143 {
        %add3A_157 = arith.constant 2 : i32
        %add3A_158 = arith.addi %while3A_118, %add3A_157 : i32
        %rem3A_159 = arith.constant 4 : i32
        %rem3A_160 = arith.remsi %add3A_158, %rem3A_159 : i32
        %add3A_161 = arith.constant 2 : i32
        %add3A_162 = arith.addi %while3A_118, %add3A_161 : i32
        %dma_start3A_163 = arith.constant 0 : i32
        %dma_start3A_164 = arith.constant 0 : i32
        %dma_start3A_165 = tpu.memref_slice %arg8[%rem3A_160, %dma_start3A_163, %dma_start3A_164] : memref<4x128x64xf32, #tpu.memory_space<vmem>> -> memref<1x128x64xf32, #tpu.memory_space<vmem>>
        %dma_start3A_166 = tpu.memref_squeeze %dma_start3A_165 : memref<1x128x64xf32, #tpu.memory_space<vmem>> -> memref<128x64xf32, #tpu.memory_space<vmem>>
        %dma_start3A_167 = arith.constant 0 : i32
        %dma_start3A_168 = tpu.memref_slice %arg6[%add3A_162, %dma_start3A_167] : memref<105x128xi32, #tpu.memory_space<vmem>> -> memref<1x128xi32, #tpu.memory_space<vmem>>
        %dma_start3A_169 = tpu.memref_squeeze %dma_start3A_168 : memref<1x128xi32, #tpu.memory_space<vmem>> -> memref<128xi32, #tpu.memory_space<vmem>>
        %dma_start3A_170 = arith.constant 0 : i32
        %dma_start3A_171 = arith.constant 0 : i32
        %dma_start3A_172 = tpu.memref_slice %arg2[%dma_start3A_170, %dma_start3A_171] : memref<10000x64xf32, #tpu.memory_space<hbm>> -> memref<10000x64xf32, #tpu.memory_space<hbm>>
        %dma_start3A_173 = tpu.memref_slice %arg10[%rem3A_160] : memref<4x!tpu.dma_semaphore, #tpu.memory_space<semaphore_mem>> -> memref<1x!tpu.dma_semaphore, #tpu.memory_space<semaphore_mem>>
        %dma_start3A_174 = tpu.memref_squeeze %dma_start3A_173 : memref<1x!tpu.dma_semaphore, #tpu.memory_space<semaphore_mem>> -> memref<!tpu.dma_semaphore, #tpu.memory_space<semaphore_mem>>
        tpu.enqueue_indirect_dma source(%dma_start3A_172 : memref<10000x64xf32, #tpu.memory_space<hbm>>) target(%dma_start3A_166 : memref<128x64xf32, #tpu.memory_space<vmem>>) offsets(%dma_start3A_169 : memref<128xi32, #tpu.memory_space<vmem>>) semaphore(%dma_start3A_174 : memref<!tpu.dma_semaphore, #tpu.memory_space<semaphore_mem>>)
      } else {
      }
      %dma_start3A_144 = arith.constant 0 : i32
      %dma_start3A_145 = arith.constant 0 : i32
      %dma_start3A_146 = tpu.memref_slice %arg8[%rem3A_121, %dma_start3A_144, %dma_start3A_145] : memref<4x128x64xf32, #tpu.memory_space<vmem>> -> memref<1x128x64xf32, #tpu.memory_space<vmem>>
      %dma_start3A_147 = tpu.memref_squeeze %dma_start3A_146 : memref<1x128x64xf32, #tpu.memory_space<vmem>> -> memref<128x64xf32, #tpu.memory_space<vmem>>
      %dma_start3A_148 = arith.constant 0 : i32
      %dma_start3A_149 = tpu.memref_slice %arg7[%while3A_118, %dma_start3A_148] : memref<105x128xi32, #tpu.memory_space<vmem>> -> memref<1x128xi32, #tpu.memory_space<vmem>>
      %dma_start3A_150 = tpu.memref_squeeze %dma_start3A_149 : memref<1x128xi32, #tpu.memory_space<vmem>> -> memref<128xi32, #tpu.memory_space<vmem>>
      %dma_start3A_151 = arith.constant 0 : i32
      %dma_start3A_152 = arith.constant 0 : i32
      %dma_start3A_153 = tpu.memref_slice %arg9[%dma_start3A_151, %dma_start3A_152] : memref<10240x64xf32, #tpu.memory_space<vmem_shared>> -> memref<10240x64xf32, #tpu.memory_space<vmem_shared>>
      %dma_start3A_154 = tpu.memref_slice %arg11[%rem3A_121] : memref<4x!tpu.dma_semaphore, #tpu.memory_space<semaphore_mem>> -> memref<1x!tpu.dma_semaphore, #tpu.memory_space<semaphore_mem>>
      %dma_start3A_155 = tpu.memref_squeeze %dma_start3A_154 : memref<1x!tpu.dma_semaphore, #tpu.memory_space<semaphore_mem>> -> memref<!tpu.dma_semaphore, #tpu.memory_space<semaphore_mem>>
      tpu.enqueue_indirect_dma source(%dma_start3A_147 : memref<128x64xf32, #tpu.memory_space<vmem>>) target(%dma_start3A_153 : memref<10240x64xf32, #tpu.memory_space<vmem_shared>>) offsets(%dma_start3A_150 : memref<128xi32, #tpu.memory_space<vmem>>) semaphore(%dma_start3A_155 : memref<!tpu.dma_semaphore, #tpu.memory_space<semaphore_mem>>) {add = true}
      %while3A_156 = arith.constant 0 : i32
      scf.yield %while3A_156 : i32
    }
    %sub3A = arith.constant 2 : i32
    %sub3A_84 = arith.subi %select_n3A, %sub3A : i32
    %rem3A = arith.constant 4 : i32
    %rem3A_85 = arith.remsi %sub3A_84, %rem3A : i32
    %dma_wait3A = arith.constant 0 : i32
    %dma_wait3A_86 = arith.constant 0 : i32
    %dma_wait3A_87 = tpu.memref_slice %arg8[%rem3A_85, %dma_wait3A, %dma_wait3A_86] : memref<4x128x64xf32, #tpu.memory_space<vmem>> -> memref<1x128x64xf32, #tpu.memory_space<vmem>>
    %dma_wait3A_88 = tpu.memref_squeeze %dma_wait3A_87 : memref<1x128x64xf32, #tpu.memory_space<vmem>> -> memref<128x64xf32, #tpu.memory_space<vmem>>
    %dma_wait3A_89 = arith.constant 0 : i32
    %dma_wait3A_90 = tpu.memref_slice %arg7[%sub3A_84, %dma_wait3A_89] : memref<105x128xi32, #tpu.memory_space<vmem>> -> memref<1x128xi32, #tpu.memory_space<vmem>>
    %dma_wait3A_91 = tpu.memref_squeeze %dma_wait3A_90 : memref<1x128xi32, #tpu.memory_space<vmem>> -> memref<128xi32, #tpu.memory_space<vmem>>
    %dma_wait3A_92 = arith.constant 0 : i32
    %dma_wait3A_93 = arith.constant 0 : i32
    %dma_wait3A_94 = tpu.memref_slice %arg9[%dma_wait3A_92, %dma_wait3A_93] : memref<10240x64xf32, #tpu.memory_space<vmem_shared>> -> memref<10240x64xf32, #tpu.memory_space<vmem_shared>>
    %dma_wait3A_95 = tpu.memref_slice %arg11[%rem3A_85] : memref<4x!tpu.dma_semaphore, #tpu.memory_space<semaphore_mem>> -> memref<1x!tpu.dma_semaphore, #tpu.memory_space<semaphore_mem>>
    %dma_wait3A_96 = tpu.memref_squeeze %dma_wait3A_95 : memref<1x!tpu.dma_semaphore, #tpu.memory_space<semaphore_mem>> -> memref<!tpu.dma_semaphore, #tpu.memory_space<semaphore_mem>>
    tpu.wait_indirect_dma semaphore(%dma_wait3A_96 : memref<!tpu.dma_semaphore, #tpu.memory_space<semaphore_mem>>) src(%dma_wait3A_88 : memref<128x64xf32, #tpu.memory_space<vmem>>) dst(%dma_wait3A_94 : memref<10240x64xf32, #tpu.memory_space<vmem_shared>>)
    %sub3A_97 = arith.constant 1 : i32
    %sub3A_98 = arith.subi %select_n3A, %sub3A_97 : i32
    %rem3A_99 = arith.constant 4 : i32
    %rem3A_100 = arith.remsi %sub3A_98, %rem3A_99 : i32
    %dma_wait3A_101 = arith.constant 0 : i32
    %dma_wait3A_102 = arith.constant 0 : i32
    %dma_wait3A_103 = tpu.memref_slice %arg8[%rem3A_100, %dma_wait3A_101, %dma_wait3A_102] : memref<4x128x64xf32, #tpu.memory_space<vmem>> -> memref<1x128x64xf32, #tpu.memory_space<vmem>>
    %dma_wait3A_104 = tpu.memref_squeeze %dma_wait3A_103 : memref<1x128x64xf32, #tpu.memory_space<vmem>> -> memref<128x64xf32, #tpu.memory_space<vmem>>
    %dma_wait3A_105 = arith.constant 0 : i32
    %dma_wait3A_106 = tpu.memref_slice %arg7[%sub3A_98, %dma_wait3A_105] : memref<105x128xi32, #tpu.memory_space<vmem>> -> memref<1x128xi32, #tpu.memory_space<vmem>>
    %dma_wait3A_107 = tpu.memref_squeeze %dma_wait3A_106 : memref<1x128xi32, #tpu.memory_space<vmem>> -> memref<128xi32, #tpu.memory_space<vmem>>
    %dma_wait3A_108 = arith.constant 0 : i32
    %dma_wait3A_109 = arith.constant 0 : i32
    %dma_wait3A_110 = tpu.memref_slice %arg9[%dma_wait3A_108, %dma_wait3A_109] : memref<10240x64xf32, #tpu.memory_space<vmem_shared>> -> memref<10240x64xf32, #tpu.memory_space<vmem_shared>>
    %dma_wait3A_111 = tpu.memref_slice %arg11[%rem3A_100] : memref<4x!tpu.dma_semaphore, #tpu.memory_space<semaphore_mem>> -> memref<1x!tpu.dma_semaphore, #tpu.memory_space<semaphore_mem>>
    %dma_wait3A_112 = tpu.memref_squeeze %dma_wait3A_111 : memref<1x!tpu.dma_semaphore, #tpu.memory_space<semaphore_mem>> -> memref<!tpu.dma_semaphore, #tpu.memory_space<semaphore_mem>>
    tpu.wait_indirect_dma semaphore(%dma_wait3A_112 : memref<!tpu.dma_semaphore, #tpu.memory_space<semaphore_mem>>) src(%dma_wait3A_104 : memref<128x64xf32, #tpu.memory_space<vmem>>) dst(%dma_wait3A_110 : memref<10240x64xf32, #tpu.memory_space<vmem_shared>>)
    %barrier3A_113 = arith.constant 0 : index
    tpu.barrier barrier_id(%barrier3A_113)
    %mul3A_114 = arith.constant 640 : i32
    %mul3A_115 = arith.muli %arg1, %mul3A_114 : i32
    %mul3A_116 = arith.constant 640 : i32
    %mul3A_117 = arith.muli %arg1, %mul3A_116 : i32
    "tpu.region"() ({
      %run_scoped3A_118 = tpu.sem_alloc : memref<!tpu.dma_semaphore, #tpu.memory_space<semaphore_mem>>
      %dma_start3A_119 = arith.constant 0 : i32
      %dma_start3A_120 = tpu.memref_slice %arg5[%arg0, %mul3A_117, %dma_start3A_119] : memref<2x10240x64xf32, #tpu.memory_space<hbm>> -> memref<1x640x64xf32, #tpu.memory_space<hbm>>
      %dma_start3A_121 = tpu.memref_squeeze %dma_start3A_120 : memref<1x640x64xf32, #tpu.memory_space<hbm>> -> memref<640x64xf32, #tpu.memory_space<hbm>>
      %dma_start3A_122 = arith.constant 0 : i32
      %dma_start3A_123 = tpu.memref_slice %arg9[%mul3A_115, %dma_start3A_122] : memref<10240x64xf32, #tpu.memory_space<vmem_shared>> -> memref<640x64xf32, #tpu.memory_space<vmem_shared>>
      tpu.enqueue_dma source(%dma_start3A_123 : memref<640x64xf32, #tpu.memory_space<vmem_shared>>) target(%dma_start3A_121 : memref<640x64xf32, #tpu.memory_space<hbm>>) target_semaphore(%run_scoped3A_118 : memref<!tpu.dma_semaphore, #tpu.memory_space<semaphore_mem>>)
      %dma_wait3A_124 = arith.constant 0 : i32
      %dma_wait3A_125 = tpu.memref_slice %arg5[%arg0, %mul3A_117, %dma_wait3A_124] : memref<2x10240x64xf32, #tpu.memory_space<hbm>> -> memref<1x640x64xf32, #tpu.memory_space<hbm>>
      %dma_wait3A_126 = tpu.memref_squeeze %dma_wait3A_125 : memref<1x640x64xf32, #tpu.memory_space<hbm>> -> memref<640x64xf32, #tpu.memory_space<hbm>>
      %dma_wait3A_127 = arith.constant 0 : i32
      %dma_wait3A_128 = tpu.memref_slice %arg9[%mul3A_115, %dma_wait3A_127] : memref<10240x64xf32, #tpu.memory_space<vmem_shared>> -> memref<640x64xf32, #tpu.memory_space<vmem_shared>>
      tpu.wait_dma2 semaphore(%run_scoped3A_118 : memref<!tpu.dma_semaphore, #tpu.memory_space<semaphore_mem>>) src(%dma_wait3A_128 : memref<640x64xf32, #tpu.memory_space<vmem_shared>>) dst(%dma_wait3A_126 : memref<640x64xf32, #tpu.memory_space<hbm>>)
      tpu.yield
    }) : () -> ()
    return
  }
}

#map = affine_map<(d0, d1) -> (0, 0)>
#map1 = affine_map<(d0, d1) -> (0, 0, 0)>
module attributes {stable_mosaic.version = 14 : i64} {
  func.func @_sc_agg(%arg0: i32, %arg1: i32, %arg2: memref<10000x64xf32, #tpu.memory_space<hbm>>, %arg3: memref<2500x128xi32, #tpu.memory_space<hbm>>, %arg4: memref<2500x128xi32, #tpu.memory_space<hbm>>, %arg5: memref<2x10240x64xf32, #tpu.memory_space<hbm>>, %arg6: memref<105x128xi32, #tpu.memory_space<vmem>>, %arg7: memref<105x128xi32, #tpu.memory_space<vmem>>, %arg8: memref<4x128x64xf32, #tpu.memory_space<vmem>>, %arg9: memref<10240x64xf32, #tpu.memory_space<vmem_shared>>, %arg10: memref<4x!tpu.dma_semaphore, #tpu.memory_space<semaphore_mem>>, %arg11: memref<4x!tpu.dma_semaphore, #tpu.memory_space<semaphore_mem>>) attributes {dimension_semantics = [#tpu.dimension_semantics<core_parallel>, #tpu.dimension_semantics<subcore_parallel>], iteration_bounds = array<i64: 2, 16>, scalar_prefetch = 0 : i64, scratch_operands = 6 : i64, tpu.core_type = #tpu.core_type<sc_vector_subcore>, window_params = [{transform_indices = #map}, {transform_indices = #map}, {transform_indices = #map}, {transform_indices = #map1}]} {
    %eq3A = arith.constant 0 : i32
    %eq3A_0 = arith.cmpi eq, %arg0, %eq3A : i32
    %jit3A = arith.constant 105 : i32
    %jit3A_1 = arith.constant 52 : i32
    %select_n3A = arith.select %eq3A_0, %jit3A, %jit3A_1 : i32
    %convert_element_type3A = arith.extui %eq3A_0 : i1 to i32
    %cond3A = arith.constant 0 : i32
    %cond3A_2 = arith.cmpi ne, %convert_element_type3A, %cond3A : i32
    scf.if %cond3A_2 {
      %mul3A_118 = arith.constant 105 : i32
      %mul3A_119 = arith.muli %arg1, %mul3A_118 : i32
      "tpu.region"() ({
        %run_scoped3A_122 = tpu.sem_alloc : memref<!tpu.dma_semaphore, #tpu.memory_space<semaphore_mem>>
        %dma_start3A_123 = arith.constant 0 : i32
        %dma_start3A_124 = tpu.memref_slice %arg3[%mul3A_119, %dma_start3A_123] : memref<2500x128xi32, #tpu.memory_space<hbm>> -> memref<105x128xi32, #tpu.memory_space<hbm>>
        %dma_start3A_125 = arith.constant 0 : i32
        %dma_start3A_126 = tpu.memref_slice %arg3[%mul3A_119, %dma_start3A_125] : memref<2500x128xi32, #tpu.memory_space<hbm>> -> memref<105x128xi32, #tpu.memory_space<hbm>>
        tpu.enqueue_dma source(%dma_start3A_126 : memref<105x128xi32, #tpu.memory_space<hbm>>) target(%arg6 : memref<105x128xi32, #tpu.memory_space<vmem>>) target_semaphore(%run_scoped3A_122 : memref<!tpu.dma_semaphore, #tpu.memory_space<semaphore_mem>>)
        %dma_wait3A_127 = arith.constant 0 : i32
        %dma_wait3A_128 = tpu.memref_slice %arg3[%mul3A_119, %dma_wait3A_127] : memref<2500x128xi32, #tpu.memory_space<hbm>> -> memref<105x128xi32, #tpu.memory_space<hbm>>
        %dma_wait3A_129 = arith.constant 0 : i32
        %dma_wait3A_130 = tpu.memref_slice %arg3[%mul3A_119, %dma_wait3A_129] : memref<2500x128xi32, #tpu.memory_space<hbm>> -> memref<105x128xi32, #tpu.memory_space<hbm>>
        tpu.wait_dma2 semaphore(%run_scoped3A_122 : memref<!tpu.dma_semaphore, #tpu.memory_space<semaphore_mem>>) src(%dma_wait3A_130 : memref<105x128xi32, #tpu.memory_space<hbm>>) dst(%arg6 : memref<105x128xi32, #tpu.memory_space<vmem>>)
        tpu.yield
      }) : () -> ()
      %mul3A_120 = arith.constant 105 : i32
      %mul3A_121 = arith.muli %arg1, %mul3A_120 : i32
      "tpu.region"() ({
        %run_scoped3A_122 = tpu.sem_alloc : memref<!tpu.dma_semaphore, #tpu.memory_space<semaphore_mem>>
        %dma_start3A_123 = arith.constant 0 : i32
        %dma_start3A_124 = tpu.memref_slice %arg4[%mul3A_121, %dma_start3A_123] : memref<2500x128xi32, #tpu.memory_space<hbm>> -> memref<105x128xi32, #tpu.memory_space<hbm>>
        %dma_start3A_125 = arith.constant 0 : i32
        %dma_start3A_126 = tpu.memref_slice %arg4[%mul3A_121, %dma_start3A_125] : memref<2500x128xi32, #tpu.memory_space<hbm>> -> memref<105x128xi32, #tpu.memory_space<hbm>>
        tpu.enqueue_dma source(%dma_start3A_126 : memref<105x128xi32, #tpu.memory_space<hbm>>) target(%arg7 : memref<105x128xi32, #tpu.memory_space<vmem>>) target_semaphore(%run_scoped3A_122 : memref<!tpu.dma_semaphore, #tpu.memory_space<semaphore_mem>>)
        %dma_wait3A_127 = arith.constant 0 : i32
        %dma_wait3A_128 = tpu.memref_slice %arg4[%mul3A_121, %dma_wait3A_127] : memref<2500x128xi32, #tpu.memory_space<hbm>> -> memref<105x128xi32, #tpu.memory_space<hbm>>
        %dma_wait3A_129 = arith.constant 0 : i32
        %dma_wait3A_130 = tpu.memref_slice %arg4[%mul3A_121, %dma_wait3A_129] : memref<2500x128xi32, #tpu.memory_space<hbm>> -> memref<105x128xi32, #tpu.memory_space<hbm>>
        tpu.wait_dma2 semaphore(%run_scoped3A_122 : memref<!tpu.dma_semaphore, #tpu.memory_space<semaphore_mem>>) src(%dma_wait3A_130 : memref<105x128xi32, #tpu.memory_space<hbm>>) dst(%arg7 : memref<105x128xi32, #tpu.memory_space<vmem>>)
        tpu.yield
      }) : () -> ()
    } else {
    }
    %not3A = arith.constant true
    %not3A_3 = arith.xori %eq3A_0, %not3A : i1
    %eq3A_4 = arith.constant 15 : i32
    %eq3A_5 = arith.cmpi eq, %arg1, %eq3A_4 : i32
    %and3A = arith.andi %not3A_3, %eq3A_5 : i1
    %not3A_6 = arith.constant true
    %not3A_7 = arith.xori %eq3A_0, %not3A_6 : i1
    %lt3A = arith.constant 15 : i32
    %lt3A_8 = arith.cmpi slt, %arg1, %lt3A : i32
    %and3A_9 = arith.andi %not3A_7, %lt3A_8 : i1
    %convert_element_type3A_10 = arith.extui %and3A_9 : i1 to i32
    %cond3A_11 = arith.constant 0 : i32
    %cond3A_12 = arith.cmpi ne, %convert_element_type3A_10, %cond3A_11 : i32
    scf.if %cond3A_12 {
      %mul3A_118 = arith.constant 52 : i32
      %mul3A_119 = arith.muli %arg1, %mul3A_118 : i32
      %add3A_120 = arith.constant 1680 : i32
      %add3A_121 = arith.addi %add3A_120, %mul3A_119 : i32
      "tpu.region"() ({
        %run_scoped3A_126 = tpu.sem_alloc : memref<!tpu.dma_semaphore, #tpu.memory_space<semaphore_mem>>
        %dma_start3A_127 = arith.constant 0 : i32
        %dma_start3A_128 = arith.constant 0 : i32
        %dma_start3A_129 = tpu.memref_slice %arg6[%dma_start3A_127, %dma_start3A_128] : memref<105x128xi32, #tpu.memory_space<vmem>> -> memref<52x128xi32, #tpu.memory_space<vmem>>
        %dma_start3A_130 = arith.constant 0 : i32
        %dma_start3A_131 = tpu.memref_slice %arg3[%add3A_121, %dma_start3A_130] : memref<2500x128xi32, #tpu.memory_space<hbm>> -> memref<52x128xi32, #tpu.memory_space<hbm>>
        %dma_start3A_132 = arith.constant 0 : i32
        %dma_start3A_133 = arith.constant 0 : i32
        %dma_start3A_134 = tpu.memref_slice %arg6[%dma_start3A_132, %dma_start3A_133] : memref<105x128xi32, #tpu.memory_space<vmem>> -> memref<52x128xi32, #tpu.memory_space<vmem>>
        %dma_start3A_135 = arith.constant 0 : i32
        %dma_start3A_136 = tpu.memref_slice %arg3[%add3A_121, %dma_start3A_135] : memref<2500x128xi32, #tpu.memory_space<hbm>> -> memref<52x128xi32, #tpu.memory_space<hbm>>
        tpu.enqueue_dma source(%dma_start3A_136 : memref<52x128xi32, #tpu.memory_space<hbm>>) target(%dma_start3A_134 : memref<52x128xi32, #tpu.memory_space<vmem>>) target_semaphore(%run_scoped3A_126 : memref<!tpu.dma_semaphore, #tpu.memory_space<semaphore_mem>>)
        %dma_wait3A_137 = arith.constant 0 : i32
        %dma_wait3A_138 = arith.constant 0 : i32
        %dma_wait3A_139 = tpu.memref_slice %arg6[%dma_wait3A_137, %dma_wait3A_138] : memref<105x128xi32, #tpu.memory_space<vmem>> -> memref<52x128xi32, #tpu.memory_space<vmem>>
        %dma_wait3A_140 = arith.constant 0 : i32
        %dma_wait3A_141 = tpu.memref_slice %arg3[%add3A_121, %dma_wait3A_140] : memref<2500x128xi32, #tpu.memory_space<hbm>> -> memref<52x128xi32, #tpu.memory_space<hbm>>
        %dma_wait3A_142 = arith.constant 0 : i32
        %dma_wait3A_143 = arith.constant 0 : i32
        %dma_wait3A_144 = tpu.memref_slice %arg6[%dma_wait3A_142, %dma_wait3A_143] : memref<105x128xi32, #tpu.memory_space<vmem>> -> memref<52x128xi32, #tpu.memory_space<vmem>>
        %dma_wait3A_145 = arith.constant 0 : i32
        %dma_wait3A_146 = tpu.memref_slice %arg3[%add3A_121, %dma_wait3A_145] : memref<2500x128xi32, #tpu.memory_space<hbm>> -> memref<52x128xi32, #tpu.memory_space<hbm>>
        tpu.wait_dma2 semaphore(%run_scoped3A_126 : memref<!tpu.dma_semaphore, #tpu.memory_space<semaphore_mem>>) src(%dma_wait3A_146 : memref<52x128xi32, #tpu.memory_space<hbm>>) dst(%dma_wait3A_144 : memref<52x128xi32, #tpu.memory_space<vmem>>)
        tpu.yield
      }) : () -> ()
      %mul3A_122 = arith.constant 52 : i32
      %mul3A_123 = arith.muli %arg1, %mul3A_122 : i32
      %add3A_124 = arith.constant 1680 : i32
      %add3A_125 = arith.addi %add3A_124, %mul3A_123 : i32
      "tpu.region"() ({
        %run_scoped3A_126 = tpu.sem_alloc : memref<!tpu.dma_semaphore, #tpu.memory_space<semaphore_mem>>
        %dma_start3A_127 = arith.constant 0 : i32
        %dma_start3A_128 = arith.constant 0 : i32
        %dma_start3A_129 = tpu.memref_slice %arg7[%dma_start3A_127, %dma_start3A_128] : memref<105x128xi32, #tpu.memory_space<vmem>> -> memref<52x128xi32, #tpu.memory_space<vmem>>
        %dma_start3A_130 = arith.constant 0 : i32
        %dma_start3A_131 = tpu.memref_slice %arg4[%add3A_125, %dma_start3A_130] : memref<2500x128xi32, #tpu.memory_space<hbm>> -> memref<52x128xi32, #tpu.memory_space<hbm>>
        %dma_start3A_132 = arith.constant 0 : i32
        %dma_start3A_133 = arith.constant 0 : i32
        %dma_start3A_134 = tpu.memref_slice %arg7[%dma_start3A_132, %dma_start3A_133] : memref<105x128xi32, #tpu.memory_space<vmem>> -> memref<52x128xi32, #tpu.memory_space<vmem>>
        %dma_start3A_135 = arith.constant 0 : i32
        %dma_start3A_136 = tpu.memref_slice %arg4[%add3A_125, %dma_start3A_135] : memref<2500x128xi32, #tpu.memory_space<hbm>> -> memref<52x128xi32, #tpu.memory_space<hbm>>
        tpu.enqueue_dma source(%dma_start3A_136 : memref<52x128xi32, #tpu.memory_space<hbm>>) target(%dma_start3A_134 : memref<52x128xi32, #tpu.memory_space<vmem>>) target_semaphore(%run_scoped3A_126 : memref<!tpu.dma_semaphore, #tpu.memory_space<semaphore_mem>>)
        %dma_wait3A_137 = arith.constant 0 : i32
        %dma_wait3A_138 = arith.constant 0 : i32
        %dma_wait3A_139 = tpu.memref_slice %arg7[%dma_wait3A_137, %dma_wait3A_138] : memref<105x128xi32, #tpu.memory_space<vmem>> -> memref<52x128xi32, #tpu.memory_space<vmem>>
        %dma_wait3A_140 = arith.constant 0 : i32
        %dma_wait3A_141 = tpu.memref_slice %arg4[%add3A_125, %dma_wait3A_140] : memref<2500x128xi32, #tpu.memory_space<hbm>> -> memref<52x128xi32, #tpu.memory_space<hbm>>
        %dma_wait3A_142 = arith.constant 0 : i32
        %dma_wait3A_143 = arith.constant 0 : i32
        %dma_wait3A_144 = tpu.memref_slice %arg7[%dma_wait3A_142, %dma_wait3A_143] : memref<105x128xi32, #tpu.memory_space<vmem>> -> memref<52x128xi32, #tpu.memory_space<vmem>>
        %dma_wait3A_145 = arith.constant 0 : i32
        %dma_wait3A_146 = tpu.memref_slice %arg4[%add3A_125, %dma_wait3A_145] : memref<2500x128xi32, #tpu.memory_space<hbm>> -> memref<52x128xi32, #tpu.memory_space<hbm>>
        tpu.wait_dma2 semaphore(%run_scoped3A_126 : memref<!tpu.dma_semaphore, #tpu.memory_space<semaphore_mem>>) src(%dma_wait3A_146 : memref<52x128xi32, #tpu.memory_space<hbm>>) dst(%dma_wait3A_144 : memref<52x128xi32, #tpu.memory_space<vmem>>)
        tpu.yield
      }) : () -> ()
    } else {
    }
    %convert_element_type3A_13 = arith.extui %and3A : i1 to i32
    %cond3A_14 = arith.constant 0 : i32
    %cond3A_15 = arith.cmpi ne, %convert_element_type3A_13, %cond3A_14 : i32
    scf.if %cond3A_15 {
      "tpu.region"() ({
        %run_scoped3A_125 = tpu.sem_alloc : memref<!tpu.dma_semaphore, #tpu.memory_space<semaphore_mem>>
        %dma_start3A_126 = arith.constant 0 : i32
        %dma_start3A_127 = arith.constant 0 : i32
        %dma_start3A_128 = tpu.memref_slice %arg6[%dma_start3A_126, %dma_start3A_127] : memref<105x128xi32, #tpu.memory_space<vmem>> -> memref<40x128xi32, #tpu.memory_space<vmem>>
        %dma_start3A_129 = arith.constant 2460 : i32
        %dma_start3A_130 = arith.constant 0 : i32
        %dma_start3A_131 = tpu.memref_slice %arg3[%dma_start3A_129, %dma_start3A_130] : memref<2500x128xi32, #tpu.memory_space<hbm>> -> memref<40x128xi32, #tpu.memory_space<hbm>>
        %dma_start3A_132 = arith.constant 0 : i32
        %dma_start3A_133 = arith.constant 0 : i32
        %dma_start3A_134 = tpu.memref_slice %arg6[%dma_start3A_132, %dma_start3A_133] : memref<105x128xi32, #tpu.memory_space<vmem>> -> memref<40x128xi32, #tpu.memory_space<vmem>>
        %dma_start3A_135 = arith.constant 2460 : i32
        %dma_start3A_136 = arith.constant 0 : i32
        %dma_start3A_137 = tpu.memref_slice %arg3[%dma_start3A_135, %dma_start3A_136] : memref<2500x128xi32, #tpu.memory_space<hbm>> -> memref<40x128xi32, #tpu.memory_space<hbm>>
        tpu.enqueue_dma source(%dma_start3A_137 : memref<40x128xi32, #tpu.memory_space<hbm>>) target(%dma_start3A_134 : memref<40x128xi32, #tpu.memory_space<vmem>>) target_semaphore(%run_scoped3A_125 : memref<!tpu.dma_semaphore, #tpu.memory_space<semaphore_mem>>)
        %dma_wait3A_138 = arith.constant 0 : i32
        %dma_wait3A_139 = arith.constant 0 : i32
        %dma_wait3A_140 = tpu.memref_slice %arg6[%dma_wait3A_138, %dma_wait3A_139] : memref<105x128xi32, #tpu.memory_space<vmem>> -> memref<40x128xi32, #tpu.memory_space<vmem>>
        %dma_wait3A_141 = arith.constant 2460 : i32
        %dma_wait3A_142 = arith.constant 0 : i32
        %dma_wait3A_143 = tpu.memref_slice %arg3[%dma_wait3A_141, %dma_wait3A_142] : memref<2500x128xi32, #tpu.memory_space<hbm>> -> memref<40x128xi32, #tpu.memory_space<hbm>>
        %dma_wait3A_144 = arith.constant 0 : i32
        %dma_wait3A_145 = arith.constant 0 : i32
        %dma_wait3A_146 = tpu.memref_slice %arg6[%dma_wait3A_144, %dma_wait3A_145] : memref<105x128xi32, #tpu.memory_space<vmem>> -> memref<40x128xi32, #tpu.memory_space<vmem>>
        %dma_wait3A_147 = arith.constant 2460 : i32
        %dma_wait3A_148 = arith.constant 0 : i32
        %dma_wait3A_149 = tpu.memref_slice %arg3[%dma_wait3A_147, %dma_wait3A_148] : memref<2500x128xi32, #tpu.memory_space<hbm>> -> memref<40x128xi32, #tpu.memory_space<hbm>>
        tpu.wait_dma2 semaphore(%run_scoped3A_125 : memref<!tpu.dma_semaphore, #tpu.memory_space<semaphore_mem>>) src(%dma_wait3A_149 : memref<40x128xi32, #tpu.memory_space<hbm>>) dst(%dma_wait3A_146 : memref<40x128xi32, #tpu.memory_space<vmem>>)
        tpu.yield
      }) : () -> ()
      "tpu.region"() ({
        %run_scoped3A_125 = tpu.sem_alloc : memref<!tpu.dma_semaphore, #tpu.memory_space<semaphore_mem>>
        %dma_start3A_126 = arith.constant 0 : i32
        %dma_start3A_127 = arith.constant 0 : i32
        %dma_start3A_128 = tpu.memref_slice %arg7[%dma_start3A_126, %dma_start3A_127] : memref<105x128xi32, #tpu.memory_space<vmem>> -> memref<40x128xi32, #tpu.memory_space<vmem>>
        %dma_start3A_129 = arith.constant 2460 : i32
        %dma_start3A_130 = arith.constant 0 : i32
        %dma_start3A_131 = tpu.memref_slice %arg4[%dma_start3A_129, %dma_start3A_130] : memref<2500x128xi32, #tpu.memory_space<hbm>> -> memref<40x128xi32, #tpu.memory_space<hbm>>
        %dma_start3A_132 = arith.constant 0 : i32
        %dma_start3A_133 = arith.constant 0 : i32
        %dma_start3A_134 = tpu.memref_slice %arg7[%dma_start3A_132, %dma_start3A_133] : memref<105x128xi32, #tpu.memory_space<vmem>> -> memref<40x128xi32, #tpu.memory_space<vmem>>
        %dma_start3A_135 = arith.constant 2460 : i32
        %dma_start3A_136 = arith.constant 0 : i32
        %dma_start3A_137 = tpu.memref_slice %arg4[%dma_start3A_135, %dma_start3A_136] : memref<2500x128xi32, #tpu.memory_space<hbm>> -> memref<40x128xi32, #tpu.memory_space<hbm>>
        tpu.enqueue_dma source(%dma_start3A_137 : memref<40x128xi32, #tpu.memory_space<hbm>>) target(%dma_start3A_134 : memref<40x128xi32, #tpu.memory_space<vmem>>) target_semaphore(%run_scoped3A_125 : memref<!tpu.dma_semaphore, #tpu.memory_space<semaphore_mem>>)
        %dma_wait3A_138 = arith.constant 0 : i32
        %dma_wait3A_139 = arith.constant 0 : i32
        %dma_wait3A_140 = tpu.memref_slice %arg7[%dma_wait3A_138, %dma_wait3A_139] : memref<105x128xi32, #tpu.memory_space<vmem>> -> memref<40x128xi32, #tpu.memory_space<vmem>>
        %dma_wait3A_141 = arith.constant 2460 : i32
        %dma_wait3A_142 = arith.constant 0 : i32
        %dma_wait3A_143 = tpu.memref_slice %arg4[%dma_wait3A_141, %dma_wait3A_142] : memref<2500x128xi32, #tpu.memory_space<hbm>> -> memref<40x128xi32, #tpu.memory_space<hbm>>
        %dma_wait3A_144 = arith.constant 0 : i32
        %dma_wait3A_145 = arith.constant 0 : i32
        %dma_wait3A_146 = tpu.memref_slice %arg7[%dma_wait3A_144, %dma_wait3A_145] : memref<105x128xi32, #tpu.memory_space<vmem>> -> memref<40x128xi32, #tpu.memory_space<vmem>>
        %dma_wait3A_147 = arith.constant 2460 : i32
        %dma_wait3A_148 = arith.constant 0 : i32
        %dma_wait3A_149 = tpu.memref_slice %arg4[%dma_wait3A_147, %dma_wait3A_148] : memref<2500x128xi32, #tpu.memory_space<hbm>> -> memref<40x128xi32, #tpu.memory_space<hbm>>
        tpu.wait_dma2 semaphore(%run_scoped3A_125 : memref<!tpu.dma_semaphore, #tpu.memory_space<semaphore_mem>>) src(%dma_wait3A_149 : memref<40x128xi32, #tpu.memory_space<hbm>>) dst(%dma_wait3A_146 : memref<40x128xi32, #tpu.memory_space<vmem>>)
        tpu.yield
      }) : () -> ()
      %scan3A_118 = arith.constant 0 : i32
      %scan3A_119 = arith.constant 0 : i32
      %scan3A_120 = arith.constant 96 : i32
      %scan3A_121 = arith.addi %scan3A_119, %scan3A_120 : i32
      %scan3A_122 = arith.constant 1 : i32
      %scan3A_123 = scf.for %scan3A_125 = %scan3A_119 to %scan3A_121 step %scan3A_122 iter_args(%scan3A_126 = %scan3A_118) -> (i32)  : i32 {
        %jit3A_127 = arith.constant 8 : i32
        %div3A = arith.divsi %scan3A_125, %jit3A_127 : i32
        %sign3A = arith.constant 0 : i32
        %sign3A_128 = arith.cmpi sgt, %scan3A_125, %sign3A : i32
        %sign3A_129 = arith.extui %sign3A_128 : i1 to i32
        %sign3A_130 = arith.constant 0 : i32
        %sign3A_131 = arith.cmpi slt, %scan3A_125, %sign3A_130 : i32
        %sign3A_132 = arith.extui %sign3A_131 : i1 to i32
        %sign3A_133 = arith.subi %sign3A_129, %sign3A_132 : i32
        %sign3A_134 = arith.constant 0 : i32
        %sign3A_135 = arith.cmpi sgt, %jit3A_127, %sign3A_134 : i32
        %sign3A_136 = arith.extui %sign3A_135 : i1 to i32
        %sign3A_137 = arith.constant 0 : i32
        %sign3A_138 = arith.cmpi slt, %jit3A_127, %sign3A_137 : i32
        %sign3A_139 = arith.extui %sign3A_138 : i1 to i32
        %sign3A_140 = arith.subi %sign3A_136, %sign3A_139 : i32
        %ne3A = arith.cmpi ne, %sign3A_133, %sign3A_140 : i32
        %rem3A_141 = arith.remsi %scan3A_125, %jit3A_127 : i32
        %ne3A_142 = arith.constant 0 : i32
        %ne3A_143 = arith.cmpi ne, %rem3A_141, %ne3A_142 : i32
        %and3A_144 = arith.andi %ne3A, %ne3A_143 : i1
        %sub3A_145 = arith.constant 1 : i32
        %sub3A_146 = arith.subi %div3A, %sub3A_145 : i32
        %select_n3A_147 = arith.select %and3A_144, %sub3A_146, %div3A : i32
        %add3A_148 = arith.constant 40 : i32
        %add3A_149 = arith.addi %add3A_148, %select_n3A_147 : i32
        %jit3A_150 = arith.constant 8 : i32
        %eq3A_151 = arith.constant 0 : i32
        %eq3A_152 = arith.cmpi eq, %jit3A_150, %eq3A_151 : i32
        %jit3A_153 = arith.constant 1 : i32
        %select_n3A_154 = arith.select %eq3A_152, %jit3A_153, %jit3A_150 : i32
        %rem3A_155 = arith.remsi %scan3A_125, %select_n3A_154 : i32
        %ne3A_156 = arith.constant 0 : i32
        %ne3A_157 = arith.cmpi ne, %rem3A_155, %ne3A_156 : i32
        %lt3A_158 = arith.constant 0 : i32
        %lt3A_159 = arith.cmpi slt, %rem3A_155, %lt3A_158 : i32
        %lt3A_160 = arith.constant 0 : i32
        %lt3A_161 = arith.cmpi slt, %select_n3A_154, %lt3A_160 : i32
        %ne3A_162 = arith.xori %lt3A_159, %lt3A_161 : i1
        %and3A_163 = arith.andi %ne3A_162, %ne3A_157 : i1
        %add3A_164 = arith.addi %rem3A_155, %select_n3A_154 : i32
        %select_n3A_165 = arith.select %and3A_163, %add3A_164, %rem3A_155 : i32
        %mul3A_166 = arith.constant 16 : i32
        %mul3A_167 = arith.muli %select_n3A_165, %mul3A_166 : i32
        %broadcast_in_dim3A = arith.constant 0 : i32
        %broadcast_in_dim3A_168 = vector.broadcast %broadcast_in_dim3A : i32 to vector<16xi32>
        %swap3A = arith.index_cast %add3A_149 : i32 to index
        %swap3A_169 = arith.index_cast %mul3A_167 : i32 to index
        %swap3A_170 = tpu.vector_load %arg6[%swap3A, %swap3A_169] {strides = array<i32>} : memref<105x128xi32, #tpu.memory_space<vmem>>, vector<1x16xi32>,
        %swap3A_171 = vector.shape_cast %swap3A_170 : vector<1x16xi32> to vector<16xi32>
        %swap3A_172 = vector.shape_cast %broadcast_in_dim3A_168 : vector<16xi32> to vector<1x16xi32>
        tpu.vector_store %arg6[%swap3A, %swap3A_169], %swap3A_172 {strides = array<i32>} : memref<105x128xi32, #tpu.memory_space<vmem>>, vector<1x16xi32>,
        %broadcast_in_dim3A_173 = arith.constant 10008 : i32
        %broadcast_in_dim3A_174 = vector.broadcast %broadcast_in_dim3A_173 : i32 to vector<16xi32>
        %swap3A_175 = arith.index_cast %add3A_149 : i32 to index
        %swap3A_176 = arith.index_cast %mul3A_167 : i32 to index
        %swap3A_177 = tpu.vector_load %arg7[%swap3A_175, %swap3A_176] {strides = array<i32>} : memref<105x128xi32, #tpu.memory_space<vmem>>, vector<1x16xi32>,
        %swap3A_178 = vector.shape_cast %swap3A_177 : vector<1x16xi32> to vector<16xi32>
        %swap3A_179 = vector.shape_cast %broadcast_in_dim3A_174 : vector<16xi32> to vector<1x16xi32>
        tpu.vector_store %arg7[%swap3A_175, %swap3A_176], %swap3A_179 {strides = array<i32>} : memref<105x128xi32, #tpu.memory_space<vmem>>, vector<1x16xi32>,
        %scan3A_180 = arith.constant 0 : i32
        scf.yield %scan3A_180 : i32
      }
      %scan3A_124 = arith.constant 96 : i32
    } else {
    }
    %scan3A = arith.constant 0 : i32
    %scan3A_16 = arith.constant 0 : i32
    %scan3A_17 = arith.constant 512 : i32
    %scan3A_18 = arith.addi %scan3A_16, %scan3A_17 : i32
    %scan3A_19 = arith.constant 1 : i32
    %scan3A_20 = scf.for %scan3A_118 = %scan3A_16 to %scan3A_18 step %scan3A_19 iter_args(%scan3A_119 = %scan3A) -> (i32)  : i32 {
      %broadcast_in_dim3A = arith.constant 0.000000e+00 : f32
      %broadcast_in_dim3A_120 = vector.broadcast %broadcast_in_dim3A : f32 to vector<16xf32>
      %jit3A_121 = arith.constant 4 : i32
      %div3A = arith.divsi %scan3A_118, %jit3A_121 : i32
      %sign3A = arith.constant 0 : i32
      %sign3A_122 = arith.cmpi sgt, %scan3A_118, %sign3A : i32
      %sign3A_123 = arith.extui %sign3A_122 : i1 to i32
      %sign3A_124 = arith.constant 0 : i32
      %sign3A_125 = arith.cmpi slt, %scan3A_118, %sign3A_124 : i32
      %sign3A_126 = arith.extui %sign3A_125 : i1 to i32
      %sign3A_127 = arith.subi %sign3A_123, %sign3A_126 : i32
      %sign3A_128 = arith.constant 0 : i32
      %sign3A_129 = arith.cmpi sgt, %jit3A_121, %sign3A_128 : i32
      %sign3A_130 = arith.extui %sign3A_129 : i1 to i32
      %sign3A_131 = arith.constant 0 : i32
      %sign3A_132 = arith.cmpi slt, %jit3A_121, %sign3A_131 : i32
      %sign3A_133 = arith.extui %sign3A_132 : i1 to i32
      %sign3A_134 = arith.subi %sign3A_130, %sign3A_133 : i32
      %ne3A = arith.cmpi ne, %sign3A_127, %sign3A_134 : i32
      %rem3A_135 = arith.remsi %scan3A_118, %jit3A_121 : i32
      %ne3A_136 = arith.constant 0 : i32
      %ne3A_137 = arith.cmpi ne, %rem3A_135, %ne3A_136 : i32
      %and3A_138 = arith.andi %ne3A, %ne3A_137 : i1
      %sub3A_139 = arith.constant 1 : i32
      %sub3A_140 = arith.subi %div3A, %sub3A_139 : i32
      %select_n3A_141 = arith.select %and3A_138, %sub3A_140, %div3A : i32
      %jit3A_142 = arith.constant 4 : i32
      %eq3A_143 = arith.constant 0 : i32
      %eq3A_144 = arith.cmpi eq, %jit3A_142, %eq3A_143 : i32
      %jit3A_145 = arith.constant 1 : i32
      %select_n3A_146 = arith.select %eq3A_144, %jit3A_145, %jit3A_142 : i32
      %rem3A_147 = arith.remsi %scan3A_118, %select_n3A_146 : i32
      %ne3A_148 = arith.constant 0 : i32
      %ne3A_149 = arith.cmpi ne, %rem3A_147, %ne3A_148 : i32
      %lt3A_150 = arith.constant 0 : i32
      %lt3A_151 = arith.cmpi slt, %rem3A_147, %lt3A_150 : i32
      %lt3A_152 = arith.constant 0 : i32
      %lt3A_153 = arith.cmpi slt, %select_n3A_146, %lt3A_152 : i32
      %ne3A_154 = arith.xori %lt3A_151, %lt3A_153 : i1
      %and3A_155 = arith.andi %ne3A_154, %ne3A_149 : i1
      %add3A_156 = arith.addi %rem3A_147, %select_n3A_146 : i32
      %select_n3A_157 = arith.select %and3A_155, %add3A_156, %rem3A_147 : i32
      %mul3A_158 = arith.constant 16 : i32
      %mul3A_159 = arith.muli %select_n3A_157, %mul3A_158 : i32
      %swap3A = arith.constant 0 : i32
      %swap3A_160 = arith.index_cast %swap3A : i32 to index
      %swap3A_161 = arith.index_cast %select_n3A_141 : i32 to index
      %swap3A_162 = arith.index_cast %mul3A_159 : i32 to index
      %swap3A_163 = tpu.vector_load %arg8[%swap3A_160, %swap3A_161, %swap3A_162] {strides = array<i32>} : memref<4x128x64xf32, #tpu.memory_space<vmem>>, vector<1x1x16xf32>,
      %swap3A_164 = vector.shape_cast %swap3A_163 : vector<1x1x16xf32> to vector<16xf32>
      %swap3A_165 = vector.shape_cast %broadcast_in_dim3A_120 : vector<16xf32> to vector<1x1x16xf32>
      tpu.vector_store %arg8[%swap3A_160, %swap3A_161, %swap3A_162], %swap3A_165 {strides = array<i32>} : memref<4x128x64xf32, #tpu.memory_space<vmem>>, vector<1x1x16xf32>,
      %scan3A_166 = arith.constant 0 : i32
      scf.yield %scan3A_166 : i32
    }
    %scan3A_21 = arith.constant 512 : i32
    %mul3A = arith.constant 640 : i32
    %mul3A_22 = arith.muli %arg1, %mul3A : i32
    %add3A = arith.constant 0 : i32
    %add3A_23 = arith.addi %mul3A_22, %add3A : i32
    %run_scoped3A = arith.constant 0 : i32
    "tpu.region"() ({
      %run_scoped3A_118 = tpu.sem_alloc : memref<!tpu.dma_semaphore, #tpu.memory_space<semaphore_mem>>
      %dma_start3A_119 = arith.constant 0 : i32
      %dma_start3A_120 = arith.constant 0 : i32
      %dma_start3A_121 = tpu.memref_slice %arg8[%run_scoped3A, %dma_start3A_119, %dma_start3A_120] : memref<4x128x64xf32, #tpu.memory_space<vmem>> -> memref<1x128x64xf32, #tpu.memory_space<vmem>>
      %dma_start3A_122 = tpu.memref_squeeze %dma_start3A_121 : memref<1x128x64xf32, #tpu.memory_space<vmem>> -> memref<128x64xf32, #tpu.memory_space<vmem>>
      %dma_start3A_123 = arith.constant 0 : i32
      %dma_start3A_124 = tpu.memref_slice %arg9[%add3A_23, %dma_start3A_123] : memref<10240x64xf32, #tpu.memory_space<vmem_shared>> -> memref<128x64xf32, #tpu.memory_space<vmem_shared>>
      %dma_start3A_125 = arith.constant 0 : i32
      %dma_start3A_126 = tpu.memref_slice %arg9[%add3A_23, %dma_start3A_125] : memref<10240x64xf32, #tpu.memory_space<vmem_shared>> -> memref<128x64xf32, #tpu.memory_space<vmem_shared>>
      %dma_start3A_127 = arith.constant 0 : i32
      %dma_start3A_128 = arith.constant 0 : i32
      %dma_start3A_129 = tpu.memref_slice %arg8[%run_scoped3A, %dma_start3A_127, %dma_start3A_128] : memref<4x128x64xf32, #tpu.memory_space<vmem>> -> memref<1x128x64xf32, #tpu.memory_space<vmem>>
      %dma_start3A_130 = tpu.memref_squeeze %dma_start3A_129 : memref<1x128x64xf32, #tpu.memory_space<vmem>> -> memref<128x64xf32, #tpu.memory_space<vmem>>
      tpu.enqueue_dma source(%dma_start3A_130 : memref<128x64xf32, #tpu.memory_space<vmem>>) target(%dma_start3A_126 : memref<128x64xf32, #tpu.memory_space<vmem_shared>>) target_semaphore(%run_scoped3A_118 : memref<!tpu.dma_semaphore, #tpu.memory_space<semaphore_mem>>)
      %dma_wait3A_131 = arith.constant 0 : i32
      %dma_wait3A_132 = arith.constant 0 : i32
      %dma_wait3A_133 = tpu.memref_slice %arg8[%run_scoped3A, %dma_wait3A_131, %dma_wait3A_132] : memref<4x128x64xf32, #tpu.memory_space<vmem>> -> memref<1x128x64xf32, #tpu.memory_space<vmem>>
      %dma_wait3A_134 = tpu.memref_squeeze %dma_wait3A_133 : memref<1x128x64xf32, #tpu.memory_space<vmem>> -> memref<128x64xf32, #tpu.memory_space<vmem>>
      %dma_wait3A_135 = arith.constant 0 : i32
      %dma_wait3A_136 = tpu.memref_slice %arg9[%add3A_23, %dma_wait3A_135] : memref<10240x64xf32, #tpu.memory_space<vmem_shared>> -> memref<128x64xf32, #tpu.memory_space<vmem_shared>>
      %dma_wait3A_137 = arith.constant 0 : i32
      %dma_wait3A_138 = tpu.memref_slice %arg9[%add3A_23, %dma_wait3A_137] : memref<10240x64xf32, #tpu.memory_space<vmem_shared>> -> memref<128x64xf32, #tpu.memory_space<vmem_shared>>
      %dma_wait3A_139 = arith.constant 0 : i32
      %dma_wait3A_140 = arith.constant 0 : i32
      %dma_wait3A_141 = tpu.memref_slice %arg8[%run_scoped3A, %dma_wait3A_139, %dma_wait3A_140] : memref<4x128x64xf32, #tpu.memory_space<vmem>> -> memref<1x128x64xf32, #tpu.memory_space<vmem>>
      %dma_wait3A_142 = tpu.memref_squeeze %dma_wait3A_141 : memref<1x128x64xf32, #tpu.memory_space<vmem>> -> memref<128x64xf32, #tpu.memory_space<vmem>>
      tpu.wait_dma2 semaphore(%run_scoped3A_118 : memref<!tpu.dma_semaphore, #tpu.memory_space<semaphore_mem>>) src(%dma_wait3A_142 : memref<128x64xf32, #tpu.memory_space<vmem>>) dst(%dma_wait3A_138 : memref<128x64xf32, #tpu.memory_space<vmem_shared>>)
      tpu.yield
    }) : () -> ()
    %mul3A_24 = arith.constant 640 : i32
    %mul3A_25 = arith.muli %arg1, %mul3A_24 : i32
    %add3A_26 = arith.constant 128 : i32
    %add3A_27 = arith.addi %mul3A_25, %add3A_26 : i32
    %run_scoped3A_28 = arith.constant 0 : i32
    "tpu.region"() ({
      %run_scoped3A_118 = tpu.sem_alloc : memref<!tpu.dma_semaphore, #tpu.memory_space<semaphore_mem>>
      %dma_start3A_119 = arith.constant 0 : i32
      %dma_start3A_120 = arith.constant 0 : i32
      %dma_start3A_121 = tpu.memref_slice %arg8[%run_scoped3A_28, %dma_start3A_119, %dma_start3A_120] : memref<4x128x64xf32, #tpu.memory_space<vmem>> -> memref<1x128x64xf32, #tpu.memory_space<vmem>>
      %dma_start3A_122 = tpu.memref_squeeze %dma_start3A_121 : memref<1x128x64xf32, #tpu.memory_space<vmem>> -> memref<128x64xf32, #tpu.memory_space<vmem>>
      %dma_start3A_123 = arith.constant 0 : i32
      %dma_start3A_124 = tpu.memref_slice %arg9[%add3A_27, %dma_start3A_123] : memref<10240x64xf32, #tpu.memory_space<vmem_shared>> -> memref<128x64xf32, #tpu.memory_space<vmem_shared>>
      %dma_start3A_125 = arith.constant 0 : i32
      %dma_start3A_126 = tpu.memref_slice %arg9[%add3A_27, %dma_start3A_125] : memref<10240x64xf32, #tpu.memory_space<vmem_shared>> -> memref<128x64xf32, #tpu.memory_space<vmem_shared>>
      %dma_start3A_127 = arith.constant 0 : i32
      %dma_start3A_128 = arith.constant 0 : i32
      %dma_start3A_129 = tpu.memref_slice %arg8[%run_scoped3A_28, %dma_start3A_127, %dma_start3A_128] : memref<4x128x64xf32, #tpu.memory_space<vmem>> -> memref<1x128x64xf32, #tpu.memory_space<vmem>>
      %dma_start3A_130 = tpu.memref_squeeze %dma_start3A_129 : memref<1x128x64xf32, #tpu.memory_space<vmem>> -> memref<128x64xf32, #tpu.memory_space<vmem>>
      tpu.enqueue_dma source(%dma_start3A_130 : memref<128x64xf32, #tpu.memory_space<vmem>>) target(%dma_start3A_126 : memref<128x64xf32, #tpu.memory_space<vmem_shared>>) target_semaphore(%run_scoped3A_118 : memref<!tpu.dma_semaphore, #tpu.memory_space<semaphore_mem>>)
      %dma_wait3A_131 = arith.constant 0 : i32
      %dma_wait3A_132 = arith.constant 0 : i32
      %dma_wait3A_133 = tpu.memref_slice %arg8[%run_scoped3A_28, %dma_wait3A_131, %dma_wait3A_132] : memref<4x128x64xf32, #tpu.memory_space<vmem>> -> memref<1x128x64xf32, #tpu.memory_space<vmem>>
      %dma_wait3A_134 = tpu.memref_squeeze %dma_wait3A_133 : memref<1x128x64xf32, #tpu.memory_space<vmem>> -> memref<128x64xf32, #tpu.memory_space<vmem>>
      %dma_wait3A_135 = arith.constant 0 : i32
      %dma_wait3A_136 = tpu.memref_slice %arg9[%add3A_27, %dma_wait3A_135] : memref<10240x64xf32, #tpu.memory_space<vmem_shared>> -> memref<128x64xf32, #tpu.memory_space<vmem_shared>>
      %dma_wait3A_137 = arith.constant 0 : i32
      %dma_wait3A_138 = tpu.memref_slice %arg9[%add3A_27, %dma_wait3A_137] : memref<10240x64xf32, #tpu.memory_space<vmem_shared>> -> memref<128x64xf32, #tpu.memory_space<vmem_shared>>
      %dma_wait3A_139 = arith.constant 0 : i32
      %dma_wait3A_140 = arith.constant 0 : i32
      %dma_wait3A_141 = tpu.memref_slice %arg8[%run_scoped3A_28, %dma_wait3A_139, %dma_wait3A_140] : memref<4x128x64xf32, #tpu.memory_space<vmem>> -> memref<1x128x64xf32, #tpu.memory_space<vmem>>
      %dma_wait3A_142 = tpu.memref_squeeze %dma_wait3A_141 : memref<1x128x64xf32, #tpu.memory_space<vmem>> -> memref<128x64xf32, #tpu.memory_space<vmem>>
      tpu.wait_dma2 semaphore(%run_scoped3A_118 : memref<!tpu.dma_semaphore, #tpu.memory_space<semaphore_mem>>) src(%dma_wait3A_142 : memref<128x64xf32, #tpu.memory_space<vmem>>) dst(%dma_wait3A_138 : memref<128x64xf32, #tpu.memory_space<vmem_shared>>)
      tpu.yield
    }) : () -> ()
    %mul3A_29 = arith.constant 640 : i32
    %mul3A_30 = arith.muli %arg1, %mul3A_29 : i32
    %add3A_31 = arith.constant 256 : i32
    %add3A_32 = arith.addi %mul3A_30, %add3A_31 : i32
    %run_scoped3A_33 = arith.constant 0 : i32
    "tpu.region"() ({
      %run_scoped3A_118 = tpu.sem_alloc : memref<!tpu.dma_semaphore, #tpu.memory_space<semaphore_mem>>
      %dma_start3A_119 = arith.constant 0 : i32
      %dma_start3A_120 = arith.constant 0 : i32
      %dma_start3A_121 = tpu.memref_slice %arg8[%run_scoped3A_33, %dma_start3A_119, %dma_start3A_120] : memref<4x128x64xf32, #tpu.memory_space<vmem>> -> memref<1x128x64xf32, #tpu.memory_space<vmem>>
      %dma_start3A_122 = tpu.memref_squeeze %dma_start3A_121 : memref<1x128x64xf32, #tpu.memory_space<vmem>> -> memref<128x64xf32, #tpu.memory_space<vmem>>
      %dma_start3A_123 = arith.constant 0 : i32
      %dma_start3A_124 = tpu.memref_slice %arg9[%add3A_32, %dma_start3A_123] : memref<10240x64xf32, #tpu.memory_space<vmem_shared>> -> memref<128x64xf32, #tpu.memory_space<vmem_shared>>
      %dma_start3A_125 = arith.constant 0 : i32
      %dma_start3A_126 = tpu.memref_slice %arg9[%add3A_32, %dma_start3A_125] : memref<10240x64xf32, #tpu.memory_space<vmem_shared>> -> memref<128x64xf32, #tpu.memory_space<vmem_shared>>
      %dma_start3A_127 = arith.constant 0 : i32
      %dma_start3A_128 = arith.constant 0 : i32
      %dma_start3A_129 = tpu.memref_slice %arg8[%run_scoped3A_33, %dma_start3A_127, %dma_start3A_128] : memref<4x128x64xf32, #tpu.memory_space<vmem>> -> memref<1x128x64xf32, #tpu.memory_space<vmem>>
      %dma_start3A_130 = tpu.memref_squeeze %dma_start3A_129 : memref<1x128x64xf32, #tpu.memory_space<vmem>> -> memref<128x64xf32, #tpu.memory_space<vmem>>
      tpu.enqueue_dma source(%dma_start3A_130 : memref<128x64xf32, #tpu.memory_space<vmem>>) target(%dma_start3A_126 : memref<128x64xf32, #tpu.memory_space<vmem_shared>>) target_semaphore(%run_scoped3A_118 : memref<!tpu.dma_semaphore, #tpu.memory_space<semaphore_mem>>)
      %dma_wait3A_131 = arith.constant 0 : i32
      %dma_wait3A_132 = arith.constant 0 : i32
      %dma_wait3A_133 = tpu.memref_slice %arg8[%run_scoped3A_33, %dma_wait3A_131, %dma_wait3A_132] : memref<4x128x64xf32, #tpu.memory_space<vmem>> -> memref<1x128x64xf32, #tpu.memory_space<vmem>>
      %dma_wait3A_134 = tpu.memref_squeeze %dma_wait3A_133 : memref<1x128x64xf32, #tpu.memory_space<vmem>> -> memref<128x64xf32, #tpu.memory_space<vmem>>
      %dma_wait3A_135 = arith.constant 0 : i32
      %dma_wait3A_136 = tpu.memref_slice %arg9[%add3A_32, %dma_wait3A_135] : memref<10240x64xf32, #tpu.memory_space<vmem_shared>> -> memref<128x64xf32, #tpu.memory_space<vmem_shared>>
      %dma_wait3A_137 = arith.constant 0 : i32
      %dma_wait3A_138 = tpu.memref_slice %arg9[%add3A_32, %dma_wait3A_137] : memref<10240x64xf32, #tpu.memory_space<vmem_shared>> -> memref<128x64xf32, #tpu.memory_space<vmem_shared>>
      %dma_wait3A_139 = arith.constant 0 : i32
      %dma_wait3A_140 = arith.constant 0 : i32
      %dma_wait3A_141 = tpu.memref_slice %arg8[%run_scoped3A_33, %dma_wait3A_139, %dma_wait3A_140] : memref<4x128x64xf32, #tpu.memory_space<vmem>> -> memref<1x128x64xf32, #tpu.memory_space<vmem>>
      %dma_wait3A_142 = tpu.memref_squeeze %dma_wait3A_141 : memref<1x128x64xf32, #tpu.memory_space<vmem>> -> memref<128x64xf32, #tpu.memory_space<vmem>>
      tpu.wait_dma2 semaphore(%run_scoped3A_118 : memref<!tpu.dma_semaphore, #tpu.memory_space<semaphore_mem>>) src(%dma_wait3A_142 : memref<128x64xf32, #tpu.memory_space<vmem>>) dst(%dma_wait3A_138 : memref<128x64xf32, #tpu.memory_space<vmem_shared>>)
      tpu.yield
    }) : () -> ()
    %mul3A_34 = arith.constant 640 : i32
    %mul3A_35 = arith.muli %arg1, %mul3A_34 : i32
    %add3A_36 = arith.constant 384 : i32
    %add3A_37 = arith.addi %mul3A_35, %add3A_36 : i32
    %run_scoped3A_38 = arith.constant 0 : i32
    "tpu.region"() ({
      %run_scoped3A_118 = tpu.sem_alloc : memref<!tpu.dma_semaphore, #tpu.memory_space<semaphore_mem>>
      %dma_start3A_119 = arith.constant 0 : i32
      %dma_start3A_120 = arith.constant 0 : i32
      %dma_start3A_121 = tpu.memref_slice %arg8[%run_scoped3A_38, %dma_start3A_119, %dma_start3A_120] : memref<4x128x64xf32, #tpu.memory_space<vmem>> -> memref<1x128x64xf32, #tpu.memory_space<vmem>>
      %dma_start3A_122 = tpu.memref_squeeze %dma_start3A_121 : memref<1x128x64xf32, #tpu.memory_space<vmem>> -> memref<128x64xf32, #tpu.memory_space<vmem>>
      %dma_start3A_123 = arith.constant 0 : i32
      %dma_start3A_124 = tpu.memref_slice %arg9[%add3A_37, %dma_start3A_123] : memref<10240x64xf32, #tpu.memory_space<vmem_shared>> -> memref<128x64xf32, #tpu.memory_space<vmem_shared>>
      %dma_start3A_125 = arith.constant 0 : i32
      %dma_start3A_126 = tpu.memref_slice %arg9[%add3A_37, %dma_start3A_125] : memref<10240x64xf32, #tpu.memory_space<vmem_shared>> -> memref<128x64xf32, #tpu.memory_space<vmem_shared>>
      %dma_start3A_127 = arith.constant 0 : i32
      %dma_start3A_128 = arith.constant 0 : i32
      %dma_start3A_129 = tpu.memref_slice %arg8[%run_scoped3A_38, %dma_start3A_127, %dma_start3A_128] : memref<4x128x64xf32, #tpu.memory_space<vmem>> -> memref<1x128x64xf32, #tpu.memory_space<vmem>>
      %dma_start3A_130 = tpu.memref_squeeze %dma_start3A_129 : memref<1x128x64xf32, #tpu.memory_space<vmem>> -> memref<128x64xf32, #tpu.memory_space<vmem>>
      tpu.enqueue_dma source(%dma_start3A_130 : memref<128x64xf32, #tpu.memory_space<vmem>>) target(%dma_start3A_126 : memref<128x64xf32, #tpu.memory_space<vmem_shared>>) target_semaphore(%run_scoped3A_118 : memref<!tpu.dma_semaphore, #tpu.memory_space<semaphore_mem>>)
      %dma_wait3A_131 = arith.constant 0 : i32
      %dma_wait3A_132 = arith.constant 0 : i32
      %dma_wait3A_133 = tpu.memref_slice %arg8[%run_scoped3A_38, %dma_wait3A_131, %dma_wait3A_132] : memref<4x128x64xf32, #tpu.memory_space<vmem>> -> memref<1x128x64xf32, #tpu.memory_space<vmem>>
      %dma_wait3A_134 = tpu.memref_squeeze %dma_wait3A_133 : memref<1x128x64xf32, #tpu.memory_space<vmem>> -> memref<128x64xf32, #tpu.memory_space<vmem>>
      %dma_wait3A_135 = arith.constant 0 : i32
      %dma_wait3A_136 = tpu.memref_slice %arg9[%add3A_37, %dma_wait3A_135] : memref<10240x64xf32, #tpu.memory_space<vmem_shared>> -> memref<128x64xf32, #tpu.memory_space<vmem_shared>>
      %dma_wait3A_137 = arith.constant 0 : i32
      %dma_wait3A_138 = tpu.memref_slice %arg9[%add3A_37, %dma_wait3A_137] : memref<10240x64xf32, #tpu.memory_space<vmem_shared>> -> memref<128x64xf32, #tpu.memory_space<vmem_shared>>
      %dma_wait3A_139 = arith.constant 0 : i32
      %dma_wait3A_140 = arith.constant 0 : i32
      %dma_wait3A_141 = tpu.memref_slice %arg8[%run_scoped3A_38, %dma_wait3A_139, %dma_wait3A_140] : memref<4x128x64xf32, #tpu.memory_space<vmem>> -> memref<1x128x64xf32, #tpu.memory_space<vmem>>
      %dma_wait3A_142 = tpu.memref_squeeze %dma_wait3A_141 : memref<1x128x64xf32, #tpu.memory_space<vmem>> -> memref<128x64xf32, #tpu.memory_space<vmem>>
      tpu.wait_dma2 semaphore(%run_scoped3A_118 : memref<!tpu.dma_semaphore, #tpu.memory_space<semaphore_mem>>) src(%dma_wait3A_142 : memref<128x64xf32, #tpu.memory_space<vmem>>) dst(%dma_wait3A_138 : memref<128x64xf32, #tpu.memory_space<vmem_shared>>)
      tpu.yield
    }) : () -> ()
    %mul3A_39 = arith.constant 640 : i32
    %mul3A_40 = arith.muli %arg1, %mul3A_39 : i32
    %add3A_41 = arith.constant 512 : i32
    %add3A_42 = arith.addi %mul3A_40, %add3A_41 : i32
    %run_scoped3A_43 = arith.constant 0 : i32
    "tpu.region"() ({
      %run_scoped3A_118 = tpu.sem_alloc : memref<!tpu.dma_semaphore, #tpu.memory_space<semaphore_mem>>
      %dma_start3A_119 = arith.constant 0 : i32
      %dma_start3A_120 = arith.constant 0 : i32
      %dma_start3A_121 = tpu.memref_slice %arg8[%run_scoped3A_43, %dma_start3A_119, %dma_start3A_120] : memref<4x128x64xf32, #tpu.memory_space<vmem>> -> memref<1x128x64xf32, #tpu.memory_space<vmem>>
      %dma_start3A_122 = tpu.memref_squeeze %dma_start3A_121 : memref<1x128x64xf32, #tpu.memory_space<vmem>> -> memref<128x64xf32, #tpu.memory_space<vmem>>
      %dma_start3A_123 = arith.constant 0 : i32
      %dma_start3A_124 = tpu.memref_slice %arg9[%add3A_42, %dma_start3A_123] : memref<10240x64xf32, #tpu.memory_space<vmem_shared>> -> memref<128x64xf32, #tpu.memory_space<vmem_shared>>
      %dma_start3A_125 = arith.constant 0 : i32
      %dma_start3A_126 = tpu.memref_slice %arg9[%add3A_42, %dma_start3A_125] : memref<10240x64xf32, #tpu.memory_space<vmem_shared>> -> memref<128x64xf32, #tpu.memory_space<vmem_shared>>
      %dma_start3A_127 = arith.constant 0 : i32
      %dma_start3A_128 = arith.constant 0 : i32
      %dma_start3A_129 = tpu.memref_slice %arg8[%run_scoped3A_43, %dma_start3A_127, %dma_start3A_128] : memref<4x128x64xf32, #tpu.memory_space<vmem>> -> memref<1x128x64xf32, #tpu.memory_space<vmem>>
      %dma_start3A_130 = tpu.memref_squeeze %dma_start3A_129 : memref<1x128x64xf32, #tpu.memory_space<vmem>> -> memref<128x64xf32, #tpu.memory_space<vmem>>
      tpu.enqueue_dma source(%dma_start3A_130 : memref<128x64xf32, #tpu.memory_space<vmem>>) target(%dma_start3A_126 : memref<128x64xf32, #tpu.memory_space<vmem_shared>>) target_semaphore(%run_scoped3A_118 : memref<!tpu.dma_semaphore, #tpu.memory_space<semaphore_mem>>)
      %dma_wait3A_131 = arith.constant 0 : i32
      %dma_wait3A_132 = arith.constant 0 : i32
      %dma_wait3A_133 = tpu.memref_slice %arg8[%run_scoped3A_43, %dma_wait3A_131, %dma_wait3A_132] : memref<4x128x64xf32, #tpu.memory_space<vmem>> -> memref<1x128x64xf32, #tpu.memory_space<vmem>>
      %dma_wait3A_134 = tpu.memref_squeeze %dma_wait3A_133 : memref<1x128x64xf32, #tpu.memory_space<vmem>> -> memref<128x64xf32, #tpu.memory_space<vmem>>
      %dma_wait3A_135 = arith.constant 0 : i32
      %dma_wait3A_136 = tpu.memref_slice %arg9[%add3A_42, %dma_wait3A_135] : memref<10240x64xf32, #tpu.memory_space<vmem_shared>> -> memref<128x64xf32, #tpu.memory_space<vmem_shared>>
      %dma_wait3A_137 = arith.constant 0 : i32
      %dma_wait3A_138 = tpu.memref_slice %arg9[%add3A_42, %dma_wait3A_137] : memref<10240x64xf32, #tpu.memory_space<vmem_shared>> -> memref<128x64xf32, #tpu.memory_space<vmem_shared>>
      %dma_wait3A_139 = arith.constant 0 : i32
      %dma_wait3A_140 = arith.constant 0 : i32
      %dma_wait3A_141 = tpu.memref_slice %arg8[%run_scoped3A_43, %dma_wait3A_139, %dma_wait3A_140] : memref<4x128x64xf32, #tpu.memory_space<vmem>> -> memref<1x128x64xf32, #tpu.memory_space<vmem>>
      %dma_wait3A_142 = tpu.memref_squeeze %dma_wait3A_141 : memref<1x128x64xf32, #tpu.memory_space<vmem>> -> memref<128x64xf32, #tpu.memory_space<vmem>>
      tpu.wait_dma2 semaphore(%run_scoped3A_118 : memref<!tpu.dma_semaphore, #tpu.memory_space<semaphore_mem>>) src(%dma_wait3A_142 : memref<128x64xf32, #tpu.memory_space<vmem>>) dst(%dma_wait3A_138 : memref<128x64xf32, #tpu.memory_space<vmem_shared>>)
      tpu.yield
    }) : () -> ()
    %barrier3A = arith.constant 0 : index
    tpu.barrier barrier_id(%barrier3A)
    %dma_start3A = arith.constant 0 : i32
    %dma_start3A_44 = arith.constant 0 : i32
    %dma_start3A_45 = arith.constant 0 : i32
    %dma_start3A_46 = arith.constant 0 : i32
    %dma_start3A_47 = arith.constant 0 : i32
    %dma_start3A_48 = tpu.memref_slice %arg8[%dma_start3A_44, %dma_start3A_46, %dma_start3A_47] : memref<4x128x64xf32, #tpu.memory_space<vmem>> -> memref<1x128x64xf32, #tpu.memory_space<vmem>>
    %dma_start3A_49 = tpu.memref_squeeze %dma_start3A_48 : memref<1x128x64xf32, #tpu.memory_space<vmem>> -> memref<128x64xf32, #tpu.memory_space<vmem>>
    %dma_start3A_50 = arith.constant 0 : i32
    %dma_start3A_51 = tpu.memref_slice %arg6[%dma_start3A, %dma_start3A_50] : memref<105x128xi32, #tpu.memory_space<vmem>> -> memref<1x128xi32, #tpu.memory_space<vmem>>
    %dma_start3A_52 = tpu.memref_squeeze %dma_start3A_51 : memref<1x128xi32, #tpu.memory_space<vmem>> -> memref<128xi32, #tpu.memory_space<vmem>>
    %dma_start3A_53 = arith.constant 0 : i32
    %dma_start3A_54 = arith.constant 0 : i32
    %dma_start3A_55 = tpu.memref_slice %arg2[%dma_start3A_53, %dma_start3A_54] : memref<10000x64xf32, #tpu.memory_space<hbm>> -> memref<10000x64xf32, #tpu.memory_space<hbm>>
    %dma_start3A_56 = tpu.memref_slice %arg10[%dma_start3A_45] : memref<4x!tpu.dma_semaphore, #tpu.memory_space<semaphore_mem>> -> memref<1x!tpu.dma_semaphore, #tpu.memory_space<semaphore_mem>>
    %dma_start3A_57 = tpu.memref_squeeze %dma_start3A_56 : memref<1x!tpu.dma_semaphore, #tpu.memory_space<semaphore_mem>> -> memref<!tpu.dma_semaphore, #tpu.memory_space<semaphore_mem>>
    tpu.enqueue_indirect_dma source(%dma_start3A_55 : memref<10000x64xf32, #tpu.memory_space<hbm>>) target(%dma_start3A_49 : memref<128x64xf32, #tpu.memory_space<vmem>>) offsets(%dma_start3A_52 : memref<128xi32, #tpu.memory_space<vmem>>) semaphore(%dma_start3A_57 : memref<!tpu.dma_semaphore, #tpu.memory_space<semaphore_mem>>)
    %dma_start3A_58 = arith.constant 1 : i32
    %dma_start3A_59 = arith.constant 1 : i32
    %dma_start3A_60 = arith.constant 1 : i32
    %dma_start3A_61 = arith.constant 0 : i32
    %dma_start3A_62 = arith.constant 0 : i32
    %dma_start3A_63 = tpu.memref_slice %arg8[%dma_start3A_59, %dma_start3A_61, %dma_start3A_62] : memref<4x128x64xf32, #tpu.memory_space<vmem>> -> memref<1x128x64xf32, #tpu.memory_space<vmem>>
    %dma_start3A_64 = tpu.memref_squeeze %dma_start3A_63 : memref<1x128x64xf32, #tpu.memory_space<vmem>> -> memref<128x64xf32, #tpu.memory_space<vmem>>
    %dma_start3A_65 = arith.constant 0 : i32
    %dma_start3A_66 = tpu.memref_slice %arg6[%dma_start3A_58, %dma_start3A_65] : memref<105x128xi32, #tpu.memory_space<vmem>> -> memref<1x128xi32, #tpu.memory_space<vmem>>
    %dma_start3A_67 = tpu.memref_squeeze %dma_start3A_66 : memref<1x128xi32, #tpu.memory_space<vmem>> -> memref<128xi32, #tpu.memory_space<vmem>>
    %dma_start3A_68 = arith.constant 0 : i32
    %dma_start3A_69 = arith.constant 0 : i32
    %dma_start3A_70 = tpu.memref_slice %arg2[%dma_start3A_68, %dma_start3A_69] : memref<10000x64xf32, #tpu.memory_space<hbm>> -> memref<10000x64xf32, #tpu.memory_space<hbm>>
    %dma_start3A_71 = tpu.memref_slice %arg10[%dma_start3A_60] : memref<4x!tpu.dma_semaphore, #tpu.memory_space<semaphore_mem>> -> memref<1x!tpu.dma_semaphore, #tpu.memory_space<semaphore_mem>>
    %dma_start3A_72 = tpu.memref_squeeze %dma_start3A_71 : memref<1x!tpu.dma_semaphore, #tpu.memory_space<semaphore_mem>> -> memref<!tpu.dma_semaphore, #tpu.memory_space<semaphore_mem>>
    tpu.enqueue_indirect_dma source(%dma_start3A_70 : memref<10000x64xf32, #tpu.memory_space<hbm>>) target(%dma_start3A_64 : memref<128x64xf32, #tpu.memory_space<vmem>>) offsets(%dma_start3A_67 : memref<128xi32, #tpu.memory_space<vmem>>) semaphore(%dma_start3A_72 : memref<!tpu.dma_semaphore, #tpu.memory_space<semaphore_mem>>)
    %while3A = arith.constant 0 : i32
    %while3A_73 = arith.constant 0 : i32
    %while3A_74 = arith.subi %select_n3A, %while3A : i32
    %while3A_75 = arith.addi %while3A, %while3A_74 : i32
    %while3A_76 = arith.constant 1 : i32
    %while3A_77 = arith.divsi %while3A_74, %while3A_76 : i32
    %while3A_78 = arith.muli %while3A_77, %while3A_76 : i32
    %while3A_79 = arith.addi %while3A, %while3A_78 : i32
    %while3A_80 = arith.constant 1 : i32
    %while3A_81 = scf.for %while3A_118 = %while3A to %while3A_79 step %while3A_80 iter_args(%while3A_119 = %while3A_73) -> (i32)  : i32 {
      %rem3A_120 = arith.constant 4 : i32
      %rem3A_121 = arith.remsi %while3A_118, %rem3A_120 : i32
      %dma_wait3A_122 = arith.constant 0 : i32
      %dma_wait3A_123 = arith.constant 0 : i32
      %dma_wait3A_124 = tpu.memref_slice %arg8[%rem3A_121, %dma_wait3A_122, %dma_wait3A_123] : memref<4x128x64xf32, #tpu.memory_space<vmem>> -> memref<1x128x64xf32, #tpu.memory_space<vmem>>
      %dma_wait3A_125 = tpu.memref_squeeze %dma_wait3A_124 : memref<1x128x64xf32, #tpu.memory_space<vmem>> -> memref<128x64xf32, #tpu.memory_space<vmem>>
      %dma_wait3A_126 = arith.constant 0 : i32
      %dma_wait3A_127 = tpu.memref_slice %arg6[%while3A_118, %dma_wait3A_126] : memref<105x128xi32, #tpu.memory_space<vmem>> -> memref<1x128xi32, #tpu.memory_space<vmem>>
      %dma_wait3A_128 = tpu.memref_squeeze %dma_wait3A_127 : memref<1x128xi32, #tpu.memory_space<vmem>> -> memref<128xi32, #tpu.memory_space<vmem>>
      %dma_wait3A_129 = arith.constant 0 : i32
      %dma_wait3A_130 = arith.constant 0 : i32
      %dma_wait3A_131 = tpu.memref_slice %arg2[%dma_wait3A_129, %dma_wait3A_130] : memref<10000x64xf32, #tpu.memory_space<hbm>> -> memref<10000x64xf32, #tpu.memory_space<hbm>>
      %dma_wait3A_132 = tpu.memref_slice %arg10[%rem3A_121] : memref<4x!tpu.dma_semaphore, #tpu.memory_space<semaphore_mem>> -> memref<1x!tpu.dma_semaphore, #tpu.memory_space<semaphore_mem>>
      %dma_wait3A_133 = tpu.memref_squeeze %dma_wait3A_132 : memref<1x!tpu.dma_semaphore, #tpu.memory_space<semaphore_mem>> -> memref<!tpu.dma_semaphore, #tpu.memory_space<semaphore_mem>>
      tpu.wait_indirect_dma semaphore(%dma_wait3A_133 : memref<!tpu.dma_semaphore, #tpu.memory_space<semaphore_mem>>) src(%dma_wait3A_131 : memref<10000x64xf32, #tpu.memory_space<hbm>>) dst(%dma_wait3A_125 : memref<128x64xf32, #tpu.memory_space<vmem>>)
      %ge3A = arith.constant 2 : i32
      %ge3A_134 = arith.cmpi sge, %while3A_118, %ge3A : i32
      %convert_element_type3A_135 = arith.extui %ge3A_134 : i1 to i32
      %cond3A_136 = arith.constant 0 : i32
      %cond3A_137 = arith.cmpi ne, %convert_element_type3A_135, %cond3A_136 : i32
      scf.if %cond3A_137 {
        %sub3A_157 = arith.constant 2 : i32
        %sub3A_158 = arith.subi %while3A_118, %sub3A_157 : i32
        %rem3A_159 = arith.constant 4 : i32
        %rem3A_160 = arith.remsi %sub3A_158, %rem3A_159 : i32
        %sub3A_161 = arith.constant 2 : i32
        %sub3A_162 = arith.subi %while3A_118, %sub3A_161 : i32
        %dma_wait3A_163 = arith.constant 0 : i32
        %dma_wait3A_164 = arith.constant 0 : i32
        %dma_wait3A_165 = tpu.memref_slice %arg8[%rem3A_160, %dma_wait3A_163, %dma_wait3A_164] : memref<4x128x64xf32, #tpu.memory_space<vmem>> -> memref<1x128x64xf32, #tpu.memory_space<vmem>>
        %dma_wait3A_166 = tpu.memref_squeeze %dma_wait3A_165 : memref<1x128x64xf32, #tpu.memory_space<vmem>> -> memref<128x64xf32, #tpu.memory_space<vmem>>
        %dma_wait3A_167 = arith.constant 0 : i32
        %dma_wait3A_168 = tpu.memref_slice %arg7[%sub3A_162, %dma_wait3A_167] : memref<105x128xi32, #tpu.memory_space<vmem>> -> memref<1x128xi32, #tpu.memory_space<vmem>>
        %dma_wait3A_169 = tpu.memref_squeeze %dma_wait3A_168 : memref<1x128xi32, #tpu.memory_space<vmem>> -> memref<128xi32, #tpu.memory_space<vmem>>
        %dma_wait3A_170 = arith.constant 0 : i32
        %dma_wait3A_171 = arith.constant 0 : i32
        %dma_wait3A_172 = tpu.memref_slice %arg9[%dma_wait3A_170, %dma_wait3A_171] : memref<10240x64xf32, #tpu.memory_space<vmem_shared>> -> memref<10240x64xf32, #tpu.memory_space<vmem_shared>>
        %dma_wait3A_173 = tpu.memref_slice %arg11[%rem3A_160] : memref<4x!tpu.dma_semaphore, #tpu.memory_space<semaphore_mem>> -> memref<1x!tpu.dma_semaphore, #tpu.memory_space<semaphore_mem>>
        %dma_wait3A_174 = tpu.memref_squeeze %dma_wait3A_173 : memref<1x!tpu.dma_semaphore, #tpu.memory_space<semaphore_mem>> -> memref<!tpu.dma_semaphore, #tpu.memory_space<semaphore_mem>>
        tpu.wait_indirect_dma semaphore(%dma_wait3A_174 : memref<!tpu.dma_semaphore, #tpu.memory_space<semaphore_mem>>) src(%dma_wait3A_166 : memref<128x64xf32, #tpu.memory_space<vmem>>) dst(%dma_wait3A_172 : memref<10240x64xf32, #tpu.memory_space<vmem_shared>>)
      } else {
      }
      %add3A_138 = arith.constant 2 : i32
      %add3A_139 = arith.addi %while3A_118, %add3A_138 : i32
      %lt3A_140 = arith.cmpi slt, %add3A_139, %select_n3A : i32
      %convert_element_type3A_141 = arith.extui %lt3A_140 : i1 to i32
      %cond3A_142 = arith.constant 0 : i32
      %cond3A_143 = arith.cmpi ne, %convert_element_type3A_141, %cond3A_142 : i32
      scf.if %cond3A_143 {
        %add3A_157 = arith.constant 2 : i32
        %add3A_158 = arith.addi %while3A_118, %add3A_157 : i32
        %rem3A_159 = arith.constant 4 : i32
        %rem3A_160 = arith.remsi %add3A_158, %rem3A_159 : i32
        %add3A_161 = arith.constant 2 : i32
        %add3A_162 = arith.addi %while3A_118, %add3A_161 : i32
        %dma_start3A_163 = arith.constant 0 : i32
        %dma_start3A_164 = arith.constant 0 : i32
        %dma_start3A_165 = tpu.memref_slice %arg8[%rem3A_160, %dma_start3A_163, %dma_start3A_164] : memref<4x128x64xf32, #tpu.memory_space<vmem>> -> memref<1x128x64xf32, #tpu.memory_space<vmem>>
        %dma_start3A_166 = tpu.memref_squeeze %dma_start3A_165 : memref<1x128x64xf32, #tpu.memory_space<vmem>> -> memref<128x64xf32, #tpu.memory_space<vmem>>
        %dma_start3A_167 = arith.constant 0 : i32
        %dma_start3A_168 = tpu.memref_slice %arg6[%add3A_162, %dma_start3A_167] : memref<105x128xi32, #tpu.memory_space<vmem>> -> memref<1x128xi32, #tpu.memory_space<vmem>>
        %dma_start3A_169 = tpu.memref_squeeze %dma_start3A_168 : memref<1x128xi32, #tpu.memory_space<vmem>> -> memref<128xi32, #tpu.memory_space<vmem>>
        %dma_start3A_170 = arith.constant 0 : i32
        %dma_start3A_171 = arith.constant 0 : i32
        %dma_start3A_172 = tpu.memref_slice %arg2[%dma_start3A_170, %dma_start3A_171] : memref<10000x64xf32, #tpu.memory_space<hbm>> -> memref<10000x64xf32, #tpu.memory_space<hbm>>
        %dma_start3A_173 = tpu.memref_slice %arg10[%rem3A_160] : memref<4x!tpu.dma_semaphore, #tpu.memory_space<semaphore_mem>> -> memref<1x!tpu.dma_semaphore, #tpu.memory_space<semaphore_mem>>
        %dma_start3A_174 = tpu.memref_squeeze %dma_start3A_173 : memref<1x!tpu.dma_semaphore, #tpu.memory_space<semaphore_mem>> -> memref<!tpu.dma_semaphore, #tpu.memory_space<semaphore_mem>>
        tpu.enqueue_indirect_dma source(%dma_start3A_172 : memref<10000x64xf32, #tpu.memory_space<hbm>>) target(%dma_start3A_166 : memref<128x64xf32, #tpu.memory_space<vmem>>) offsets(%dma_start3A_169 : memref<128xi32, #tpu.memory_space<vmem>>) semaphore(%dma_start3A_174 : memref<!tpu.dma_semaphore, #tpu.memory_space<semaphore_mem>>)
      } else {
      }
      %dma_start3A_144 = arith.constant 0 : i32
      %dma_start3A_145 = arith.constant 0 : i32
      %dma_start3A_146 = tpu.memref_slice %arg8[%rem3A_121, %dma_start3A_144, %dma_start3A_145] : memref<4x128x64xf32, #tpu.memory_space<vmem>> -> memref<1x128x64xf32, #tpu.memory_space<vmem>>
      %dma_start3A_147 = tpu.memref_squeeze %dma_start3A_146 : memref<1x128x64xf32, #tpu.memory_space<vmem>> -> memref<128x64xf32, #tpu.memory_space<vmem>>
      %dma_start3A_148 = arith.constant 0 : i32
      %dma_start3A_149 = tpu.memref_slice %arg7[%while3A_118, %dma_start3A_148] : memref<105x128xi32, #tpu.memory_space<vmem>> -> memref<1x128xi32, #tpu.memory_space<vmem>>
      %dma_start3A_150 = tpu.memref_squeeze %dma_start3A_149 : memref<1x128xi32, #tpu.memory_space<vmem>> -> memref<128xi32, #tpu.memory_space<vmem>>
      %dma_start3A_151 = arith.constant 0 : i32
      %dma_start3A_152 = arith.constant 0 : i32
      %dma_start3A_153 = tpu.memref_slice %arg9[%dma_start3A_151, %dma_start3A_152] : memref<10240x64xf32, #tpu.memory_space<vmem_shared>> -> memref<10240x64xf32, #tpu.memory_space<vmem_shared>>
      %dma_start3A_154 = tpu.memref_slice %arg11[%rem3A_121] : memref<4x!tpu.dma_semaphore, #tpu.memory_space<semaphore_mem>> -> memref<1x!tpu.dma_semaphore, #tpu.memory_space<semaphore_mem>>
      %dma_start3A_155 = tpu.memref_squeeze %dma_start3A_154 : memref<1x!tpu.dma_semaphore, #tpu.memory_space<semaphore_mem>> -> memref<!tpu.dma_semaphore, #tpu.memory_space<semaphore_mem>>
      tpu.enqueue_indirect_dma source(%dma_start3A_147 : memref<128x64xf32, #tpu.memory_space<vmem>>) target(%dma_start3A_153 : memref<10240x64xf32, #tpu.memory_space<vmem_shared>>) offsets(%dma_start3A_150 : memref<128xi32, #tpu.memory_space<vmem>>) semaphore(%dma_start3A_155 : memref<!tpu.dma_semaphore, #tpu.memory_space<semaphore_mem>>) {add = true}
      %while3A_156 = arith.constant 0 : i32
      scf.yield %while3A_156 : i32
    }
    %while3A_82 = arith.constant 1 : i32
    %while3A_83 = scf.for %while3A_118 = %while3A_79 to %while3A_75 step %while3A_82 iter_args(%while3A_119 = %while3A_81) -> (i32)  : i32 {
      %rem3A_120 = arith.constant 4 : i32
      %rem3A_121 = arith.remsi %while3A_118, %rem3A_120 : i32
      %dma_wait3A_122 = arith.constant 0 : i32
      %dma_wait3A_123 = arith.constant 0 : i32
      %dma_wait3A_124 = tpu.memref_slice %arg8[%rem3A_121, %dma_wait3A_122, %dma_wait3A_123] : memref<4x128x64xf32, #tpu.memory_space<vmem>> -> memref<1x128x64xf32, #tpu.memory_space<vmem>>
      %dma_wait3A_125 = tpu.memref_squeeze %dma_wait3A_124 : memref<1x128x64xf32, #tpu.memory_space<vmem>> -> memref<128x64xf32, #tpu.memory_space<vmem>>
      %dma_wait3A_126 = arith.constant 0 : i32
      %dma_wait3A_127 = tpu.memref_slice %arg6[%while3A_118, %dma_wait3A_126] : memref<105x128xi32, #tpu.memory_space<vmem>> -> memref<1x128xi32, #tpu.memory_space<vmem>>
      %dma_wait3A_128 = tpu.memref_squeeze %dma_wait3A_127 : memref<1x128xi32, #tpu.memory_space<vmem>> -> memref<128xi32, #tpu.memory_space<vmem>>
      %dma_wait3A_129 = arith.constant 0 : i32
      %dma_wait3A_130 = arith.constant 0 : i32
      %dma_wait3A_131 = tpu.memref_slice %arg2[%dma_wait3A_129, %dma_wait3A_130] : memref<10000x64xf32, #tpu.memory_space<hbm>> -> memref<10000x64xf32, #tpu.memory_space<hbm>>
      %dma_wait3A_132 = tpu.memref_slice %arg10[%rem3A_121] : memref<4x!tpu.dma_semaphore, #tpu.memory_space<semaphore_mem>> -> memref<1x!tpu.dma_semaphore, #tpu.memory_space<semaphore_mem>>
      %dma_wait3A_133 = tpu.memref_squeeze %dma_wait3A_132 : memref<1x!tpu.dma_semaphore, #tpu.memory_space<semaphore_mem>> -> memref<!tpu.dma_semaphore, #tpu.memory_space<semaphore_mem>>
      tpu.wait_indirect_dma semaphore(%dma_wait3A_133 : memref<!tpu.dma_semaphore, #tpu.memory_space<semaphore_mem>>) src(%dma_wait3A_131 : memref<10000x64xf32, #tpu.memory_space<hbm>>) dst(%dma_wait3A_125 : memref<128x64xf32, #tpu.memory_space<vmem>>)
      %ge3A = arith.constant 2 : i32
      %ge3A_134 = arith.cmpi sge, %while3A_118, %ge3A : i32
      %convert_element_type3A_135 = arith.extui %ge3A_134 : i1 to i32
      %cond3A_136 = arith.constant 0 : i32
      %cond3A_137 = arith.cmpi ne, %convert_element_type3A_135, %cond3A_136 : i32
      scf.if %cond3A_137 {
        %sub3A_157 = arith.constant 2 : i32
        %sub3A_158 = arith.subi %while3A_118, %sub3A_157 : i32
        %rem3A_159 = arith.constant 4 : i32
        %rem3A_160 = arith.remsi %sub3A_158, %rem3A_159 : i32
        %sub3A_161 = arith.constant 2 : i32
        %sub3A_162 = arith.subi %while3A_118, %sub3A_161 : i32
        %dma_wait3A_163 = arith.constant 0 : i32
        %dma_wait3A_164 = arith.constant 0 : i32
        %dma_wait3A_165 = tpu.memref_slice %arg8[%rem3A_160, %dma_wait3A_163, %dma_wait3A_164] : memref<4x128x64xf32, #tpu.memory_space<vmem>> -> memref<1x128x64xf32, #tpu.memory_space<vmem>>
        %dma_wait3A_166 = tpu.memref_squeeze %dma_wait3A_165 : memref<1x128x64xf32, #tpu.memory_space<vmem>> -> memref<128x64xf32, #tpu.memory_space<vmem>>
        %dma_wait3A_167 = arith.constant 0 : i32
        %dma_wait3A_168 = tpu.memref_slice %arg7[%sub3A_162, %dma_wait3A_167] : memref<105x128xi32, #tpu.memory_space<vmem>> -> memref<1x128xi32, #tpu.memory_space<vmem>>
        %dma_wait3A_169 = tpu.memref_squeeze %dma_wait3A_168 : memref<1x128xi32, #tpu.memory_space<vmem>> -> memref<128xi32, #tpu.memory_space<vmem>>
        %dma_wait3A_170 = arith.constant 0 : i32
        %dma_wait3A_171 = arith.constant 0 : i32
        %dma_wait3A_172 = tpu.memref_slice %arg9[%dma_wait3A_170, %dma_wait3A_171] : memref<10240x64xf32, #tpu.memory_space<vmem_shared>> -> memref<10240x64xf32, #tpu.memory_space<vmem_shared>>
        %dma_wait3A_173 = tpu.memref_slice %arg11[%rem3A_160] : memref<4x!tpu.dma_semaphore, #tpu.memory_space<semaphore_mem>> -> memref<1x!tpu.dma_semaphore, #tpu.memory_space<semaphore_mem>>
        %dma_wait3A_174 = tpu.memref_squeeze %dma_wait3A_173 : memref<1x!tpu.dma_semaphore, #tpu.memory_space<semaphore_mem>> -> memref<!tpu.dma_semaphore, #tpu.memory_space<semaphore_mem>>
        tpu.wait_indirect_dma semaphore(%dma_wait3A_174 : memref<!tpu.dma_semaphore, #tpu.memory_space<semaphore_mem>>) src(%dma_wait3A_166 : memref<128x64xf32, #tpu.memory_space<vmem>>) dst(%dma_wait3A_172 : memref<10240x64xf32, #tpu.memory_space<vmem_shared>>)
      } else {
      }
      %add3A_138 = arith.constant 2 : i32
      %add3A_139 = arith.addi %while3A_118, %add3A_138 : i32
      %lt3A_140 = arith.cmpi slt, %add3A_139, %select_n3A : i32
      %convert_element_type3A_141 = arith.extui %lt3A_140 : i1 to i32
      %cond3A_142 = arith.constant 0 : i32
      %cond3A_143 = arith.cmpi ne, %convert_element_type3A_141, %cond3A_142 : i32
      scf.if %cond3A_143 {
        %add3A_157 = arith.constant 2 : i32
        %add3A_158 = arith.addi %while3A_118, %add3A_157 : i32
        %rem3A_159 = arith.constant 4 : i32
        %rem3A_160 = arith.remsi %add3A_158, %rem3A_159 : i32
        %add3A_161 = arith.constant 2 : i32
        %add3A_162 = arith.addi %while3A_118, %add3A_161 : i32
        %dma_start3A_163 = arith.constant 0 : i32
        %dma_start3A_164 = arith.constant 0 : i32
        %dma_start3A_165 = tpu.memref_slice %arg8[%rem3A_160, %dma_start3A_163, %dma_start3A_164] : memref<4x128x64xf32, #tpu.memory_space<vmem>> -> memref<1x128x64xf32, #tpu.memory_space<vmem>>
        %dma_start3A_166 = tpu.memref_squeeze %dma_start3A_165 : memref<1x128x64xf32, #tpu.memory_space<vmem>> -> memref<128x64xf32, #tpu.memory_space<vmem>>
        %dma_start3A_167 = arith.constant 0 : i32
        %dma_start3A_168 = tpu.memref_slice %arg6[%add3A_162, %dma_start3A_167] : memref<105x128xi32, #tpu.memory_space<vmem>> -> memref<1x128xi32, #tpu.memory_space<vmem>>
        %dma_start3A_169 = tpu.memref_squeeze %dma_start3A_168 : memref<1x128xi32, #tpu.memory_space<vmem>> -> memref<128xi32, #tpu.memory_space<vmem>>
        %dma_start3A_170 = arith.constant 0 : i32
        %dma_start3A_171 = arith.constant 0 : i32
        %dma_start3A_172 = tpu.memref_slice %arg2[%dma_start3A_170, %dma_start3A_171] : memref<10000x64xf32, #tpu.memory_space<hbm>> -> memref<10000x64xf32, #tpu.memory_space<hbm>>
        %dma_start3A_173 = tpu.memref_slice %arg10[%rem3A_160] : memref<4x!tpu.dma_semaphore, #tpu.memory_space<semaphore_mem>> -> memref<1x!tpu.dma_semaphore, #tpu.memory_space<semaphore_mem>>
        %dma_start3A_174 = tpu.memref_squeeze %dma_start3A_173 : memref<1x!tpu.dma_semaphore, #tpu.memory_space<semaphore_mem>> -> memref<!tpu.dma_semaphore, #tpu.memory_space<semaphore_mem>>
        tpu.enqueue_indirect_dma source(%dma_start3A_172 : memref<10000x64xf32, #tpu.memory_space<hbm>>) target(%dma_start3A_166 : memref<128x64xf32, #tpu.memory_space<vmem>>) offsets(%dma_start3A_169 : memref<128xi32, #tpu.memory_space<vmem>>) semaphore(%dma_start3A_174 : memref<!tpu.dma_semaphore, #tpu.memory_space<semaphore_mem>>)
      } else {
      }
      %dma_start3A_144 = arith.constant 0 : i32
      %dma_start3A_145 = arith.constant 0 : i32
      %dma_start3A_146 = tpu.memref_slice %arg8[%rem3A_121, %dma_start3A_144, %dma_start3A_145] : memref<4x128x64xf32, #tpu.memory_space<vmem>> -> memref<1x128x64xf32, #tpu.memory_space<vmem>>
      %dma_start3A_147 = tpu.memref_squeeze %dma_start3A_146 : memref<1x128x64xf32, #tpu.memory_space<vmem>> -> memref<128x64xf32, #tpu.memory_space<vmem>>
      %dma_start3A_148 = arith.constant 0 : i32
      %dma_start3A_149 = tpu.memref_slice %arg7[%while3A_118, %dma_start3A_148] : memref<105x128xi32, #tpu.memory_space<vmem>> -> memref<1x128xi32, #tpu.memory_space<vmem>>
      %dma_start3A_150 = tpu.memref_squeeze %dma_start3A_149 : memref<1x128xi32, #tpu.memory_space<vmem>> -> memref<128xi32, #tpu.memory_space<vmem>>
      %dma_start3A_151 = arith.constant 0 : i32
      %dma_start3A_152 = arith.constant 0 : i32
      %dma_start3A_153 = tpu.memref_slice %arg9[%dma_start3A_151, %dma_start3A_152] : memref<10240x64xf32, #tpu.memory_space<vmem_shared>> -> memref<10240x64xf32, #tpu.memory_space<vmem_shared>>
      %dma_start3A_154 = tpu.memref_slice %arg11[%rem3A_121] : memref<4x!tpu.dma_semaphore, #tpu.memory_space<semaphore_mem>> -> memref<1x!tpu.dma_semaphore, #tpu.memory_space<semaphore_mem>>
      %dma_start3A_155 = tpu.memref_squeeze %dma_start3A_154 : memref<1x!tpu.dma_semaphore, #tpu.memory_space<semaphore_mem>> -> memref<!tpu.dma_semaphore, #tpu.memory_space<semaphore_mem>>
      tpu.enqueue_indirect_dma source(%dma_start3A_147 : memref<128x64xf32, #tpu.memory_space<vmem>>) target(%dma_start3A_153 : memref<10240x64xf32, #tpu.memory_space<vmem_shared>>) offsets(%dma_start3A_150 : memref<128xi32, #tpu.memory_space<vmem>>) semaphore(%dma_start3A_155 : memref<!tpu.dma_semaphore, #tpu.memory_space<semaphore_mem>>) {add = true}
      %while3A_156 = arith.constant 0 : i32
      scf.yield %while3A_156 : i32
    }
    %sub3A = arith.constant 2 : i32
    %sub3A_84 = arith.subi %select_n3A, %sub3A : i32
    %rem3A = arith.constant 4 : i32
    %rem3A_85 = arith.remsi %sub3A_84, %rem3A : i32
    %dma_wait3A = arith.constant 0 : i32
    %dma_wait3A_86 = arith.constant 0 : i32
    %dma_wait3A_87 = tpu.memref_slice %arg8[%rem3A_85, %dma_wait3A, %dma_wait3A_86] : memref<4x128x64xf32, #tpu.memory_space<vmem>> -> memref<1x128x64xf32, #tpu.memory_space<vmem>>
    %dma_wait3A_88 = tpu.memref_squeeze %dma_wait3A_87 : memref<1x128x64xf32, #tpu.memory_space<vmem>> -> memref<128x64xf32, #tpu.memory_space<vmem>>
    %dma_wait3A_89 = arith.constant 0 : i32
    %dma_wait3A_90 = tpu.memref_slice %arg7[%sub3A_84, %dma_wait3A_89] : memref<105x128xi32, #tpu.memory_space<vmem>> -> memref<1x128xi32, #tpu.memory_space<vmem>>
    %dma_wait3A_91 = tpu.memref_squeeze %dma_wait3A_90 : memref<1x128xi32, #tpu.memory_space<vmem>> -> memref<128xi32, #tpu.memory_space<vmem>>
    %dma_wait3A_92 = arith.constant 0 : i32
    %dma_wait3A_93 = arith.constant 0 : i32
    %dma_wait3A_94 = tpu.memref_slice %arg9[%dma_wait3A_92, %dma_wait3A_93] : memref<10240x64xf32, #tpu.memory_space<vmem_shared>> -> memref<10240x64xf32, #tpu.memory_space<vmem_shared>>
    %dma_wait3A_95 = tpu.memref_slice %arg11[%rem3A_85] : memref<4x!tpu.dma_semaphore, #tpu.memory_space<semaphore_mem>> -> memref<1x!tpu.dma_semaphore, #tpu.memory_space<semaphore_mem>>
    %dma_wait3A_96 = tpu.memref_squeeze %dma_wait3A_95 : memref<1x!tpu.dma_semaphore, #tpu.memory_space<semaphore_mem>> -> memref<!tpu.dma_semaphore, #tpu.memory_space<semaphore_mem>>
    tpu.wait_indirect_dma semaphore(%dma_wait3A_96 : memref<!tpu.dma_semaphore, #tpu.memory_space<semaphore_mem>>) src(%dma_wait3A_88 : memref<128x64xf32, #tpu.memory_space<vmem>>) dst(%dma_wait3A_94 : memref<10240x64xf32, #tpu.memory_space<vmem_shared>>)
    %sub3A_97 = arith.constant 1 : i32
    %sub3A_98 = arith.subi %select_n3A, %sub3A_97 : i32
    %rem3A_99 = arith.constant 4 : i32
    %rem3A_100 = arith.remsi %sub3A_98, %rem3A_99 : i32
    %dma_wait3A_101 = arith.constant 0 : i32
    %dma_wait3A_102 = arith.constant 0 : i32
    %dma_wait3A_103 = tpu.memref_slice %arg8[%rem3A_100, %dma_wait3A_101, %dma_wait3A_102] : memref<4x128x64xf32, #tpu.memory_space<vmem>> -> memref<1x128x64xf32, #tpu.memory_space<vmem>>
    %dma_wait3A_104 = tpu.memref_squeeze %dma_wait3A_103 : memref<1x128x64xf32, #tpu.memory_space<vmem>> -> memref<128x64xf32, #tpu.memory_space<vmem>>
    %dma_wait3A_105 = arith.constant 0 : i32
    %dma_wait3A_106 = tpu.memref_slice %arg7[%sub3A_98, %dma_wait3A_105] : memref<105x128xi32, #tpu.memory_space<vmem>> -> memref<1x128xi32, #tpu.memory_space<vmem>>
    %dma_wait3A_107 = tpu.memref_squeeze %dma_wait3A_106 : memref<1x128xi32, #tpu.memory_space<vmem>> -> memref<128xi32, #tpu.memory_space<vmem>>
    %dma_wait3A_108 = arith.constant 0 : i32
    %dma_wait3A_109 = arith.constant 0 : i32
    %dma_wait3A_110 = tpu.memref_slice %arg9[%dma_wait3A_108, %dma_wait3A_109] : memref<10240x64xf32, #tpu.memory_space<vmem_shared>> -> memref<10240x64xf32, #tpu.memory_space<vmem_shared>>
    %dma_wait3A_111 = tpu.memref_slice %arg11[%rem3A_100] : memref<4x!tpu.dma_semaphore, #tpu.memory_space<semaphore_mem>> -> memref<1x!tpu.dma_semaphore, #tpu.memory_space<semaphore_mem>>
    %dma_wait3A_112 = tpu.memref_squeeze %dma_wait3A_111 : memref<1x!tpu.dma_semaphore, #tpu.memory_space<semaphore_mem>> -> memref<!tpu.dma_semaphore, #tpu.memory_space<semaphore_mem>>
    tpu.wait_indirect_dma semaphore(%dma_wait3A_112 : memref<!tpu.dma_semaphore, #tpu.memory_space<semaphore_mem>>) src(%dma_wait3A_104 : memref<128x64xf32, #tpu.memory_space<vmem>>) dst(%dma_wait3A_110 : memref<10240x64xf32, #tpu.memory_space<vmem_shared>>)
    %barrier3A_113 = arith.constant 0 : index
    tpu.barrier barrier_id(%barrier3A_113)
    %mul3A_114 = arith.constant 640 : i32
    %mul3A_115 = arith.muli %arg1, %mul3A_114 : i32
    %mul3A_116 = arith.constant 640 : i32
    %mul3A_117 = arith.muli %arg1, %mul3A_116 : i32
    "tpu.region"() ({
      %run_scoped3A_118 = tpu.sem_alloc : memref<!tpu.dma_semaphore, #tpu.memory_space<semaphore_mem>>
      %dma_start3A_119 = arith.constant 0 : i32
      %dma_start3A_120 = tpu.memref_slice %arg5[%arg0, %mul3A_117, %dma_start3A_119] : memref<2x10240x64xf32, #tpu.memory_space<hbm>> -> memref<1x640x64xf32, #tpu.memory_space<hbm>>
      %dma_start3A_121 = tpu.memref_squeeze %dma_start3A_120 : memref<1x640x64xf32, #tpu.memory_space<hbm>> -> memref<640x64xf32, #tpu.memory_space<hbm>>
      %dma_start3A_122 = arith.constant 0 : i32
      %dma_start3A_123 = tpu.memref_slice %arg9[%mul3A_115, %dma_start3A_122] : memref<10240x64xf32, #tpu.memory_space<vmem_shared>> -> memref<640x64xf32, #tpu.memory_space<vmem_shared>>
      tpu.enqueue_dma source(%dma_start3A_123 : memref<640x64xf32, #tpu.memory_space<vmem_shared>>) target(%dma_start3A_121 : memref<640x64xf32, #tpu.memory_space<hbm>>) target_semaphore(%run_scoped3A_118 : memref<!tpu.dma_semaphore, #tpu.memory_space<semaphore_mem>>)
      %dma_wait3A_124 = arith.constant 0 : i32
      %dma_wait3A_125 = tpu.memref_slice %arg5[%arg0, %mul3A_117, %dma_wait3A_124] : memref<2x10240x64xf32, #tpu.memory_space<hbm>> -> memref<1x640x64xf32, #tpu.memory_space<hbm>>
      %dma_wait3A_126 = tpu.memref_squeeze %dma_wait3A_125 : memref<1x640x64xf32, #tpu.memory_space<hbm>> -> memref<640x64xf32, #tpu.memory_space<hbm>>
      %dma_wait3A_127 = arith.constant 0 : i32
      %dma_wait3A_128 = tpu.memref_slice %arg9[%mul3A_115, %dma_wait3A_127] : memref<10240x64xf32, #tpu.memory_space<vmem_shared>> -> memref<640x64xf32, #tpu.memory_space<vmem_shared>>
      tpu.wait_dma2 semaphore(%run_scoped3A_118 : memref<!tpu.dma_semaphore, #tpu.memory_space<semaphore_mem>>) src(%dma_wait3A_128 : memref<640x64xf32, #tpu.memory_space<vmem_shared>>) dst(%dma_wait3A_126 : memref<640x64xf32, #tpu.memory_space<hbm>>)
      tpu.yield
    }) : () -> ()
    return
  }
}

module attributes {stable_mosaic.version = 14 : i64} {
  func.func @_dense1a_body(%arg0: i32, %arg1: memref<1024x128xf32, #tpu.memory_space<vmem>>, %arg2: memref<128x128xf32, #tpu.memory_space<vmem>>, %arg3: memref<1024x128xf32, #tpu.memory_space<vmem>>) attributes {dimension_semantics = [#tpu.dimension_semantics<arbitrary>], iteration_bounds = array<i64: 10>, scalar_prefetch = 0 : i64, scratch_operands = 0 : i64, tpu.core_type = #tpu.core_type<tc>, window_params = [{transform_indices = @transform_0, window_bounds = array<i64: 1024, 128>}, {pipeline_mode = #tpu.pipeline_mode<synchronous>, transform_indices = @transform_1, window_bounds = array<i64: 128, 128>}, {transform_indices = @transform_2, window_bounds = array<i64: 1024, 128>}]} {
    %get3A = arith.constant 0 : index
    %get3A_0 = arith.constant 0 : index
    %get3A_1 = vector.load %arg1[%get3A, %get3A_0] : memref<1024x128xf32, #tpu.memory_space<vmem>>, vector<1024x128xf32>
    %get3A_2 = arith.constant 0 : index
    %get3A_3 = arith.constant 0 : index
    %get3A_4 = vector.load %arg2[%get3A_2, %get3A_3] : memref<128x128xf32, #tpu.memory_space<vmem>>, vector<128x128xf32>
    %dot_general3A = arith.constant dense<0.000000e+00> : vector<1024x128xf32>
    %dot_general3A_5 = tpu.matmul %get3A_1, %get3A_4, %dot_general3A {dimension_numbers = #tpu.dot_dimension_numbers<[1], [0], [0], [1], [0, 0, 1, 1], [], []>, transpose_lhs_hint = false} : vector<1024x128xf32>, vector<128x128xf32>, vector<1024x128xf32> -> vector<1024x128xf32>
    %swap3A = arith.constant 0 : index
    %swap3A_6 = arith.constant 0 : index
    %swap3A_7 = vector.load %arg3[%swap3A, %swap3A_6] : memref<1024x128xf32, #tpu.memory_space<vmem>>, vector<1024x128xf32>
    tpu.vector_store %arg3[%swap3A, %swap3A_6], %dot_general3A_5 {strides = array<i32>} : memref<1024x128xf32, #tpu.memory_space<vmem>>, vector<1024x128xf32>,
    return
  }
  func.func @transform_0(%arg0: i32) -> (i32, i32) {
    %c0_i32 = arith.constant 0 : i32
    %c0_i32_0 = arith.constant 0 : i32
    return %arg0, %c0_i32 : i32, i32
  }
  func.func @transform_1(%arg0: i32) -> (i32, i32) {
    %c0_i32 = arith.constant 0 : i32
    %c0_i32_0 = arith.constant 0 : i32
    %c0_i32_1 = arith.constant 0 : i32
    return %c0_i32, %c0_i32_0 : i32, i32
  }
  func.func @transform_2(%arg0: i32) -> (i32, i32) {
    %c0_i32 = arith.constant 0 : i32
    %c0_i32_0 = arith.constant 0 : i32
    return %arg0, %c0_i32 : i32, i32
  }
}

module attributes {stable_mosaic.version = 14 : i64} {
  func.func @_dense1b_body(%arg0: i32, %arg1: memref<32x1024xf32, #tpu.memory_space<vmem>>, %arg2: memref<1024x128xf32, #tpu.memory_space<vmem>>, %arg3: memref<1024x64xf32, #tpu.memory_space<vmem>>, %arg4: memref<1024x64xf32, #tpu.memory_space<vmem>>, %arg5: memref<1024xf32, #tpu.memory_space<vmem>>) attributes {dimension_semantics = [#tpu.dimension_semantics<arbitrary>], iteration_bounds = array<i64: 10>, scalar_prefetch = 0 : i64, scratch_operands = 0 : i64, tpu.core_type = #tpu.core_type<tc>, window_params = [{transform_indices = @transform_0, window_bounds = array<i64: 32, 1024>}, {transform_indices = @transform_1, window_bounds = array<i64: 1024, 128>}, {transform_indices = @transform_2, window_bounds = array<i64: 1024, 64>}, {transform_indices = @transform_3, window_bounds = array<i64: 1024, 64>}, {transform_indices = @transform_4, window_bounds = array<i64: 1024>}]} {
    %get3A = arith.constant 0 : index
    %get3A_0 = arith.constant 0 : index
    %get3A_1 = vector.load %arg1[%get3A, %get3A_0] : memref<32x1024xf32, #tpu.memory_space<vmem>>, vector<32x1024xf32>
    %reduce_sum3A = arith.constant dense<0.000000e+00> : vector<1024xf32>
    %reduce_sum3A_2 = vector.multi_reduction <add>, %get3A_1, %reduce_sum3A [0] : vector<32x1024xf32> to vector<1024xf32>
    %max3A = arith.constant 1.000000e+00 : f32
    %max3A_3 = vector.broadcast %max3A : f32 to vector<1024xf32>
    %max3A_4 = arith.maximumf %reduce_sum3A_2, %max3A_3 : vector<1024xf32>
    %rsqrt3A = math.rsqrt %max3A_4 : vector<1024xf32>
    %get3A_5 = arith.constant 0 : index
    %get3A_6 = arith.constant 0 : index
    %get3A_7 = vector.load %arg2[%get3A_5, %get3A_6] : memref<1024x128xf32, #tpu.memory_space<vmem>>, vector<1024x128xf32>
    %broadcast_in_dim3A = vector.shape_cast %rsqrt3A : vector<1024xf32> to vector<1024x1xf32>
    %mul3A = vector.broadcast %broadcast_in_dim3A : vector<1024x1xf32> to vector<1024x128xf32>
    %mul3A_8 = arith.mulf %get3A_7, %mul3A : vector<1024x128xf32>
    %slice3A = vector.extract_strided_slice %mul3A_8 {offsets = [0, 0], sizes = [1024, 64], strides = [1, 1]} : vector<1024x128xf32> to vector<1024x64xf32>
    %swap3A = arith.constant 0 : index
    %swap3A_9 = arith.constant 0 : index
    %swap3A_10 = vector.load %arg3[%swap3A, %swap3A_9] : memref<1024x64xf32, #tpu.memory_space<vmem>>, vector<1024x64xf32>
    tpu.vector_store %arg3[%swap3A, %swap3A_9], %slice3A {strides = array<i32>} : memref<1024x64xf32, #tpu.memory_space<vmem>>, vector<1024x64xf32>,
    %slice3A_11 = vector.extract_strided_slice %mul3A_8 {offsets = [0, 64], sizes = [1024, 64], strides = [1, 1]} : vector<1024x128xf32> to vector<1024x64xf32>
    %swap3A_12 = arith.constant 0 : index
    %swap3A_13 = arith.constant 0 : index
    %swap3A_14 = vector.load %arg4[%swap3A_12, %swap3A_13] : memref<1024x64xf32, #tpu.memory_space<vmem>>, vector<1024x64xf32>
    tpu.vector_store %arg4[%swap3A_12, %swap3A_13], %slice3A_11 {strides = array<i32>} : memref<1024x64xf32, #tpu.memory_space<vmem>>, vector<1024x64xf32>,
    %swap3A_15 = arith.constant 0 : index
    %swap3A_16 = vector.load %arg5[%swap3A_15] : memref<1024xf32, #tpu.memory_space<vmem>>, vector<1024xf32>
    tpu.vector_store %arg5[%swap3A_15], %rsqrt3A {strides = array<i32>} : memref<1024xf32, #tpu.memory_space<vmem>>, vector<1024xf32>,
    return
  }
  func.func @transform_0(%arg0: i32) -> (i32, i32) {
    %c0_i32 = arith.constant 0 : i32
    %c0_i32_0 = arith.constant 0 : i32
    return %c0_i32, %arg0 : i32, i32
  }
  func.func @transform_1(%arg0: i32) -> (i32, i32) {
    %c0_i32 = arith.constant 0 : i32
    %c0_i32_0 = arith.constant 0 : i32
    return %arg0, %c0_i32 : i32, i32
  }
  func.func @transform_2(%arg0: i32) -> (i32, i32) {
    %c0_i32 = arith.constant 0 : i32
    %c0_i32_0 = arith.constant 0 : i32
    return %arg0, %c0_i32 : i32, i32
  }
  func.func @transform_3(%arg0: i32) -> (i32, i32) {
    %c0_i32 = arith.constant 0 : i32
    %c0_i32_0 = arith.constant 0 : i32
    return %arg0, %c0_i32 : i32, i32
  }
  func.func @transform_4(%arg0: i32) -> i32 {
    %c0_i32 = arith.constant 0 : i32
    return %arg0 : i32
  }
}

module attributes {stable_mosaic.version = 14 : i64} {
  func.func @_dense2h_body(%arg0: i32, %arg1: memref<2x1024x64xf32, #tpu.memory_space<vmem>>, %arg2: memref<1024xf32, #tpu.memory_space<vmem>>, %arg3: memref<64x64xf32, #tpu.memory_space<vmem>>, %arg4: memref<1024x64xf32, #tpu.memory_space<vmem>>) attributes {dimension_semantics = [#tpu.dimension_semantics<arbitrary>], iteration_bounds = array<i64: 10>, scalar_prefetch = 0 : i64, scratch_operands = 0 : i64, tpu.core_type = #tpu.core_type<tc>, window_params = [{transform_indices = @transform_0, window_bounds = array<i64: 2, 1024, 64>}, {transform_indices = @transform_1, window_bounds = array<i64: 1024>}, {pipeline_mode = #tpu.pipeline_mode<synchronous>, transform_indices = @transform_2, window_bounds = array<i64: 64, 64>}, {transform_indices = @transform_3, window_bounds = array<i64: 1024, 64>}]} {
    %get3A = arith.constant 0 : index
    %get3A_0 = arith.constant 0 : index
    %get3A_1 = arith.constant 0 : index
    %get3A_2 = vector.load %arg1[%get3A, %get3A_0, %get3A_1] : memref<2x1024x64xf32, #tpu.memory_space<vmem>>, vector<1x1024x64xf32>
    %get3A_3 = vector.shape_cast %get3A_2 : vector<1x1024x64xf32> to vector<1024x64xf32>
    %get3A_4 = arith.constant 1 : index
    %get3A_5 = arith.constant 0 : index
    %get3A_6 = arith.constant 0 : index
    %get3A_7 = vector.load %arg1[%get3A_4, %get3A_5, %get3A_6] : memref<2x1024x64xf32, #tpu.memory_space<vmem>>, vector<1x1024x64xf32>
    %get3A_8 = vector.shape_cast %get3A_7 : vector<1x1024x64xf32> to vector<1024x64xf32>
    %add3A = arith.addf %get3A_3, %get3A_8 : vector<1024x64xf32>
    %get3A_9 = arith.constant 0 : index
    %get3A_10 = vector.load %arg2[%get3A_9] : memref<1024xf32, #tpu.memory_space<vmem>>, vector<1024xf32>
    %broadcast_in_dim3A = vector.shape_cast %get3A_10 : vector<1024xf32> to vector<1024x1xf32>
    %mul3A = vector.broadcast %broadcast_in_dim3A : vector<1024x1xf32> to vector<1024x64xf32>
    %mul3A_11 = arith.mulf %add3A, %mul3A : vector<1024x64xf32>
    %max3A = arith.constant 0.000000e+00 : f32
    %max3A_12 = vector.broadcast %max3A : f32 to vector<1024x64xf32>
    %max3A_13 = arith.maximumf %mul3A_11, %max3A_12 : vector<1024x64xf32>
    %get3A_14 = arith.constant 0 : index
    %get3A_15 = arith.constant 0 : index
    %get3A_16 = vector.load %arg3[%get3A_14, %get3A_15] : memref<64x64xf32, #tpu.memory_space<vmem>>, vector<64x64xf32>
    %dot_general3A = arith.constant dense<0.000000e+00> : vector<1024x64xf32>
    %dot_general3A_17 = tpu.matmul %max3A_13, %get3A_16, %dot_general3A {dimension_numbers = #tpu.dot_dimension_numbers<[1], [0], [0], [1], [0, 0, 1, 1], [], []>, transpose_lhs_hint = false} : vector<1024x64xf32>, vector<64x64xf32>, vector<1024x64xf32> -> vector<1024x64xf32>
    %get3A_18 = arith.constant 0 : index
    %get3A_19 = vector.load %arg2[%get3A_18] : memref<1024xf32, #tpu.memory_space<vmem>>, vector<1024xf32>
    %broadcast_in_dim3A_20 = vector.shape_cast %get3A_19 : vector<1024xf32> to vector<1024x1xf32>
    %mul3A_21 = vector.broadcast %broadcast_in_dim3A_20 : vector<1024x1xf32> to vector<1024x64xf32>
    %mul3A_22 = arith.mulf %dot_general3A_17, %mul3A_21 : vector<1024x64xf32>
    %swap3A = arith.constant 0 : index
    %swap3A_23 = arith.constant 0 : index
    %swap3A_24 = vector.load %arg4[%swap3A, %swap3A_23] : memref<1024x64xf32, #tpu.memory_space<vmem>>, vector<1024x64xf32>
    tpu.vector_store %arg4[%swap3A, %swap3A_23], %mul3A_22 {strides = array<i32>} : memref<1024x64xf32, #tpu.memory_space<vmem>>, vector<1024x64xf32>,
    return
  }
  func.func @transform_0(%arg0: i32) -> (i32, i32, i32) {
    %c0_i32 = arith.constant 0 : i32
    %c0_i32_0 = arith.constant 0 : i32
    %c0_i32_1 = arith.constant 0 : i32
    return %c0_i32, %arg0, %c0_i32_0 : i32, i32, i32
  }
  func.func @transform_1(%arg0: i32) -> i32 {
    %c0_i32 = arith.constant 0 : i32
    return %arg0 : i32
  }
  func.func @transform_2(%arg0: i32) -> (i32, i32) {
    %c0_i32 = arith.constant 0 : i32
    %c0_i32_0 = arith.constant 0 : i32
    %c0_i32_1 = arith.constant 0 : i32
    return %c0_i32, %c0_i32_0 : i32, i32
  }
  func.func @transform_3(%arg0: i32) -> (i32, i32) {
    %c0_i32 = arith.constant 0 : i32
    %c0_i32_0 = arith.constant 0 : i32
    return %arg0, %c0_i32 : i32, i32
  }
}

module attributes {stable_mosaic.version = 14 : i64} {
  func.func @_dense3_body(%arg0: i32, %arg1: memref<2x1024x64xf32, #tpu.memory_space<vmem>>, %arg2: memref<2x1024x64xf32, #tpu.memory_space<vmem>>, %arg3: memref<1024xf32, #tpu.memory_space<vmem>>, %arg4: memref<1024x64xf32, #tpu.memory_space<vmem>>, %arg5: memref<64x64xf32, #tpu.memory_space<vmem>>, %arg6: memref<1x64xf32, #tpu.memory_space<vmem>>, %arg7: memref<1024x64xf32, #tpu.memory_space<vmem>>) attributes {dimension_semantics = [#tpu.dimension_semantics<arbitrary>], iteration_bounds = array<i64: 10>, scalar_prefetch = 0 : i64, scratch_operands = 0 : i64, tpu.core_type = #tpu.core_type<tc>, window_params = [{transform_indices = @transform_0, window_bounds = array<i64: 2, 1024, 64>}, {transform_indices = @transform_1, window_bounds = array<i64: 2, 1024, 64>}, {transform_indices = @transform_2, window_bounds = array<i64: 1024>}, {transform_indices = @transform_3, window_bounds = array<i64: 1024, 64>}, {pipeline_mode = #tpu.pipeline_mode<synchronous>, transform_indices = @transform_4, window_bounds = array<i64: 64, 64>}, {pipeline_mode = #tpu.pipeline_mode<synchronous>, transform_indices = @transform_5, window_bounds = array<i64: 1, 64>}, {transform_indices = @transform_6, window_bounds = array<i64: 1024, 64>}]} {
    %get3A = arith.constant 0 : index
    %get3A_0 = arith.constant 0 : index
    %get3A_1 = arith.constant 0 : index
    %get3A_2 = vector.load %arg1[%get3A, %get3A_0, %get3A_1] : memref<2x1024x64xf32, #tpu.memory_space<vmem>>, vector<1x1024x64xf32>
    %get3A_3 = vector.shape_cast %get3A_2 : vector<1x1024x64xf32> to vector<1024x64xf32>
    %get3A_4 = arith.constant 1 : index
    %get3A_5 = arith.constant 0 : index
    %get3A_6 = arith.constant 0 : index
    %get3A_7 = vector.load %arg1[%get3A_4, %get3A_5, %get3A_6] : memref<2x1024x64xf32, #tpu.memory_space<vmem>>, vector<1x1024x64xf32>
    %get3A_8 = vector.shape_cast %get3A_7 : vector<1x1024x64xf32> to vector<1024x64xf32>
    %add3A = arith.addf %get3A_3, %get3A_8 : vector<1024x64xf32>
    %get3A_9 = arith.constant 0 : index
    %get3A_10 = arith.constant 0 : index
    %get3A_11 = arith.constant 0 : index
    %get3A_12 = vector.load %arg2[%get3A_9, %get3A_10, %get3A_11] : memref<2x1024x64xf32, #tpu.memory_space<vmem>>, vector<1x1024x64xf32>
    %get3A_13 = vector.shape_cast %get3A_12 : vector<1x1024x64xf32> to vector<1024x64xf32>
    %get3A_14 = arith.constant 1 : index
    %get3A_15 = arith.constant 0 : index
    %get3A_16 = arith.constant 0 : index
    %get3A_17 = vector.load %arg2[%get3A_14, %get3A_15, %get3A_16] : memref<2x1024x64xf32, #tpu.memory_space<vmem>>, vector<1x1024x64xf32>
    %get3A_18 = vector.shape_cast %get3A_17 : vector<1x1024x64xf32> to vector<1024x64xf32>
    %add3A_19 = arith.addf %get3A_13, %get3A_18 : vector<1024x64xf32>
    %concatenate3A = tpu.concatenate %add3A, %add3A_19 in 1 : vector<1024x64xf32>, vector<1024x64xf32> -> vector<1024x128xf32>
    %get3A_20 = arith.constant 0 : index
    %get3A_21 = vector.load %arg3[%get3A_20] : memref<1024xf32, #tpu.memory_space<vmem>>, vector<1024xf32>
    %broadcast_in_dim3A = vector.shape_cast %get3A_21 : vector<1024xf32> to vector<1024x1xf32>
    %mul3A = vector.broadcast %broadcast_in_dim3A : vector<1024x1xf32> to vector<1024x128xf32>
    %mul3A_22 = arith.mulf %concatenate3A, %mul3A : vector<1024x128xf32>
    %slice3A = vector.extract_strided_slice %mul3A_22 {offsets = [0, 0], sizes = [1024, 32], strides = [1, 1]} : vector<1024x128xf32> to vector<1024x32xf32>
    %slice3A_23 = vector.extract_strided_slice %mul3A_22 {offsets = [0, 64], sizes = [1024, 32], strides = [1, 1]} : vector<1024x128xf32> to vector<1024x32xf32>
    %concatenate3A_24 = tpu.concatenate %slice3A, %slice3A_23 in 1 : vector<1024x32xf32>, vector<1024x32xf32> -> vector<1024x64xf32>
    %slice3A_25 = vector.extract_strided_slice %mul3A_22 {offsets = [0, 32], sizes = [1024, 32], strides = [1, 1]} : vector<1024x128xf32> to vector<1024x32xf32>
    %slice3A_26 = vector.extract_strided_slice %mul3A_22 {offsets = [0, 96], sizes = [1024, 32], strides = [1, 1]} : vector<1024x128xf32> to vector<1024x32xf32>
    %concatenate3A_27 = tpu.concatenate %slice3A_25, %slice3A_26 in 1 : vector<1024x32xf32>, vector<1024x32xf32> -> vector<1024x64xf32>
    %get3A_28 = arith.constant 0 : index
    %get3A_29 = arith.constant 0 : index
    %get3A_30 = vector.load %arg4[%get3A_28, %get3A_29] : memref<1024x64xf32, #tpu.memory_space<vmem>>, vector<1024x64xf32>
    %min3A = arith.constant 1.000000e+01 : f32
    %min3A_31 = vector.broadcast %min3A : f32 to vector<1024x64xf32>
    %min3A_32 = arith.minimumf %concatenate3A_27, %min3A_31 : vector<1024x64xf32>
    %exp3A = math.exp %min3A_32 : vector<1024x64xf32>
    %mul3A_33 = arith.mulf %get3A_30, %exp3A : vector<1024x64xf32>
    %add3A_34 = arith.addf %concatenate3A_24, %mul3A_33 : vector<1024x64xf32>
    %get3A_35 = arith.constant 0 : index
    %get3A_36 = arith.constant 0 : index
    %get3A_37 = vector.load %arg5[%get3A_35, %get3A_36] : memref<64x64xf32, #tpu.memory_space<vmem>>, vector<64x64xf32>
    %dot_general3A = arith.constant dense<0.000000e+00> : vector<1024x64xf32>
    %dot_general3A_38 = tpu.matmul %add3A_34, %get3A_37, %dot_general3A {dimension_numbers = #tpu.dot_dimension_numbers<[1], [0], [0], [1], [0, 0, 1, 1], [], []>, transpose_lhs_hint = false} : vector<1024x64xf32>, vector<64x64xf32>, vector<1024x64xf32> -> vector<1024x64xf32>
    %get3A_39 = arith.constant 0 : index
    %get3A_40 = arith.constant 0 : index
    %get3A_41 = vector.load %arg6[%get3A_39, %get3A_40] : memref<1x64xf32, #tpu.memory_space<vmem>>, vector<1x64xf32>
    %add3A_42 = vector.broadcast %get3A_41 : vector<1x64xf32> to vector<1024x64xf32>
    %add3A_43 = arith.addf %dot_general3A_38, %add3A_42 : vector<1024x64xf32>
    %swap3A = arith.constant 0 : index
    %swap3A_44 = arith.constant 0 : index
    %swap3A_45 = vector.load %arg7[%swap3A, %swap3A_44] : memref<1024x64xf32, #tpu.memory_space<vmem>>, vector<1024x64xf32>
    tpu.vector_store %arg7[%swap3A, %swap3A_44], %add3A_43 {strides = array<i32>} : memref<1024x64xf32, #tpu.memory_space<vmem>>, vector<1024x64xf32>,
    return
  }
  func.func @transform_0(%arg0: i32) -> (i32, i32, i32) {
    %c0_i32 = arith.constant 0 : i32
    %c0_i32_0 = arith.constant 0 : i32
    %c0_i32_1 = arith.constant 0 : i32
    return %c0_i32, %arg0, %c0_i32_0 : i32, i32, i32
  }
  func.func @transform_1(%arg0: i32) -> (i32, i32, i32) {
    %c0_i32 = arith.constant 0 : i32
    %c0_i32_0 = arith.constant 0 : i32
    %c0_i32_1 = arith.constant 0 : i32
    return %c0_i32, %arg0, %c0_i32_0 : i32, i32, i32
  }
  func.func @transform_2(%arg0: i32) -> i32 {
    %c0_i32 = arith.constant 0 : i32
    return %arg0 : i32
  }
  func.func @transform_3(%arg0: i32) -> (i32, i32) {
    %c0_i32 = arith.constant 0 : i32
    %c0_i32_0 = arith.constant 0 : i32
    return %arg0, %c0_i32 : i32, i32
  }
  func.func @transform_4(%arg0: i32) -> (i32, i32) {
    %c0_i32 = arith.constant 0 : i32
    %c0_i32_0 = arith.constant 0 : i32
    %c0_i32_1 = arith.constant 0 : i32
    return %c0_i32, %c0_i32_0 : i32, i32
  }
  func.func @transform_5(%arg0: i32) -> (i32, i32) {
    %c0_i32 = arith.constant 0 : i32
    %c0_i32_0 = arith.constant 0 : i32
    %c0_i32_1 = arith.constant 0 : i32
    return %c0_i32, %c0_i32_0 : i32, i32
  }
  func.func @transform_6(%arg0: i32) -> (i32, i32) {
    %c0_i32 = arith.constant 0 : i32
    %c0_i32_0 = arith.constant 0 : i32
    return %arg0, %c0_i32 : i32, i32
  }
}

</mosaic_0001>

<sc_bundles>
// kernel: kernel.12.cloned.1.call-start
scs
__scs_entry_jumppad:
0x0: {  	(pc) =	sbr.rel $0x88, $3  }
0x1: {  	(tag) =	ssettag $0x0;
	lr =	simm.s32 $0x1  }
0x2: {  	[smem:$0x3F97] =	sst lr;
	_ =	strace $0xD0000000  }
0x3: {  	_ = 	snop  }
0x4: {  	_ = 	snop  }
0x5: {  	_ = 	snop  }
0x6: {  	_ = 	snop  }
0x7: {  	_ = 	snop  }
__scs_overlays_trampoline_lowered:
0x8: {  	[smem:$0x3FA6] =	sst s0  }
0x9: {  	[smem:$0x3FA7] =	sst s1  }
0xa: {  	[smem:$0x3FA8] =	sst s2  }
0xb: {  	[smem:$0x3FA9] =	sst s3  }
0xc: {  	[smem:$0x3FAA] =	sst s4  }
0xd: {  	[smem:$0x3FAB] =	sst s5  }
0xe: {  	[smem:$0x3FAC] =	sst s6  }
0xf: {  	[smem:$0x3FAD] =	sst s7  }
0x10: {  	[smem:$0x3FAE] =	sst s8  }
0x11: {  	[smem:$0x3FAF] =	sst s9;
	s0 =	simm.s32 @!p0 $0x0  }
0x12: {  	s1 =	sld [smem:$0x3F95];
	s0 =	simm.s32 @p0 $0x1  }
0x13: {  	[smem:$0x3FB0] =	sst s0;
	s0 =	simm.s32 @!p1 $0x0  }
0x14: {  	s2 =	sld [smem:$0x3F94];
	s0 =	simm.s32 @p1 $0x1  }
0x15: {  	[smem:$0x3FB1] =	sst s0;
	s0 =	simm.s32 @!p2 $0x0  }
0x16: {  	s3 =	sld [smem:$0x3FDB];
	s0 =	simm.s32 @p2 $0x1  }
0x17: {  	s4 =	simm.s32 $0x1BF5;
	[smem:$0x3FB3] =	sst s0  }
0x18: {  	s0 =	sld [smem:$0x3F96];
	_ =	swait.ge [sflag:s4], $0x0  }
0x19: {  	s7 =	sld [smem:$0x3F97]  }
0x1a: {  	s8 =	sadd.s32 $0xFFFFE003, lr  }
0x1b: {  	s9 =	sadd.s32 $0xFFFFFEF7, lr;
	s5 =	simm.s32 $0xFFFFFFFF;
	p2 =	slt.u32 s8, $0xFFFFF086  }
0x1c: {  	p1 =	slt.u32 s9, $0xF7A;
	s5 =	simm.s32 @!p2 $0x0  }
0x1d: {  	s5 =	simm.s32 @p1 $0x1;
	p0 =	seq.s32 s7, s2  }
0x1e: {  	s7 =	smul.u32 @!p0 $0xF7A, s2;
	p2 =	seq.s32 @!p0 s5, $0x0  }
0x1f: {  	s9 =	smul.u32 $0xF7A, s1;
	s8 =	simm.s32 @!p0 $0x1BF5;
	p2 =	por !p2, p0  }
0x20: {  	[sflag:s8] =	ssyncset.s32 @!p0 $0xFFFFF086;
	s6 =	sadd.s32 @!p0 s3, s7;
	s7 =	simm.s32 @!p0 $0x108  }
0x21: {  	s3 =	sadd.s32 s3, s9;
	s6 =	sadd.s32 @!p0 $0x88, s6;
	s7 =	simm.s32 @p2 $0x1082  }
0x22: {  	[simem:s7], [sflag:s8] =	dma.local @!p0 [hbm:s6], $0xF7A  }
0x23: {  	s9 =	sor.u32 $0xD0000000, s2;
	s6 =	simm.s32 $0x108;
	_ =	swait.ge @!p0 [sflag:s8], $0x0  }
0x24: {  	s3 =	sadd.s32 $0x88, s3;
	s6 =	simm.s32 @!p1 $0x1082;
	[sflag:s4] =	ssyncset.s32 $0xFFFFF086  }
0x25: {  	[simem:s6], [sflag:s4] =	dma.local [hbm:s3], $0xF7A  }
0x26: {  	[smem:$0x3F97] =	sst s1;
	(tag) =	ssettag s2;
	_ =	strace s9  }
0x27: {  	s1 =	sld [smem:$0x3FA7]  }
0x28: {  	s2 =	sld [smem:$0x3FA8]  }
0x29: {  	s4 =	sld [smem:$0x3FAA]  }
0x2a: {  	p0 =	seq.s32 s5, $0x0;
	s5 =	sld [smem:$0x3FAB]  }
0x2b: {  	s6 =	sld [smem:$0x3FAC]  }
0x2c: {  	s7 =	sld [smem:$0x3FAD]  }
0x2d: {  	s3 =	simm.s32 $0x108;
	s8 =	sld [smem:$0x3FAE]  }
0x2e: {  	s3 =	simm.s32 @!p0 $0x1082;
	s9 =	sld [smem:$0x3FAF]  }
0x2f: {  	lr =	sadd.s32 s0, s3;
	s0 =	sld [smem:$0x3FA6]  }
0x30: {  	s3 =	sld [smem:$0x3FA9]  }
0x31: {  	[smem:$0x3FB2] =	sst s10  }
0x32: {  	s10 =	sld [smem:$0x3FB0];
	_ =	sdelay $0x3  }
0x33: {  	p0 =	seq.s32 s10, $0x1;
	s10 =	sld [smem:$0x3FB2];
	_ =	sdelay $0x3  }
0x34: {  	[smem:$0x3FB2] =	sst s10  }
0x35: {  	s10 =	sld [smem:$0x3FB1];
	_ =	sdelay $0x3  }
0x36: {  	p1 =	seq.s32 s10, $0x1;
	s10 =	sld [smem:$0x3FB2];
	_ =	sdelay $0x3  }
0x37: {  	[smem:$0x3FB2] =	sst s10  }
0x38: {  	s10 =	sld [smem:$0x3FB3]  }
0x39: {  	_ = 	snop;
	(pc) =	sbr.ind lr, $3  }
0x3a: {  	_ = 	snop  }
0x3b: {  	_ = 	snop  }
0x3c: {  	p2 =	seq.s32 s10, $0x1;
	s10 =	sld [smem:$0x3FB2]  }
0x3d: {  	_ =	shalt  }
0x3e: {  	_ =	shalt  }
0x3f: {  	_ =	shalt  }
0x40: {  	_ =	shalt  }
0x41: {  	_ =	shalt  }
0x42: {  	_ =	shalt  }
0x43: {  	_ =	shalt  }
0x44: {  	_ =	shalt  }
0x45: {  	_ =	shalt  }
0x46: {  	_ =	shalt  }
0x47: {  	_ =	shalt  }
0x48: {  	_ =	shalt  }
0x49: {  	_ =	shalt  }
0x4a: {  	_ =	shalt  }
0x4b: {  	_ =	shalt  }
0x4c: {  	_ =	shalt  }
0x4d: {  	_ =	shalt  }
0x4e: {  	_ =	shalt  }
0x4f: {  	_ =	shalt  }
0x50: {  	_ =	shalt  }
0x51: {  	_ =	shalt  }
0x52: {  	_ =	shalt  }
0x53: {  	_ =	shalt  }
0x54: {  	_ =	shalt  }
0x55: {  	_ =	shalt  }
0x56: {  	_ =	shalt  }
0x57: {  	_ =	shalt  }
0x58: {  	_ =	shalt  }
0x59: {  	_ =	shalt  }
0x5a: {  	_ =	shalt  }
0x5b: {  	_ =	shalt  }
0x5c: {  	_ =	shalt  }
0x5d: {  	_ =	shalt  }
0x5e: {  	_ =	shalt  }
0x5f: {  	_ =	shalt  }
0x60: {  	_ =	shalt  }
0x61: {  	_ =	shalt  }
0x62: {  	_ =	shalt  }
0x63: {  	_ =	shalt  }
0x64: {  	_ =	shalt  }
0x65: {  	_ =	shalt  }
0x66: {  	_ =	shalt  }
0x67: {  	_ =	shalt  }
0x68: {  	_ =	shalt  }
0x69: {  	_ =	shalt  }
0x6a: {  	_ =	shalt  }
0x6b: {  	_ =	shalt  }
0x6c: {  	_ =	shalt  }
0x6d: {  	_ =	shalt  }
0x6e: {  	_ =	shalt  }
0x6f: {  	_ =	shalt  }
0x70: {  	_ =	shalt  }
0x71: {  	_ =	shalt  }
0x72: {  	_ =	shalt  }
0x73: {  	_ =	shalt  }
0x74: {  	_ =	shalt  }
0x75: {  	_ =	shalt  }
0x76: {  	_ =	shalt  }
0x77: {  	_ =	shalt  }
0x78: {  	_ =	shalt  }
0x79: {  	_ =	shalt  }
0x7a: {  	_ =	shalt  }
0x7b: {  	_ =	shalt  }
0x7c: {  	_ =	shalt  }
0x7d: {  	_ =	shalt  }
0x7e: {  	_ =	shalt  }
0x7f: {  	_ =	shalt  }
0x80: {  	_ =	shalt  }
0x81: {  	_ =	shalt  }
0x82: {  	_ =	shalt  }
0x83: {  	_ =	shalt  }
0x84: {  	_ =	shalt  }
0x85: {  	_ =	shalt  }
0x86: {  	_ =	shalt  }
0x87: {  	_ =	shalt  }
.Lfunc_end0:
.L_simem_size_0:
called_computation_lowered:
.L_overlay_start_0:
0x88: {  	s2 =	sld [smem:$0x3FD9]  }
0x89: {  	s3 =	sld [smem:$0x3FFE];
	_ =	sdelay $0x1  }
0x8a: {  	s1 =	srdreg.scid  }
0x8b: {  	s0 =	sand.u32 $0x1, s1  }
0x8c: {  	s17 =	sshll.u32 s0, $0xA;
	s2 =	sadd.s32 s3, s2  }
0x8d: {  	s2 =	sadd.s32 s2, s17  }
0x8e: {  	[smem:$0x3FBE] =	sst s2  }
0x8f: {  	_ = 	snop  }
0x90: {  	s2 =	sld [smem:$0x3FD0];
	(tm) =	ssettm $0x1  }
0x91: {  	s18 =	sld [smem:$0x3FFB];
	_ =	sdelay $0x3  }
0x92: {  	_ =	strace s18  }
0x93: {  	s3 =	sld [smem:$0x3FFC];
	_ =	sdelay $0x3  }
0x94: {  	_ =	strace s3  }
0x95: {  	s3 =	sld [smem:$0x3FFD];
	_ =	sdelay $0x3  }
0x96: {  	_ =	strace s3  }
0x97: {  	_ =	strace $0x8FFFFFFF  }
0x98: {  	s19 =	sld [smem:$0x3FDB];
	_ =	sdelay $0x1  }
0x99: {  	s4 =	simm.s32 $_scs_section_size  }
0x9a: {  	s5 =	simm.s32 $_size__tile_overlayer_lowered;
	s6 =	simm.s32 $_tile_overlayer_lowered  }
0x9b: {  	s22 =	simm.s32 $0x1BFF;
	s21 =	sshll.u32 s6, $0x1;
	s3 =	sadd.s32 s4, s19  }
0x9c: {  	s7 =	simm.s32 $0x0;
	s20 =	sshll.u32 s5, $0x1;
	s5 =	sadd.s32 s21, s3  }
0x9d: {  	[timem:s7], [sflag:s22] =	dma.local [hbm:s5], s20  }
0x9e: {  	_ =	swait.ge [sflag:s22], s20  }
0x9f: {  	s4 =	ssub.s32 $0x0, s20;
	[sflag:s22] =	ssyncset.done $0x0  }
0xa0: {  	[sflag:s22] =	ssyncadd.s32 s4;
	_ =	sdelay $0x1  }
0xa1: {  	s23 =	simm.s32 $0x1B8B  }
0xa2: {  	_ =	swait.ge [sflag:s23], $0x1  }
0xa3: {  	[sflag:s23] =	ssyncset.done $0x0  }
0xa4: {  	s25 =	simm.s32 $0x1B8E;
	s24 =	sld [smem:$0x3FFE];
	[sflag:s23] =	ssyncadd.s32 $0xFFFFFFFF  }
0xa5: {  	s26 =	simm.s32 $execute0_lowered;
	[smem:$0x3FD2] =	sst s25  }
0xa6: {  	s5 =	sshll.u32 s26, $0x1;
	_ =	strace $0x80000046;
	[dreg:$0x1] =	wrdreg $0xFFFFFFFF  }
0xa7: {  	s28 =	simm.s32 $_size_execute0_lowered;
	s3 =	sadd.s32 s3, s5;
	[dreg:$0x0] =	wrdreg $0x0  }
0xa8: {  	s5 =	sshll.u32 s28, $0x1;
	[dreg:$0x2] =	wrdreg s3  }
0xa9: {  	[dreg:$0x3] =	wrdreg s5  }
0xaa: {  	[dreg:$0x4] =	wrdreg $0xC0  }
0xab: {  	_ =	task [dreg:s7], $0x5FFFF  }
0xac: {  	[dreg:$0x1] =	wrdreg $0xFFFFFFFF  }
0xad: {  	[dreg:$0x0] =	wrdreg $0x60  }
0xae: {  	[dreg:$0x2] =	wrdreg s24  }
0xaf: {  	[dreg:$0x3] =	wrdreg s2  }
0xb0: {  	[dreg:$0x4] =	wrdreg $0x9  }
0xb1: {  	_ =	task.clear_ibuf [dreg:s7], $0x5FFFF;
	_ =	strace $0x90000046  }
0xb2: {  	s29 =	simm.s32 $0x9;
	_ =	strace $0x80000048  }
0xb3: {  	_ =	swait.ge [sflag:s29], $0x1  }
0xb4: {  	[sflag:s29] =	ssyncadd.s32 $0xFFFFFFFF  }
0xb5: {  	_ =	strace $0x90000048  }
0xb6: {  	_ =	sfence  }
0xb7: {  	s30 =	sld [smem:$0x0];
	_ =	sdelay $0x2  }
0xb8: {  	s31 =	sshll.u32 s1, $0xD;
	s1 =	sshrl.u32 s1, $0x2  }
0xb9: {  	s3 =	sand.u32 $0x4000, s31;
	s1 =	sadd.s32 s1, s30  }
0xba: {  	s0 =	sor.u32 s3, s0;
	s1 =	sshll.u32 s1, $0x11  }
0xbb: {  	s0 =	sor.u32 s1, s0  }
0xbc: {  	s0 =	sadd.s32 $0x8F2B, s0  }
0xbd: {  	[sflag:s0] =	ssyncadd.remote.s32 $0x1  }
0xbe: {  	_ =	sfence.sel $0xFFFF  }
0xbf: {  	[dreg:$0x0] =	wrdreg $0xFFFFFFFF;
	(pc) =	sbr.abs _section_cstart, $3  }
0xc0: {  	[dreg:$0x1] =	wrdreg $0xFFFFFFFF  }
0xc1: {  	_ =	task.clear_ibuf [dreg:s7], $0x2FFFF;
	_ =	strace $0x9FFFFFFF  }
0xc2: {  	(tm) =	ssettm $0x7FFFFFFF  }
0xc3: {  	_ =	shalt  }
tec
execute0_lowered:
.L_overlay_start_1:
0x0: {  	(tag) =	ssettag $0x1  }
0x1: {  	s0 =	srdreg.scid  }
0x2: {  	s4 =	rddreg [dreg:$0x0];
	s3 =	sand.u32 $0x1, s0  }
0x3: {  	s5 =	rddreg [dreg:$0x1];
	s0 =	stileid.u32;
	s1 =	sshll.u32 s3, $0x4  }
0x4: {  	s2 =	simm.s32 $0x0;
	s9 =	simm.s32 $0x400;
	s6 =	sor.u32 s0, s1  }
0x5: {  	s10 =	simm.s32 $0x0;
	[smem:$0x7FF] =	sst s2;
	s7 =	sshrl.u32 s6, $0x3  }
0x6: {  	s8 =	sshll.u32 s0, $0x7;
	s3 =	ssub.s32 $0x2, s3;
	s7 =	smul.u32 $0x14000, s7  }
0x7: {  	s1 =	rddreg [dreg:$0x2];
	s8 =	sand.u32 $0x380, s8;
	s6 =	smul.u32 $0x4E2, s6  }
0x8: {  	_ =	strace $0x80000047;
	s31 =	sshrl.u32 s3, $0x1;
	s7 =	sor.u32 s8, s7  }
0x9: {  	s4 =	sadd.s32 s6, s4;
	s6 =	ssub.s32 s3, s31;
	s7 =	sshrl.u32 s7, $0x3  }
0xa: {  	s3 =	sadd.s32 $0xD200, s4;
	s8 =	simm.s32 $0x80;
	s4 =	sadd.s32 s5, s7  }
0xb: {  	v0 =	vimm.f32 $0.0e+00;
	v1 =	vimm.f32 $1.000000000e+00;
	s5 =	smax.u32 s6, $0x1;
	s6 =	simm.s32 $0x1;
	s7 =	simm.s32 $0x2780  }
.LBB2_1:
0xc: {  	[tilespmem:s2], [sflag:$0x1] =	stream.linear.gather [hbm4b:s3+s2], $0x2710, $0x38;
	[tilespmem:$0x4F80] =	vst v63  }
0xd: {  	_ =	swait.ge [sflag:s6], $0x2710  }
0xe: {  	[sflag:s6] =	ssyncset.done $0x0  }
0xf: {  	s11 =	simm.s32 $0x0;
	[sflag:s6] =	ssyncadd.s32 $0xFFFFD8F0  }
.LBB2_2:
0x10: {  	p0 =	sne.s32 s11, $0x9FC0  }
.Ltmp0:
0x11: {  	_ = 	snop;
	(pc) =	sbr.rel @p0 .LBB2_2-.Ltmp0, $3  }
0x12: {  	_ =	sdelay $0x1  }
0x13: {  	s12 =	sshra.s32 s11, $0x2  }
0x14: {  	s11 =	sadd.s32 $0x40, s11;
	[tilespmem:s12+$0x2780] =	vst v0  }
0x15: {  	s12 =	simm.s32 $0x0;
	s11 =	simm.s32 $0x40  }
.LBB2_4:
0x16: {  	p0 =	sne.s32 s11, $0x9C00;
	v2 =	vld [tilespmem:s12+$0x0];
	_ =	sdelay $0x3  }
.Ltmp1:
0x17: {  	(pc) =	sbr.rel @p0 .LBB2_4-.Ltmp1, $2  }
0x18: {  	_ =	sdelay $0x2  }
0x19: {  	s12 =	sshra.s32 s11, $0x2;
	s11 =	sadd.s32 $0x40, s11;
	[tilespmem:v2+s7+$0x0] =	vst.idx.add.f32.msk $0xffff, v1  }
0x1a: {  	v2 =	vld [tilespmem:s12+$0x0];
	_ =	sdelay $0x5  }
0x1b: {  	s10 =	sadd.s32 $0x1, s10  }
0x1c: {  	p0 =	sne.s32 s10, s5  }
.Ltmp2:
0x1d: {  	[tilespmem:v2+s7+$0x0] =	vst.idx.add.f32.msk $0xffff, v1;
	(pc) =	sbr.rel @p0 .LBB2_1-.Ltmp2, $4  }
0x1e: {  	[hbm4b:s4+s8] =	stream.strided.scatter [tilespmem:s7], [sflag:$0x1], $0x2800, s9, s8, $0x38;
	[tilespmem:$0x4F80] =	vst v63  }
0x1f: {  	_ =	swait.ge [sflag:s6], $0x2800  }
0x20: {  	[sflag:s6] =	ssyncset.done $0x0  }
0x21: {  	[sflag:s6] =	ssyncadd.s32 $0xFFFFD800  }
0x22: {  	_ =	sfence.sel $0x180000  }
0x23: {  	[bflag:$0x0] =	sbarrier.arrive $0xFFFF  }
0x24: {  	p0 =	sne.s32 s0, $0x0;
	_ =	strace $0x90000047  }
0x25: {  	s0 =	sadd.s32 @!p0 $0x100000, s1;
	[bflag:$0x2] =	sbarrier.arrive $0xFFFF  }
0x26: {  	[sflag:s0] =	ssyncadd.tile.s32 @!p0 $0x1;
	_ =	shalt  }
.Lfunc_end2:
_tile_overlayer_lowered:
.L_overlay_start_2:
0x27: {  	(tag) =	ssettag $0x2  }
0x28: {  	s0 =	rddreg [dreg:$0x0];
	s2 =	stileid.u32  }
0x29: {  	s1 =	rddreg [dreg:$0x1];
	p0 =	sne.s32 s2, $0x0  }
0x2a: {  	s3 =	rddreg [dreg:$0x2];
	[bflag:$0x3] =	sbarrier.arrive $0xFFFF;
	s2 =	simm.s32 @!p0 $0x1C01  }
0x2b: {  	[timem:s3], [sflag:s2] =	dma.local @!p0 [hbm:s0], s1  }
0x2c: {  	s0 =	simm.s32 @!p0 $0x1  }
0x2d: {  	_ =	swait.ge @!p0 [sflag:s0], s1  }
0x2e: {  	s1 =	ssub.s32 @!p0 $0x0, s1;
	[sflag:s0] =	ssyncset.done @!p0 $0x0  }
0x2f: {  	[sflag:s0] =	ssyncadd.s32 @!p0 s1  }
0x30: {  	[bflag:$0x3] =	sbarrier.arrive $0xFFFF  }
0x31: {  	_ =	shalt  }

// kernel: kernel.15.cloned.1.call-start
scs
__scs_entry_jumppad:
0x0: {  	(pc) =	sbr.rel $0x88, $3  }
0x1: {  	(tag) =	ssettag $0x0;
	lr =	simm.s32 $0x1  }
0x2: {  	[smem:$0x3F97] =	sst lr;
	_ =	strace $0xD0000000  }
0x3: {  	_ = 	snop  }
0x4: {  	_ = 	snop  }
0x5: {  	_ = 	snop  }
0x6: {  	_ = 	snop  }
0x7: {  	_ = 	snop  }
__scs_overlays_trampoline_lowered:
0x8: {  	[smem:$0x3FA6] =	sst s0  }
0x9: {  	[smem:$0x3FA7] =	sst s1  }
0xa: {  	[smem:$0x3FA8] =	sst s2  }
0xb: {  	[smem:$0x3FA9] =	sst s3  }
0xc: {  	[smem:$0x3FAA] =	sst s4  }
0xd: {  	[smem:$0x3FAB] =	sst s5  }
0xe: {  	[smem:$0x3FAC] =	sst s6  }
0xf: {  	[smem:$0x3FAD] =	sst s7  }
0x10: {  	[smem:$0x3FAE] =	sst s8  }
0x11: {  	[smem:$0x3FAF] =	sst s9;
	s0 =	simm.s32 @!p0 $0x0  }
0x12: {  	s1 =	sld [smem:$0x3F95];
	s0 =	simm.s32 @p0 $0x1  }
0x13: {  	[smem:$0x3FB0] =	sst s0;
	s0 =	simm.s32 @!p1 $0x0  }
0x14: {  	s2 =	sld [smem:$0x3F94];
	s0 =	simm.s32 @p1 $0x1  }
0x15: {  	[smem:$0x3FB1] =	sst s0;
	s0 =	simm.s32 @!p2 $0x0  }
0x16: {  	s3 =	sld [smem:$0x3FDB];
	s0 =	simm.s32 @p2 $0x1  }
0x17: {  	s4 =	simm.s32 $0x1BF5;
	[smem:$0x3FB3] =	sst s0  }
0x18: {  	s0 =	sld [smem:$0x3F96];
	_ =	swait.ge [sflag:s4], $0x0  }
0x19: {  	s7 =	sld [smem:$0x3F97]  }
0x1a: {  	s8 =	sadd.s32 $0xFFFFE003, lr  }
0x1b: {  	s9 =	sadd.s32 $0xFFFFFEF7, lr;
	s5 =	simm.s32 $0xFFFFFFFF;
	p2 =	slt.u32 s8, $0xFFFFF086  }
0x1c: {  	p1 =	slt.u32 s9, $0xF7A;
	s5 =	simm.s32 @!p2 $0x0  }
0x1d: {  	s5 =	simm.s32 @p1 $0x1;
	p0 =	seq.s32 s7, s2  }
0x1e: {  	s7 =	smul.u32 @!p0 $0xF7A, s2;
	p2 =	seq.s32 @!p0 s5, $0x0  }
0x1f: {  	s9 =	smul.u32 $0xF7A, s1;
	s8 =	simm.s32 @!p0 $0x1BF5;
	p2 =	por !p2, p0  }
0x20: {  	[sflag:s8] =	ssyncset.s32 @!p0 $0xFFFFF086;
	s6 =	sadd.s32 @!p0 s3, s7;
	s7 =	simm.s32 @!p0 $0x108  }
0x21: {  	s3 =	sadd.s32 s3, s9;
	s6 =	sadd.s32 @!p0 $0x88, s6;
	s7 =	simm.s32 @p2 $0x1082  }
0x22: {  	[simem:s7], [sflag:s8] =	dma.local @!p0 [hbm:s6], $0xF7A  }
0x23: {  	s9 =	sor.u32 $0xD0000000, s2;
	s6 =	simm.s32 $0x108;
	_ =	swait.ge @!p0 [sflag:s8], $0x0  }
0x24: {  	s3 =	sadd.s32 $0x88, s3;
	s6 =	simm.s32 @!p1 $0x1082;
	[sflag:s4] =	ssyncset.s32 $0xFFFFF086  }
0x25: {  	[simem:s6], [sflag:s4] =	dma.local [hbm:s3], $0xF7A  }
0x26: {  	[smem:$0x3F97] =	sst s1;
	(tag) =	ssettag s2;
	_ =	strace s9  }
0x27: {  	s1 =	sld [smem:$0x3FA7]  }
0x28: {  	s2 =	sld [smem:$0x3FA8]  }
0x29: {  	s4 =	sld [smem:$0x3FAA]  }
0x2a: {  	p0 =	seq.s32 s5, $0x0;
	s5 =	sld [smem:$0x3FAB]  }
0x2b: {  	s6 =	sld [smem:$0x3FAC]  }
0x2c: {  	s7 =	sld [smem:$0x3FAD]  }
0x2d: {  	s3 =	simm.s32 $0x108;
	s8 =	sld [smem:$0x3FAE]  }
0x2e: {  	s3 =	simm.s32 @!p0 $0x1082;
	s9 =	sld [smem:$0x3FAF]  }
0x2f: {  	lr =	sadd.s32 s0, s3;
	s0 =	sld [smem:$0x3FA6]  }
0x30: {  	s3 =	sld [smem:$0x3FA9]  }
0x31: {  	[smem:$0x3FB2] =	sst s10  }
0x32: {  	s10 =	sld [smem:$0x3FB0];
	_ =	sdelay $0x3  }
0x33: {  	p0 =	seq.s32 s10, $0x1;
	s10 =	sld [smem:$0x3FB2];
	_ =	sdelay $0x3  }
0x34: {  	[smem:$0x3FB2] =	sst s10  }
0x35: {  	s10 =	sld [smem:$0x3FB1];
	_ =	sdelay $0x3  }
0x36: {  	p1 =	seq.s32 s10, $0x1;
	s10 =	sld [smem:$0x3FB2];
	_ =	sdelay $0x3  }
0x37: {  	[smem:$0x3FB2] =	sst s10  }
0x38: {  	s10 =	sld [smem:$0x3FB3]  }
0x39: {  	_ = 	snop;
	(pc) =	sbr.ind lr, $3  }
0x3a: {  	_ = 	snop  }
0x3b: {  	_ = 	snop  }
0x3c: {  	p2 =	seq.s32 s10, $0x1;
	s10 =	sld [smem:$0x3FB2]  }
0x3d: {  	_ =	shalt  }
0x3e: {  	_ =	shalt  }
0x3f: {  	_ =	shalt  }
0x40: {  	_ =	shalt  }
0x41: {  	_ =	shalt  }
0x42: {  	_ =	shalt  }
0x43: {  	_ =	shalt  }
0x44: {  	_ =	shalt  }
0x45: {  	_ =	shalt  }
0x46: {  	_ =	shalt  }
0x47: {  	_ =	shalt  }
0x48: {  	_ =	shalt  }
0x49: {  	_ =	shalt  }
0x4a: {  	_ =	shalt  }
0x4b: {  	_ =	shalt  }
0x4c: {  	_ =	shalt  }
0x4d: {  	_ =	shalt  }
0x4e: {  	_ =	shalt  }
0x4f: {  	_ =	shalt  }
0x50: {  	_ =	shalt  }
0x51: {  	_ =	shalt  }
0x52: {  	_ =	shalt  }
0x53: {  	_ =	shalt  }
0x54: {  	_ =	shalt  }
0x55: {  	_ =	shalt  }
0x56: {  	_ =	shalt  }
0x57: {  	_ =	shalt  }
0x58: {  	_ =	shalt  }
0x59: {  	_ =	shalt  }
0x5a: {  	_ =	shalt  }
0x5b: {  	_ =	shalt  }
0x5c: {  	_ =	shalt  }
0x5d: {  	_ =	shalt  }
0x5e: {  	_ =	shalt  }
0x5f: {  	_ =	shalt  }
0x60: {  	_ =	shalt  }
0x61: {  	_ =	shalt  }
0x62: {  	_ =	shalt  }
0x63: {  	_ =	shalt  }
0x64: {  	_ =	shalt  }
0x65: {  	_ =	shalt  }
0x66: {  	_ =	shalt  }
0x67: {  	_ =	shalt  }
0x68: {  	_ =	shalt  }
0x69: {  	_ =	shalt  }
0x6a: {  	_ =	shalt  }
0x6b: {  	_ =	shalt  }
0x6c: {  	_ =	shalt  }
0x6d: {  	_ =	shalt  }
0x6e: {  	_ =	shalt  }
0x6f: {  	_ =	shalt  }
0x70: {  	_ =	shalt  }
0x71: {  	_ =	shalt  }
0x72: {  	_ =	shalt  }
0x73: {  	_ =	shalt  }
0x74: {  	_ =	shalt  }
0x75: {  	_ =	shalt  }
0x76: {  	_ =	shalt  }
0x77: {  	_ =	shalt  }
0x78: {  	_ =	shalt  }
0x79: {  	_ =	shalt  }
0x7a: {  	_ =	shalt  }
0x7b: {  	_ =	shalt  }
0x7c: {  	_ =	shalt  }
0x7d: {  	_ =	shalt  }
0x7e: {  	_ =	shalt  }
0x7f: {  	_ =	shalt  }
0x80: {  	_ =	shalt  }
0x81: {  	_ =	shalt  }
0x82: {  	_ =	shalt  }
0x83: {  	_ =	shalt  }
0x84: {  	_ =	shalt  }
0x85: {  	_ =	shalt  }
0x86: {  	_ =	shalt  }
0x87: {  	_ =	shalt  }
.Lfunc_end0:
.L_simem_size_0:
called_computation.1_lowered:
.L_overlay_start_0:
0x88: {  	s2 =	sld [smem:$0x3FD9]  }
0x89: {  	s3 =	sld [smem:$0x3FFE];
	_ =	sdelay $0x1  }
0x8a: {  	s1 =	srdreg.scid  }
0x8b: {  	s0 =	sand.u32 $0x1, s1  }
0x8c: {  	s17 =	sshll.u32 s0, $0xA;
	s2 =	sadd.s32 s3, s2  }
0x8d: {  	s2 =	sadd.s32 s2, s17  }
0x8e: {  	[smem:$0x3FBE] =	sst s2  }
0x8f: {  	_ = 	snop  }
0x90: {  	s18 =	sld [smem:$0x3FD0];
	(tm) =	ssettm $0x1  }
0x91: {  	s19 =	sld [smem:$0x3FFB];
	_ =	sdelay $0x3  }
0x92: {  	_ =	strace s19  }
0x93: {  	s2 =	sld [smem:$0x3FFC];
	_ =	sdelay $0x3  }
0x94: {  	_ =	strace s2  }
0x95: {  	s2 =	sld [smem:$0x3FFD];
	_ =	sdelay $0x3  }
0x96: {  	_ =	strace s2  }
0x97: {  	_ =	strace $0x8FFFFFFF  }
0x98: {  	s20 =	sld [smem:$0x3FDB];
	_ =	sdelay $0x1  }
0x99: {  	s4 =	simm.s32 $_scs_section_size  }
0x9a: {  	s5 =	simm.s32 $_size__tile_overlayer_lowered;
	s6 =	simm.s32 $_tile_overlayer_lowered  }
0x9b: {  	s7 =	simm.s32 $0x1BFF;
	s21 =	sshll.u32 s6, $0x1;
	s4 =	sadd.s32 s4, s20  }
0x9c: {  	s22 =	simm.s32 $0x0;
	s5 =	sshll.u32 s5, $0x1;
	s6 =	sadd.s32 s21, s4  }
0x9d: {  	[timem:s22], [sflag:s7] =	dma.local [hbm:s6], s5  }
0x9e: {  	_ =	swait.ge [sflag:s7], s5  }
0x9f: {  	s5 =	ssub.s32 $0x0, s5;
	[sflag:s7] =	ssyncset.done $0x0  }
0xa0: {  	[sflag:s7] =	ssyncadd.s32 s5;
	_ =	sdelay $0x1  }
0xa1: {  	s23 =	simm.s32 $0x1B8B  }
0xa2: {  	_ =	swait.ge [sflag:s23], $0x1  }
0xa3: {  	[sflag:s23] =	ssyncset.done $0x0  }
0xa4: {  	[sflag:s23] =	ssyncadd.s32 $0xFFFFFFFF  }
0xa5: {  	s5 =	sld [smem:$0x0]  }
0xa6: {  	s6 =	sand.u32 $0xFFFFFFFE, s1  }
0xa7: {  	p0 =	sne.s32 s1, s6  }
0xa8: {  	s6 =	sshll.u32 @p0 s6, $0xE  }
0xa9: {  	s6 =	sadd.s32 @p0 $0x11B8D, s6;
	s7 =	sshll.u32 @p0 s5, $0x11  }
0xaa: {  	s6 =	sor.u32 @p0 s7, s6  }
0xab: {  	[sflag:s6] =	ssyncadd.remote.s32 @p0 $0x1;
	_ =	sdelay $0x1  }
0xac: {  	s6 =	simm.s32 @p0 $0x1B8D  }
0xad: {  	_ =	swait.eq @p0 [sflag:s6], $0x1  }
0xae: {  	[sflag:s6] =	ssyncadd.s32 @p0 $0xFFFFFFFF  }
0xaf: {  	s7 =	sshll.u32 @!p0 s1, $0xE  }
0xb0: {  	s7 =	sor.u32 @!p0 $0x4000, s7;
	s6 =	simm.s32 @!p0 $0x1B8D  }
0xb1: {  	s5 =	sshll.u32 @!p0 s5, $0x11;
	s7 =	sadd.s32 @!p0 $0x11B8D, s7;
	_ =	swait.eq @!p0 [sflag:s6], $0x1  }
0xb2: {  	s5 =	sor.u32 @!p0 s5, s7;
	[sflag:s6] =	ssyncadd.s32 @!p0 $0xFFFFFFFF  }
0xb3: {  	s25 =	simm.s32 $0x1B8E;
	s24 =	sld [smem:$0x3FFE];
	[sflag:s5] =	ssyncadd.remote.s32 @!p0 $0x1  }
0xb4: {  	s26 =	simm.s32 $execute0_lowered;
	[smem:$0x3FD2] =	sst s25  }
0xb5: {  	s6 =	sshll.u32 s26, $0x1;
	_ =	strace $0x8000004C;
	[dreg:$0x1] =	wrdreg $0xFFFFFFFF  }
0xb6: {  	s28 =	simm.s32 $_size_execute0_lowered;
	s4 =	sadd.s32 s4, s6;
	[dreg:$0x0] =	wrdreg $0x0  }
0xb7: {  	s6 =	sshll.u32 s28, $0x1;
	[dreg:$0x2] =	wrdreg s4  }
0xb8: {  	[dreg:$0x3] =	wrdreg s6  }
0xb9: {  	[dreg:$0x4] =	wrdreg $0xC0  }
0xba: {  	_ =	task [dreg:s22], $0x5FFFF  }
0xbb: {  	[dreg:$0x1] =	wrdreg $0xFFFFFFFF  }
0xbc: {  	[dreg:$0x0] =	wrdreg $0x60  }
0xbd: {  	[dreg:$0x2] =	wrdreg s18  }
0xbe: {  	[dreg:$0x3] =	wrdreg s24  }
0xbf: {  	[dreg:$0x4] =	wrdreg $0xE9000  }
0xc0: {  	[dreg:$0x5] =	wrdreg $0x9  }
0xc1: {  	_ =	task.clear_ibuf [dreg:s22], $0x6FFFF;
	_ =	strace $0x9000004C  }
0xc2: {  	s29 =	simm.s32 $0x9;
	_ =	strace $0x8000004E  }
0xc3: {  	_ =	swait.ge [sflag:s29], $0x1  }
0xc4: {  	[sflag:s29] =	ssyncadd.s32 $0xFFFFFFFF  }
0xc5: {  	_ =	strace $0x9000004E  }
0xc6: {  	_ =	sfence  }
0xc7: {  	s30 =	sld [smem:$0x0];
	_ =	sdelay $0x2  }
0xc8: {  	s31 =	sshll.u32 s1, $0xD;
	s1 =	sshrl.u32 s1, $0x2  }
0xc9: {  	s4 =	sand.u32 $0x4000, s31;
	s1 =	sadd.s32 s1, s30  }
0xca: {  	s0 =	sor.u32 s4, s0;
	s1 =	sshll.u32 s1, $0x11  }
0xcb: {  	s0 =	sor.u32 s1, s0  }
0xcc: {  	s0 =	sadd.s32 $0x8F2B, s0  }
0xcd: {  	[sflag:s0] =	ssyncadd.remote.s32 $0x1  }
0xce: {  	_ =	sfence.sel $0xFFFF  }
0xcf: {  	[dreg:$0x0] =	wrdreg $0xFFFFFFFF;
	(pc) =	sbr.abs _section_cstart, $3  }
0xd0: {  	[dreg:$0x1] =	wrdreg $0xFFFFFFFF  }
0xd1: {  	_ =	task.clear_ibuf [dreg:s22], $0x2FFFF;
	_ =	strace $0x9FFFFFFF  }
0xd2: {  	(tm) =	ssettm $0x7FFFFFFF  }
0xd3: {  	_ =	shalt  }
tec
execute0_lowered:
.L_overlay_start_1:
0x0: {  	(tag) =	ssettag $0x1  }
0x1: {  	s1 =	rddreg [dreg:$0x0]  }
0x2: {  	s0 =	rddreg [dreg:$0x1]  }
0x3: {  	s2 =	srdreg.scid;
	s13 =	stileid.u32  }
0x4: {  	s3 =	rddreg [dreg:$0x2];
	s6 =	simm.s32 $0x0;
	s21 =	simm.s32 $0x9  }
0x5: {  	s23 =	simm.s32 $0x6900;
	s24 =	simm.s32 $0x80;
	s4 =	smul.u32 $0xA000, s13  }
0x6: {  	s2 =	sand.u32 $0x1, s2;
	[smem:$0x7FF] =	sst s6;
	s7 =	smul.u32 $0x690, s13  }
0x7: {  	s8 =	sadd.s32 $0x3400, s0;
	s9 =	sadd.s32 $0xD200, s0;
	s12 =	smul.u32 $0x1A00, s13  }
0x8: {  	p1 =	seq.s32 s13, $0xF;
	p2 =	sne.s32 s13, $0xF;
	s13 =	smul.u32 $0x28000, s13  }
0x9: {  	s29 =	sadd.s32 $0xCDC0, s0;
	s5 =	smul.u32 $0xA0000, s2;
	_ =	strace $0x8000004D  }
0xa: {  	s25 =	ssub.s32 $0x2, s2;
	p0 =	seq.s32 s2, $0x0;
	p6 =	seq.s32 s2, $0x1  }
0xb: {  	[dreg:$0x5] =	wrdreg s29;
	s26 =	sshrl.u32 s25, $0x1;
	s28 =	sadd.s32 s8, s7  }
0xc: {  	s7 =	sadd.s32 s9, s7;
	p1 =	por !p1, !p6;
	s12 =	sshrl.u32 s12, $0x3  }
0xd: {  	p2 =	por !p2, !p6;
	s13 =	sshrl.u32 s13, $0x2;
	s5 =	sadd.s32 s4, s5  }
0xe: {  	s11 =	ssub.s32 s25, s26;
	[dreg:$0x4] =	wrdreg s28;
	s12 =	sadd.s32 $0x6900, s12  }
0xf: {  	s30 =	sadd.s32 s13, s3;
	s25 =	simm.s32 $0x8900;
	s26 =	simm.s32 $0x1  }
0x10: {  	s5 =	sshrl.u32 s5, $0x3;
	s8 =	sadd.s32 s8, s12;
	s9 =	sadd.s32 s9, s12  }
0x11: {  	s12 =	sadd.s32 s4, s3;
	s13 =	sadd.s32 $0x2000, s30;
	s14 =	sadd.s32 $0x4000, s30  }
0x12: {  	s15 =	sadd.s32 $0x6000, s30;
	s16 =	sadd.s32 $0x8000, s30;
	s20 =	smax.u32 s11, $0x1  }
0x13: {  	s10 =	sadd.s32 s5, s0;
	s5 =	simm.s32 $0x69;
	s0 =	sadd.s32 $0x16BC0, s0  }
0x14: {  	s5 =	simm.s32 @!p0 $0x34;
	p0 =	por !p1, !p1;
	p1 =	por !p2, !p2  }
0x15: {  	[dreg:$0x6] =	wrdreg s0;
	s19 =	sadd.s32 $0x52A00, s10;
	s31 =	sadd.s32 $0xFFFFFFFF, s5  }
0x16: {  	p2 =	sne.s32 s2, $0x0;
	s17 =	sand.u32 $0x1, s5;
	s4 =	sand.u32 $0x3, s31  }
0x17: {  	v0 =	vimm.s32 $0x0;
	v1 =	vimm.s32 $0x2718;
	v2 =	vimm.f32 $0.0e+00;
	s17 =	sadd.s32 $0x7, s17;
	s18 =	sadd.s32 $0x5, s4;
	s4 =	simm.s32 $0x0  }
.LBB2_1:
0x18: {  	s0 =	simm.s32 @!p2 $0x0;
	s2 =	rddreg [dreg:$0x4];
	s10 =	simm.s32 @!p2 $0x9  }
0x19: {  	[tilespmem:s0], [sflag:$0x9] =	stream.linear.gather @!p2 [hbm4b:s2+s0], $0x3480, $0x38;
	[tilespmem:$0x18900] =	vst v63  }
0x1a: {  	_ =	swait.ge @!p2 [sflag:s10], $0x3480  }
0x1b: {  	[sflag:s10] =	ssyncset.done @!p2 $0x0  }
0x1c: {  	s11 =	simm.s32 @!p2 $0x3480;
	[sflag:s10] =	ssyncadd.s32 @!p2 $0xFFFFCB80  }
0x1d: {  	[tilespmem:s11], [sflag:$0x9] =	stream.linear.gather @!p2 [hbm4b:s7+s0], $0x3480, $0x38;
	[tilespmem:$0x18900] =	vst v63  }
0x1e: {  	_ =	swait.ge @!p2 [sflag:s10], $0x3480  }
0x1f: {  	[sflag:s10] =	ssyncset.done @!p2 $0x0  }
0x20: {  	s0 =	simm.s32 @p1 $0x0;
	[sflag:s10] =	ssyncadd.s32 @!p2 $0xFFFFCB80;
	s10 =	simm.s32 @p1 $0x9  }
0x21: {  	[tilespmem:s0], [sflag:$0x9] =	stream.linear.gather @p1 [hbm4b:s8+s0], $0x1A00, $0x38;
	[tilespmem:$0x18900] =	vst v63  }
0x22: {  	_ =	swait.ge @p1 [sflag:s10], $0x1A00  }
0x23: {  	[sflag:s10] =	ssyncset.done @p1 $0x0  }
.Ltmp0:
0x24: {  	s11 =	simm.s32 @p1 $0x3480;
	[sflag:s10] =	ssyncadd.s32 @p1 $0xFFFFE600;
	(pc) =	sbr.rel @!p0 .LBB2_5-.Ltmp0, $4  }
0x25: {  	[tilespmem:s11], [sflag:$0x9] =	stream.linear.gather @p1 [hbm4b:s9+s0], $0x1A00, $0x38;
	[tilespmem:$0x18900] =	vst v63  }
0x26: {  	_ =	swait.ge @p1 [sflag:s10], $0x1A00  }
0x27: {  	[sflag:s10] =	ssyncset.done @p1 $0x0  }
0x28: {  	[sflag:s10] =	ssyncadd.s32 @p1 $0xFFFFE600  }
0x29: {  	s10 =	simm.s32 $0x0;
	s0 =	rddreg [dreg:$0x5]  }
0x2a: {  	[tilespmem:s10], [sflag:$0x9] =	stream.linear.gather [hbm4b:s0+s10], $0x1400, $0x38;
	[tilespmem:$0x18900] =	vst v63  }
0x2b: {  	_ =	swait.ge [sflag:s21], $0x1400  }
0x2c: {  	[sflag:s21] =	ssyncset.done $0x0  }
0x2d: {  	s2 =	simm.s32 $0x3480;
	s31 =	rddreg [dreg:$0x6];
	[sflag:s21] =	ssyncadd.s32 $0xFFFFEC00  }
0x2e: {  	[tilespmem:s2], [sflag:$0x9] =	stream.linear.gather [hbm4b:s31+s10], $0x1400, $0x38;
	[tilespmem:$0x18900] =	vst v63  }
0x2f: {  	_ =	swait.ge [sflag:s21], $0x1400  }
0x30: {  	[sflag:s21] =	ssyncset.done $0x0  }
0x31: {  	s0 =	simm.s32 $0x10;
	s10 =	sand.u32 $0x7F0, s10;
	[sflag:s21] =	ssyncadd.s32 $0xFFFFEC00  }
.LBB2_3:
0x32: {  	p3 =	sne.s32 s0, $0x5F0;
	[tilespmem:s10+$0x1400] =	vst v0;
	s11 =	smov.u32 s0;
	s0 =	sadd.s32 $0x10, s0  }
.Ltmp1:
0x33: {  	[tilespmem:s10+$0x4880] =	vst v1;
	(pc) =	sbr.rel @p3 .LBB2_3-.Ltmp1, $2  }
0x34: {  	_ =	sdelay $0x2  }
0x35: {  	s10 =	sand.u32 $0x7F0, s11  }
0x36: {  	[tilespmem:s10+$0x1400] =	vst v0  }
0x37: {  	[tilespmem:s10+$0x4880] =	vst v1  }
.LBB2_5:
0x38: {  	s0 =	simm.s32 $0x0  }
0x39: {  	s10 =	sand.u32 $0x7F00, s0  }
0x3a: {  	s11 =	sand.u32 $0x30, s0;
	s28 =	sshrl.u32 s10, $0x2  }
0x3b: {  	s10 =	simm.s32 $0x40;
	s11 =	sor.u32 s11, s28  }
.LBB2_6:
0x3c: {  	p3 =	sne.s32 s10, $0x7FC0  }
0x3d: {  	[tilespmem:s11+$0x6900] =	vst v2;
	s0 =	sadd.s32 $0x10, s0;
	s11 =	smov.u32 s10;
	s10 =	sadd.s32 $0x40, s10  }
.Ltmp2:
0x3e: {  	(pc) =	sbr.rel @p3 .LBB2_6-.Ltmp2, $4  }
0x3f: {  	_ = 	snop  }
0x40: {  	s11 =	sand.u32 $0x7F00, s11  }
0x41: {  	s28 =	sand.u32 $0x30, s0;
	s11 =	sshrl.u32 s11, $0x2  }
0x42: {  	s11 =	sor.u32 s28, s11  }
0x43: {  	[tilespmem:s11+$0x6900] =	vst v2  }
0x44: {  	[spmem:s12] =	stream.linear.scatter [tilespmem:s23], [sflag:$0x9], $0x2000, $0x38;
	[tilespmem:$0x18900] =	vst v63  }
0x45: {  	_ =	swait.ge [sflag:s21], $0x2000  }
0x46: {  	[sflag:s21] =	ssyncset.done $0x0  }
0x47: {  	[sflag:s21] =	ssyncadd.s32 $0xFFFFE000  }
0x48: {  	[spmem:s13] =	stream.linear.scatter [tilespmem:s23], [sflag:$0x9], $0x2000, $0x38;
	[tilespmem:$0x18900] =	vst v63  }
0x49: {  	_ =	swait.ge [sflag:s21], $0x2000  }
0x4a: {  	[sflag:s21] =	ssyncset.done $0x0  }
0x4b: {  	[sflag:s21] =	ssyncadd.s32 $0xFFFFE000  }
0x4c: {  	[spmem:s14] =	stream.linear.scatter [tilespmem:s23], [sflag:$0x9], $0x2000, $0x38;
	[tilespmem:$0x18900] =	vst v63  }
0x4d: {  	_ =	swait.ge [sflag:s21], $0x2000  }
0x4e: {  	[sflag:s21] =	ssyncset.done $0x0  }
0x4f: {  	[sflag:s21] =	ssyncadd.s32 $0xFFFFE000  }
0x50: {  	[spmem:s15] =	stream.linear.scatter [tilespmem:s23], [sflag:$0x9], $0x2000, $0x38;
	[tilespmem:$0x18900] =	vst v63  }
0x51: {  	_ =	swait.ge [sflag:s21], $0x2000  }
0x52: {  	[sflag:s21] =	ssyncset.done $0x0  }
0x53: {  	[sflag:s21] =	ssyncadd.s32 $0xFFFFE000  }
0x54: {  	[spmem:s16] =	stream.linear.scatter [tilespmem:s23], [sflag:$0x9], $0x2000, $0x38;
	[tilespmem:$0x18900] =	vst v63  }
0x55: {  	_ =	swait.ge [sflag:s21], $0x2000  }
0x56: {  	[sflag:s21] =	ssyncset.done $0x0  }
0x57: {  	[sflag:s21] =	ssyncadd.s32 $0xFFFFE000  }
0x58: {  	s0 =	simm.s32 $0x0;
	[bflag:$0x0] =	sbarrier.arrive $0xFFFF  }
0x59: {  	[tilespmem:s23], [sflag:$0x1] =	stream.indirect.gather [hbm4b:s1+s24], $0x40, s0, s24, $0xb8;
	[tilespmem:$0x18900] =	vst v63  }
0x5a: {  	_ = 	snop  }
0x5b: {  	[tilespmem:s25], [sflag:$0x2] =	stream.indirect.gather [hbm4b:s1+s24], $0x40, s24, s24, $0xb8;
	[tilespmem:$0x18900] =	vst v63  }
0x5c: {  	_ =	swait.ge [sflag:s26], $0x2000  }
0x5d: {  	[sflag:s26] =	ssyncset.done $0x0  }
0x5e: {  	s31 =	simm.s32 $0x100;
	s2 =	simm.s32 $0xA900;
	[sflag:s26] =	ssyncadd.s32 $0xFFFFE000  }
0x5f: {  	[tilespmem:s2], [sflag:$0x3] =	stream.indirect.gather [hbm4b:s1+s24], $0x40, s31, s24, $0xb8;
	[tilespmem:$0x18900] =	vst v63  }
0x60: {  	s6 =	simm.s32 $0x3480;
	s10 =	simm.s32 $0x2  }
0x61: {  	[spmem:s3] =	stream.indirect.scatter.add.f32 [tilespmem:s23], [sflag:$0x5], $0x40, s6, s24, $0xb8;
	[tilespmem:$0x18900] =	vst v63  }
0x62: {  	_ =	swait.ge [sflag:s10], $0x2000  }
0x63: {  	s11 =	simm.s32 $0x180;
	[sflag:s10] =	ssyncset.done $0x0  }
0x64: {  	s28 =	sand.u32 $0x3, s10;
	s6 =	simm.s32 $0xC900;
	[sflag:s10] =	ssyncadd.s32 $0xFFFFE000  }
0x65: {  	[tilespmem:s6], [sflag:$0x4] =	stream.indirect.gather [hbm4b:s1+s24], $0x40, s11, s24, $0xb8;
	[tilespmem:$0x18900] =	vst v63  }
0x66: {  	s22 =	simm.s32 $0x3500;
	s0 =	sadd.s32 $0x1, s28  }
0x67: {  	[spmem:s3] =	stream.indirect.scatter.add.f32 [tilespmem:s25], [sflag:$0x6], $0x40, s22, s24, $0xb8;
	[tilespmem:$0x18900] =	vst v63  }
0x68: {  	_ =	swait.ge [sflag:s0], $0x2000  }
0x69: {  	p3 =	sle.u32 s5, $0x4;
	s10 =	sxor.u32 $0x2, s28;
	[sflag:s0] =	ssyncset.done $0x0  }
0x6a: {  	s11 =	simm.s32 $0x4;
	s31 =	sadd.s32 $0x5, s10;
	[sflag:s0] =	ssyncadd.s32 $0xFFFFE000  }
0x6b: {  	s10 =	simm.s32 $0x200;
	s11 =	sand.u32 @!p3 $0x3, s11;
	_ =	swait.ge [sflag:s31], $0x2000  }
0x6c: {  	s29 =	sshll.u32 @!p3 s11, $0xD;
	s11 =	sadd.s32 @!p3 $0x1, s11;
	[sflag:s31] =	ssyncset.done $0x0  }
0x6d: {  	s0 =	sadd.s32 @!p3 $0x6900, s29;
	s29 =	simm.s32 @!p3 $0x80;
	[sflag:s31] =	ssyncadd.s32 $0xFFFFE000  }
0x6e: {  	[tilespmem:s0], [sflag:s11] =	stream.indirect.gather @!p3 [hbm4b:s1+s29], $0x40, s10, s29, $0xb8;
	[tilespmem:$0x18900] =	vst v63  }
0x6f: {  	p3 =	sne.s32 s5, $0x3  }
.Ltmp3:
0x70: {  	_ = 	snop;
	(pc) =	sbr.rel @!p3 .LBB2_9-.Ltmp3, $4  }
0x71: {  	_ = 	snop  }
0x72: {  	s30 =	sadd.s32 $0x5, s28  }
0x73: {  	s11 =	simm.s32 $0x3580;
	s10 =	simm.s32 $0x3;
	s29 =	sshll.u32 s28, $0xD  }
0x74: {  	s0 =	simm.s32 $0x280;
	s28 =	simm.s32 $0x3600;
	s29 =	sadd.s32 $0x6900, s29  }
.LBB2_8:
0x75: {  	[spmem:s3] =	stream.indirect.scatter.add.f32 [tilespmem:s29], [sflag:s30], $0x40, s11, s24, $0xb8;
	[tilespmem:$0x18900] =	vst v63  }
0x76: {  	s29 =	smov.u32 s10;
	s30 =	smov.u32 s0;
	s11 =	smov.u32 s28  }
0x77: {  	s10 =	sadd.s32 $0x1, s10;
	s31 =	sand.u32 $0x3, s29  }
0x78: {  	s2 =	sshll.u32 s31, $0xD;
	s22 =	sadd.s32 $0x1, s31;
	s6 =	sxor.u32 $0x2, s31  }
0x79: {  	p3 =	sne.s32 s5, s10;
	_ =	swait.ge [sflag:s22], $0x2000  }
0x7a: {  	s0 =	sadd.s32 $0x80, s0;
	s29 =	sadd.s32 $0x2, s29;
	[sflag:s22] =	ssyncset.done $0x0  }
0x7b: {  	p4 =	sge.u32 s29, s5;
	s6 =	sadd.s32 $0x5, s6;
	[sflag:s22] =	ssyncadd.s32 $0xFFFFE000  }
.Ltmp4:
0x7c: {  	s22 =	sand.u32 @!p4 $0x3, s29;
	_ =	swait.ge [sflag:s6], $0x2000;
	(pc) =	sbr.rel @p3 .LBB2_8-.Ltmp4, $4  }
0x7d: {  	s29 =	sshll.u32 @!p4 s22, $0xD;
	s22 =	sadd.s32 @!p4 $0x1, s22;
	[sflag:s6] =	ssyncset.done $0x0  }
0x7e: {  	[sflag:s6] =	ssyncadd.s32 $0xFFFFE000;
	s6 =	sadd.s32 @!p4 $0x6900, s29;
	s29 =	simm.s32 @!p4 $0x80  }
0x7f: {  	[tilespmem:s6], [sflag:s22] =	stream.indirect.gather @!p4 [hbm4b:s1+s29], $0x40, s30, s29, $0xb8;
	[tilespmem:$0x18900] =	vst v63  }
0x80: {  	s28 =	sadd.s32 $0x80, s28;
	s29 =	sadd.s32 $0x6900, s2;
	s30 =	sadd.s32 $0x5, s31  }
.LBB2_9:
0x81: {  	[spmem:s3] =	stream.indirect.scatter.add.f32 [tilespmem:s29], [sflag:s30], $0x40, s11, s24, $0xb8;
	[tilespmem:$0x18900] =	vst v63  }
0x82: {  	_ =	swait.ge [sflag:s17], $0x2000  }
0x83: {  	[sflag:s17] =	ssyncset.done $0x0  }
0x84: {  	[sflag:s17] =	ssyncadd.s32 $0xFFFFE000  }
0x85: {  	s0 =	stileid.u32;
	_ =	swait.ge [sflag:s18], $0x2000  }
0x86: {  	s2 =	sshrl.u32 s12, $0x3;
	s4 =	sadd.s32 $0x1, s4;
	[sflag:s18] =	ssyncset.done $0x0  }
0x87: {  	s0 =	sshll.u32 s0, $0x6;
	p3 =	sne.s32 s4, s20;
	[sflag:s18] =	ssyncadd.s32 $0xFFFFE000  }
.Ltmp5:
0x88: {  	s0 =	sor.u32 $0x1C09, s0;
	[bflag:$0x0] =	sbarrier.arrive $0xFFFF;
	(pc) =	sbr.rel @p3 .LBB2_1-.Ltmp5, $4  }
0x89: {  	[hbm:s19], [sflag:s0] =	dma.local [spmem:s2], $0x1400  }
0x8a: {  	_ =	swait.ge [sflag:s21], $0x1400  }
0x8b: {  	[sflag:s21] =	ssyncset.done $0x0  }
0x8c: {  	[sflag:s21] =	ssyncadd.s32 $0xFFFFEC00  }
0x8d: {  	_ =	sfence.sel $0x180000  }
0x8e: {  	[bflag:$0x0] =	sbarrier.arrive $0xFFFF  }
0x8f: {  	_ =	strace $0x9000004D  }
0x90: {  	s0 =	stileid.u32;
	[bflag:$0x2] =	sbarrier.arrive $0xFFFF  }
0x91: {  	p0 =	sne.s32 s0, $0x0;
	s0 =	rddreg [dreg:$0x3]  }
0x92: {  	s0 =	sadd.s32 @!p0 $0x100000, s0  }
0x93: {  	[sflag:s0] =	ssyncadd.tile.s32 @!p0 $0x1;
	_ =	shalt  }
.Lfunc_end2:
_tile_overlayer_lowered:
.L_overlay_start_2:
0x94: {  	(tag) =	ssettag $0x2  }
0x95: {  	s0 =	rddreg [dreg:$0x0];
	s2 =	stileid.u32  }
0x96: {  	s1 =	rddreg [dreg:$0x1];
	p0 =	sne.s32 s2, $0x0  }
0x97: {  	s3 =	rddreg [dreg:$0x2];
	[bflag:$0x3] =	sbarrier.arrive $0xFFFF;
	s2 =	simm.s32 @!p0 $0x1C09  }
0x98: {  	[timem:s3], [sflag:s2] =	dma.local @!p0 [hbm:s0], s1  }
0x99: {  	s0 =	simm.s32 @!p0 $0x9  }
0x9a: {  	_ =	swait.ge @!p0 [sflag:s0], s1  }
0x9b: {  	s1 =	ssub.s32 @!p0 $0x0, s1;
	[sflag:s0] =	ssyncset.done @!p0 $0x0  }
0x9c: {  	[sflag:s0] =	ssyncadd.s32 @!p0 s1  }
0x9d: {  	[bflag:$0x3] =	sbarrier.arrive $0xFFFF  }
0x9e: {  	_ =	shalt  }

// kernel: kernel.18.cloned.1.call-start
scs
__scs_entry_jumppad:
0x0: {  	(pc) =	sbr.rel $0x88, $3  }
0x1: {  	(tag) =	ssettag $0x0;
	lr =	simm.s32 $0x1  }
0x2: {  	[smem:$0x3F97] =	sst lr;
	_ =	strace $0xD0000000  }
0x3: {  	_ = 	snop  }
0x4: {  	_ = 	snop  }
0x5: {  	_ = 	snop  }
0x6: {  	_ = 	snop  }
0x7: {  	_ = 	snop  }
__scs_overlays_trampoline_lowered:
0x8: {  	[smem:$0x3FA6] =	sst s0  }
0x9: {  	[smem:$0x3FA7] =	sst s1  }
0xa: {  	[smem:$0x3FA8] =	sst s2  }
0xb: {  	[smem:$0x3FA9] =	sst s3  }
0xc: {  	[smem:$0x3FAA] =	sst s4  }
0xd: {  	[smem:$0x3FAB] =	sst s5  }
0xe: {  	[smem:$0x3FAC] =	sst s6  }
0xf: {  	[smem:$0x3FAD] =	sst s7  }
0x10: {  	[smem:$0x3FAE] =	sst s8  }
0x11: {  	[smem:$0x3FAF] =	sst s9;
	s0 =	simm.s32 @!p0 $0x0  }
0x12: {  	s1 =	sld [smem:$0x3F95];
	s0 =	simm.s32 @p0 $0x1  }
0x13: {  	[smem:$0x3FB0] =	sst s0;
	s0 =	simm.s32 @!p1 $0x0  }
0x14: {  	s2 =	sld [smem:$0x3F94];
	s0 =	simm.s32 @p1 $0x1  }
0x15: {  	[smem:$0x3FB1] =	sst s0;
	s0 =	simm.s32 @!p2 $0x0  }
0x16: {  	s3 =	sld [smem:$0x3FDB];
	s0 =	simm.s32 @p2 $0x1  }
0x17: {  	s4 =	simm.s32 $0x1BF5;
	[smem:$0x3FB3] =	sst s0  }
0x18: {  	s0 =	sld [smem:$0x3F96];
	_ =	swait.ge [sflag:s4], $0x0  }
0x19: {  	s7 =	sld [smem:$0x3F97]  }
0x1a: {  	s8 =	sadd.s32 $0xFFFFE003, lr  }
0x1b: {  	s9 =	sadd.s32 $0xFFFFFEF7, lr;
	s5 =	simm.s32 $0xFFFFFFFF;
	p2 =	slt.u32 s8, $0xFFFFF086  }
0x1c: {  	p1 =	slt.u32 s9, $0xF7A;
	s5 =	simm.s32 @!p2 $0x0  }
0x1d: {  	s5 =	simm.s32 @p1 $0x1;
	p0 =	seq.s32 s7, s2  }
0x1e: {  	s7 =	smul.u32 @!p0 $0xF7A, s2;
	p2 =	seq.s32 @!p0 s5, $0x0  }
0x1f: {  	s9 =	smul.u32 $0xF7A, s1;
	s8 =	simm.s32 @!p0 $0x1BF5;
	p2 =	por !p2, p0  }
0x20: {  	[sflag:s8] =	ssyncset.s32 @!p0 $0xFFFFF086;
	s6 =	sadd.s32 @!p0 s3, s7;
	s7 =	simm.s32 @!p0 $0x108  }
0x21: {  	s3 =	sadd.s32 s3, s9;
	s6 =	sadd.s32 @!p0 $0x88, s6;
	s7 =	simm.s32 @p2 $0x1082  }
0x22: {  	[simem:s7], [sflag:s8] =	dma.local @!p0 [hbm:s6], $0xF7A  }
0x23: {  	s9 =	sor.u32 $0xD0000000, s2;
	s6 =	simm.s32 $0x108;
	_ =	swait.ge @!p0 [sflag:s8], $0x0  }
0x24: {  	s3 =	sadd.s32 $0x88, s3;
	s6 =	simm.s32 @!p1 $0x1082;
	[sflag:s4] =	ssyncset.s32 $0xFFFFF086  }
0x25: {  	[simem:s6], [sflag:s4] =	dma.local [hbm:s3], $0xF7A  }
0x26: {  	[smem:$0x3F97] =	sst s1;
	(tag) =	ssettag s2;
	_ =	strace s9  }
0x27: {  	s1 =	sld [smem:$0x3FA7]  }
0x28: {  	s2 =	sld [smem:$0x3FA8]  }
0x29: {  	s4 =	sld [smem:$0x3FAA]  }
0x2a: {  	p0 =	seq.s32 s5, $0x0;
	s5 =	sld [smem:$0x3FAB]  }
0x2b: {  	s6 =	sld [smem:$0x3FAC]  }
0x2c: {  	s7 =	sld [smem:$0x3FAD]  }
0x2d: {  	s3 =	simm.s32 $0x108;
	s8 =	sld [smem:$0x3FAE]  }
0x2e: {  	s3 =	simm.s32 @!p0 $0x1082;
	s9 =	sld [smem:$0x3FAF]  }
0x2f: {  	lr =	sadd.s32 s0, s3;
	s0 =	sld [smem:$0x3FA6]  }
0x30: {  	s3 =	sld [smem:$0x3FA9]  }
0x31: {  	[smem:$0x3FB2] =	sst s10  }
0x32: {  	s10 =	sld [smem:$0x3FB0];
	_ =	sdelay $0x3  }
0x33: {  	p0 =	seq.s32 s10, $0x1;
	s10 =	sld [smem:$0x3FB2];
	_ =	sdelay $0x3  }
0x34: {  	[smem:$0x3FB2] =	sst s10  }
0x35: {  	s10 =	sld [smem:$0x3FB1];
	_ =	sdelay $0x3  }
0x36: {  	p1 =	seq.s32 s10, $0x1;
	s10 =	sld [smem:$0x3FB2];
	_ =	sdelay $0x3  }
0x37: {  	[smem:$0x3FB2] =	sst s10  }
0x38: {  	s10 =	sld [smem:$0x3FB3]  }
0x39: {  	_ = 	snop;
	(pc) =	sbr.ind lr, $3  }
0x3a: {  	_ = 	snop  }
0x3b: {  	_ = 	snop  }
0x3c: {  	p2 =	seq.s32 s10, $0x1;
	s10 =	sld [smem:$0x3FB2]  }
0x3d: {  	_ =	shalt  }
0x3e: {  	_ =	shalt  }
0x3f: {  	_ =	shalt  }
0x40: {  	_ =	shalt  }
0x41: {  	_ =	shalt  }
0x42: {  	_ =	shalt  }
0x43: {  	_ =	shalt  }
0x44: {  	_ =	shalt  }
0x45: {  	_ =	shalt  }
0x46: {  	_ =	shalt  }
0x47: {  	_ =	shalt  }
0x48: {  	_ =	shalt  }
0x49: {  	_ =	shalt  }
0x4a: {  	_ =	shalt  }
0x4b: {  	_ =	shalt  }
0x4c: {  	_ =	shalt  }
0x4d: {  	_ =	shalt  }
0x4e: {  	_ =	shalt  }
0x4f: {  	_ =	shalt  }
0x50: {  	_ =	shalt  }
0x51: {  	_ =	shalt  }
0x52: {  	_ =	shalt  }
0x53: {  	_ =	shalt  }
0x54: {  	_ =	shalt  }
0x55: {  	_ =	shalt  }
0x56: {  	_ =	shalt  }
0x57: {  	_ =	shalt  }
0x58: {  	_ =	shalt  }
0x59: {  	_ =	shalt  }
0x5a: {  	_ =	shalt  }
0x5b: {  	_ =	shalt  }
0x5c: {  	_ =	shalt  }
0x5d: {  	_ =	shalt  }
0x5e: {  	_ =	shalt  }
0x5f: {  	_ =	shalt  }
0x60: {  	_ =	shalt  }
0x61: {  	_ =	shalt  }
0x62: {  	_ =	shalt  }
0x63: {  	_ =	shalt  }
0x64: {  	_ =	shalt  }
0x65: {  	_ =	shalt  }
0x66: {  	_ =	shalt  }
0x67: {  	_ =	shalt  }
0x68: {  	_ =	shalt  }
0x69: {  	_ =	shalt  }
0x6a: {  	_ =	shalt  }
0x6b: {  	_ =	shalt  }
0x6c: {  	_ =	shalt  }
0x6d: {  	_ =	shalt  }
0x6e: {  	_ =	shalt  }
0x6f: {  	_ =	shalt  }
0x70: {  	_ =	shalt  }
0x71: {  	_ =	shalt  }
0x72: {  	_ =	shalt  }
0x73: {  	_ =	shalt  }
0x74: {  	_ =	shalt  }
0x75: {  	_ =	shalt  }
0x76: {  	_ =	shalt  }
0x77: {  	_ =	shalt  }
0x78: {  	_ =	shalt  }
0x79: {  	_ =	shalt  }
0x7a: {  	_ =	shalt  }
0x7b: {  	_ =	shalt  }
0x7c: {  	_ =	shalt  }
0x7d: {  	_ =	shalt  }
0x7e: {  	_ =	shalt  }
0x7f: {  	_ =	shalt  }
0x80: {  	_ =	shalt  }
0x81: {  	_ =	shalt  }
0x82: {  	_ =	shalt  }
0x83: {  	_ =	shalt  }
0x84: {  	_ =	shalt  }
0x85: {  	_ =	shalt  }
0x86: {  	_ =	shalt  }
0x87: {  	_ =	shalt  }
.Lfunc_end0:
.L_simem_size_0:
called_computation.2_lowered:
.L_overlay_start_0:
0x88: {  	s2 =	sld [smem:$0x3FD9]  }
0x89: {  	s3 =	sld [smem:$0x3FFE];
	_ =	sdelay $0x1  }
0x8a: {  	s1 =	srdreg.scid  }
0x8b: {  	s0 =	sand.u32 $0x1, s1  }
0x8c: {  	s17 =	sshll.u32 s0, $0xA;
	s2 =	sadd.s32 s3, s2  }
0x8d: {  	s2 =	sadd.s32 s2, s17  }
0x8e: {  	[smem:$0x3FBE] =	sst s2  }
0x8f: {  	_ = 	snop  }
0x90: {  	s18 =	sld [smem:$0x3FD0];
	(tm) =	ssettm $0x1  }
0x91: {  	s19 =	sld [smem:$0x3FFB];
	_ =	sdelay $0x3  }
0x92: {  	_ =	strace s19  }
0x93: {  	s2 =	sld [smem:$0x3FFC];
	_ =	sdelay $0x3  }
0x94: {  	_ =	strace s2  }
0x95: {  	s2 =	sld [smem:$0x3FFD];
	_ =	sdelay $0x3  }
0x96: {  	_ =	strace s2  }
0x97: {  	_ =	strace $0x8FFFFFFF  }
0x98: {  	s20 =	sld [smem:$0x3FDB];
	_ =	sdelay $0x1  }
0x99: {  	s4 =	simm.s32 $_scs_section_size  }
0x9a: {  	s5 =	simm.s32 $_size__tile_overlayer_lowered;
	s6 =	simm.s32 $_tile_overlayer_lowered  }
0x9b: {  	s7 =	simm.s32 $0x1BFF;
	s21 =	sshll.u32 s6, $0x1;
	s4 =	sadd.s32 s4, s20  }
0x9c: {  	s22 =	simm.s32 $0x0;
	s5 =	sshll.u32 s5, $0x1;
	s6 =	sadd.s32 s21, s4  }
0x9d: {  	[timem:s22], [sflag:s7] =	dma.local [hbm:s6], s5  }
0x9e: {  	_ =	swait.ge [sflag:s7], s5  }
0x9f: {  	s5 =	ssub.s32 $0x0, s5;
	[sflag:s7] =	ssyncset.done $0x0  }
0xa0: {  	[sflag:s7] =	ssyncadd.s32 s5;
	_ =	sdelay $0x1  }
0xa1: {  	s23 =	simm.s32 $0x1B8B  }
0xa2: {  	_ =	swait.ge [sflag:s23], $0x1  }
0xa3: {  	[sflag:s23] =	ssyncset.done $0x0  }
0xa4: {  	[sflag:s23] =	ssyncadd.s32 $0xFFFFFFFF  }
0xa5: {  	s5 =	sld [smem:$0x0]  }
0xa6: {  	s6 =	sand.u32 $0xFFFFFFFE, s1  }
0xa7: {  	p0 =	sne.s32 s1, s6  }
0xa8: {  	s6 =	sshll.u32 @p0 s6, $0xE  }
0xa9: {  	s6 =	sadd.s32 @p0 $0x11B8D, s6;
	s7 =	sshll.u32 @p0 s5, $0x11  }
0xaa: {  	s6 =	sor.u32 @p0 s7, s6  }
0xab: {  	[sflag:s6] =	ssyncadd.remote.s32 @p0 $0x1;
	_ =	sdelay $0x1  }
0xac: {  	s6 =	simm.s32 @p0 $0x1B8D  }
0xad: {  	_ =	swait.eq @p0 [sflag:s6], $0x1  }
0xae: {  	[sflag:s6] =	ssyncadd.s32 @p0 $0xFFFFFFFF  }
0xaf: {  	s7 =	sshll.u32 @!p0 s1, $0xE  }
0xb0: {  	s7 =	sor.u32 @!p0 $0x4000, s7;
	s6 =	simm.s32 @!p0 $0x1B8D  }
0xb1: {  	s5 =	sshll.u32 @!p0 s5, $0x11;
	s7 =	sadd.s32 @!p0 $0x11B8D, s7;
	_ =	swait.eq @!p0 [sflag:s6], $0x1  }
0xb2: {  	s5 =	sor.u32 @!p0 s5, s7;
	[sflag:s6] =	ssyncadd.s32 @!p0 $0xFFFFFFFF  }
0xb3: {  	s25 =	simm.s32 $0x1B8E;
	s24 =	sld [smem:$0x3FFE];
	[sflag:s5] =	ssyncadd.remote.s32 @!p0 $0x1  }
0xb4: {  	s26 =	simm.s32 $execute0_lowered;
	[smem:$0x3FD2] =	sst s25  }
0xb5: {  	s6 =	sshll.u32 s26, $0x1;
	_ =	strace $0x80000052;
	[dreg:$0x1] =	wrdreg $0xFFFFFFFF  }
0xb6: {  	s28 =	simm.s32 $_size_execute0_lowered;
	s4 =	sadd.s32 s4, s6;
	[dreg:$0x0] =	wrdreg $0x0  }
0xb7: {  	s6 =	sshll.u32 s28, $0x1;
	[dreg:$0x2] =	wrdreg s4  }
0xb8: {  	[dreg:$0x3] =	wrdreg s6  }
0xb9: {  	[dreg:$0x4] =	wrdreg $0xC0  }
0xba: {  	_ =	task [dreg:s22], $0x5FFFF  }
0xbb: {  	[dreg:$0x1] =	wrdreg $0xFFFFFFFF  }
0xbc: {  	[dreg:$0x0] =	wrdreg $0x60  }
0xbd: {  	[dreg:$0x2] =	wrdreg s18  }
0xbe: {  	[dreg:$0x3] =	wrdreg s24  }
0xbf: {  	[dreg:$0x4] =	wrdreg $0xE9000  }
0xc0: {  	[dreg:$0x5] =	wrdreg $0x9  }
0xc1: {  	_ =	task.clear_ibuf [dreg:s22], $0x6FFFF;
	_ =	strace $0x90000052  }
0xc2: {  	s29 =	simm.s32 $0x9;
	_ =	strace $0x80000054  }
0xc3: {  	_ =	swait.ge [sflag:s29], $0x1  }
0xc4: {  	[sflag:s29] =	ssyncadd.s32 $0xFFFFFFFF  }
0xc5: {  	_ =	strace $0x90000054  }
0xc6: {  	_ =	sfence  }
0xc7: {  	s30 =	sld [smem:$0x0];
	_ =	sdelay $0x2  }
0xc8: {  	s31 =	sshll.u32 s1, $0xD;
	s1 =	sshrl.u32 s1, $0x2  }
0xc9: {  	s4 =	sand.u32 $0x4000, s31;
	s1 =	sadd.s32 s1, s30  }
0xca: {  	s0 =	sor.u32 s4, s0;
	s1 =	sshll.u32 s1, $0x11  }
0xcb: {  	s0 =	sor.u32 s1, s0  }
0xcc: {  	s0 =	sadd.s32 $0x8F2B, s0  }
0xcd: {  	[sflag:s0] =	ssyncadd.remote.s32 $0x1  }
0xce: {  	_ =	sfence.sel $0xFFFF  }
0xcf: {  	[dreg:$0x0] =	wrdreg $0xFFFFFFFF;
	(pc) =	sbr.abs _section_cstart, $3  }
0xd0: {  	[dreg:$0x1] =	wrdreg $0xFFFFFFFF  }
0xd1: {  	_ =	task.clear_ibuf [dreg:s22], $0x2FFFF;
	_ =	strace $0x9FFFFFFF  }
0xd2: {  	(tm) =	ssettm $0x7FFFFFFF  }
0xd3: {  	_ =	shalt  }
tec
execute0_lowered:
.L_overlay_start_1:
0x0: {  	(tag) =	ssettag $0x1  }
0x1: {  	s1 =	rddreg [dreg:$0x0]  }
0x2: {  	s0 =	rddreg [dreg:$0x1]  }
0x3: {  	s2 =	srdreg.scid;
	s13 =	stileid.u32  }
0x4: {  	s3 =	rddreg [dreg:$0x2];
	s6 =	simm.s32 $0x0;
	s21 =	simm.s32 $0x9  }
0x5: {  	s23 =	simm.s32 $0x6900;
	s24 =	simm.s32 $0x80;
	s4 =	smul.u32 $0xA000, s13  }
0x6: {  	s2 =	sand.u32 $0x1, s2;
	[smem:$0x7FF] =	sst s6;
	s7 =	smul.u32 $0x690, s13  }
0x7: {  	s8 =	sadd.s32 $0x3400, s0;
	s9 =	sadd.s32 $0xD200, s0;
	s12 =	smul.u32 $0x1A00, s13  }
0x8: {  	p1 =	seq.s32 s13, $0xF;
	p2 =	sne.s32 s13, $0xF;
	s13 =	smul.u32 $0x28000, s13  }
0x9: {  	s29 =	sadd.s32 $0xCDC0, s0;
	s5 =	smul.u32 $0xA0000, s2;
	_ =	strace $0x80000053  }
0xa: {  	s25 =	ssub.s32 $0x2, s2;
	p0 =	seq.s32 s2, $0x0;
	p6 =	seq.s32 s2, $0x1  }
0xb: {  	[dreg:$0x5] =	wrdreg s29;
	s26 =	sshrl.u32 s25, $0x1;
	s28 =	sadd.s32 s8, s7  }
0xc: {  	s7 =	sadd.s32 s9, s7;
	p1 =	por !p1, !p6;
	s12 =	sshrl.u32 s12, $0x3  }
0xd: {  	p2 =	por !p2, !p6;
	s13 =	sshrl.u32 s13, $0x2;
	s5 =	sadd.s32 s4, s5  }
0xe: {  	s11 =	ssub.s32 s25, s26;
	[dreg:$0x4] =	wrdreg s28;
	s12 =	sadd.s32 $0x6900, s12  }
0xf: {  	s30 =	sadd.s32 s13, s3;
	s25 =	simm.s32 $0x8900;
	s26 =	simm.s32 $0x1  }
0x10: {  	s5 =	sshrl.u32 s5, $0x3;
	s8 =	sadd.s32 s8, s12;
	s9 =	sadd.s32 s9, s12  }
0x11: {  	s12 =	sadd.s32 s4, s3;
	s13 =	sadd.s32 $0x2000, s30;
	s14 =	sadd.s32 $0x4000, s30  }
0x12: {  	s15 =	sadd.s32 $0x6000, s30;
	s16 =	sadd.s32 $0x8000, s30;
	s20 =	smax.u32 s11, $0x1  }
0x13: {  	s10 =	sadd.s32 s5, s0;
	s5 =	simm.s32 $0x69;
	s0 =	sadd.s32 $0x16BC0, s0  }
0x14: {  	s5 =	simm.s32 @!p0 $0x34;
	p0 =	por !p1, !p1;
	p1 =	por !p2, !p2  }
0x15: {  	[dreg:$0x6] =	wrdreg s0;
	s19 =	sadd.s32 $0x52A00, s10;
	s31 =	sadd.s32 $0xFFFFFFFF, s5  }
0x16: {  	p2 =	sne.s32 s2, $0x0;
	s17 =	sand.u32 $0x1, s5;
	s4 =	sand.u32 $0x3, s31  }
0x17: {  	v0 =	vimm.s32 $0x0;
	v1 =	vimm.s32 $0x2718;
	v2 =	vimm.f32 $0.0e+00;
	s17 =	sadd.s32 $0x7, s17;
	s18 =	sadd.s32 $0x5, s4;
	s4 =	simm.s32 $0x0  }
.LBB2_1:
0x18: {  	s0 =	simm.s32 @!p2 $0x0;
	s2 =	rddreg [dreg:$0x4];
	s10 =	simm.s32 @!p2 $0x9  }
0x19: {  	[tilespmem:s0], [sflag:$0x9] =	stream.linear.gather @!p2 [hbm4b:s2+s0], $0x3480, $0x38;
	[tilespmem:$0x18900] =	vst v63  }
0x1a: {  	_ =	swait.ge @!p2 [sflag:s10], $0x3480  }
0x1b: {  	[sflag:s10] =	ssyncset.done @!p2 $0x0  }
0x1c: {  	s11 =	simm.s32 @!p2 $0x3480;
	[sflag:s10] =	ssyncadd.s32 @!p2 $0xFFFFCB80  }
0x1d: {  	[tilespmem:s11], [sflag:$0x9] =	stream.linear.gather @!p2 [hbm4b:s7+s0], $0x3480, $0x38;
	[tilespmem:$0x18900] =	vst v63  }
0x1e: {  	_ =	swait.ge @!p2 [sflag:s10], $0x3480  }
0x1f: {  	[sflag:s10] =	ssyncset.done @!p2 $0x0  }
0x20: {  	s0 =	simm.s32 @p1 $0x0;
	[sflag:s10] =	ssyncadd.s32 @!p2 $0xFFFFCB80;
	s10 =	simm.s32 @p1 $0x9  }
0x21: {  	[tilespmem:s0], [sflag:$0x9] =	stream.linear.gather @p1 [hbm4b:s8+s0], $0x1A00, $0x38;
	[tilespmem:$0x18900] =	vst v63  }
0x22: {  	_ =	swait.ge @p1 [sflag:s10], $0x1A00  }
0x23: {  	[sflag:s10] =	ssyncset.done @p1 $0x0  }
.Ltmp0:
0x24: {  	s11 =	simm.s32 @p1 $0x3480;
	[sflag:s10] =	ssyncadd.s32 @p1 $0xFFFFE600;
	(pc) =	sbr.rel @!p0 .LBB2_5-.Ltmp0, $4  }
0x25: {  	[tilespmem:s11], [sflag:$0x9] =	stream.linear.gather @p1 [hbm4b:s9+s0], $0x1A00, $0x38;
	[tilespmem:$0x18900] =	vst v63  }
0x26: {  	_ =	swait.ge @p1 [sflag:s10], $0x1A00  }
0x27: {  	[sflag:s10] =	ssyncset.done @p1 $0x0  }
0x28: {  	[sflag:s10] =	ssyncadd.s32 @p1 $0xFFFFE600  }
0x29: {  	s10 =	simm.s32 $0x0;
	s0 =	rddreg [dreg:$0x5]  }
0x2a: {  	[tilespmem:s10], [sflag:$0x9] =	stream.linear.gather [hbm4b:s0+s10], $0x1400, $0x38;
	[tilespmem:$0x18900] =	vst v63  }
0x2b: {  	_ =	swait.ge [sflag:s21], $0x1400  }
0x2c: {  	[sflag:s21] =	ssyncset.done $0x0  }
0x2d: {  	s2 =	simm.s32 $0x3480;
	s31 =	rddreg [dreg:$0x6];
	[sflag:s21] =	ssyncadd.s32 $0xFFFFEC00  }
0x2e: {  	[tilespmem:s2], [sflag:$0x9] =	stream.linear.gather [hbm4b:s31+s10], $0x1400, $0x38;
	[tilespmem:$0x18900] =	vst v63  }
0x2f: {  	_ =	swait.ge [sflag:s21], $0x1400  }
0x30: {  	[sflag:s21] =	ssyncset.done $0x0  }
0x31: {  	s0 =	simm.s32 $0x10;
	s10 =	sand.u32 $0x7F0, s10;
	[sflag:s21] =	ssyncadd.s32 $0xFFFFEC00  }
.LBB2_3:
0x32: {  	p3 =	sne.s32 s0, $0x5F0;
	[tilespmem:s10+$0x1400] =	vst v0;
	s11 =	smov.u32 s0;
	s0 =	sadd.s32 $0x10, s0  }
.Ltmp1:
0x33: {  	[tilespmem:s10+$0x4880] =	vst v1;
	(pc) =	sbr.rel @p3 .LBB2_3-.Ltmp1, $2  }
0x34: {  	_ =	sdelay $0x2  }
0x35: {  	s10 =	sand.u32 $0x7F0, s11  }
0x36: {  	[tilespmem:s10+$0x1400] =	vst v0  }
0x37: {  	[tilespmem:s10+$0x4880] =	vst v1  }
.LBB2_5:
0x38: {  	s0 =	simm.s32 $0x0  }
0x39: {  	s10 =	sand.u32 $0x7F00, s0  }
0x3a: {  	s11 =	sand.u32 $0x30, s0;
	s28 =	sshrl.u32 s10, $0x2  }
0x3b: {  	s10 =	simm.s32 $0x40;
	s11 =	sor.u32 s11, s28  }
.LBB2_6:
0x3c: {  	p3 =	sne.s32 s10, $0x7FC0  }
0x3d: {  	[tilespmem:s11+$0x6900] =	vst v2;
	s0 =	sadd.s32 $0x10, s0;
	s11 =	smov.u32 s10;
	s10 =	sadd.s32 $0x40, s10  }
.Ltmp2:
0x3e: {  	(pc) =	sbr.rel @p3 .LBB2_6-.Ltmp2, $4  }
0x3f: {  	_ = 	snop  }
0x40: {  	s11 =	sand.u32 $0x7F00, s11  }
0x41: {  	s28 =	sand.u32 $0x30, s0;
	s11 =	sshrl.u32 s11, $0x2  }
0x42: {  	s11 =	sor.u32 s28, s11  }
0x43: {  	[tilespmem:s11+$0x6900] =	vst v2  }
0x44: {  	[spmem:s12] =	stream.linear.scatter [tilespmem:s23], [sflag:$0x9], $0x2000, $0x38;
	[tilespmem:$0x18900] =	vst v63  }
0x45: {  	_ =	swait.ge [sflag:s21], $0x2000  }
0x46: {  	[sflag:s21] =	ssyncset.done $0x0  }
0x47: {  	[sflag:s21] =	ssyncadd.s32 $0xFFFFE000  }
0x48: {  	[spmem:s13] =	stream.linear.scatter [tilespmem:s23], [sflag:$0x9], $0x2000, $0x38;
	[tilespmem:$0x18900] =	vst v63  }
0x49: {  	_ =	swait.ge [sflag:s21], $0x2000  }
0x4a: {  	[sflag:s21] =	ssyncset.done $0x0  }
0x4b: {  	[sflag:s21] =	ssyncadd.s32 $0xFFFFE000  }
0x4c: {  	[spmem:s14] =	stream.linear.scatter [tilespmem:s23], [sflag:$0x9], $0x2000, $0x38;
	[tilespmem:$0x18900] =	vst v63  }
0x4d: {  	_ =	swait.ge [sflag:s21], $0x2000  }
0x4e: {  	[sflag:s21] =	ssyncset.done $0x0  }
0x4f: {  	[sflag:s21] =	ssyncadd.s32 $0xFFFFE000  }
0x50: {  	[spmem:s15] =	stream.linear.scatter [tilespmem:s23], [sflag:$0x9], $0x2000, $0x38;
	[tilespmem:$0x18900] =	vst v63  }
0x51: {  	_ =	swait.ge [sflag:s21], $0x2000  }
0x52: {  	[sflag:s21] =	ssyncset.done $0x0  }
0x53: {  	[sflag:s21] =	ssyncadd.s32 $0xFFFFE000  }
0x54: {  	[spmem:s16] =	stream.linear.scatter [tilespmem:s23], [sflag:$0x9], $0x2000, $0x38;
	[tilespmem:$0x18900] =	vst v63  }
0x55: {  	_ =	swait.ge [sflag:s21], $0x2000  }
0x56: {  	[sflag:s21] =	ssyncset.done $0x0  }
0x57: {  	[sflag:s21] =	ssyncadd.s32 $0xFFFFE000  }
0x58: {  	s0 =	simm.s32 $0x0;
	[bflag:$0x0] =	sbarrier.arrive $0xFFFF  }
0x59: {  	[tilespmem:s23], [sflag:$0x1] =	stream.indirect.gather [hbm4b:s1+s24], $0x40, s0, s24, $0xb8;
	[tilespmem:$0x18900] =	vst v63  }
0x5a: {  	_ = 	snop  }
0x5b: {  	[tilespmem:s25], [sflag:$0x2] =	stream.indirect.gather [hbm4b:s1+s24], $0x40, s24, s24, $0xb8;
	[tilespmem:$0x18900] =	vst v63  }
0x5c: {  	_ =	swait.ge [sflag:s26], $0x2000  }
0x5d: {  	[sflag:s26] =	ssyncset.done $0x0  }
0x5e: {  	s31 =	simm.s32 $0x100;
	s2 =	simm.s32 $0xA900;
	[sflag:s26] =	ssyncadd.s32 $0xFFFFE000  }
0x5f: {  	[tilespmem:s2], [sflag:$0x3] =	stream.indirect.gather [hbm4b:s1+s24], $0x40, s31, s24, $0xb8;
	[tilespmem:$0x18900] =	vst v63  }
0x60: {  	s6 =	simm.s32 $0x3480;
	s10 =	simm.s32 $0x2  }
0x61: {  	[spmem:s3] =	stream.indirect.scatter.add.f32 [tilespmem:s23], [sflag:$0x5], $0x40, s6, s24, $0xb8;
	[tilespmem:$0x18900] =	vst v63  }
0x62: {  	_ =	swait.ge [sflag:s10], $0x2000  }
0x63: {  	s11 =	simm.s32 $0x180;
	[sflag:s10] =	ssyncset.done $0x0  }
0x64: {  	s28 =	sand.u32 $0x3, s10;
	s6 =	simm.s32 $0xC900;
	[sflag:s10] =	ssyncadd.s32 $0xFFFFE000  }
0x65: {  	[tilespmem:s6], [sflag:$0x4] =	stream.indirect.gather [hbm4b:s1+s24], $0x40, s11, s24, $0xb8;
	[tilespmem:$0x18900] =	vst v63  }
0x66: {  	s22 =	simm.s32 $0x3500;
	s0 =	sadd.s32 $0x1, s28  }
0x67: {  	[spmem:s3] =	stream.indirect.scatter.add.f32 [tilespmem:s25], [sflag:$0x6], $0x40, s22, s24, $0xb8;
	[tilespmem:$0x18900] =	vst v63  }
0x68: {  	_ =	swait.ge [sflag:s0], $0x2000  }
0x69: {  	p3 =	sle.u32 s5, $0x4;
	s10 =	sxor.u32 $0x2, s28;
	[sflag:s0] =	ssyncset.done $0x0  }
0x6a: {  	s11 =	simm.s32 $0x4;
	s31 =	sadd.s32 $0x5, s10;
	[sflag:s0] =	ssyncadd.s32 $0xFFFFE000  }
0x6b: {  	s10 =	simm.s32 $0x200;
	s11 =	sand.u32 @!p3 $0x3, s11;
	_ =	swait.ge [sflag:s31], $0x2000  }
0x6c: {  	s29 =	sshll.u32 @!p3 s11, $0xD;
	s11 =	sadd.s32 @!p3 $0x1, s11;
	[sflag:s31] =	ssyncset.done $0x0  }
0x6d: {  	s0 =	sadd.s32 @!p3 $0x6900, s29;
	s29 =	simm.s32 @!p3 $0x80;
	[sflag:s31] =	ssyncadd.s32 $0xFFFFE000  }
0x6e: {  	[tilespmem:s0], [sflag:s11] =	stream.indirect.gather @!p3 [hbm4b:s1+s29], $0x40, s10, s29, $0xb8;
	[tilespmem:$0x18900] =	vst v63  }
0x6f: {  	p3 =	sne.s32 s5, $0x3  }
.Ltmp3:
0x70: {  	_ = 	snop;
	(pc) =	sbr.rel @!p3 .LBB2_9-.Ltmp3, $4  }
0x71: {  	_ = 	snop  }
0x72: {  	s30 =	sadd.s32 $0x5, s28  }
0x73: {  	s11 =	simm.s32 $0x3580;
	s10 =	simm.s32 $0x3;
	s29 =	sshll.u32 s28, $0xD  }
0x74: {  	s0 =	simm.s32 $0x280;
	s28 =	simm.s32 $0x3600;
	s29 =	sadd.s32 $0x6900, s29  }
.LBB2_8:
0x75: {  	[spmem:s3] =	stream.indirect.scatter.add.f32 [tilespmem:s29], [sflag:s30], $0x40, s11, s24, $0xb8;
	[tilespmem:$0x18900] =	vst v63  }
0x76: {  	s29 =	smov.u32 s10;
	s30 =	smov.u32 s0;
	s11 =	smov.u32 s28  }
0x77: {  	s10 =	sadd.s32 $0x1, s10;
	s31 =	sand.u32 $0x3, s29  }
0x78: {  	s2 =	sshll.u32 s31, $0xD;
	s22 =	sadd.s32 $0x1, s31;
	s6 =	sxor.u32 $0x2, s31  }
0x79: {  	p3 =	sne.s32 s5, s10;
	_ =	swait.ge [sflag:s22], $0x2000  }
0x7a: {  	s0 =	sadd.s32 $0x80, s0;
	s29 =	sadd.s32 $0x2, s29;
	[sflag:s22] =	ssyncset.done $0x0  }
0x7b: {  	p4 =	sge.u32 s29, s5;
	s6 =	sadd.s32 $0x5, s6;
	[sflag:s22] =	ssyncadd.s32 $0xFFFFE000  }
.Ltmp4:
0x7c: {  	s22 =	sand.u32 @!p4 $0x3, s29;
	_ =	swait.ge [sflag:s6], $0x2000;
	(pc) =	sbr.rel @p3 .LBB2_8-.Ltmp4, $4  }
0x7d: {  	s29 =	sshll.u32 @!p4 s22, $0xD;
	s22 =	sadd.s32 @!p4 $0x1, s22;
	[sflag:s6] =	ssyncset.done $0x0  }
0x7e: {  	[sflag:s6] =	ssyncadd.s32 $0xFFFFE000;
	s6 =	sadd.s32 @!p4 $0x6900, s29;
	s29 =	simm.s32 @!p4 $0x80  }
0x7f: {  	[tilespmem:s6], [sflag:s22] =	stream.indirect.gather @!p4 [hbm4b:s1+s29], $0x40, s30, s29, $0xb8;
	[tilespmem:$0x18900] =	vst v63  }
0x80: {  	s28 =	sadd.s32 $0x80, s28;
	s29 =	sadd.s32 $0x6900, s2;
	s30 =	sadd.s32 $0x5, s31  }
.LBB2_9:
0x81: {  	[spmem:s3] =	stream.indirect.scatter.add.f32 [tilespmem:s29], [sflag:s30], $0x40, s11, s24, $0xb8;
	[tilespmem:$0x18900] =	vst v63  }
0x82: {  	_ =	swait.ge [sflag:s17], $0x2000  }
0x83: {  	[sflag:s17] =	ssyncset.done $0x0  }
0x84: {  	[sflag:s17] =	ssyncadd.s32 $0xFFFFE000  }
0x85: {  	s0 =	stileid.u32;
	_ =	swait.ge [sflag:s18], $0x2000  }
0x86: {  	s2 =	sshrl.u32 s12, $0x3;
	s4 =	sadd.s32 $0x1, s4;
	[sflag:s18] =	ssyncset.done $0x0  }
0x87: {  	s0 =	sshll.u32 s0, $0x6;
	p3 =	sne.s32 s4, s20;
	[sflag:s18] =	ssyncadd.s32 $0xFFFFE000  }
.Ltmp5:
0x88: {  	s0 =	sor.u32 $0x1C09, s0;
	[bflag:$0x0] =	sbarrier.arrive $0xFFFF;
	(pc) =	sbr.rel @p3 .LBB2_1-.Ltmp5, $4  }
0x89: {  	[hbm:s19], [sflag:s0] =	dma.local [spmem:s2], $0x1400  }
0x8a: {  	_ =	swait.ge [sflag:s21], $0x1400  }
0x8b: {  	[sflag:s21] =	ssyncset.done $0x0  }
0x8c: {  	[sflag:s21] =	ssyncadd.s32 $0xFFFFEC00  }
0x8d: {  	_ =	sfence.sel $0x180000  }
0x8e: {  	[bflag:$0x0] =	sbarrier.arrive $0xFFFF  }
0x8f: {  	_ =	strace $0x90000053  }
0x90: {  	s0 =	stileid.u32;
	[bflag:$0x2] =	sbarrier.arrive $0xFFFF  }
0x91: {  	p0 =	sne.s32 s0, $0x0;
	s0 =	rddreg [dreg:$0x3]  }
0x92: {  	s0 =	sadd.s32 @!p0 $0x100000, s0  }
0x93: {  	[sflag:s0] =	ssyncadd.tile.s32 @!p0 $0x1;
	_ =	shalt  }
.Lfunc_end2:
_tile_overlayer_lowered:
.L_overlay_start_2:
0x94: {  	(tag) =	ssettag $0x2  }
0x95: {  	s0 =	rddreg [dreg:$0x0];
	s2 =	stileid.u32  }
0x96: {  	s1 =	rddreg [dreg:$0x1];
	p0 =	sne.s32 s2, $0x0  }
0x97: {  	s3 =	rddreg [dreg:$0x2];
	[bflag:$0x3] =	sbarrier.arrive $0xFFFF;
	s2 =	simm.s32 @!p0 $0x1C09  }
0x98: {  	[timem:s3], [sflag:s2] =	dma.local @!p0 [hbm:s0], s1  }
0x99: {  	s0 =	simm.s32 @!p0 $0x9  }
0x9a: {  	_ =	swait.ge @!p0 [sflag:s0], s1  }
0x9b: {  	s1 =	ssub.s32 @!p0 $0x0, s1;
	[sflag:s0] =	ssyncset.done @!p0 $0x0  }
0x9c: {  	[sflag:s0] =	ssyncadd.s32 @!p0 s1  }
0x9d: {  	[bflag:$0x3] =	sbarrier.arrive $0xFFFF  }
0x9e: {  	_ =	shalt  }

// kernel: kernel.21.cloned.1.call-start
scs
__scs_entry_jumppad:
0x0: {  	(pc) =	sbr.rel $0x88, $3  }
0x1: {  	(tag) =	ssettag $0x0;
	lr =	simm.s32 $0x1  }
0x2: {  	[smem:$0x3F97] =	sst lr;
	_ =	strace $0xD0000000  }
0x3: {  	_ = 	snop  }
0x4: {  	_ = 	snop  }
0x5: {  	_ = 	snop  }
0x6: {  	_ = 	snop  }
0x7: {  	_ = 	snop  }
__scs_overlays_trampoline_lowered:
0x8: {  	[smem:$0x3FA6] =	sst s0  }
0x9: {  	[smem:$0x3FA7] =	sst s1  }
0xa: {  	[smem:$0x3FA8] =	sst s2  }
0xb: {  	[smem:$0x3FA9] =	sst s3  }
0xc: {  	[smem:$0x3FAA] =	sst s4  }
0xd: {  	[smem:$0x3FAB] =	sst s5  }
0xe: {  	[smem:$0x3FAC] =	sst s6  }
0xf: {  	[smem:$0x3FAD] =	sst s7  }
0x10: {  	[smem:$0x3FAE] =	sst s8  }
0x11: {  	[smem:$0x3FAF] =	sst s9;
	s0 =	simm.s32 @!p0 $0x0  }
0x12: {  	s1 =	sld [smem:$0x3F95];
	s0 =	simm.s32 @p0 $0x1  }
0x13: {  	[smem:$0x3FB0] =	sst s0;
	s0 =	simm.s32 @!p1 $0x0  }
0x14: {  	s2 =	sld [smem:$0x3F94];
	s0 =	simm.s32 @p1 $0x1  }
0x15: {  	[smem:$0x3FB1] =	sst s0;
	s0 =	simm.s32 @!p2 $0x0  }
0x16: {  	s3 =	sld [smem:$0x3FDB];
	s0 =	simm.s32 @p2 $0x1  }
0x17: {  	s4 =	simm.s32 $0x1BF5;
	[smem:$0x3FB3] =	sst s0  }
0x18: {  	s0 =	sld [smem:$0x3F96];
	_ =	swait.ge [sflag:s4], $0x0  }
0x19: {  	s7 =	sld [smem:$0x3F97]  }
0x1a: {  	s8 =	sadd.s32 $0xFFFFE003, lr  }
0x1b: {  	s9 =	sadd.s32 $0xFFFFFEF7, lr;
	s5 =	simm.s32 $0xFFFFFFFF;
	p2 =	slt.u32 s8, $0xFFFFF086  }
0x1c: {  	p1 =	slt.u32 s9, $0xF7A;
	s5 =	simm.s32 @!p2 $0x0  }
0x1d: {  	s5 =	simm.s32 @p1 $0x1;
	p0 =	seq.s32 s7, s2  }
0x1e: {  	s7 =	smul.u32 @!p0 $0xF7A, s2;
	p2 =	seq.s32 @!p0 s5, $0x0  }
0x1f: {  	s9 =	smul.u32 $0xF7A, s1;
	s8 =	simm.s32 @!p0 $0x1BF5;
	p2 =	por !p2, p0  }
0x20: {  	[sflag:s8] =	ssyncset.s32 @!p0 $0xFFFFF086;
	s6 =	sadd.s32 @!p0 s3, s7;
	s7 =	simm.s32 @!p0 $0x108  }
0x21: {  	s3 =	sadd.s32 s3, s9;
	s6 =	sadd.s32 @!p0 $0x88, s6;
	s7 =	simm.s32 @p2 $0x1082  }
0x22: {  	[simem:s7], [sflag:s8] =	dma.local @!p0 [hbm:s6], $0xF7A  }
0x23: {  	s9 =	sor.u32 $0xD0000000, s2;
	s6 =	simm.s32 $0x108;
	_ =	swait.ge @!p0 [sflag:s8], $0x0  }
0x24: {  	s3 =	sadd.s32 $0x88, s3;
	s6 =	simm.s32 @!p1 $0x1082;
	[sflag:s4] =	ssyncset.s32 $0xFFFFF086  }
0x25: {  	[simem:s6], [sflag:s4] =	dma.local [hbm:s3], $0xF7A  }
0x26: {  	[smem:$0x3F97] =	sst s1;
	(tag) =	ssettag s2;
	_ =	strace s9  }
0x27: {  	s1 =	sld [smem:$0x3FA7]  }
0x28: {  	s2 =	sld [smem:$0x3FA8]  }
0x29: {  	s4 =	sld [smem:$0x3FAA]  }
0x2a: {  	p0 =	seq.s32 s5, $0x0;
	s5 =	sld [smem:$0x3FAB]  }
0x2b: {  	s6 =	sld [smem:$0x3FAC]  }
0x2c: {  	s7 =	sld [smem:$0x3FAD]  }
0x2d: {  	s3 =	simm.s32 $0x108;
	s8 =	sld [smem:$0x3FAE]  }
0x2e: {  	s3 =	simm.s32 @!p0 $0x1082;
	s9 =	sld [smem:$0x3FAF]  }
0x2f: {  	lr =	sadd.s32 s0, s3;
	s0 =	sld [smem:$0x3FA6]  }
0x30: {  	s3 =	sld [smem:$0x3FA9]  }
0x31: {  	[smem:$0x3FB2] =	sst s10  }
0x32: {  	s10 =	sld [smem:$0x3FB0];
	_ =	sdelay $0x3  }
0x33: {  	p0 =	seq.s32 s10, $0x1;
	s10 =	sld [smem:$0x3FB2];
	_ =	sdelay $0x3  }
0x34: {  	[smem:$0x3FB2] =	sst s10  }
0x35: {  	s10 =	sld [smem:$0x3FB1];
	_ =	sdelay $0x3  }
0x36: {  	p1 =	seq.s32 s10, $0x1;
	s10 =	sld [smem:$0x3FB2];
	_ =	sdelay $0x3  }
0x37: {  	[smem:$0x3FB2] =	sst s10  }
0x38: {  	s10 =	sld [smem:$0x3FB3]  }
0x39: {  	_ = 	snop;
	(pc) =	sbr.ind lr, $3  }
0x3a: {  	_ = 	snop  }
0x3b: {  	_ = 	snop  }
0x3c: {  	p2 =	seq.s32 s10, $0x1;
	s10 =	sld [smem:$0x3FB2]  }
0x3d: {  	_ =	shalt  }
0x3e: {  	_ =	shalt  }
0x3f: {  	_ =	shalt  }
0x40: {  	_ =	shalt  }
0x41: {  	_ =	shalt  }
0x42: {  	_ =	shalt  }
0x43: {  	_ =	shalt  }
0x44: {  	_ =	shalt  }
0x45: {  	_ =	shalt  }
0x46: {  	_ =	shalt  }
0x47: {  	_ =	shalt  }
0x48: {  	_ =	shalt  }
0x49: {  	_ =	shalt  }
0x4a: {  	_ =	shalt  }
0x4b: {  	_ =	shalt  }
0x4c: {  	_ =	shalt  }
0x4d: {  	_ =	shalt  }
0x4e: {  	_ =	shalt  }
0x4f: {  	_ =	shalt  }
0x50: {  	_ =	shalt  }
0x51: {  	_ =	shalt  }
0x52: {  	_ =	shalt  }
0x53: {  	_ =	shalt  }
0x54: {  	_ =	shalt  }
0x55: {  	_ =	shalt  }
0x56: {  	_ =	shalt  }
0x57: {  	_ =	shalt  }
0x58: {  	_ =	shalt  }
0x59: {  	_ =	shalt  }
0x5a: {  	_ =	shalt  }
0x5b: {  	_ =	shalt  }
0x5c: {  	_ =	shalt  }
0x5d: {  	_ =	shalt  }
0x5e: {  	_ =	shalt  }
0x5f: {  	_ =	shalt  }
0x60: {  	_ =	shalt  }
0x61: {  	_ =	shalt  }
0x62: {  	_ =	shalt  }
0x63: {  	_ =	shalt  }
0x64: {  	_ =	shalt  }
0x65: {  	_ =	shalt  }
0x66: {  	_ =	shalt  }
0x67: {  	_ =	shalt  }
0x68: {  	_ =	shalt  }
0x69: {  	_ =	shalt  }
0x6a: {  	_ =	shalt  }
0x6b: {  	_ =	shalt  }
0x6c: {  	_ =	shalt  }
0x6d: {  	_ =	shalt  }
0x6e: {  	_ =	shalt  }
0x6f: {  	_ =	shalt  }
0x70: {  	_ =	shalt  }
0x71: {  	_ =	shalt  }
0x72: {  	_ =	shalt  }
0x73: {  	_ =	shalt  }
0x74: {  	_ =	shalt  }
0x75: {  	_ =	shalt  }
0x76: {  	_ =	shalt  }
0x77: {  	_ =	shalt  }
0x78: {  	_ =	shalt  }
0x79: {  	_ =	shalt  }
0x7a: {  	_ =	shalt  }
0x7b: {  	_ =	shalt  }
0x7c: {  	_ =	shalt  }
0x7d: {  	_ =	shalt  }
0x7e: {  	_ =	shalt  }
0x7f: {  	_ =	shalt  }
0x80: {  	_ =	shalt  }
0x81: {  	_ =	shalt  }
0x82: {  	_ =	shalt  }
0x83: {  	_ =	shalt  }
0x84: {  	_ =	shalt  }
0x85: {  	_ =	shalt  }
0x86: {  	_ =	shalt  }
0x87: {  	_ =	shalt  }
.Lfunc_end0:
.L_simem_size_0:
called_computation.3_lowered:
.L_overlay_start_0:
0x88: {  	s2 =	sld [smem:$0x3FD9]  }
0x89: {  	s3 =	sld [smem:$0x3FFE];
	_ =	sdelay $0x1  }
0x8a: {  	s1 =	srdreg.scid  }
0x8b: {  	s0 =	sand.u32 $0x1, s1  }
0x8c: {  	s16 =	sshll.u32 s0, $0xA;
	s2 =	sadd.s32 s3, s2  }
0x8d: {  	s2 =	sadd.s32 s2, s16  }
0x8e: {  	[smem:$0x3FBE] =	sst s2  }
0x8f: {  	_ = 	snop  }
0x90: {  	(tm) =	ssettm $0x1  }
0x91: {  	s17 =	sld [smem:$0x3FFB];
	_ =	sdelay $0x3  }
0x92: {  	_ =	strace s17  }
0x93: {  	s2 =	sld [smem:$0x3FFC];
	_ =	sdelay $0x3  }
0x94: {  	_ =	strace s2  }
0x95: {  	s2 =	sld [smem:$0x3FFD];
	_ =	sdelay $0x3  }
0x96: {  	_ =	strace s2  }
0x97: {  	_ =	strace $0x8FFFFFFF  }
0x98: {  	s18 =	sld [smem:$0x3FDB];
	_ =	sdelay $0x1  }
0x99: {  	s19 =	simm.s32 $_scs_section_size  }
0x9a: {  	s4 =	simm.s32 $_size__tile_overlayer_lowered;
	s5 =	simm.s32 $_tile_overlayer_lowered  }
0x9b: {  	s22 =	simm.s32 $0x1BFF;
	s21 =	sshll.u32 s5, $0x1;
	s2 =	sadd.s32 s19, s18  }
0x9c: {  	s6 =	simm.s32 $0x0;
	s20 =	sshll.u32 s4, $0x1;
	s4 =	sadd.s32 s21, s2  }
0x9d: {  	[timem:s6], [sflag:s22] =	dma.local [hbm:s4], s20  }
0x9e: {  	_ =	swait.ge [sflag:s22], s20  }
0x9f: {  	s3 =	ssub.s32 $0x0, s20;
	[sflag:s22] =	ssyncset.done $0x0  }
0xa0: {  	[sflag:s22] =	ssyncadd.s32 s3;
	_ =	sdelay $0x1  }
0xa1: {  	s23 =	simm.s32 $0x1B8B  }
0xa2: {  	_ =	swait.ge [sflag:s23], $0x1  }
0xa3: {  	[sflag:s23] =	ssyncset.done $0x0  }
0xa4: {  	s25 =	simm.s32 $0x1B8E;
	s24 =	sld [smem:$0x3FFE];
	[sflag:s23] =	ssyncadd.s32 $0xFFFFFFFF  }
0xa5: {  	s26 =	simm.s32 $execute0_lowered;
	[smem:$0x3FD2] =	sst s25  }
0xa6: {  	s4 =	sshll.u32 s26, $0x1;
	_ =	strace $0x80000049;
	[dreg:$0x1] =	wrdreg $0xFFFFFFFF  }
0xa7: {  	s28 =	simm.s32 $_size_execute0_lowered;
	s2 =	sadd.s32 s2, s4;
	[dreg:$0x0] =	wrdreg $0x0  }
0xa8: {  	s4 =	sshll.u32 s28, $0x1;
	[dreg:$0x2] =	wrdreg s2  }
0xa9: {  	[dreg:$0x3] =	wrdreg s4  }
0xaa: {  	[dreg:$0x4] =	wrdreg $0xC0  }
0xab: {  	_ =	task [dreg:s6], $0x5FFFF  }
0xac: {  	[dreg:$0x1] =	wrdreg $0xFFFFFFFF  }
0xad: {  	[dreg:$0x0] =	wrdreg $0x60  }
0xae: {  	[dreg:$0x2] =	wrdreg s24  }
0xaf: {  	[dreg:$0x3] =	wrdreg $0xE9000  }
0xb0: {  	[dreg:$0x4] =	wrdreg $0xA  }
0xb1: {  	_ =	task.clear_ibuf [dreg:s6], $0x5FFFF;
	_ =	strace $0x90000049  }
0xb2: {  	s29 =	simm.s32 $0xA;
	_ =	strace $0x8000004B  }
0xb3: {  	_ =	swait.ge [sflag:s29], $0x1  }
0xb4: {  	[sflag:s29] =	ssyncadd.s32 $0xFFFFFFFF  }
0xb5: {  	_ =	strace $0x9000004B  }
0xb6: {  	_ =	sfence  }
0xb7: {  	s30 =	sld [smem:$0x0];
	_ =	sdelay $0x2  }
0xb8: {  	s31 =	sshll.u32 s1, $0xD;
	s1 =	sshrl.u32 s1, $0x2  }
0xb9: {  	s3 =	sand.u32 $0x4000, s31;
	s1 =	sadd.s32 s1, s30  }
0xba: {  	s0 =	sor.u32 s3, s0;
	s1 =	sshll.u32 s1, $0x11  }
0xbb: {  	s0 =	sor.u32 s1, s0  }
0xbc: {  	s0 =	sadd.s32 $0x8F2B, s0  }
0xbd: {  	[sflag:s0] =	ssyncadd.remote.s32 $0x1  }
0xbe: {  	_ =	sfence.sel $0xFFFF  }
0xbf: {  	[dreg:$0x0] =	wrdreg $0xFFFFFFFF;
	(pc) =	sbr.abs _section_cstart, $3  }
0xc0: {  	[dreg:$0x1] =	wrdreg $0xFFFFFFFF  }
0xc1: {  	_ =	task.clear_ibuf [dreg:s6], $0x2FFFF;
	_ =	strace $0x9FFFFFFF  }
0xc2: {  	(tm) =	ssettm $0x7FFFFFFF  }
0xc3: {  	_ =	shalt  }
tec
execute0_lowered:
.L_overlay_start_1:
0x0: {  	(tag) =	ssettag $0x1  }
0x1: {  	s0 =	rddreg [dreg:$0x0]  }
0x2: {  	s2 =	rddreg [dreg:$0x1]  }
0x3: {  	s1 =	srdreg.scid;
	s13 =	stileid.u32  }
0x4: {  	s4 =	simm.s32 $0x0;
	s21 =	simm.s32 $0x9;
	s23 =	simm.s32 $0x6900  }
0x5: {  	s24 =	simm.s32 $0x80;
	s25 =	simm.s32 $0x8900;
	s3 =	smul.u32 $0xA000, s13  }
0x6: {  	s1 =	sand.u32 $0x1, s1;
	[smem:$0x7FF] =	sst s4;
	s7 =	smul.u32 $0x690, s13  }
0x7: {  	s4 =	sadd.s32 $0x17000, s0;
	s8 =	sadd.s32 $0x3400, s0;
	s12 =	smul.u32 $0x1A00, s13  }
0x8: {  	p1 =	seq.s32 s13, $0xF;
	p2 =	sne.s32 s13, $0xF;
	s13 =	smul.u32 $0x28000, s13  }
0x9: {  	s9 =	sadd.s32 $0xD200, s0;
	s29 =	sadd.s32 $0xCDC0, s0;
	s5 =	smul.u32 $0xA0000, s1  }
0xa: {  	_ =	strace $0x8000004A;
	s6 =	ssub.s32 $0x2, s1;
	p0 =	seq.s32 s1, $0x0  }
0xb: {  	p6 =	seq.s32 s1, $0x1;
	[dreg:$0x4] =	wrdreg s29;
	s26 =	sshrl.u32 s6, $0x1  }
0xc: {  	s28 =	sadd.s32 s8, s7;
	s7 =	sadd.s32 s9, s7;
	p1 =	por !p1, !p6  }
0xd: {  	s12 =	sshrl.u32 s12, $0x3;
	p2 =	por !p2, !p6;
	s13 =	sshrl.u32 s13, $0x2  }
0xe: {  	s5 =	sadd.s32 s3, s5;
	s11 =	ssub.s32 s6, s26;
	[dreg:$0x3] =	wrdreg s28  }
0xf: {  	s12 =	sadd.s32 $0x6900, s12;
	s30 =	sadd.s32 s13, s2;
	s26 =	simm.s32 $0x1  }
0x10: {  	s5 =	sshrl.u32 s5, $0x3;
	s8 =	sadd.s32 s8, s12;
	s9 =	sadd.s32 s9, s12  }
0x11: {  	s12 =	sadd.s32 s3, s2;
	s13 =	sadd.s32 $0x2000, s30;
	s14 =	sadd.s32 $0x4000, s30  }
0x12: {  	s15 =	sadd.s32 $0x6000, s30;
	s16 =	sadd.s32 $0x8000, s30;
	s20 =	smax.u32 s11, $0x1  }
0x13: {  	s10 =	sadd.s32 s5, s0;
	s5 =	simm.s32 $0x69;
	s0 =	sadd.s32 $0x16BC0, s0  }
0x14: {  	s5 =	simm.s32 @!p0 $0x34;
	p0 =	por !p1, !p1;
	p1 =	por !p2, !p2  }
0x15: {  	[dreg:$0x5] =	wrdreg s0;
	s19 =	sadd.s32 $0x2AA00, s10;
	s31 =	sadd.s32 $0xFFFFFFFF, s5  }
0x16: {  	p2 =	sne.s32 s1, $0x0;
	s17 =	sand.u32 $0x1, s5;
	s3 =	sand.u32 $0x3, s31  }
0x17: {  	v0 =	vimm.s32 $0x0;
	v1 =	vimm.s32 $0x2718;
	v2 =	vimm.f32 $0.0e+00;
	s17 =	sadd.s32 $0x7, s17;
	s18 =	sadd.s32 $0x5, s3;
	s3 =	simm.s32 $0x0  }
.LBB2_1:
0x18: {  	s1 =	simm.s32 @!p2 $0x0;
	s0 =	rddreg [dreg:$0x3];
	s10 =	simm.s32 @!p2 $0x9  }
0x19: {  	[tilespmem:s1], [sflag:$0x9] =	stream.linear.gather @!p2 [hbm4b:s0+s1], $0x3480, $0x38;
	[tilespmem:$0x18900] =	vst v63  }
0x1a: {  	_ =	swait.ge @!p2 [sflag:s10], $0x3480  }
0x1b: {  	[sflag:s10] =	ssyncset.done @!p2 $0x0  }
0x1c: {  	s11 =	simm.s32 @!p2 $0x3480;
	[sflag:s10] =	ssyncadd.s32 @!p2 $0xFFFFCB80  }
0x1d: {  	[tilespmem:s11], [sflag:$0x9] =	stream.linear.gather @!p2 [hbm4b:s7+s1], $0x3480, $0x38;
	[tilespmem:$0x18900] =	vst v63  }
0x1e: {  	_ =	swait.ge @!p2 [sflag:s10], $0x3480  }
0x1f: {  	[sflag:s10] =	ssyncset.done @!p2 $0x0  }
0x20: {  	s1 =	simm.s32 @p1 $0x0;
	[sflag:s10] =	ssyncadd.s32 @!p2 $0xFFFFCB80;
	s10 =	simm.s32 @p1 $0x9  }
0x21: {  	[tilespmem:s1], [sflag:$0x9] =	stream.linear.gather @p1 [hbm4b:s8+s1], $0x1A00, $0x38;
	[tilespmem:$0x18900] =	vst v63  }
0x22: {  	_ =	swait.ge @p1 [sflag:s10], $0x1A00  }
0x23: {  	[sflag:s10] =	ssyncset.done @p1 $0x0  }
.Ltmp0:
0x24: {  	s11 =	simm.s32 @p1 $0x3480;
	[sflag:s10] =	ssyncadd.s32 @p1 $0xFFFFE600;
	(pc) =	sbr.rel @!p0 .LBB2_5-.Ltmp0, $4  }
0x25: {  	[tilespmem:s11], [sflag:$0x9] =	stream.linear.gather @p1 [hbm4b:s9+s1], $0x1A00, $0x38;
	[tilespmem:$0x18900] =	vst v63  }
0x26: {  	_ =	swait.ge @p1 [sflag:s10], $0x1A00  }
0x27: {  	[sflag:s10] =	ssyncset.done @p1 $0x0  }
0x28: {  	[sflag:s10] =	ssyncadd.s32 @p1 $0xFFFFE600  }
0x29: {  	s10 =	simm.s32 $0x0;
	s0 =	rddreg [dreg:$0x4]  }
0x2a: {  	[tilespmem:s10], [sflag:$0x9] =	stream.linear.gather [hbm4b:s0+s10], $0x1400, $0x38;
	[tilespmem:$0x18900] =	vst v63  }
0x2b: {  	_ =	swait.ge [sflag:s21], $0x1400  }
0x2c: {  	[sflag:s21] =	ssyncset.done $0x0  }
0x2d: {  	s1 =	simm.s32 $0x3480;
	s31 =	rddreg [dreg:$0x5];
	[sflag:s21] =	ssyncadd.s32 $0xFFFFEC00  }
0x2e: {  	[tilespmem:s1], [sflag:$0x9] =	stream.linear.gather [hbm4b:s31+s10], $0x1400, $0x38;
	[tilespmem:$0x18900] =	vst v63  }
0x2f: {  	_ =	swait.ge [sflag:s21], $0x1400  }
0x30: {  	[sflag:s21] =	ssyncset.done $0x0  }
0x31: {  	s1 =	simm.s32 $0x10;
	s10 =	sand.u32 $0x7F0, s10;
	[sflag:s21] =	ssyncadd.s32 $0xFFFFEC00  }
.LBB2_3:
0x32: {  	p3 =	sne.s32 s1, $0x5F0;
	[tilespmem:s10+$0x1400] =	vst v0;
	s11 =	smov.u32 s1;
	s1 =	sadd.s32 $0x10, s1  }
.Ltmp1:
0x33: {  	[tilespmem:s10+$0x4880] =	vst v1;
	(pc) =	sbr.rel @p3 .LBB2_3-.Ltmp1, $2  }
0x34: {  	_ =	sdelay $0x2  }
0x35: {  	s10 =	sand.u32 $0x7F0, s11  }
0x36: {  	[tilespmem:s10+$0x1400] =	vst v0  }
0x37: {  	[tilespmem:s10+$0x4880] =	vst v1  }
.LBB2_5:
0x38: {  	s1 =	simm.s32 $0x0  }
0x39: {  	s10 =	sand.u32 $0x7F00, s1  }
0x3a: {  	s11 =	sand.u32 $0x30, s1;
	s28 =	sshrl.u32 s10, $0x2  }
0x3b: {  	s10 =	simm.s32 $0x40;
	s11 =	sor.u32 s11, s28  }
.LBB2_6:
0x3c: {  	p3 =	sne.s32 s10, $0x7FC0  }
0x3d: {  	[tilespmem:s11+$0x6900] =	vst v2;
	s1 =	sadd.s32 $0x10, s1;
	s11 =	smov.u32 s10;
	s10 =	sadd.s32 $0x40, s10  }
.Ltmp2:
0x3e: {  	(pc) =	sbr.rel @p3 .LBB2_6-.Ltmp2, $4  }
0x3f: {  	_ = 	snop  }
0x40: {  	s11 =	sand.u32 $0x7F00, s11  }
0x41: {  	s28 =	sand.u32 $0x30, s1;
	s11 =	sshrl.u32 s11, $0x2  }
0x42: {  	s11 =	sor.u32 s28, s11  }
0x43: {  	[tilespmem:s11+$0x6900] =	vst v2  }
0x44: {  	[spmem:s12] =	stream.linear.scatter [tilespmem:s23], [sflag:$0x9], $0x2000, $0x38;
	[tilespmem:$0x18900] =	vst v63  }
0x45: {  	_ =	swait.ge [sflag:s21], $0x2000  }
0x46: {  	[sflag:s21] =	ssyncset.done $0x0  }
0x47: {  	[sflag:s21] =	ssyncadd.s32 $0xFFFFE000  }
0x48: {  	[spmem:s13] =	stream.linear.scatter [tilespmem:s23], [sflag:$0x9], $0x2000, $0x38;
	[tilespmem:$0x18900] =	vst v63  }
0x49: {  	_ =	swait.ge [sflag:s21], $0x2000  }
0x4a: {  	[sflag:s21] =	ssyncset.done $0x0  }
0x4b: {  	[sflag:s21] =	ssyncadd.s32 $0xFFFFE000  }
0x4c: {  	[spmem:s14] =	stream.linear.scatter [tilespmem:s23], [sflag:$0x9], $0x2000, $0x38;
	[tilespmem:$0x18900] =	vst v63  }
0x4d: {  	_ =	swait.ge [sflag:s21], $0x2000  }
0x4e: {  	[sflag:s21] =	ssyncset.done $0x0  }
0x4f: {  	[sflag:s21] =	ssyncadd.s32 $0xFFFFE000  }
0x50: {  	[spmem:s15] =	stream.linear.scatter [tilespmem:s23], [sflag:$0x9], $0x2000, $0x38;
	[tilespmem:$0x18900] =	vst v63  }
0x51: {  	_ =	swait.ge [sflag:s21], $0x2000  }
0x52: {  	[sflag:s21] =	ssyncset.done $0x0  }
0x53: {  	[sflag:s21] =	ssyncadd.s32 $0xFFFFE000  }
0x54: {  	[spmem:s16] =	stream.linear.scatter [tilespmem:s23], [sflag:$0x9], $0x2000, $0x38;
	[tilespmem:$0x18900] =	vst v63  }
0x55: {  	_ =	swait.ge [sflag:s21], $0x2000  }
0x56: {  	[sflag:s21] =	ssyncset.done $0x0  }
0x57: {  	[sflag:s21] =	ssyncadd.s32 $0xFFFFE000  }
0x58: {  	s0 =	simm.s32 $0x0;
	[bflag:$0x0] =	sbarrier.arrive $0xFFFF  }
0x59: {  	[tilespmem:s23], [sflag:$0x1] =	stream.indirect.gather [hbm4b:s4+s24], $0x40, s0, s24, $0xb8;
	[tilespmem:$0x18900] =	vst v63  }
0x5a: {  	_ = 	snop  }
0x5b: {  	[tilespmem:s25], [sflag:$0x2] =	stream.indirect.gather [hbm4b:s4+s24], $0x40, s24, s24, $0xb8;
	[tilespmem:$0x18900] =	vst v63  }
0x5c: {  	_ =	swait.ge [sflag:s26], $0x2000  }
0x5d: {  	[sflag:s26] =	ssyncset.done $0x0  }
0x5e: {  	s31 =	simm.s32 $0x100;
	s1 =	simm.s32 $0xA900;
	[sflag:s26] =	ssyncadd.s32 $0xFFFFE000  }
0x5f: {  	[tilespmem:s1], [sflag:$0x3] =	stream.indirect.gather [hbm4b:s4+s24], $0x40, s31, s24, $0xb8;
	[tilespmem:$0x18900] =	vst v63  }
0x60: {  	s6 =	simm.s32 $0x3480;
	s10 =	simm.s32 $0x2  }
0x61: {  	[spmem:s2] =	stream.indirect.scatter.add.f32 [tilespmem:s23], [sflag:$0x5], $0x40, s6, s24, $0xb8;
	[tilespmem:$0x18900] =	vst v63  }
0x62: {  	_ =	swait.ge [sflag:s10], $0x2000  }
0x63: {  	s11 =	simm.s32 $0x180;
	[sflag:s10] =	ssyncset.done $0x0  }
0x64: {  	s28 =	sand.u32 $0x3, s10;
	s6 =	simm.s32 $0xC900;
	[sflag:s10] =	ssyncadd.s32 $0xFFFFE000  }
0x65: {  	[tilespmem:s6], [sflag:$0x4] =	stream.indirect.gather [hbm4b:s4+s24], $0x40, s11, s24, $0xb8;
	[tilespmem:$0x18900] =	vst v63  }
0x66: {  	s22 =	simm.s32 $0x3500;
	s1 =	sadd.s32 $0x1, s28  }
0x67: {  	[spmem:s2] =	stream.indirect.scatter.add.f32 [tilespmem:s25], [sflag:$0x6], $0x40, s22, s24, $0xb8;
	[tilespmem:$0x18900] =	vst v63  }
0x68: {  	_ =	swait.ge [sflag:s1], $0x2000  }
0x69: {  	p3 =	sle.u32 s5, $0x4;
	s10 =	sxor.u32 $0x2, s28;
	[sflag:s1] =	ssyncset.done $0x0  }
0x6a: {  	s11 =	simm.s32 $0x4;
	s31 =	sadd.s32 $0x5, s10;
	[sflag:s1] =	ssyncadd.s32 $0xFFFFE000  }
0x6b: {  	s10 =	simm.s32 $0x200;
	s11 =	sand.u32 @!p3 $0x3, s11;
	_ =	swait.ge [sflag:s31], $0x2000  }
0x6c: {  	s29 =	sshll.u32 @!p3 s11, $0xD;
	s11 =	sadd.s32 @!p3 $0x1, s11;
	[sflag:s31] =	ssyncset.done $0x0  }
0x6d: {  	s1 =	sadd.s32 @!p3 $0x6900, s29;
	s29 =	simm.s32 @!p3 $0x80;
	[sflag:s31] =	ssyncadd.s32 $0xFFFFE000  }
0x6e: {  	[tilespmem:s1], [sflag:s11] =	stream.indirect.gather @!p3 [hbm4b:s4+s29], $0x40, s10, s29, $0xb8;
	[tilespmem:$0x18900] =	vst v63  }
0x6f: {  	p3 =	sne.s32 s5, $0x3  }
.Ltmp3:
0x70: {  	_ = 	snop;
	(pc) =	sbr.rel @!p3 .LBB2_9-.Ltmp3, $4  }
0x71: {  	_ = 	snop  }
0x72: {  	s30 =	sadd.s32 $0x5, s28  }
0x73: {  	s11 =	simm.s32 $0x3580;
	s10 =	simm.s32 $0x3;
	s29 =	sshll.u32 s28, $0xD  }
0x74: {  	s1 =	simm.s32 $0x280;
	s28 =	simm.s32 $0x3600;
	s29 =	sadd.s32 $0x6900, s29  }
.LBB2_8:
0x75: {  	[spmem:s2] =	stream.indirect.scatter.add.f32 [tilespmem:s29], [sflag:s30], $0x40, s11, s24, $0xb8;
	[tilespmem:$0x18900] =	vst v63  }
0x76: {  	s29 =	smov.u32 s10;
	s30 =	smov.u32 s1;
	s11 =	smov.u32 s28  }
0x77: {  	s10 =	sadd.s32 $0x1, s10;
	s31 =	sand.u32 $0x3, s29  }
0x78: {  	s0 =	sshll.u32 s31, $0xD;
	s22 =	sadd.s32 $0x1, s31;
	s6 =	sxor.u32 $0x2, s31  }
0x79: {  	p3 =	sne.s32 s5, s10;
	_ =	swait.ge [sflag:s22], $0x2000  }
0x7a: {  	s1 =	sadd.s32 $0x80, s1;
	s29 =	sadd.s32 $0x2, s29;
	[sflag:s22] =	ssyncset.done $0x0  }
0x7b: {  	p4 =	sge.u32 s29, s5;
	s6 =	sadd.s32 $0x5, s6;
	[sflag:s22] =	ssyncadd.s32 $0xFFFFE000  }
.Ltmp4:
0x7c: {  	s22 =	sand.u32 @!p4 $0x3, s29;
	_ =	swait.ge [sflag:s6], $0x2000;
	(pc) =	sbr.rel @p3 .LBB2_8-.Ltmp4, $4  }
0x7d: {  	s29 =	sshll.u32 @!p4 s22, $0xD;
	s22 =	sadd.s32 @!p4 $0x1, s22;
	[sflag:s6] =	ssyncset.done $0x0  }
0x7e: {  	[sflag:s6] =	ssyncadd.s32 $0xFFFFE000;
	s6 =	sadd.s32 @!p4 $0x6900, s29;
	s29 =	simm.s32 @!p4 $0x80  }
0x7f: {  	[tilespmem:s6], [sflag:s22] =	stream.indirect.gather @!p4 [hbm4b:s4+s29], $0x40, s30, s29, $0xb8;
	[tilespmem:$0x18900] =	vst v63  }
0x80: {  	s28 =	sadd.s32 $0x80, s28;
	s29 =	sadd.s32 $0x6900, s0;
	s30 =	sadd.s32 $0x5, s31  }
.LBB2_9:
0x81: {  	[spmem:s2] =	stream.indirect.scatter.add.f32 [tilespmem:s29], [sflag:s30], $0x40, s11, s24, $0xb8;
	[tilespmem:$0x18900] =	vst v63  }
0x82: {  	_ =	swait.ge [sflag:s17], $0x2000  }
0x83: {  	[sflag:s17] =	ssyncset.done $0x0  }
0x84: {  	[sflag:s17] =	ssyncadd.s32 $0xFFFFE000  }
0x85: {  	s0 =	stileid.u32;
	_ =	swait.ge [sflag:s18], $0x2000  }
0x86: {  	s1 =	sshrl.u32 s12, $0x3;
	s3 =	sadd.s32 $0x1, s3;
	[sflag:s18] =	ssyncset.done $0x0  }
0x87: {  	s0 =	sshll.u32 s0, $0x6;
	p3 =	sne.s32 s3, s20;
	[sflag:s18] =	ssyncadd.s32 $0xFFFFE000  }
.Ltmp5:
0x88: {  	s0 =	sor.u32 $0x1C09, s0;
	[bflag:$0x0] =	sbarrier.arrive $0xFFFF;
	(pc) =	sbr.rel @p3 .LBB2_1-.Ltmp5, $4  }
0x89: {  	[hbm:s19], [sflag:s0] =	dma.local [spmem:s1], $0x1400  }
0x8a: {  	_ =	swait.ge [sflag:s21], $0x1400  }
0x8b: {  	[sflag:s21] =	ssyncset.done $0x0  }
0x8c: {  	[sflag:s21] =	ssyncadd.s32 $0xFFFFEC00  }
0x8d: {  	_ =	sfence.sel $0x180000  }
0x8e: {  	[bflag:$0x0] =	sbarrier.arrive $0xFFFF  }
0x8f: {  	_ =	strace $0x9000004A  }
0x90: {  	s0 =	stileid.u32;
	[bflag:$0x2] =	sbarrier.arrive $0xFFFF  }
0x91: {  	p0 =	sne.s32 s0, $0x0;
	s0 =	rddreg [dreg:$0x2]  }
0x92: {  	s0 =	sadd.s32 @!p0 $0x100000, s0  }
0x93: {  	[sflag:s0] =	ssyncadd.tile.s32 @!p0 $0x1;
	_ =	shalt  }
.Lfunc_end2:
_tile_overlayer_lowered:
.L_overlay_start_2:
0x94: {  	(tag) =	ssettag $0x2  }
0x95: {  	s0 =	rddreg [dreg:$0x0];
	s2 =	stileid.u32  }
0x96: {  	s1 =	rddreg [dreg:$0x1];
	p0 =	sne.s32 s2, $0x0  }
0x97: {  	s3 =	rddreg [dreg:$0x2];
	[bflag:$0x3] =	sbarrier.arrive $0xFFFF;
	s2 =	simm.s32 @!p0 $0x1C09  }
0x98: {  	[timem:s3], [sflag:s2] =	dma.local @!p0 [hbm:s0], s1  }
0x99: {  	s0 =	simm.s32 @!p0 $0x9  }
0x9a: {  	_ =	swait.ge @!p0 [sflag:s0], s1  }
0x9b: {  	s1 =	ssub.s32 @!p0 $0x0, s1;
	[sflag:s0] =	ssyncset.done @!p0 $0x0  }
0x9c: {  	[sflag:s0] =	ssyncadd.s32 @!p0 s1  }
0x9d: {  	[bflag:$0x3] =	sbarrier.arrive $0xFFFF  }
0x9e: {  	_ =	shalt  }

// kernel: kernel.24.cloned.1.call-start
scs
__scs_entry_jumppad:
0x0: {  	(pc) =	sbr.rel $0x88, $3  }
0x1: {  	(tag) =	ssettag $0x0;
	lr =	simm.s32 $0x1  }
0x2: {  	[smem:$0x3F97] =	sst lr;
	_ =	strace $0xD0000000  }
0x3: {  	_ = 	snop  }
0x4: {  	_ = 	snop  }
0x5: {  	_ = 	snop  }
0x6: {  	_ = 	snop  }
0x7: {  	_ = 	snop  }
__scs_overlays_trampoline_lowered:
0x8: {  	[smem:$0x3FA6] =	sst s0  }
0x9: {  	[smem:$0x3FA7] =	sst s1  }
0xa: {  	[smem:$0x3FA8] =	sst s2  }
0xb: {  	[smem:$0x3FA9] =	sst s3  }
0xc: {  	[smem:$0x3FAA] =	sst s4  }
0xd: {  	[smem:$0x3FAB] =	sst s5  }
0xe: {  	[smem:$0x3FAC] =	sst s6  }
0xf: {  	[smem:$0x3FAD] =	sst s7  }
0x10: {  	[smem:$0x3FAE] =	sst s8  }
0x11: {  	[smem:$0x3FAF] =	sst s9;
	s0 =	simm.s32 @!p0 $0x0  }
0x12: {  	s1 =	sld [smem:$0x3F95];
	s0 =	simm.s32 @p0 $0x1  }
0x13: {  	[smem:$0x3FB0] =	sst s0;
	s0 =	simm.s32 @!p1 $0x0  }
0x14: {  	s2 =	sld [smem:$0x3F94];
	s0 =	simm.s32 @p1 $0x1  }
0x15: {  	[smem:$0x3FB1] =	sst s0;
	s0 =	simm.s32 @!p2 $0x0  }
0x16: {  	s3 =	sld [smem:$0x3FDB];
	s0 =	simm.s32 @p2 $0x1  }
0x17: {  	s4 =	simm.s32 $0x1BF5;
	[smem:$0x3FB3] =	sst s0  }
0x18: {  	s0 =	sld [smem:$0x3F96];
	_ =	swait.ge [sflag:s4], $0x0  }
0x19: {  	s7 =	sld [smem:$0x3F97]  }
0x1a: {  	s8 =	sadd.s32 $0xFFFFE003, lr  }
0x1b: {  	s9 =	sadd.s32 $0xFFFFFEF7, lr;
	s5 =	simm.s32 $0xFFFFFFFF;
	p2 =	slt.u32 s8, $0xFFFFF086  }
0x1c: {  	p1 =	slt.u32 s9, $0xF7A;
	s5 =	simm.s32 @!p2 $0x0  }
0x1d: {  	s5 =	simm.s32 @p1 $0x1;
	p0 =	seq.s32 s7, s2  }
0x1e: {  	s7 =	smul.u32 @!p0 $0xF7A, s2;
	p2 =	seq.s32 @!p0 s5, $0x0  }
0x1f: {  	s9 =	smul.u32 $0xF7A, s1;
	s8 =	simm.s32 @!p0 $0x1BF5;
	p2 =	por !p2, p0  }
0x20: {  	[sflag:s8] =	ssyncset.s32 @!p0 $0xFFFFF086;
	s6 =	sadd.s32 @!p0 s3, s7;
	s7 =	simm.s32 @!p0 $0x108  }
0x21: {  	s3 =	sadd.s32 s3, s9;
	s6 =	sadd.s32 @!p0 $0x88, s6;
	s7 =	simm.s32 @p2 $0x1082  }
0x22: {  	[simem:s7], [sflag:s8] =	dma.local @!p0 [hbm:s6], $0xF7A  }
0x23: {  	s9 =	sor.u32 $0xD0000000, s2;
	s6 =	simm.s32 $0x108;
	_ =	swait.ge @!p0 [sflag:s8], $0x0  }
0x24: {  	s3 =	sadd.s32 $0x88, s3;
	s6 =	simm.s32 @!p1 $0x1082;
	[sflag:s4] =	ssyncset.s32 $0xFFFFF086  }
0x25: {  	[simem:s6], [sflag:s4] =	dma.local [hbm:s3], $0xF7A  }
0x26: {  	[smem:$0x3F97] =	sst s1;
	(tag) =	ssettag s2;
	_ =	strace s9  }
0x27: {  	s1 =	sld [smem:$0x3FA7]  }
0x28: {  	s2 =	sld [smem:$0x3FA8]  }
0x29: {  	s4 =	sld [smem:$0x3FAA]  }
0x2a: {  	p0 =	seq.s32 s5, $0x0;
	s5 =	sld [smem:$0x3FAB]  }
0x2b: {  	s6 =	sld [smem:$0x3FAC]  }
0x2c: {  	s7 =	sld [smem:$0x3FAD]  }
0x2d: {  	s3 =	simm.s32 $0x108;
	s8 =	sld [smem:$0x3FAE]  }
0x2e: {  	s3 =	simm.s32 @!p0 $0x1082;
	s9 =	sld [smem:$0x3FAF]  }
0x2f: {  	lr =	sadd.s32 s0, s3;
	s0 =	sld [smem:$0x3FA6]  }
0x30: {  	s3 =	sld [smem:$0x3FA9]  }
0x31: {  	[smem:$0x3FB2] =	sst s10  }
0x32: {  	s10 =	sld [smem:$0x3FB0];
	_ =	sdelay $0x3  }
0x33: {  	p0 =	seq.s32 s10, $0x1;
	s10 =	sld [smem:$0x3FB2];
	_ =	sdelay $0x3  }
0x34: {  	[smem:$0x3FB2] =	sst s10  }
0x35: {  	s10 =	sld [smem:$0x3FB1];
	_ =	sdelay $0x3  }
0x36: {  	p1 =	seq.s32 s10, $0x1;
	s10 =	sld [smem:$0x3FB2];
	_ =	sdelay $0x3  }
0x37: {  	[smem:$0x3FB2] =	sst s10  }
0x38: {  	s10 =	sld [smem:$0x3FB3]  }
0x39: {  	_ = 	snop;
	(pc) =	sbr.ind lr, $3  }
0x3a: {  	_ = 	snop  }
0x3b: {  	_ = 	snop  }
0x3c: {  	p2 =	seq.s32 s10, $0x1;
	s10 =	sld [smem:$0x3FB2]  }
0x3d: {  	_ =	shalt  }
0x3e: {  	_ =	shalt  }
0x3f: {  	_ =	shalt  }
0x40: {  	_ =	shalt  }
0x41: {  	_ =	shalt  }
0x42: {  	_ =	shalt  }
0x43: {  	_ =	shalt  }
0x44: {  	_ =	shalt  }
0x45: {  	_ =	shalt  }
0x46: {  	_ =	shalt  }
0x47: {  	_ =	shalt  }
0x48: {  	_ =	shalt  }
0x49: {  	_ =	shalt  }
0x4a: {  	_ =	shalt  }
0x4b: {  	_ =	shalt  }
0x4c: {  	_ =	shalt  }
0x4d: {  	_ =	shalt  }
0x4e: {  	_ =	shalt  }
0x4f: {  	_ =	shalt  }
0x50: {  	_ =	shalt  }
0x51: {  	_ =	shalt  }
0x52: {  	_ =	shalt  }
0x53: {  	_ =	shalt  }
0x54: {  	_ =	shalt  }
0x55: {  	_ =	shalt  }
0x56: {  	_ =	shalt  }
0x57: {  	_ =	shalt  }
0x58: {  	_ =	shalt  }
0x59: {  	_ =	shalt  }
0x5a: {  	_ =	shalt  }
0x5b: {  	_ =	shalt  }
0x5c: {  	_ =	shalt  }
0x5d: {  	_ =	shalt  }
0x5e: {  	_ =	shalt  }
0x5f: {  	_ =	shalt  }
0x60: {  	_ =	shalt  }
0x61: {  	_ =	shalt  }
0x62: {  	_ =	shalt  }
0x63: {  	_ =	shalt  }
0x64: {  	_ =	shalt  }
0x65: {  	_ =	shalt  }
0x66: {  	_ =	shalt  }
0x67: {  	_ =	shalt  }
0x68: {  	_ =	shalt  }
0x69: {  	_ =	shalt  }
0x6a: {  	_ =	shalt  }
0x6b: {  	_ =	shalt  }
0x6c: {  	_ =	shalt  }
0x6d: {  	_ =	shalt  }
0x6e: {  	_ =	shalt  }
0x6f: {  	_ =	shalt  }
0x70: {  	_ =	shalt  }
0x71: {  	_ =	shalt  }
0x72: {  	_ =	shalt  }
0x73: {  	_ =	shalt  }
0x74: {  	_ =	shalt  }
0x75: {  	_ =	shalt  }
0x76: {  	_ =	shalt  }
0x77: {  	_ =	shalt  }
0x78: {  	_ =	shalt  }
0x79: {  	_ =	shalt  }
0x7a: {  	_ =	shalt  }
0x7b: {  	_ =	shalt  }
0x7c: {  	_ =	shalt  }
0x7d: {  	_ =	shalt  }
0x7e: {  	_ =	shalt  }
0x7f: {  	_ =	shalt  }
0x80: {  	_ =	shalt  }
0x81: {  	_ =	shalt  }
0x82: {  	_ =	shalt  }
0x83: {  	_ =	shalt  }
0x84: {  	_ =	shalt  }
0x85: {  	_ =	shalt  }
0x86: {  	_ =	shalt  }
0x87: {  	_ =	shalt  }
.Lfunc_end0:
.L_simem_size_0:
called_computation.4_lowered:
.L_overlay_start_0:
0x88: {  	s2 =	sld [smem:$0x3FD9]  }
0x89: {  	s3 =	sld [smem:$0x3FFE];
	_ =	sdelay $0x1  }
0x8a: {  	s1 =	srdreg.scid  }
0x8b: {  	s0 =	sand.u32 $0x1, s1  }
0x8c: {  	s17 =	sshll.u32 s0, $0xA;
	s2 =	sadd.s32 s3, s2  }
0x8d: {  	s2 =	sadd.s32 s2, s17  }
0x8e: {  	[smem:$0x3FBE] =	sst s2  }
0x8f: {  	_ = 	snop  }
0x90: {  	(tm) =	ssettm $0x1  }
0x91: {  	s18 =	sld [smem:$0x3FFB];
	_ =	sdelay $0x3  }
0x92: {  	_ =	strace s18  }
0x93: {  	s2 =	sld [smem:$0x3FFC];
	_ =	sdelay $0x3  }
0x94: {  	_ =	strace s2  }
0x95: {  	s2 =	sld [smem:$0x3FFD];
	_ =	sdelay $0x3  }
0x96: {  	_ =	strace s2  }
0x97: {  	_ =	strace $0x8FFFFFFF  }
0x98: {  	s19 =	sld [smem:$0x3FDB];
	_ =	sdelay $0x1  }
0x99: {  	s20 =	simm.s32 $_scs_section_size  }
0x9a: {  	s4 =	simm.s32 $_size__tile_overlayer_lowered;
	s5 =	simm.s32 $_tile_overlayer_lowered  }
0x9b: {  	s6 =	simm.s32 $0x1BFF;
	s21 =	sshll.u32 s5, $0x1;
	s3 =	sadd.s32 s20, s19  }
0x9c: {  	s22 =	simm.s32 $0x0;
	s4 =	sshll.u32 s4, $0x1;
	s5 =	sadd.s32 s21, s3  }
0x9d: {  	[timem:s22], [sflag:s6] =	dma.local [hbm:s5], s4  }
0x9e: {  	_ =	swait.ge [sflag:s6], s4  }
0x9f: {  	s4 =	ssub.s32 $0x0, s4;
	[sflag:s6] =	ssyncset.done $0x0  }
0xa0: {  	[sflag:s6] =	ssyncadd.s32 s4;
	_ =	sdelay $0x1  }
0xa1: {  	s23 =	simm.s32 $0x1B8B  }
0xa2: {  	_ =	swait.ge [sflag:s23], $0x1  }
0xa3: {  	[sflag:s23] =	ssyncset.done $0x0  }
0xa4: {  	[sflag:s23] =	ssyncadd.s32 $0xFFFFFFFF  }
0xa5: {  	s4 =	sld [smem:$0x0]  }
0xa6: {  	s5 =	sand.u32 $0xFFFFFFFE, s1  }
0xa7: {  	p0 =	sne.s32 s1, s5  }
0xa8: {  	s5 =	sshll.u32 @p0 s5, $0xE  }
0xa9: {  	s5 =	sadd.s32 @p0 $0x11B8D, s5;
	s6 =	sshll.u32 @p0 s4, $0x11  }
0xaa: {  	s5 =	sor.u32 @p0 s6, s5  }
0xab: {  	[sflag:s5] =	ssyncadd.remote.s32 @p0 $0x1;
	_ =	sdelay $0x1  }
0xac: {  	s5 =	simm.s32 @p0 $0x1B8D  }
0xad: {  	_ =	swait.eq @p0 [sflag:s5], $0x1  }
0xae: {  	[sflag:s5] =	ssyncadd.s32 @p0 $0xFFFFFFFF  }
0xaf: {  	s6 =	sshll.u32 @!p0 s1, $0xE  }
0xb0: {  	s6 =	sor.u32 @!p0 $0x4000, s6;
	s5 =	simm.s32 @!p0 $0x1B8D  }
0xb1: {  	s4 =	sshll.u32 @!p0 s4, $0x11;
	s6 =	sadd.s32 @!p0 $0x11B8D, s6;
	_ =	swait.eq @!p0 [sflag:s5], $0x1  }
0xb2: {  	s4 =	sor.u32 @!p0 s4, s6;
	[sflag:s5] =	ssyncadd.s32 @!p0 $0xFFFFFFFF  }
0xb3: {  	s25 =	simm.s32 $0x1B8E;
	s24 =	sld [smem:$0x3FFE];
	[sflag:s4] =	ssyncadd.remote.s32 @!p0 $0x1  }
0xb4: {  	s26 =	simm.s32 $execute0_lowered;
	[smem:$0x3FD2] =	sst s25  }
0xb5: {  	s5 =	sshll.u32 s26, $0x1;
	_ =	strace $0x8000004F;
	[dreg:$0x1] =	wrdreg $0xFFFFFFFF  }
0xb6: {  	s28 =	simm.s32 $_size_execute0_lowered;
	s3 =	sadd.s32 s3, s5;
	[dreg:$0x0] =	wrdreg $0x0  }
0xb7: {  	s5 =	sshll.u32 s28, $0x1;
	[dreg:$0x2] =	wrdreg s3  }
0xb8: {  	[dreg:$0x3] =	wrdreg s5  }
0xb9: {  	[dreg:$0x4] =	wrdreg $0xC0  }
0xba: {  	_ =	task [dreg:s22], $0x5FFFF  }
0xbb: {  	[dreg:$0x1] =	wrdreg $0xFFFFFFFF  }
0xbc: {  	[dreg:$0x0] =	wrdreg $0x60  }
0xbd: {  	[dreg:$0x2] =	wrdreg s24  }
0xbe: {  	[dreg:$0x3] =	wrdreg $0xE9000  }
0xbf: {  	[dreg:$0x4] =	wrdreg $0xA  }
0xc0: {  	_ =	task.clear_ibuf [dreg:s22], $0x5FFFF;
	_ =	strace $0x9000004F  }
0xc1: {  	s29 =	simm.s32 $0xA;
	_ =	strace $0x80000051  }
0xc2: {  	_ =	swait.ge [sflag:s29], $0x1  }
0xc3: {  	[sflag:s29] =	ssyncadd.s32 $0xFFFFFFFF  }
0xc4: {  	_ =	strace $0x90000051  }
0xc5: {  	_ =	sfence  }
0xc6: {  	s30 =	sld [smem:$0x0];
	_ =	sdelay $0x2  }
0xc7: {  	s31 =	sshll.u32 s1, $0xD;
	s1 =	sshrl.u32 s1, $0x2  }
0xc8: {  	s4 =	sand.u32 $0x4000, s31;
	s1 =	sadd.s32 s1, s30  }
0xc9: {  	s0 =	sor.u32 s4, s0;
	s1 =	sshll.u32 s1, $0x11  }
0xca: {  	s0 =	sor.u32 s1, s0  }
0xcb: {  	s0 =	sadd.s32 $0x8F2B, s0  }
0xcc: {  	[sflag:s0] =	ssyncadd.remote.s32 $0x1  }
0xcd: {  	_ =	sfence.sel $0xFFFF  }
0xce: {  	[dreg:$0x0] =	wrdreg $0xFFFFFFFF;
	(pc) =	sbr.abs _section_cstart, $3  }
0xcf: {  	[dreg:$0x1] =	wrdreg $0xFFFFFFFF  }
0xd0: {  	_ =	task.clear_ibuf [dreg:s22], $0x2FFFF;
	_ =	strace $0x9FFFFFFF  }
0xd1: {  	(tm) =	ssettm $0x7FFFFFFF  }
tec
execute0_lowered:
.L_overlay_start_1:
0x0: {  	(tag) =	ssettag $0x1  }
0x1: {  	s0 =	rddreg [dreg:$0x0]  }
0x2: {  	s2 =	rddreg [dreg:$0x1]  }
0x3: {  	s1 =	srdreg.scid;
	s13 =	stileid.u32  }
0x4: {  	s4 =	simm.s32 $0x0;
	s21 =	simm.s32 $0x9;
	s23 =	simm.s32 $0x6900  }
0x5: {  	s24 =	simm.s32 $0x80;
	s25 =	simm.s32 $0x8900;
	s3 =	smul.u32 $0xA000, s13  }
0x6: {  	s1 =	sand.u32 $0x1, s1;
	[smem:$0x7FF] =	sst s4;
	s7 =	smul.u32 $0x690, s13  }
0x7: {  	s4 =	sadd.s32 $0x17000, s0;
	s8 =	sadd.s32 $0x3400, s0;
	s12 =	smul.u32 $0x1A00, s13  }
0x8: {  	p1 =	seq.s32 s13, $0xF;
	p2 =	sne.s32 s13, $0xF;
	s13 =	smul.u32 $0x28000, s13  }
0x9: {  	s9 =	sadd.s32 $0xD200, s0;
	s29 =	sadd.s32 $0xCDC0, s0;
	s5 =	smul.u32 $0xA0000, s1  }
0xa: {  	_ =	strace $0x80000050;
	s6 =	ssub.s32 $0x2, s1;
	p0 =	seq.s32 s1, $0x0  }
0xb: {  	p6 =	seq.s32 s1, $0x1;
	[dreg:$0x4] =	wrdreg s29;
	s26 =	sshrl.u32 s6, $0x1  }
0xc: {  	s28 =	sadd.s32 s8, s7;
	s7 =	sadd.s32 s9, s7;
	p1 =	por !p1, !p6  }
0xd: {  	s12 =	sshrl.u32 s12, $0x3;
	p2 =	por !p2, !p6;
	s13 =	sshrl.u32 s13, $0x2  }
0xe: {  	s5 =	sadd.s32 s3, s5;
	s11 =	ssub.s32 s6, s26;
	[dreg:$0x3] =	wrdreg s28  }
0xf: {  	s12 =	sadd.s32 $0x6900, s12;
	s30 =	sadd.s32 s13, s2;
	s26 =	simm.s32 $0x1  }
0x10: {  	s5 =	sshrl.u32 s5, $0x3;
	s8 =	sadd.s32 s8, s12;
	s9 =	sadd.s32 s9, s12  }
0x11: {  	s12 =	sadd.s32 s3, s2;
	s13 =	sadd.s32 $0x2000, s30;
	s14 =	sadd.s32 $0x4000, s30  }
0x12: {  	s15 =	sadd.s32 $0x6000, s30;
	s16 =	sadd.s32 $0x8000, s30;
	s20 =	smax.u32 s11, $0x1  }
0x13: {  	s10 =	sadd.s32 s5, s0;
	s5 =	simm.s32 $0x69;
	s0 =	sadd.s32 $0x16BC0, s0  }
0x14: {  	s5 =	simm.s32 @!p0 $0x34;
	p0 =	por !p1, !p1;
	p1 =	por !p2, !p2  }
0x15: {  	[dreg:$0x5] =	wrdreg s0;
	s19 =	sadd.s32 $0x2AA00, s10;
	s31 =	sadd.s32 $0xFFFFFFFF, s5  }
0x16: {  	p2 =	sne.s32 s1, $0x0;
	s17 =	sand.u32 $0x1, s5;
	s3 =	sand.u32 $0x3, s31  }
0x17: {  	v0 =	vimm.s32 $0x0;
	v1 =	vimm.s32 $0x2718;
	v2 =	vimm.f32 $0.0e+00;
	s17 =	sadd.s32 $0x7, s17;
	s18 =	sadd.s32 $0x5, s3;
	s3 =	simm.s32 $0x0  }
.LBB2_1:
0x18: {  	s1 =	simm.s32 @!p2 $0x0;
	s0 =	rddreg [dreg:$0x3];
	s10 =	simm.s32 @!p2 $0x9  }
0x19: {  	[tilespmem:s1], [sflag:$0x9] =	stream.linear.gather @!p2 [hbm4b:s0+s1], $0x3480, $0x38;
	[tilespmem:$0x18900] =	vst v63  }
0x1a: {  	_ =	swait.ge @!p2 [sflag:s10], $0x3480  }
0x1b: {  	[sflag:s10] =	ssyncset.done @!p2 $0x0  }
0x1c: {  	s11 =	simm.s32 @!p2 $0x3480;
	[sflag:s10] =	ssyncadd.s32 @!p2 $0xFFFFCB80  }
0x1d: {  	[tilespmem:s11], [sflag:$0x9] =	stream.linear.gather @!p2 [hbm4b:s7+s1], $0x3480, $0x38;
	[tilespmem:$0x18900] =	vst v63  }
0x1e: {  	_ =	swait.ge @!p2 [sflag:s10], $0x3480  }
0x1f: {  	[sflag:s10] =	ssyncset.done @!p2 $0x0  }
0x20: {  	s1 =	simm.s32 @p1 $0x0;
	[sflag:s10] =	ssyncadd.s32 @!p2 $0xFFFFCB80;
	s10 =	simm.s32 @p1 $0x9  }
0x21: {  	[tilespmem:s1], [sflag:$0x9] =	stream.linear.gather @p1 [hbm4b:s8+s1], $0x1A00, $0x38;
	[tilespmem:$0x18900] =	vst v63  }
0x22: {  	_ =	swait.ge @p1 [sflag:s10], $0x1A00  }
0x23: {  	[sflag:s10] =	ssyncset.done @p1 $0x0  }
.Ltmp0:
0x24: {  	s11 =	simm.s32 @p1 $0x3480;
	[sflag:s10] =	ssyncadd.s32 @p1 $0xFFFFE600;
	(pc) =	sbr.rel @!p0 .LBB2_5-.Ltmp0, $4  }
0x25: {  	[tilespmem:s11], [sflag:$0x9] =	stream.linear.gather @p1 [hbm4b:s9+s1], $0x1A00, $0x38;
	[tilespmem:$0x18900] =	vst v63  }
0x26: {  	_ =	swait.ge @p1 [sflag:s10], $0x1A00  }
0x27: {  	[sflag:s10] =	ssyncset.done @p1 $0x0  }
0x28: {  	[sflag:s10] =	ssyncadd.s32 @p1 $0xFFFFE600  }
0x29: {  	s10 =	simm.s32 $0x0;
	s0 =	rddreg [dreg:$0x4]  }
0x2a: {  	[tilespmem:s10], [sflag:$0x9] =	stream.linear.gather [hbm4b:s0+s10], $0x1400, $0x38;
	[tilespmem:$0x18900] =	vst v63  }
0x2b: {  	_ =	swait.ge [sflag:s21], $0x1400  }
0x2c: {  	[sflag:s21] =	ssyncset.done $0x0  }
0x2d: {  	s1 =	simm.s32 $0x3480;
	s31 =	rddreg [dreg:$0x5];
	[sflag:s21] =	ssyncadd.s32 $0xFFFFEC00  }
0x2e: {  	[tilespmem:s1], [sflag:$0x9] =	stream.linear.gather [hbm4b:s31+s10], $0x1400, $0x38;
	[tilespmem:$0x18900] =	vst v63  }
0x2f: {  	_ =	swait.ge [sflag:s21], $0x1400  }
0x30: {  	[sflag:s21] =	ssyncset.done $0x0  }
0x31: {  	s1 =	simm.s32 $0x10;
	s10 =	sand.u32 $0x7F0, s10;
	[sflag:s21] =	ssyncadd.s32 $0xFFFFEC00  }
.LBB2_3:
0x32: {  	p3 =	sne.s32 s1, $0x5F0;
	[tilespmem:s10+$0x1400] =	vst v0;
	s11 =	smov.u32 s1;
	s1 =	sadd.s32 $0x10, s1  }
.Ltmp1:
0x33: {  	[tilespmem:s10+$0x4880] =	vst v1;
	(pc) =	sbr.rel @p3 .LBB2_3-.Ltmp1, $2  }
0x34: {  	_ =	sdelay $0x2  }
0x35: {  	s10 =	sand.u32 $0x7F0, s11  }
0x36: {  	[tilespmem:s10+$0x1400] =	vst v0  }
0x37: {  	[tilespmem:s10+$0x4880] =	vst v1  }
.LBB2_5:
0x38: {  	s1 =	simm.s32 $0x0  }
0x39: {  	s10 =	sand.u32 $0x7F00, s1  }
0x3a: {  	s11 =	sand.u32 $0x30, s1;
	s28 =	sshrl.u32 s10, $0x2  }
0x3b: {  	s10 =	simm.s32 $0x40;
	s11 =	sor.u32 s11, s28  }
.LBB2_6:
0x3c: {  	p3 =	sne.s32 s10, $0x7FC0  }
0x3d: {  	[tilespmem:s11+$0x6900] =	vst v2;
	s1 =	sadd.s32 $0x10, s1;
	s11 =	smov.u32 s10;
	s10 =	sadd.s32 $0x40, s10  }
.Ltmp2:
0x3e: {  	(pc) =	sbr.rel @p3 .LBB2_6-.Ltmp2, $4  }
0x3f: {  	_ = 	snop  }
0x40: {  	s11 =	sand.u32 $0x7F00, s11  }
0x41: {  	s28 =	sand.u32 $0x30, s1;
	s11 =	sshrl.u32 s11, $0x2  }
0x42: {  	s11 =	sor.u32 s28, s11  }
0x43: {  	[tilespmem:s11+$0x6900] =	vst v2  }
0x44: {  	[spmem:s12] =	stream.linear.scatter [tilespmem:s23], [sflag:$0x9], $0x2000, $0x38;
	[tilespmem:$0x18900] =	vst v63  }
0x45: {  	_ =	swait.ge [sflag:s21], $0x2000  }
0x46: {  	[sflag:s21] =	ssyncset.done $0x0  }
0x47: {  	[sflag:s21] =	ssyncadd.s32 $0xFFFFE000  }
0x48: {  	[spmem:s13] =	stream.linear.scatter [tilespmem:s23], [sflag:$0x9], $0x2000, $0x38;
	[tilespmem:$0x18900] =	vst v63  }
0x49: {  	_ =	swait.ge [sflag:s21], $0x2000  }
0x4a: {  	[sflag:s21] =	ssyncset.done $0x0  }
0x4b: {  	[sflag:s21] =	ssyncadd.s32 $0xFFFFE000  }
0x4c: {  	[spmem:s14] =	stream.linear.scatter [tilespmem:s23], [sflag:$0x9], $0x2000, $0x38;
	[tilespmem:$0x18900] =	vst v63  }
0x4d: {  	_ =	swait.ge [sflag:s21], $0x2000  }
0x4e: {  	[sflag:s21] =	ssyncset.done $0x0  }
0x4f: {  	[sflag:s21] =	ssyncadd.s32 $0xFFFFE000  }
0x50: {  	[spmem:s15] =	stream.linear.scatter [tilespmem:s23], [sflag:$0x9], $0x2000, $0x38;
	[tilespmem:$0x18900] =	vst v63  }
0x51: {  	_ =	swait.ge [sflag:s21], $0x2000  }
0x52: {  	[sflag:s21] =	ssyncset.done $0x0  }
0x53: {  	[sflag:s21] =	ssyncadd.s32 $0xFFFFE000  }
0x54: {  	[spmem:s16] =	stream.linear.scatter [tilespmem:s23], [sflag:$0x9], $0x2000, $0x38;
	[tilespmem:$0x18900] =	vst v63  }
0x55: {  	_ =	swait.ge [sflag:s21], $0x2000  }
0x56: {  	[sflag:s21] =	ssyncset.done $0x0  }
0x57: {  	[sflag:s21] =	ssyncadd.s32 $0xFFFFE000  }
0x58: {  	s0 =	simm.s32 $0x0;
	[bflag:$0x0] =	sbarrier.arrive $0xFFFF  }
0x59: {  	[tilespmem:s23], [sflag:$0x1] =	stream.indirect.gather [hbm4b:s4+s24], $0x40, s0, s24, $0xb8;
	[tilespmem:$0x18900] =	vst v63  }
0x5a: {  	_ = 	snop  }
0x5b: {  	[tilespmem:s25], [sflag:$0x2] =	stream.indirect.gather [hbm4b:s4+s24], $0x40, s24, s24, $0xb8;
	[tilespmem:$0x18900] =	vst v63  }
0x5c: {  	_ =	swait.ge [sflag:s26], $0x2000  }
0x5d: {  	[sflag:s26] =	ssyncset.done $0x0  }
0x5e: {  	s31 =	simm.s32 $0x100;
	s1 =	simm.s32 $0xA900;
	[sflag:s26] =	ssyncadd.s32 $0xFFFFE000  }
0x5f: {  	[tilespmem:s1], [sflag:$0x3] =	stream.indirect.gather [hbm4b:s4+s24], $0x40, s31, s24, $0xb8;
	[tilespmem:$0x18900] =	vst v63  }
0x60: {  	s6 =	simm.s32 $0x3480;
	s10 =	simm.s32 $0x2  }
0x61: {  	[spmem:s2] =	stream.indirect.scatter.add.f32 [tilespmem:s23], [sflag:$0x5], $0x40, s6, s24, $0xb8;
	[tilespmem:$0x18900] =	vst v63  }
0x62: {  	_ =	swait.ge [sflag:s10], $0x2000  }
0x63: {  	s11 =	simm.s32 $0x180;
	[sflag:s10] =	ssyncset.done $0x0  }
0x64: {  	s28 =	sand.u32 $0x3, s10;
	s6 =	simm.s32 $0xC900;
	[sflag:s10] =	ssyncadd.s32 $0xFFFFE000  }
0x65: {  	[tilespmem:s6], [sflag:$0x4] =	stream.indirect.gather [hbm4b:s4+s24], $0x40, s11, s24, $0xb8;
	[tilespmem:$0x18900] =	vst v63  }
0x66: {  	s22 =	simm.s32 $0x3500;
	s1 =	sadd.s32 $0x1, s28  }
0x67: {  	[spmem:s2] =	stream.indirect.scatter.add.f32 [tilespmem:s25], [sflag:$0x6], $0x40, s22, s24, $0xb8;
	[tilespmem:$0x18900] =	vst v63  }
0x68: {  	_ =	swait.ge [sflag:s1], $0x2000  }
0x69: {  	p3 =	sle.u32 s5, $0x4;
	s10 =	sxor.u32 $0x2, s28;
	[sflag:s1] =	ssyncset.done $0x0  }
0x6a: {  	s11 =	simm.s32 $0x4;
	s31 =	sadd.s32 $0x5, s10;
	[sflag:s1] =	ssyncadd.s32 $0xFFFFE000  }
0x6b: {  	s10 =	simm.s32 $0x200;
	s11 =	sand.u32 @!p3 $0x3, s11;
	_ =	swait.ge [sflag:s31], $0x2000  }
0x6c: {  	s29 =	sshll.u32 @!p3 s11, $0xD;
	s11 =	sadd.s32 @!p3 $0x1, s11;
	[sflag:s31] =	ssyncset.done $0x0  }
0x6d: {  	s1 =	sadd.s32 @!p3 $0x6900, s29;
	s29 =	simm.s32 @!p3 $0x80;
	[sflag:s31] =	ssyncadd.s32 $0xFFFFE000  }
0x6e: {  	[tilespmem:s1], [sflag:s11] =	stream.indirect.gather @!p3 [hbm4b:s4+s29], $0x40, s10, s29, $0xb8;
	[tilespmem:$0x18900] =	vst v63  }
0x6f: {  	p3 =	sne.s32 s5, $0x3  }
.Ltmp3:
0x70: {  	_ = 	snop;
	(pc) =	sbr.rel @!p3 .LBB2_9-.Ltmp3, $4  }
0x71: {  	_ = 	snop  }
0x72: {  	s30 =	sadd.s32 $0x5, s28  }
0x73: {  	s11 =	simm.s32 $0x3580;
	s10 =	simm.s32 $0x3;
	s29 =	sshll.u32 s28, $0xD  }
0x74: {  	s1 =	simm.s32 $0x280;
	s28 =	simm.s32 $0x3600;
	s29 =	sadd.s32 $0x6900, s29  }
.LBB2_8:
0x75: {  	[spmem:s2] =	stream.indirect.scatter.add.f32 [tilespmem:s29], [sflag:s30], $0x40, s11, s24, $0xb8;
	[tilespmem:$0x18900] =	vst v63  }
0x76: {  	s29 =	smov.u32 s10;
	s30 =	smov.u32 s1;
	s11 =	smov.u32 s28  }
0x77: {  	s10 =	sadd.s32 $0x1, s10;
	s31 =	sand.u32 $0x3, s29  }
0x78: {  	s0 =	sshll.u32 s31, $0xD;
	s22 =	sadd.s32 $0x1, s31;
	s6 =	sxor.u32 $0x2, s31  }
0x79: {  	p3 =	sne.s32 s5, s10;
	_ =	swait.ge [sflag:s22], $0x2000  }
0x7a: {  	s1 =	sadd.s32 $0x80, s1;
	s29 =	sadd.s32 $0x2, s29;
	[sflag:s22] =	ssyncset.done $0x0  }
0x7b: {  	p4 =	sge.u32 s29, s5;
	s6 =	sadd.s32 $0x5, s6;
	[sflag:s22] =	ssyncadd.s32 $0xFFFFE000  }
.Ltmp4:
0x7c: {  	s22 =	sand.u32 @!p4 $0x3, s29;
	_ =	swait.ge [sflag:s6], $0x2000;
	(pc) =	sbr.rel @p3 .LBB2_8-.Ltmp4, $4  }
0x7d: {  	s29 =	sshll.u32 @!p4 s22, $0xD;
	s22 =	sadd.s32 @!p4 $0x1, s22;
	[sflag:s6] =	ssyncset.done $0x0  }
0x7e: {  	[sflag:s6] =	ssyncadd.s32 $0xFFFFE000;
	s6 =	sadd.s32 @!p4 $0x6900, s29;
	s29 =	simm.s32 @!p4 $0x80  }
0x7f: {  	[tilespmem:s6], [sflag:s22] =	stream.indirect.gather @!p4 [hbm4b:s4+s29], $0x40, s30, s29, $0xb8;
	[tilespmem:$0x18900] =	vst v63  }
0x80: {  	s28 =	sadd.s32 $0x80, s28;
	s29 =	sadd.s32 $0x6900, s0;
	s30 =	sadd.s32 $0x5, s31  }
.LBB2_9:
0x81: {  	[spmem:s2] =	stream.indirect.scatter.add.f32 [tilespmem:s29], [sflag:s30], $0x40, s11, s24, $0xb8;
	[tilespmem:$0x18900] =	vst v63  }
0x82: {  	_ =	swait.ge [sflag:s17], $0x2000  }
0x83: {  	[sflag:s17] =	ssyncset.done $0x0  }
0x84: {  	[sflag:s17] =	ssyncadd.s32 $0xFFFFE000  }
0x85: {  	s0 =	stileid.u32;
	_ =	swait.ge [sflag:s18], $0x2000  }
0x86: {  	s1 =	sshrl.u32 s12, $0x3;
	s3 =	sadd.s32 $0x1, s3;
	[sflag:s18] =	ssyncset.done $0x0  }
0x87: {  	s0 =	sshll.u32 s0, $0x6;
	p3 =	sne.s32 s3, s20;
	[sflag:s18] =	ssyncadd.s32 $0xFFFFE000  }
.Ltmp5:
0x88: {  	s0 =	sor.u32 $0x1C09, s0;
	[bflag:$0x0] =	sbarrier.arrive $0xFFFF;
	(pc) =	sbr.rel @p3 .LBB2_1-.Ltmp5, $4  }
0x89: {  	[hbm:s19], [sflag:s0] =	dma.local [spmem:s1], $0x1400  }
0x8a: {  	_ =	swait.ge [sflag:s21], $0x1400  }
0x8b: {  	[sflag:s21] =	ssyncset.done $0x0  }
0x8c: {  	[sflag:s21] =	ssyncadd.s32 $0xFFFFEC00  }
0x8d: {  	_ =	sfence.sel $0x180000  }
0x8e: {  	[bflag:$0x0] =	sbarrier.arrive $0xFFFF  }
0x8f: {  	_ =	strace $0x90000050  }
0x90: {  	s0 =	stileid.u32;
	[bflag:$0x2] =	sbarrier.arrive $0xFFFF  }
0x91: {  	p0 =	sne.s32 s0, $0x0;
	s0 =	rddreg [dreg:$0x2]  }
0x92: {  	s0 =	sadd.s32 @!p0 $0x100000, s0  }
0x93: {  	[sflag:s0] =	ssyncadd.tile.s32 @!p0 $0x1;
	_ =	shalt  }
.Lfunc_end2:
_tile_overlayer_lowered:
.L_overlay_start_2:
0x94: {  	(tag) =	ssettag $0x2  }
0x95: {  	s0 =	rddreg [dreg:$0x0];
	s2 =	stileid.u32  }
0x96: {  	s1 =	rddreg [dreg:$0x1];
	p0 =	sne.s32 s2, $0x0  }
0x97: {  	s3 =	rddreg [dreg:$0x2];
	[bflag:$0x3] =	sbarrier.arrive $0xFFFF;
	s2 =	simm.s32 @!p0 $0x1C09  }
0x98: {  	[timem:s3], [sflag:s2] =	dma.local @!p0 [hbm:s0], s1  }
0x99: {  	s0 =	simm.s32 @!p0 $0x9  }
0x9a: {  	_ =	swait.ge @!p0 [sflag:s0], s1  }
0x9b: {  	s1 =	ssub.s32 @!p0 $0x0, s1;
	[sflag:s0] =	ssyncset.done @!p0 $0x0  }
0x9c: {  	[sflag:s0] =	ssyncadd.s32 @!p0 s1  }
0x9d: {  	[bflag:$0x3] =	sbarrier.arrive $0xFFFF  }
0x9e: {  	_ =	shalt  }

</sc_bundles>
